<compile_context>
chip_gen: v7x
topology: tpu7x:2x2x1
jax: 0.10.2.dev20260603
libtpu: 0.0.44.dev20260713+nightly
codegen_flags: <defaults>
</compile_context>

<pallas_src>
import functools

import jax
import jax.numpy as jnp
from jax import lax
from jax.experimental import pallas as pl
from jax.experimental.pallas import tpu as pltpu
from jax.experimental.pallas import tpu_sc as plsc

K = 16
W1 = 10
W2 = 20
NC = 2
NS = 16
NW = NC * NS


def _mlp_body(x_ref, w0_ref, b0_ref, w1_ref, b1_ref, o_ref):
    x = x_ref[0]
    h = jnp.maximum(
        jnp.dot(x, w0_ref[...], preferred_element_type=jnp.float32) + b0_ref[...], 0.0)
    o = jnp.maximum(
        jnp.dot(h, w1_ref[...], preferred_element_type=jnp.float32) + b1_ref[...], 0.0)
    o_ref[0] = o


def _mlp(x, w0, b0, w1, b1):
    b, n, cin = x.shape
    h = w0.shape[0]
    cout = w1.shape[0]
    return pl.pallas_call(
        _mlp_body,
        grid=(b,),
        in_specs=[
            pl.BlockSpec((1, n, cin), lambda i: (i, 0, 0)),
            pl.BlockSpec((cin, h), lambda i: (0, 0)),
            pl.BlockSpec((1, h), lambda i: (0, 0)),
            pl.BlockSpec((h, cout), lambda i: (0, 0)),
            pl.BlockSpec((1, cout), lambda i: (0, 0)),
        ],
        out_specs=pl.BlockSpec((1, n, cout), lambda i: (i, 0, 0)),
        out_shape=jax.ShapeDtypeStruct((b, n, cout), jnp.float32),
    )(x, w0.T, b0.reshape(1, h), w1.T, b1.reshape(1, cout))


def _topk_body(qx_ref, rx_ref, o_ref, s_scr, n):
    bidx = pl.program_id(0)
    q = qx_ref[0]
    r3 = rx_ref[0]
    rsq = jnp.sum(r3 * r3, axis=0, keepdims=True)
    qsq = jnp.sum(q * q, axis=1, keepdims=True)
    s_scr[...] = (qsq + rsq) - 2.0 * jnp.dot(q, r3,
                                             preferred_element_type=jnp.float32)
    lane = jax.lax.broadcasted_iota(jnp.int32, s_scr.shape, 1)
    base = bidx * n
    for t in range(K):
        s = s_scr[...]
        am = jnp.argmin(s, axis=1, keepdims=True).astype(jnp.int32)
        s_scr[...] = jnp.where(lane == am, jnp.inf, s)
        o_ref[0, :, t:t + 1] = am + base


def _topk(rxyz, qxyz_t, bm):
    b, _, n = rxyz.shape
    m = qxyz_t.shape[1]
    return pl.pallas_call(
        functools.partial(_topk_body, n=n),
        grid=(b, m // bm),
        in_specs=[
            pl.BlockSpec((1, bm, 3), lambda i, j: (i, j, 0)),
            pl.BlockSpec((1, 3, n), lambda i, j: (i, 0, 0)),
        ],
        out_specs=pl.BlockSpec((1, bm, K), lambda i, j: (i, j, 0)),
        out_shape=jax.ShapeDtypeStruct((b, m, K), jnp.int32),
        scratch_shapes=[pltpu.VMEM((bm, n), jnp.float32)],
    )(qxyz_t, rxyz)


def _sc_gather(table_flat, idx_flat):
    g_total = idx_flat.shape[0]
    d = table_flat.shape[1]
    gpw = g_total // NW
    csz = min(128, gpw)
    nchunk = gpw // csz
    mesh = plsc.VectorSubcoreMesh(core_axis_name="c", subcore_axis_name="s")

    @functools.partial(
        pl.kernel,
        out_type=jax.ShapeDtypeStruct((g_total, d), jnp.float32),
        mesh=mesh,
        scratch_types=[
            pltpu.VMEM((gpw,), jnp.int32),
            pltpu.VMEM((csz, d), jnp.float32),
            pltpu.VMEM((csz, d), jnp.float32),
            pltpu.SemaphoreType.DMA,
            pltpu.SemaphoreType.DMA,
        ],
    )
    def gk(idx_hbm, tab_hbm, out_hbm, idx_v, buf0, buf1, semin, semout):
        wid = lax.axis_index("s") * NC + lax.axis_index("c")
        base = wid * gpw
        bufs = [buf0, buf1]
        pltpu.sync_copy(idx_hbm.at[pl.ds(base, gpw)], idx_v)
        hin = [None] * nchunk
        hout = [None] * nchunk
        hin[0] = pltpu.async_copy(
            tab_hbm.at[idx_v.at[pl.ds(0, csz)]], bufs[0], semin)
        for j in range(nchunk):
            if j + 1 < nchunk:
                if j >= 1:
                    hout[j - 1].wait()
                hin[j + 1] = pltpu.async_copy(
                    tab_hbm.at[idx_v.at[pl.ds((j + 1) * csz, csz)]],
                    bufs[(j + 1) % 2], semin)
            hin[j].wait()
            hout[j] = pltpu.async_copy(
                bufs[j % 2], out_hbm.at[pl.ds(base + j * csz, csz)], semout)
        hout[nchunk - 1].wait()
        if nchunk >= 2:
            hout[nchunk - 2].wait()

    return gk(idx_flat, table_flat)


def _stagec_body(g_ref, qx_ref, wn0_ref, wb0_ref, wn1_ref, wb1_ref, lw_ref,
                 lb_ref, o_ref, c, dpad):
    q = qx_ref[0]
    bmq = q.shape[0]
    gg = g_ref[0].reshape(K * bmq, dpad)
    qt = pltpu.repeat(q, K, axis=0)

    rel = gg[:, :3] - qt
    h1 = jnp.maximum(
        jnp.dot(rel, wn0_ref[...], preferred_element_type=jnp.float32)
        + wb0_ref[...], 0.0)
    w = jnp.maximum(
        jnp.dot(h1, wn1_ref[...], preferred_element_type=jnp.float32)
        + wb1_ref[...], 0.0)
    f = gg[:, 3:3 + c]

    ecol = jax.lax.broadcasted_iota(jnp.int32, (W2, W2 * c), 1)
    erow = jax.lax.broadcasted_iota(jnp.int32, (W2, W2 * c), 0)
    emat = (ecol // c == erow).astype(jnp.float32)
    we = jnp.dot(w, emat, preferred_element_type=jnp.float32)
    fe = pltpu.repeat(f, W2, axis=1)
    p = (fe * we).reshape(K, bmq, W2 * c)
    z = jnp.sum(p, axis=0)

    out = jnp.dot(z, lw_ref[...], preferred_element_type=jnp.float32) + lb_ref[...]
    o_ref[0] = jnp.maximum(out, 0.0)


def _stagec(g, qxyz_t, wn_w0, wn_b0, wn_w1, wn_b1, lin_w, lin_b, c, dpad, bmq):
    b, m, _ = qxyz_t.shape
    lw_perm = lin_w.reshape(c, c, W2).transpose(0, 2, 1).reshape(c, W2 * c).T
    return pl.pallas_call(
        functools.partial(_stagec_body, c=c, dpad=dpad),
        grid=(b, m // bmq),
        in_specs=[
            pl.BlockSpec((1, K, bmq, dpad), lambda i, j: (i, 0, j, 0)),
            pl.BlockSpec((1, bmq, 3), lambda i, j: (i, j, 0)),
            pl.BlockSpec((3, W1), lambda i, j: (0, 0)),
            pl.BlockSpec((1, W1), lambda i, j: (0, 0)),
            pl.BlockSpec((W1, W2), lambda i, j: (0, 0)),
            pl.BlockSpec((1, W2), lambda i, j: (0, 0)),
            pl.BlockSpec((W2 * c, c), lambda i, j: (0, 0)),
            pl.BlockSpec((1, c), lambda i, j: (0, 0)),
        ],
        out_specs=pl.BlockSpec((1, bmq, c), lambda i, j: (i, j, 0)),
        out_shape=jax.ShapeDtypeStruct((b, m, c), jnp.float32),
    )(g, qxyz_t, wn_w0.T, wn_b0.reshape(1, W1), wn_w1.T,
      wn_b1.reshape(1, W2), lw_perm, lin_b.reshape(1, -1))


def kernel(xyz0, xyz1, xyz2, xyz3,
           mlp0_w0, mlp0_b0, mlp0_w1, mlp0_b1,
           mlp1_w0, mlp1_b0, mlp1_w1, mlp1_b1,
           mlp2_w0, mlp2_b0, mlp2_w1, mlp2_b1,
           conv0_wn_w0, conv0_wn_b0, conv0_wn_w1, conv0_wn_b1, conv0_lin_w, conv0_lin_b,
           conv1_wn_w0, conv1_wn_b0, conv1_wn_w1, conv1_wn_b1, conv1_lin_w, conv1_lin_b,
           conv2_wn_w0, conv2_wn_b0, conv2_wn_w1, conv2_wn_b1, conv2_lin_w, conv2_lin_b):
    xyzs = [xyz0, xyz1, xyz2, xyz3]
    mlps = [(mlp0_w0, mlp0_b0, mlp0_w1, mlp0_b1),
            (mlp1_w0, mlp1_b0, mlp1_w1, mlp1_b1),
            (mlp2_w0, mlp2_b0, mlp2_w1, mlp2_b1)]
    convs = [(conv0_wn_w0, conv0_wn_b0, conv0_wn_w1, conv0_wn_b1, conv0_lin_w, conv0_lin_b),
             (conv1_wn_w0, conv1_wn_b0, conv1_wn_w1, conv1_wn_b1, conv1_lin_w, conv1_lin_b),
             (conv2_wn_w0, conv2_wn_b0, conv2_wn_w1, conv2_wn_b1, conv2_lin_w, conv2_lin_b)]
    dpads = [128, 128, 256]
    bmqs = [128, 64, 32]

    idxs = [_topk(xyzs[i], xyzs[i + 1].transpose(0, 2, 1), 128)
            for i in range(3)]

    outs = []
    prev = xyz0.transpose(0, 2, 1)
    for i in range(3):
        b, n, _ = prev.shape
        m = xyzs[i + 1].shape[2]
        w0, b0, w1, b1 = mlps[i]
        feat_t = _mlp(prev, w0, b0, w1, b1)
        c = feat_t.shape[-1]
        dpad = dpads[i]
        tab = jnp.concatenate(
            [xyzs[i].transpose(0, 2, 1), feat_t,
             jnp.zeros((b, n, dpad - 3 - c), jnp.float32)], axis=-1)
        idx_kmaj = idxs[i].transpose(0, 2, 1).reshape(-1)
        g = _sc_gather(tab.reshape(b * n, dpad), idx_kmaj)
        cwn0, cb0, cwn1, cb1, lw, lb = convs[i]
        qxyz_t = xyzs[i + 1].transpose(0, 2, 1)
        out_t = _stagec(g.reshape(b, K, m, dpad), qxyz_t, cwn0, cb0, cwn1,
                        cb1, lw, lb, c, dpad, bmqs[i])
        outs.append(out_t.transpose(0, 2, 1))
        prev = out_t
    return tuple(outs)

# --- scband reference (transcript-rebuilt; emitter-appended) ---
"""Pipeline reference for scband-feature-pyramid3-d-90323162235008 (READ-ONLY COPY).

The authoritative reference and input builder live on the scoring server;
editing this copy changes nothing except your own understanding.
"""

import jax, jax.numpy as jnp
import numpy as np

B = 2
NS = [8192, 2048, 512, 128]
CH = [32, 64, 128]
K = 16
KS = [10, 20]


def _mlp2d(x, layers):
    for W, b in layers:
        x = jax.nn.relu(jnp.einsum('oc,bcn->bon', W, x) + b[None, :, None])
    return x


def _knn_idx(new_xyz, xyz, k):
    q = new_xyz.transpose(0, 2, 1)
    r = xyz.transpose(0, 2, 1)
    d = jnp.sum(q * q, axis=-1)[:, :, None] + jnp.sum(r * r, axis=-1)[:, None, :] - 2.0 * jnp.einsum('bmc,bnc->bmn', q, r)
    _, idx = jax.lax.top_k(-d, k)
    return idx


def _gather(t, idx):
    b, m, k = idx.shape
    c = t.shape[-1]
    flat = jnp.broadcast_to(idx.reshape(b, m * k, 1), (b, m * k, c))
    return jnp.take_along_axis(t, flat, axis=1).reshape(b, m, k, c)


def _pointconv(xyz, feat, new_xyz, wn_layers, lin_w, lin_b, k):
    idx = _knn_idx(new_xyz, xyz, k)
    g_xyz = _gather(xyz.transpose(0, 2, 1), idx)
    rel = g_xyz - new_xyz.transpose(0, 2, 1)[:, :, None, :]
    g_feat = _gather(feat.transpose(0, 2, 1), idx)
    w = rel.transpose(0, 3, 1, 2)
    for W, bb in wn_layers:
        w = jax.nn.relu(jnp.einsum('oc,bcmk->bomk', W, w) + bb[None, :, None, None])
    w = w.transpose(0, 2, 3, 1)
    new = jnp.einsum('bmkc,bmkw->bmcw', g_feat, w)
    new = new.reshape(new.shape[0], new.shape[1], -1)
    out = jnp.einsum('oi,bmi->bom', lin_w, new) + lin_b[None, :, None]
    return jax.nn.relu(out)


def _forward(p):
    xyzs = [p['xyz%d' % i] for i in range(4)]
    feats = []
    for i in range(3):
        inp = xyzs[0] if i == 0 else feats[-1]
        h = _mlp2d(inp, [(p['mlp%d_w0' % i], p['mlp%d_b0' % i]), (p['mlp%d_w1' % i], p['mlp%d_b1' % i])])
        h = _pointconv(xyzs[i], h, xyzs[i + 1],
                       [(p['conv%d_wn_w0' % i], p['conv%d_wn_b0' % i]), (p['conv%d_wn_w1' % i], p['conv%d_wn_b1' % i])],
                       p['conv%d_lin_w' % i], p['conv%d_lin_b' % i], K)
        feats.append(h)
    return tuple(feats)


def setup_inputs(seed: int = 0):
    key = jax.random.key(seed)
    cnt = [0]

    def rn(shape, scale=1.0):
        cnt[0] += 1
        return (scale * jax.random.normal(jax.random.fold_in(key, cnt[0]), shape, dtype=jnp.float32)).astype(jnp.float32)

    inp = {}
    for i, n in enumerate(NS):
        inp['xyz%d' % i] = rn((B, 3, n))
    dims = [(3, CH[0], CH[0]), (CH[0], CH[0], CH[1]), (CH[1], CH[1], CH[2])]
    for i, (a, h, o) in enumerate(dims):
        inp['mlp%d_w0' % i] = rn((h, a), 1.0 / np.sqrt(a))
        inp['mlp%d_b0' % i] = jnp.zeros((h,), jnp.float32)
        inp['mlp%d_w1' % i] = rn((o, h), 1.0 / np.sqrt(h))
        inp['mlp%d_b1' % i] = jnp.zeros((o,), jnp.float32)
    for i, c in enumerate(CH):
        inp['conv%d_wn_w0' % i] = rn((KS[0], 3), 1.0 / np.sqrt(3.0))
        inp['conv%d_wn_b0' % i] = jnp.zeros((KS[0],), jnp.float32)
        inp['conv%d_wn_w1' % i] = rn((KS[1], KS[0]), 1.0 / np.sqrt(KS[0]))
        inp['conv%d_wn_b1' % i] = jnp.zeros((KS[1],), jnp.float32)
        inp['conv%d_lin_w' % i] = rn((c, c * KS[1]), 1.0 / np.sqrt(c * KS[1]))
        inp['conv%d_lin_b' % i] = jnp.zeros((c,), jnp.float32)
    return inp


def reference(xyz0, xyz1, xyz2, xyz3,
              mlp0_w0, mlp0_b0, mlp0_w1, mlp0_b1,
              mlp1_w0, mlp1_b0, mlp1_w1, mlp1_b1,
              mlp2_w0, mlp2_b0, mlp2_w1, mlp2_b1,
              conv0_wn_w0, conv0_wn_b0, conv0_wn_w1, conv0_wn_b1, conv0_lin_w, conv0_lin_b,
              conv1_wn_w0, conv1_wn_b0, conv1_wn_w1, conv1_wn_b1, conv1_lin_w, conv1_lin_b,
              conv2_wn_w0, conv2_wn_b0, conv2_wn_w1, conv2_wn_b1, conv2_lin_w, conv2_lin_b):
    inputs = {
        'xyz0': xyz0, 'xyz1': xyz1, 'xyz2': xyz2, 'xyz3': xyz3,
        'mlp0_w0': mlp0_w0, 'mlp0_b0': mlp0_b0, 'mlp0_w1': mlp0_w1, 'mlp0_b1': mlp0_b1,
        'mlp1_w0': mlp1_w0, 'mlp1_b0': mlp1_b0, 'mlp1_w1': mlp1_w1, 'mlp1_b1': mlp1_b1,
        'mlp2_w0': mlp2_w0, 'mlp2_b0': mlp2_b0, 'mlp2_w1': mlp2_w1, 'mlp2_b1': mlp2_b1,
        'conv0_wn_w0': conv0_wn_w0, 'conv0_wn_b0': conv0_wn_b0, 'conv0_wn_w1': conv0_wn_w1,
        'conv0_wn_b1': conv0_wn_b1, 'conv0_lin_w': conv0_lin_w, 'conv0_lin_b': conv0_lin_b,
        'conv1_wn_w0': conv1_wn_w0, 'conv1_wn_b0': conv1_wn_b0, 'conv1_wn_w1': conv1_wn_w1,
        'conv1_wn_b1': conv1_wn_b1, 'conv1_lin_w': conv1_lin_w, 'conv1_lin_b': conv1_lin_b,
        'conv2_wn_w0': conv2_wn_w0, 'conv2_wn_b0': conv2_wn_b0, 'conv2_wn_w1': conv2_wn_w1,
        'conv2_wn_b1': conv2_wn_b1, 'conv2_lin_w': conv2_lin_w, 'conv2_lin_b': conv2_lin_b,
    }
    return _forward(inputs)

if __name__ == "__main__":
    import jax
    _d = setup_inputs()
    print(jax.jit(kernel)(*tuple(_d.values())))

</pallas_src>

<mosaic_0001>
#map = affine_map<(d0, d1) -> (0)>
#map1 = affine_map<(d0, d1) -> (0, 0)>
module attributes {stable_mosaic.version = 14 : i64} {
  func.func @gk(%arg0: i32, %arg1: i32, %arg2: memref<16384xi32, #tpu.memory_space<hbm>>, %arg3: memref<4096x128xf32, #tpu.memory_space<hbm>>, %arg4: memref<16384x128xf32, #tpu.memory_space<hbm>>, %arg5: memref<512xi32, #tpu.memory_space<vmem>>, %arg6: memref<128x128xf32, #tpu.memory_space<vmem>>, %arg7: memref<128x128xf32, #tpu.memory_space<vmem>>, %arg8: memref<!tpu.dma_semaphore, #tpu.memory_space<semaphore_mem>>, %arg9: memref<!tpu.dma_semaphore, #tpu.memory_space<semaphore_mem>>) attributes {dimension_semantics = [#tpu.dimension_semantics<core_parallel>, #tpu.dimension_semantics<subcore_parallel>], iteration_bounds = array<i64: 2, 16>, scalar_prefetch = 0 : i64, scratch_operands = 5 : i64, tpu.core_type = #tpu.core_type<sc_vector_subcore>, window_params = [{transform_indices = #map}, {transform_indices = #map1}, {transform_indices = #map1}]} {
    %mul3A = arith.constant 2 : i32
    %mul3A_0 = arith.muli %arg1, %mul3A : i32
    %add3A = arith.addi %mul3A_0, %arg0 : i32
    %mul3A_1 = arith.constant 512 : i32
    %mul3A_2 = arith.muli %add3A, %mul3A_1 : i32
    "tpu.region"() ({
      %run_scoped3A = tpu.sem_alloc : memref<!tpu.dma_semaphore, #tpu.memory_space<semaphore_mem>>
      %dma_start3A_81 = tpu.memref_slice %arg2[%mul3A_2] : memref<16384xi32, #tpu.memory_space<hbm>> -> memref<512xi32, #tpu.memory_space<hbm>>
      %dma_start3A_82 = tpu.memref_slice %arg2[%mul3A_2] : memref<16384xi32, #tpu.memory_space<hbm>> -> memref<512xi32, #tpu.memory_space<hbm>>
      tpu.enqueue_dma source(%dma_start3A_82 : memref<512xi32, #tpu.memory_space<hbm>>) target(%arg5 : memref<512xi32, #tpu.memory_space<vmem>>) target_semaphore(%run_scoped3A : memref<!tpu.dma_semaphore, #tpu.memory_space<semaphore_mem>>)
      %dma_wait3A_83 = tpu.memref_slice %arg2[%mul3A_2] : memref<16384xi32, #tpu.memory_space<hbm>> -> memref<512xi32, #tpu.memory_space<hbm>>
      %dma_wait3A_84 = tpu.memref_slice %arg2[%mul3A_2] : memref<16384xi32, #tpu.memory_space<hbm>> -> memref<512xi32, #tpu.memory_space<hbm>>
      tpu.wait_dma2 semaphore(%run_scoped3A : memref<!tpu.dma_semaphore, #tpu.memory_space<semaphore_mem>>) src(%dma_wait3A_84 : memref<512xi32, #tpu.memory_space<hbm>>) dst(%arg5 : memref<512xi32, #tpu.memory_space<vmem>>)
      tpu.yield
    }) : () -> ()
    %dma_start3A = arith.constant 0 : i32
    %dma_start3A_3 = tpu.memref_slice %arg5[%dma_start3A] : memref<512xi32, #tpu.memory_space<vmem>> -> memref<128xi32, #tpu.memory_space<vmem>>
    %dma_start3A_4 = arith.constant 0 : i32
    %dma_start3A_5 = arith.constant 0 : i32
    %dma_start3A_6 = tpu.memref_slice %arg3[%dma_start3A_4, %dma_start3A_5] : memref<4096x128xf32, #tpu.memory_space<hbm>> -> memref<4096x128xf32, #tpu.memory_space<hbm>>
    tpu.enqueue_indirect_dma source(%dma_start3A_6 : memref<4096x128xf32, #tpu.memory_space<hbm>>) target(%arg6 : memref<128x128xf32, #tpu.memory_space<vmem>>) offsets(%dma_start3A_3 : memref<128xi32, #tpu.memory_space<vmem>>) semaphore(%arg8 : memref<!tpu.dma_semaphore, #tpu.memory_space<semaphore_mem>>)
    %dma_start3A_7 = arith.constant 128 : i32
    %dma_start3A_8 = tpu.memref_slice %arg5[%dma_start3A_7] : memref<512xi32, #tpu.memory_space<vmem>> -> memref<128xi32, #tpu.memory_space<vmem>>
    %dma_start3A_9 = arith.constant 0 : i32
    %dma_start3A_10 = arith.constant 0 : i32
    %dma_start3A_11 = tpu.memref_slice %arg3[%dma_start3A_9, %dma_start3A_10] : memref<4096x128xf32, #tpu.memory_space<hbm>> -> memref<4096x128xf32, #tpu.memory_space<hbm>>
    tpu.enqueue_indirect_dma source(%dma_start3A_11 : memref<4096x128xf32, #tpu.memory_space<hbm>>) target(%arg7 : memref<128x128xf32, #tpu.memory_space<vmem>>) offsets(%dma_start3A_8 : memref<128xi32, #tpu.memory_space<vmem>>) semaphore(%arg8 : memref<!tpu.dma_semaphore, #tpu.memory_space<semaphore_mem>>)
    %dma_wait3A = arith.constant 0 : i32
    %dma_wait3A_12 = tpu.memref_slice %arg5[%dma_wait3A] : memref<512xi32, #tpu.memory_space<vmem>> -> memref<128xi32, #tpu.memory_space<vmem>>
    %dma_wait3A_13 = arith.constant 0 : i32
    %dma_wait3A_14 = arith.constant 0 : i32
    %dma_wait3A_15 = tpu.memref_slice %arg3[%dma_wait3A_13, %dma_wait3A_14] : memref<4096x128xf32, #tpu.memory_space<hbm>> -> memref<4096x128xf32, #tpu.memory_space<hbm>>
    tpu.wait_indirect_dma semaphore(%arg8 : memref<!tpu.dma_semaphore, #tpu.memory_space<semaphore_mem>>) src(%dma_wait3A_15 : memref<4096x128xf32, #tpu.memory_space<hbm>>) dst(%arg6 : memref<128x128xf32, #tpu.memory_space<vmem>>)
    %add3A_16 = arith.constant 0 : i32
    %add3A_17 = arith.addi %mul3A_2, %add3A_16 : i32
    %dma_start3A_18 = arith.constant 0 : i32
    %dma_start3A_19 = tpu.memref_slice %arg4[%add3A_17, %dma_start3A_18] : memref<16384x128xf32, #tpu.memory_space<hbm>> -> memref<128x128xf32, #tpu.memory_space<hbm>>
    %dma_start3A_20 = arith.constant 0 : i32
    %dma_start3A_21 = tpu.memref_slice %arg4[%add3A_17, %dma_start3A_20] : memref<16384x128xf32, #tpu.memory_space<hbm>> -> memref<128x128xf32, #tpu.memory_space<hbm>>
    tpu.enqueue_dma source(%arg6 : memref<128x128xf32, #tpu.memory_space<vmem>>) target(%dma_start3A_21 : memref<128x128xf32, #tpu.memory_space<hbm>>) target_semaphore(%arg9 : memref<!tpu.dma_semaphore, #tpu.memory_space<semaphore_mem>>)
    %dma_wait3A_22 = arith.constant 0 : i32
    %dma_wait3A_23 = tpu.memref_slice %arg4[%add3A_17, %dma_wait3A_22] : memref<16384x128xf32, #tpu.memory_space<hbm>> -> memref<128x128xf32, #tpu.memory_space<hbm>>
    %dma_wait3A_24 = arith.constant 0 : i32
    %dma_wait3A_25 = tpu.memref_slice %arg4[%add3A_17, %dma_wait3A_24] : memref<16384x128xf32, #tpu.memory_space<hbm>> -> memref<128x128xf32, #tpu.memory_space<hbm>>
    tpu.wait_dma2 semaphore(%arg9 : memref<!tpu.dma_semaphore, #tpu.memory_space<semaphore_mem>>) src(%arg6 : memref<128x128xf32, #tpu.memory_space<vmem>>) dst(%dma_wait3A_25 : memref<128x128xf32, #tpu.memory_space<hbm>>)
    %dma_start3A_26 = arith.constant 256 : i32
    %dma_start3A_27 = tpu.memref_slice %arg5[%dma_start3A_26] : memref<512xi32, #tpu.memory_space<vmem>> -> memref<128xi32, #tpu.memory_space<vmem>>
    %dma_start3A_28 = arith.constant 0 : i32
    %dma_start3A_29 = arith.constant 0 : i32
    %dma_start3A_30 = tpu.memref_slice %arg3[%dma_start3A_28, %dma_start3A_29] : memref<4096x128xf32, #tpu.memory_space<hbm>> -> memref<4096x128xf32, #tpu.memory_space<hbm>>
    tpu.enqueue_indirect_dma source(%dma_start3A_30 : memref<4096x128xf32, #tpu.memory_space<hbm>>) target(%arg6 : memref<128x128xf32, #tpu.memory_space<vmem>>) offsets(%dma_start3A_27 : memref<128xi32, #tpu.memory_space<vmem>>) semaphore(%arg8 : memref<!tpu.dma_semaphore, #tpu.memory_space<semaphore_mem>>)
    %dma_wait3A_31 = arith.constant 128 : i32
    %dma_wait3A_32 = tpu.memref_slice %arg5[%dma_wait3A_31] : memref<512xi32, #tpu.memory_space<vmem>> -> memref<128xi32, #tpu.memory_space<vmem>>
    %dma_wait3A_33 = arith.constant 0 : i32
    %dma_wait3A_34 = arith.constant 0 : i32
    %dma_wait3A_35 = tpu.memref_slice %arg3[%dma_wait3A_33, %dma_wait3A_34] : memref<4096x128xf32, #tpu.memory_space<hbm>> -> memref<4096x128xf32, #tpu.memory_space<hbm>>
    tpu.wait_indirect_dma semaphore(%arg8 : memref<!tpu.dma_semaphore, #tpu.memory_space<semaphore_mem>>) src(%dma_wait3A_35 : memref<4096x128xf32, #tpu.memory_space<hbm>>) dst(%arg7 : memref<128x128xf32, #tpu.memory_space<vmem>>)
    %add3A_36 = arith.constant 128 : i32
    %add3A_37 = arith.addi %mul3A_2, %add3A_36 : i32
    %dma_start3A_38 = arith.constant 0 : i32
    %dma_start3A_39 = tpu.memref_slice %arg4[%add3A_37, %dma_start3A_38] : memref<16384x128xf32, #tpu.memory_space<hbm>> -> memref<128x128xf32, #tpu.memory_space<hbm>>
    %dma_start3A_40 = arith.constant 0 : i32
    %dma_start3A_41 = tpu.memref_slice %arg4[%add3A_37, %dma_start3A_40] : memref<16384x128xf32, #tpu.memory_space<hbm>> -> memref<128x128xf32, #tpu.memory_space<hbm>>
    tpu.enqueue_dma source(%arg7 : memref<128x128xf32, #tpu.memory_space<vmem>>) target(%dma_start3A_41 : memref<128x128xf32, #tpu.memory_space<hbm>>) target_semaphore(%arg9 : memref<!tpu.dma_semaphore, #tpu.memory_space<semaphore_mem>>)
    %dma_wait3A_42 = arith.constant 0 : i32
    %dma_wait3A_43 = tpu.memref_slice %arg4[%add3A_37, %dma_wait3A_42] : memref<16384x128xf32, #tpu.memory_space<hbm>> -> memref<128x128xf32, #tpu.memory_space<hbm>>
    %dma_wait3A_44 = arith.constant 0 : i32
    %dma_wait3A_45 = tpu.memref_slice %arg4[%add3A_37, %dma_wait3A_44] : memref<16384x128xf32, #tpu.memory_space<hbm>> -> memref<128x128xf32, #tpu.memory_space<hbm>>
    tpu.wait_dma2 semaphore(%arg9 : memref<!tpu.dma_semaphore, #tpu.memory_space<semaphore_mem>>) src(%arg7 : memref<128x128xf32, #tpu.memory_space<vmem>>) dst(%dma_wait3A_45 : memref<128x128xf32, #tpu.memory_space<hbm>>)
    %dma_start3A_46 = arith.constant 384 : i32
    %dma_start3A_47 = tpu.memref_slice %arg5[%dma_start3A_46] : memref<512xi32, #tpu.memory_space<vmem>> -> memref<128xi32, #tpu.memory_space<vmem>>
    %dma_start3A_48 = arith.constant 0 : i32
    %dma_start3A_49 = arith.constant 0 : i32
    %dma_start3A_50 = tpu.memref_slice %arg3[%dma_start3A_48, %dma_start3A_49] : memref<4096x128xf32, #tpu.memory_space<hbm>> -> memref<4096x128xf32, #tpu.memory_space<hbm>>
    tpu.enqueue_indirect_dma source(%dma_start3A_50 : memref<4096x128xf32, #tpu.memory_space<hbm>>) target(%arg7 : memref<128x128xf32, #tpu.memory_space<vmem>>) offsets(%dma_start3A_47 : memref<128xi32, #tpu.memory_space<vmem>>) semaphore(%arg8 : memref<!tpu.dma_semaphore, #tpu.memory_space<semaphore_mem>>)
    %dma_wait3A_51 = arith.constant 256 : i32
    %dma_wait3A_52 = tpu.memref_slice %arg5[%dma_wait3A_51] : memref<512xi32, #tpu.memory_space<vmem>> -> memref<128xi32, #tpu.memory_space<vmem>>
    %dma_wait3A_53 = arith.constant 0 : i32
    %dma_wait3A_54 = arith.constant 0 : i32
    %dma_wait3A_55 = tpu.memref_slice %arg3[%dma_wait3A_53, %dma_wait3A_54] : memref<4096x128xf32, #tpu.memory_space<hbm>> -> memref<4096x128xf32, #tpu.memory_space<hbm>>
    tpu.wait_indirect_dma semaphore(%arg8 : memref<!tpu.dma_semaphore, #tpu.memory_space<semaphore_mem>>) src(%dma_wait3A_55 : memref<4096x128xf32, #tpu.memory_space<hbm>>) dst(%arg6 : memref<128x128xf32, #tpu.memory_space<vmem>>)
    %add3A_56 = arith.constant 256 : i32
    %add3A_57 = arith.addi %mul3A_2, %add3A_56 : i32
    %dma_start3A_58 = arith.constant 0 : i32
    %dma_start3A_59 = tpu.memref_slice %arg4[%add3A_57, %dma_start3A_58] : memref<16384x128xf32, #tpu.memory_space<hbm>> -> memref<128x128xf32, #tpu.memory_space<hbm>>
    %dma_start3A_60 = arith.constant 0 : i32
    %dma_start3A_61 = tpu.memref_slice %arg4[%add3A_57, %dma_start3A_60] : memref<16384x128xf32, #tpu.memory_space<hbm>> -> memref<128x128xf32, #tpu.memory_space<hbm>>
    tpu.enqueue_dma source(%arg6 : memref<128x128xf32, #tpu.memory_space<vmem>>) target(%dma_start3A_61 : memref<128x128xf32, #tpu.memory_space<hbm>>) target_semaphore(%arg9 : memref<!tpu.dma_semaphore, #tpu.memory_space<semaphore_mem>>)
    %dma_wait3A_62 = arith.constant 384 : i32
    %dma_wait3A_63 = tpu.memref_slice %arg5[%dma_wait3A_62] : memref<512xi32, #tpu.memory_space<vmem>> -> memref<128xi32, #tpu.memory_space<vmem>>
    %dma_wait3A_64 = arith.constant 0 : i32
    %dma_wait3A_65 = arith.constant 0 : i32
    %dma_wait3A_66 = tpu.memref_slice %arg3[%dma_wait3A_64, %dma_wait3A_65] : memref<4096x128xf32, #tpu.memory_space<hbm>> -> memref<4096x128xf32, #tpu.memory_space<hbm>>
    tpu.wait_indirect_dma semaphore(%arg8 : memref<!tpu.dma_semaphore, #tpu.memory_space<semaphore_mem>>) src(%dma_wait3A_66 : memref<4096x128xf32, #tpu.memory_space<hbm>>) dst(%arg7 : memref<128x128xf32, #tpu.memory_space<vmem>>)
    %add3A_67 = arith.constant 384 : i32
    %add3A_68 = arith.addi %mul3A_2, %add3A_67 : i32
    %dma_start3A_69 = arith.constant 0 : i32
    %dma_start3A_70 = tpu.memref_slice %arg4[%add3A_68, %dma_start3A_69] : memref<16384x128xf32, #tpu.memory_space<hbm>> -> memref<128x128xf32, #tpu.memory_space<hbm>>
    %dma_start3A_71 = arith.constant 0 : i32
    %dma_start3A_72 = tpu.memref_slice %arg4[%add3A_68, %dma_start3A_71] : memref<16384x128xf32, #tpu.memory_space<hbm>> -> memref<128x128xf32, #tpu.memory_space<hbm>>
    tpu.enqueue_dma source(%arg7 : memref<128x128xf32, #tpu.memory_space<vmem>>) target(%dma_start3A_72 : memref<128x128xf32, #tpu.memory_space<hbm>>) target_semaphore(%arg9 : memref<!tpu.dma_semaphore, #tpu.memory_space<semaphore_mem>>)
    %dma_wait3A_73 = arith.constant 0 : i32
    %dma_wait3A_74 = tpu.memref_slice %arg4[%add3A_68, %dma_wait3A_73] : memref<16384x128xf32, #tpu.memory_space<hbm>> -> memref<128x128xf32, #tpu.memory_space<hbm>>
    %dma_wait3A_75 = arith.constant 0 : i32
    %dma_wait3A_76 = tpu.memref_slice %arg4[%add3A_68, %dma_wait3A_75] : memref<16384x128xf32, #tpu.memory_space<hbm>> -> memref<128x128xf32, #tpu.memory_space<hbm>>
    tpu.wait_dma2 semaphore(%arg9 : memref<!tpu.dma_semaphore, #tpu.memory_space<semaphore_mem>>) src(%arg7 : memref<128x128xf32, #tpu.memory_space<vmem>>) dst(%dma_wait3A_76 : memref<128x128xf32, #tpu.memory_space<hbm>>)
    %dma_wait3A_77 = arith.constant 0 : i32
    %dma_wait3A_78 = tpu.memref_slice %arg4[%add3A_57, %dma_wait3A_77] : memref<16384x128xf32, #tpu.memory_space<hbm>> -> memref<128x128xf32, #tpu.memory_space<hbm>>
    %dma_wait3A_79 = arith.constant 0 : i32
    %dma_wait3A_80 = tpu.memref_slice %arg4[%add3A_57, %dma_wait3A_79] : memref<16384x128xf32, #tpu.memory_space<hbm>> -> memref<128x128xf32, #tpu.memory_space<hbm>>
    tpu.wait_dma2 semaphore(%arg9 : memref<!tpu.dma_semaphore, #tpu.memory_space<semaphore_mem>>) src(%arg6 : memref<128x128xf32, #tpu.memory_space<vmem>>) dst(%dma_wait3A_80 : memref<128x128xf32, #tpu.memory_space<hbm>>)
    return
  }
}

#map = affine_map<(d0, d1) -> (0)>
#map1 = affine_map<(d0, d1) -> (0, 0)>
module attributes {stable_mosaic.version = 14 : i64} {
  func.func @gk(%arg0: i32, %arg1: i32, %arg2: memref<4096xi32, #tpu.memory_space<hbm>>, %arg3: memref<1024x256xf32, #tpu.memory_space<hbm>>, %arg4: memref<4096x256xf32, #tpu.memory_space<hbm>>, %arg5: memref<128xi32, #tpu.memory_space<vmem>>, %arg6: memref<128x256xf32, #tpu.memory_space<vmem>>, %arg7: memref<128x256xf32, #tpu.memory_space<vmem>>, %arg8: memref<!tpu.dma_semaphore, #tpu.memory_space<semaphore_mem>>, %arg9: memref<!tpu.dma_semaphore, #tpu.memory_space<semaphore_mem>>) attributes {dimension_semantics = [#tpu.dimension_semantics<core_parallel>, #tpu.dimension_semantics<subcore_parallel>], iteration_bounds = array<i64: 2, 16>, scalar_prefetch = 0 : i64, scratch_operands = 5 : i64, tpu.core_type = #tpu.core_type<sc_vector_subcore>, window_params = [{transform_indices = #map}, {transform_indices = #map1}, {transform_indices = #map1}]} {
    %mul3A = arith.constant 2 : i32
    %mul3A_0 = arith.muli %arg1, %mul3A : i32
    %add3A = arith.addi %mul3A_0, %arg0 : i32
    %mul3A_1 = arith.constant 128 : i32
    %mul3A_2 = arith.muli %add3A, %mul3A_1 : i32
    "tpu.region"() ({
      %run_scoped3A = tpu.sem_alloc : memref<!tpu.dma_semaphore, #tpu.memory_space<semaphore_mem>>
      %dma_start3A_21 = tpu.memref_slice %arg2[%mul3A_2] : memref<4096xi32, #tpu.memory_space<hbm>> -> memref<128xi32, #tpu.memory_space<hbm>>
      %dma_start3A_22 = tpu.memref_slice %arg2[%mul3A_2] : memref<4096xi32, #tpu.memory_space<hbm>> -> memref<128xi32, #tpu.memory_space<hbm>>
      tpu.enqueue_dma source(%dma_start3A_22 : memref<128xi32, #tpu.memory_space<hbm>>) target(%arg5 : memref<128xi32, #tpu.memory_space<vmem>>) target_semaphore(%run_scoped3A : memref<!tpu.dma_semaphore, #tpu.memory_space<semaphore_mem>>)
      %dma_wait3A_23 = tpu.memref_slice %arg2[%mul3A_2] : memref<4096xi32, #tpu.memory_space<hbm>> -> memref<128xi32, #tpu.memory_space<hbm>>
      %dma_wait3A_24 = tpu.memref_slice %arg2[%mul3A_2] : memref<4096xi32, #tpu.memory_space<hbm>> -> memref<128xi32, #tpu.memory_space<hbm>>
      tpu.wait_dma2 semaphore(%run_scoped3A : memref<!tpu.dma_semaphore, #tpu.memory_space<semaphore_mem>>) src(%dma_wait3A_24 : memref<128xi32, #tpu.memory_space<hbm>>) dst(%arg5 : memref<128xi32, #tpu.memory_space<vmem>>)
      tpu.yield
    }) : () -> ()
    %dma_start3A = arith.constant 0 : i32
    %dma_start3A_3 = tpu.memref_slice %arg5[%dma_start3A] : memref<128xi32, #tpu.memory_space<vmem>> -> memref<128xi32, #tpu.memory_space<vmem>>
    %dma_start3A_4 = arith.constant 0 : i32
    %dma_start3A_5 = arith.constant 0 : i32
    %dma_start3A_6 = tpu.memref_slice %arg3[%dma_start3A_4, %dma_start3A_5] : memref<1024x256xf32, #tpu.memory_space<hbm>> -> memref<1024x256xf32, #tpu.memory_space<hbm>>
    tpu.enqueue_indirect_dma source(%dma_start3A_6 : memref<1024x256xf32, #tpu.memory_space<hbm>>) target(%arg6 : memref<128x256xf32, #tpu.memory_space<vmem>>) offsets(%dma_start3A_3 : memref<128xi32, #tpu.memory_space<vmem>>) semaphore(%arg8 : memref<!tpu.dma_semaphore, #tpu.memory_space<semaphore_mem>>)
    %dma_wait3A = arith.constant 0 : i32
    %dma_wait3A_7 = tpu.memref_slice %arg5[%dma_wait3A] : memref<128xi32, #tpu.memory_space<vmem>> -> memref<128xi32, #tpu.memory_space<vmem>>
    %dma_wait3A_8 = arith.constant 0 : i32
    %dma_wait3A_9 = arith.constant 0 : i32
    %dma_wait3A_10 = tpu.memref_slice %arg3[%dma_wait3A_8, %dma_wait3A_9] : memref<1024x256xf32, #tpu.memory_space<hbm>> -> memref<1024x256xf32, #tpu.memory_space<hbm>>
    tpu.wait_indirect_dma semaphore(%arg8 : memref<!tpu.dma_semaphore, #tpu.memory_space<semaphore_mem>>) src(%dma_wait3A_10 : memref<1024x256xf32, #tpu.memory_space<hbm>>) dst(%arg6 : memref<128x256xf32, #tpu.memory_space<vmem>>)
    %add3A_11 = arith.constant 0 : i32
    %add3A_12 = arith.addi %mul3A_2, %add3A_11 : i32
    %dma_start3A_13 = arith.constant 0 : i32
    %dma_start3A_14 = tpu.memref_slice %arg4[%add3A_12, %dma_start3A_13] : memref<4096x256xf32, #tpu.memory_space<hbm>> -> memref<128x256xf32, #tpu.memory_space<hbm>>
    %dma_start3A_15 = arith.constant 0 : i32
    %dma_start3A_16 = tpu.memref_slice %arg4[%add3A_12, %dma_start3A_15] : memref<4096x256xf32, #tpu.memory_space<hbm>> -> memref<128x256xf32, #tpu.memory_space<hbm>>
    tpu.enqueue_dma source(%arg6 : memref<128x256xf32, #tpu.memory_space<vmem>>) target(%dma_start3A_16 : memref<128x256xf32, #tpu.memory_space<hbm>>) target_semaphore(%arg9 : memref<!tpu.dma_semaphore, #tpu.memory_space<semaphore_mem>>)
    %dma_wait3A_17 = arith.constant 0 : i32
    %dma_wait3A_18 = tpu.memref_slice %arg4[%add3A_12, %dma_wait3A_17] : memref<4096x256xf32, #tpu.memory_space<hbm>> -> memref<128x256xf32, #tpu.memory_space<hbm>>
    %dma_wait3A_19 = arith.constant 0 : i32
    %dma_wait3A_20 = tpu.memref_slice %arg4[%add3A_12, %dma_wait3A_19] : memref<4096x256xf32, #tpu.memory_space<hbm>> -> memref<128x256xf32, #tpu.memory_space<hbm>>
    tpu.wait_dma2 semaphore(%arg9 : memref<!tpu.dma_semaphore, #tpu.memory_space<semaphore_mem>>) src(%arg6 : memref<128x256xf32, #tpu.memory_space<vmem>>) dst(%dma_wait3A_20 : memref<128x256xf32, #tpu.memory_space<hbm>>)
    return
  }
}

#map = affine_map<(d0, d1) -> (0)>
#map1 = affine_map<(d0, d1) -> (0, 0)>
module attributes {stable_mosaic.version = 14 : i64} {
  func.func @gk(%arg0: i32, %arg1: i32, %arg2: memref<65536xi32, #tpu.memory_space<hbm>>, %arg3: memref<16384x128xf32, #tpu.memory_space<hbm>>, %arg4: memref<65536x128xf32, #tpu.memory_space<hbm>>, %arg5: memref<2048xi32, #tpu.memory_space<vmem>>, %arg6: memref<128x128xf32, #tpu.memory_space<vmem>>, %arg7: memref<128x128xf32, #tpu.memory_space<vmem>>, %arg8: memref<!tpu.dma_semaphore, #tpu.memory_space<semaphore_mem>>, %arg9: memref<!tpu.dma_semaphore, #tpu.memory_space<semaphore_mem>>) attributes {dimension_semantics = [#tpu.dimension_semantics<core_parallel>, #tpu.dimension_semantics<subcore_parallel>], iteration_bounds = array<i64: 2, 16>, scalar_prefetch = 0 : i64, scratch_operands = 5 : i64, tpu.core_type = #tpu.core_type<sc_vector_subcore>, window_params = [{transform_indices = #map}, {transform_indices = #map1}, {transform_indices = #map1}]} {
    %mul3A = arith.constant 2 : i32
    %mul3A_0 = arith.muli %arg1, %mul3A : i32
    %add3A = arith.addi %mul3A_0, %arg0 : i32
    %mul3A_1 = arith.constant 2048 : i32
    %mul3A_2 = arith.muli %add3A, %mul3A_1 : i32
    "tpu.region"() ({
      %run_scoped3A = tpu.sem_alloc : memref<!tpu.dma_semaphore, #tpu.memory_space<semaphore_mem>>
      %dma_start3A_321 = tpu.memref_slice %arg2[%mul3A_2] : memref<65536xi32, #tpu.memory_space<hbm>> -> memref<2048xi32, #tpu.memory_space<hbm>>
      %dma_start3A_322 = tpu.memref_slice %arg2[%mul3A_2] : memref<65536xi32, #tpu.memory_space<hbm>> -> memref<2048xi32, #tpu.memory_space<hbm>>
      tpu.enqueue_dma source(%dma_start3A_322 : memref<2048xi32, #tpu.memory_space<hbm>>) target(%arg5 : memref<2048xi32, #tpu.memory_space<vmem>>) target_semaphore(%run_scoped3A : memref<!tpu.dma_semaphore, #tpu.memory_space<semaphore_mem>>)
      %dma_wait3A_323 = tpu.memref_slice %arg2[%mul3A_2] : memref<65536xi32, #tpu.memory_space<hbm>> -> memref<2048xi32, #tpu.memory_space<hbm>>
      %dma_wait3A_324 = tpu.memref_slice %arg2[%mul3A_2] : memref<65536xi32, #tpu.memory_space<hbm>> -> memref<2048xi32, #tpu.memory_space<hbm>>
      tpu.wait_dma2 semaphore(%run_scoped3A : memref<!tpu.dma_semaphore, #tpu.memory_space<semaphore_mem>>) src(%dma_wait3A_324 : memref<2048xi32, #tpu.memory_space<hbm>>) dst(%arg5 : memref<2048xi32, #tpu.memory_space<vmem>>)
      tpu.yield
    }) : () -> ()
    %dma_start3A = arith.constant 0 : i32
    %dma_start3A_3 = tpu.memref_slice %arg5[%dma_start3A] : memref<2048xi32, #tpu.memory_space<vmem>> -> memref<128xi32, #tpu.memory_space<vmem>>
    %dma_start3A_4 = arith.constant 0 : i32
    %dma_start3A_5 = arith.constant 0 : i32
    %dma_start3A_6 = tpu.memref_slice %arg3[%dma_start3A_4, %dma_start3A_5] : memref<16384x128xf32, #tpu.memory_space<hbm>> -> memref<16384x128xf32, #tpu.memory_space<hbm>>
    tpu.enqueue_indirect_dma source(%dma_start3A_6 : memref<16384x128xf32, #tpu.memory_space<hbm>>) target(%arg6 : memref<128x128xf32, #tpu.memory_space<vmem>>) offsets(%dma_start3A_3 : memref<128xi32, #tpu.memory_space<vmem>>) semaphore(%arg8 : memref<!tpu.dma_semaphore, #tpu.memory_space<semaphore_mem>>)
    %dma_start3A_7 = arith.constant 128 : i32
    %dma_start3A_8 = tpu.memref_slice %arg5[%dma_start3A_7] : memref<2048xi32, #tpu.memory_space<vmem>> -> memref<128xi32, #tpu.memory_space<vmem>>
    %dma_start3A_9 = arith.constant 0 : i32
    %dma_start3A_10 = arith.constant 0 : i32
    %dma_start3A_11 = tpu.memref_slice %arg3[%dma_start3A_9, %dma_start3A_10] : memref<16384x128xf32, #tpu.memory_space<hbm>> -> memref<16384x128xf32, #tpu.memory_space<hbm>>
    tpu.enqueue_indirect_dma source(%dma_start3A_11 : memref<16384x128xf32, #tpu.memory_space<hbm>>) target(%arg7 : memref<128x128xf32, #tpu.memory_space<vmem>>) offsets(%dma_start3A_8 : memref<128xi32, #tpu.memory_space<vmem>>) semaphore(%arg8 : memref<!tpu.dma_semaphore, #tpu.memory_space<semaphore_mem>>)
    %dma_wait3A = arith.constant 0 : i32
    %dma_wait3A_12 = tpu.memref_slice %arg5[%dma_wait3A] : memref<2048xi32, #tpu.memory_space<vmem>> -> memref<128xi32, #tpu.memory_space<vmem>>
    %dma_wait3A_13 = arith.constant 0 : i32
    %dma_wait3A_14 = arith.constant 0 : i32
    %dma_wait3A_15 = tpu.memref_slice %arg3[%dma_wait3A_13, %dma_wait3A_14] : memref<16384x128xf32, #tpu.memory_space<hbm>> -> memref<16384x128xf32, #tpu.memory_space<hbm>>
    tpu.wait_indirect_dma semaphore(%arg8 : memref<!tpu.dma_semaphore, #tpu.memory_space<semaphore_mem>>) src(%dma_wait3A_15 : memref<16384x128xf32, #tpu.memory_space<hbm>>) dst(%arg6 : memref<128x128xf32, #tpu.memory_space<vmem>>)
    %add3A_16 = arith.constant 0 : i32
    %add3A_17 = arith.addi %mul3A_2, %add3A_16 : i32
    %dma_start3A_18 = arith.constant 0 : i32
    %dma_start3A_19 = tpu.memref_slice %arg4[%add3A_17, %dma_start3A_18] : memref<65536x128xf32, #tpu.memory_space<hbm>> -> memref<128x128xf32, #tpu.memory_space<hbm>>
    %dma_start3A_20 = arith.constant 0 : i32
    %dma_start3A_21 = tpu.memref_slice %arg4[%add3A_17, %dma_start3A_20] : memref<65536x128xf32, #tpu.memory_space<hbm>> -> memref<128x128xf32, #tpu.memory_space<hbm>>
    tpu.enqueue_dma source(%arg6 : memref<128x128xf32, #tpu.memory_space<vmem>>) target(%dma_start3A_21 : memref<128x128xf32, #tpu.memory_space<hbm>>) target_semaphore(%arg9 : memref<!tpu.dma_semaphore, #tpu.memory_space<semaphore_mem>>)
    %dma_wait3A_22 = arith.constant 0 : i32
    %dma_wait3A_23 = tpu.memref_slice %arg4[%add3A_17, %dma_wait3A_22] : memref<65536x128xf32, #tpu.memory_space<hbm>> -> memref<128x128xf32, #tpu.memory_space<hbm>>
    %dma_wait3A_24 = arith.constant 0 : i32
    %dma_wait3A_25 = tpu.memref_slice %arg4[%add3A_17, %dma_wait3A_24] : memref<65536x128xf32, #tpu.memory_space<hbm>> -> memref<128x128xf32, #tpu.memory_space<hbm>>
    tpu.wait_dma2 semaphore(%arg9 : memref<!tpu.dma_semaphore, #tpu.memory_space<semaphore_mem>>) src(%arg6 : memref<128x128xf32, #tpu.memory_space<vmem>>) dst(%dma_wait3A_25 : memref<128x128xf32, #tpu.memory_space<hbm>>)
    %dma_start3A_26 = arith.constant 256 : i32
    %dma_start3A_27 = tpu.memref_slice %arg5[%dma_start3A_26] : memref<2048xi32, #tpu.memory_space<vmem>> -> memref<128xi32, #tpu.memory_space<vmem>>
    %dma_start3A_28 = arith.constant 0 : i32
    %dma_start3A_29 = arith.constant 0 : i32
    %dma_start3A_30 = tpu.memref_slice %arg3[%dma_start3A_28, %dma_start3A_29] : memref<16384x128xf32, #tpu.memory_space<hbm>> -> memref<16384x128xf32, #tpu.memory_space<hbm>>
    tpu.enqueue_indirect_dma source(%dma_start3A_30 : memref<16384x128xf32, #tpu.memory_space<hbm>>) target(%arg6 : memref<128x128xf32, #tpu.memory_space<vmem>>) offsets(%dma_start3A_27 : memref<128xi32, #tpu.memory_space<vmem>>) semaphore(%arg8 : memref<!tpu.dma_semaphore, #tpu.memory_space<semaphore_mem>>)
    %dma_wait3A_31 = arith.constant 128 : i32
    %dma_wait3A_32 = tpu.memref_slice %arg5[%dma_wait3A_31] : memref<2048xi32, #tpu.memory_space<vmem>> -> memref<128xi32, #tpu.memory_space<vmem>>
    %dma_wait3A_33 = arith.constant 0 : i32
    %dma_wait3A_34 = arith.constant 0 : i32
    %dma_wait3A_35 = tpu.memref_slice %arg3[%dma_wait3A_33, %dma_wait3A_34] : memref<16384x128xf32, #tpu.memory_space<hbm>> -> memref<16384x128xf32, #tpu.memory_space<hbm>>
    tpu.wait_indirect_dma semaphore(%arg8 : memref<!tpu.dma_semaphore, #tpu.memory_space<semaphore_mem>>) src(%dma_wait3A_35 : memref<16384x128xf32, #tpu.memory_space<hbm>>) dst(%arg7 : memref<128x128xf32, #tpu.memory_space<vmem>>)
    %add3A_36 = arith.constant 128 : i32
    %add3A_37 = arith.addi %mul3A_2, %add3A_36 : i32
    %dma_start3A_38 = arith.constant 0 : i32
    %dma_start3A_39 = tpu.memref_slice %arg4[%add3A_37, %dma_start3A_38] : memref<65536x128xf32, #tpu.memory_space<hbm>> -> memref<128x128xf32, #tpu.memory_space<hbm>>
    %dma_start3A_40 = arith.constant 0 : i32
    %dma_start3A_41 = tpu.memref_slice %arg4[%add3A_37, %dma_start3A_40] : memref<65536x128xf32, #tpu.memory_space<hbm>> -> memref<128x128xf32, #tpu.memory_space<hbm>>
    tpu.enqueue_dma source(%arg7 : memref<128x128xf32, #tpu.memory_space<vmem>>) target(%dma_start3A_41 : memref<128x128xf32, #tpu.memory_space<hbm>>) target_semaphore(%arg9 : memref<!tpu.dma_semaphore, #tpu.memory_space<semaphore_mem>>)
    %dma_wait3A_42 = arith.constant 0 : i32
    %dma_wait3A_43 = tpu.memref_slice %arg4[%add3A_37, %dma_wait3A_42] : memref<65536x128xf32, #tpu.memory_space<hbm>> -> memref<128x128xf32, #tpu.memory_space<hbm>>
    %dma_wait3A_44 = arith.constant 0 : i32
    %dma_wait3A_45 = tpu.memref_slice %arg4[%add3A_37, %dma_wait3A_44] : memref<65536x128xf32, #tpu.memory_space<hbm>> -> memref<128x128xf32, #tpu.memory_space<hbm>>
    tpu.wait_dma2 semaphore(%arg9 : memref<!tpu.dma_semaphore, #tpu.memory_space<semaphore_mem>>) src(%arg7 : memref<128x128xf32, #tpu.memory_space<vmem>>) dst(%dma_wait3A_45 : memref<128x128xf32, #tpu.memory_space<hbm>>)
    %dma_start3A_46 = arith.constant 384 : i32
    %dma_start3A_47 = tpu.memref_slice %arg5[%dma_start3A_46] : memref<2048xi32, #tpu.memory_space<vmem>> -> memref<128xi32, #tpu.memory_space<vmem>>
    %dma_start3A_48 = arith.constant 0 : i32
    %dma_start3A_49 = arith.constant 0 : i32
    %dma_start3A_50 = tpu.memref_slice %arg3[%dma_start3A_48, %dma_start3A_49] : memref<16384x128xf32, #tpu.memory_space<hbm>> -> memref<16384x128xf32, #tpu.memory_space<hbm>>
    tpu.enqueue_indirect_dma source(%dma_start3A_50 : memref<16384x128xf32, #tpu.memory_space<hbm>>) target(%arg7 : memref<128x128xf32, #tpu.memory_space<vmem>>) offsets(%dma_start3A_47 : memref<128xi32, #tpu.memory_space<vmem>>) semaphore(%arg8 : memref<!tpu.dma_semaphore, #tpu.memory_space<semaphore_mem>>)
    %dma_wait3A_51 = arith.constant 256 : i32
    %dma_wait3A_52 = tpu.memref_slice %arg5[%dma_wait3A_51] : memref<2048xi32, #tpu.memory_space<vmem>> -> memref<128xi32, #tpu.memory_space<vmem>>
    %dma_wait3A_53 = arith.constant 0 : i32
    %dma_wait3A_54 = arith.constant 0 : i32
    %dma_wait3A_55 = tpu.memref_slice %arg3[%dma_wait3A_53, %dma_wait3A_54] : memref<16384x128xf32, #tpu.memory_space<hbm>> -> memref<16384x128xf32, #tpu.memory_space<hbm>>
    tpu.wait_indirect_dma semaphore(%arg8 : memref<!tpu.dma_semaphore, #tpu.memory_space<semaphore_mem>>) src(%dma_wait3A_55 : memref<16384x128xf32, #tpu.memory_space<hbm>>) dst(%arg6 : memref<128x128xf32, #tpu.memory_space<vmem>>)
    %add3A_56 = arith.constant 256 : i32
    %add3A_57 = arith.addi %mul3A_2, %add3A_56 : i32
    %dma_start3A_58 = arith.constant 0 : i32
    %dma_start3A_59 = tpu.memref_slice %arg4[%add3A_57, %dma_start3A_58] : memref<65536x128xf32, #tpu.memory_space<hbm>> -> memref<128x128xf32, #tpu.memory_space<hbm>>
    %dma_start3A_60 = arith.constant 0 : i32
    %dma_start3A_61 = tpu.memref_slice %arg4[%add3A_57, %dma_start3A_60] : memref<65536x128xf32, #tpu.memory_space<hbm>> -> memref<128x128xf32, #tpu.memory_space<hbm>>
    tpu.enqueue_dma source(%arg6 : memref<128x128xf32, #tpu.memory_space<vmem>>) target(%dma_start3A_61 : memref<128x128xf32, #tpu.memory_space<hbm>>) target_semaphore(%arg9 : memref<!tpu.dma_semaphore, #tpu.memory_space<semaphore_mem>>)
    %dma_wait3A_62 = arith.constant 0 : i32
    %dma_wait3A_63 = tpu.memref_slice %arg4[%add3A_57, %dma_wait3A_62] : memref<65536x128xf32, #tpu.memory_space<hbm>> -> memref<128x128xf32, #tpu.memory_space<hbm>>
    %dma_wait3A_64 = arith.constant 0 : i32
    %dma_wait3A_65 = tpu.memref_slice %arg4[%add3A_57, %dma_wait3A_64] : memref<65536x128xf32, #tpu.memory_space<hbm>> -> memref<128x128xf32, #tpu.memory_space<hbm>>
    tpu.wait_dma2 semaphore(%arg9 : memref<!tpu.dma_semaphore, #tpu.memory_space<semaphore_mem>>) src(%arg6 : memref<128x128xf32, #tpu.memory_space<vmem>>) dst(%dma_wait3A_65 : memref<128x128xf32, #tpu.memory_space<hbm>>)
    %dma_start3A_66 = arith.constant 512 : i32
    %dma_start3A_67 = tpu.memref_slice %arg5[%dma_start3A_66] : memref<2048xi32, #tpu.memory_space<vmem>> -> memref<128xi32, #tpu.memory_space<vmem>>
    %dma_start3A_68 = arith.constant 0 : i32
    %dma_start3A_69 = arith.constant 0 : i32
    %dma_start3A_70 = tpu.memref_slice %arg3[%dma_start3A_68, %dma_start3A_69] : memref<16384x128xf32, #tpu.memory_space<hbm>> -> memref<16384x128xf32, #tpu.memory_space<hbm>>
    tpu.enqueue_indirect_dma source(%dma_start3A_70 : memref<16384x128xf32, #tpu.memory_space<hbm>>) target(%arg6 : memref<128x128xf32, #tpu.memory_space<vmem>>) offsets(%dma_start3A_67 : memref<128xi32, #tpu.memory_space<vmem>>) semaphore(%arg8 : memref<!tpu.dma_semaphore, #tpu.memory_space<semaphore_mem>>)
    %dma_wait3A_71 = arith.constant 384 : i32
    %dma_wait3A_72 = tpu.memref_slice %arg5[%dma_wait3A_71] : memref<2048xi32, #tpu.memory_space<vmem>> -> memref<128xi32, #tpu.memory_space<vmem>>
    %dma_wait3A_73 = arith.constant 0 : i32
    %dma_wait3A_74 = arith.constant 0 : i32
    %dma_wait3A_75 = tpu.memref_slice %arg3[%dma_wait3A_73, %dma_wait3A_74] : memref<16384x128xf32, #tpu.memory_space<hbm>> -> memref<16384x128xf32, #tpu.memory_space<hbm>>
    tpu.wait_indirect_dma semaphore(%arg8 : memref<!tpu.dma_semaphore, #tpu.memory_space<semaphore_mem>>) src(%dma_wait3A_75 : memref<16384x128xf32, #tpu.memory_space<hbm>>) dst(%arg7 : memref<128x128xf32, #tpu.memory_space<vmem>>)
    %add3A_76 = arith.constant 384 : i32
    %add3A_77 = arith.addi %mul3A_2, %add3A_76 : i32
    %dma_start3A_78 = arith.constant 0 : i32
    %dma_start3A_79 = tpu.memref_slice %arg4[%add3A_77, %dma_start3A_78] : memref<65536x128xf32, #tpu.memory_space<hbm>> -> memref<128x128xf32, #tpu.memory_space<hbm>>
    %dma_start3A_80 = arith.constant 0 : i32
    %dma_start3A_81 = tpu.memref_slice %arg4[%add3A_77, %dma_start3A_80] : memref<65536x128xf32, #tpu.memory_space<hbm>> -> memref<128x128xf32, #tpu.memory_space<hbm>>
    tpu.enqueue_dma source(%arg7 : memref<128x128xf32, #tpu.memory_space<vmem>>) target(%dma_start3A_81 : memref<128x128xf32, #tpu.memory_space<hbm>>) target_semaphore(%arg9 : memref<!tpu.dma_semaphore, #tpu.memory_space<semaphore_mem>>)
    %dma_wait3A_82 = arith.constant 0 : i32
    %dma_wait3A_83 = tpu.memref_slice %arg4[%add3A_77, %dma_wait3A_82] : memref<65536x128xf32, #tpu.memory_space<hbm>> -> memref<128x128xf32, #tpu.memory_space<hbm>>
    %dma_wait3A_84 = arith.constant 0 : i32
    %dma_wait3A_85 = tpu.memref_slice %arg4[%add3A_77, %dma_wait3A_84] : memref<65536x128xf32, #tpu.memory_space<hbm>> -> memref<128x128xf32, #tpu.memory_space<hbm>>
    tpu.wait_dma2 semaphore(%arg9 : memref<!tpu.dma_semaphore, #tpu.memory_space<semaphore_mem>>) src(%arg7 : memref<128x128xf32, #tpu.memory_space<vmem>>) dst(%dma_wait3A_85 : memref<128x128xf32, #tpu.memory_space<hbm>>)
    %dma_start3A_86 = arith.constant 640 : i32
    %dma_start3A_87 = tpu.memref_slice %arg5[%dma_start3A_86] : memref<2048xi32, #tpu.memory_space<vmem>> -> memref<128xi32, #tpu.memory_space<vmem>>
    %dma_start3A_88 = arith.constant 0 : i32
    %dma_start3A_89 = arith.constant 0 : i32
    %dma_start3A_90 = tpu.memref_slice %arg3[%dma_start3A_88, %dma_start3A_89] : memref<16384x128xf32, #tpu.memory_space<hbm>> -> memref<16384x128xf32, #tpu.memory_space<hbm>>
    tpu.enqueue_indirect_dma source(%dma_start3A_90 : memref<16384x128xf32, #tpu.memory_space<hbm>>) target(%arg7 : memref<128x128xf32, #tpu.memory_space<vmem>>) offsets(%dma_start3A_87 : memref<128xi32, #tpu.memory_space<vmem>>) semaphore(%arg8 : memref<!tpu.dma_semaphore, #tpu.memory_space<semaphore_mem>>)
    %dma_wait3A_91 = arith.constant 512 : i32
    %dma_wait3A_92 = tpu.memref_slice %arg5[%dma_wait3A_91] : memref<2048xi32, #tpu.memory_space<vmem>> -> memref<128xi32, #tpu.memory_space<vmem>>
    %dma_wait3A_93 = arith.constant 0 : i32
    %dma_wait3A_94 = arith.constant 0 : i32
    %dma_wait3A_95 = tpu.memref_slice %arg3[%dma_wait3A_93, %dma_wait3A_94] : memref<16384x128xf32, #tpu.memory_space<hbm>> -> memref<16384x128xf32, #tpu.memory_space<hbm>>
    tpu.wait_indirect_dma semaphore(%arg8 : memref<!tpu.dma_semaphore, #tpu.memory_space<semaphore_mem>>) src(%dma_wait3A_95 : memref<16384x128xf32, #tpu.memory_space<hbm>>) dst(%arg6 : memref<128x128xf32, #tpu.memory_space<vmem>>)
    %add3A_96 = arith.constant 512 : i32
    %add3A_97 = arith.addi %mul3A_2, %add3A_96 : i32
    %dma_start3A_98 = arith.constant 0 : i32
    %dma_start3A_99 = tpu.memref_slice %arg4[%add3A_97, %dma_start3A_98] : memref<65536x128xf32, #tpu.memory_space<hbm>> -> memref<128x128xf32, #tpu.memory_space<hbm>>
    %dma_start3A_100 = arith.constant 0 : i32
    %dma_start3A_101 = tpu.memref_slice %arg4[%add3A_97, %dma_start3A_100] : memref<65536x128xf32, #tpu.memory_space<hbm>> -> memref<128x128xf32, #tpu.memory_space<hbm>>
    tpu.enqueue_dma source(%arg6 : memref<128x128xf32, #tpu.memory_space<vmem>>) target(%dma_start3A_101 : memref<128x128xf32, #tpu.memory_space<hbm>>) target_semaphore(%arg9 : memref<!tpu.dma_semaphore, #tpu.memory_space<semaphore_mem>>)
    %dma_wait3A_102 = arith.constant 0 : i32
    %dma_wait3A_103 = tpu.memref_slice %arg4[%add3A_97, %dma_wait3A_102] : memref<65536x128xf32, #tpu.memory_space<hbm>> -> memref<128x128xf32, #tpu.memory_space<hbm>>
    %dma_wait3A_104 = arith.constant 0 : i32
    %dma_wait3A_105 = tpu.memref_slice %arg4[%add3A_97, %dma_wait3A_104] : memref<65536x128xf32, #tpu.memory_space<hbm>> -> memref<128x128xf32, #tpu.memory_space<hbm>>
    tpu.wait_dma2 semaphore(%arg9 : memref<!tpu.dma_semaphore, #tpu.memory_space<semaphore_mem>>) src(%arg6 : memref<128x128xf32, #tpu.memory_space<vmem>>) dst(%dma_wait3A_105 : memref<128x128xf32, #tpu.memory_space<hbm>>)
    %dma_start3A_106 = arith.constant 768 : i32
    %dma_start3A_107 = tpu.memref_slice %arg5[%dma_start3A_106] : memref<2048xi32, #tpu.memory_space<vmem>> -> memref<128xi32, #tpu.memory_space<vmem>>
    %dma_start3A_108 = arith.constant 0 : i32
    %dma_start3A_109 = arith.constant 0 : i32
    %dma_start3A_110 = tpu.memref_slice %arg3[%dma_start3A_108, %dma_start3A_109] : memref<16384x128xf32, #tpu.memory_space<hbm>> -> memref<16384x128xf32, #tpu.memory_space<hbm>>
    tpu.enqueue_indirect_dma source(%dma_start3A_110 : memref<16384x128xf32, #tpu.memory_space<hbm>>) target(%arg6 : memref<128x128xf32, #tpu.memory_space<vmem>>) offsets(%dma_start3A_107 : memref<128xi32, #tpu.memory_space<vmem>>) semaphore(%arg8 : memref<!tpu.dma_semaphore, #tpu.memory_space<semaphore_mem>>)
    %dma_wait3A_111 = arith.constant 640 : i32
    %dma_wait3A_112 = tpu.memref_slice %arg5[%dma_wait3A_111] : memref<2048xi32, #tpu.memory_space<vmem>> -> memref<128xi32, #tpu.memory_space<vmem>>
    %dma_wait3A_113 = arith.constant 0 : i32
    %dma_wait3A_114 = arith.constant 0 : i32
    %dma_wait3A_115 = tpu.memref_slice %arg3[%dma_wait3A_113, %dma_wait3A_114] : memref<16384x128xf32, #tpu.memory_space<hbm>> -> memref<16384x128xf32, #tpu.memory_space<hbm>>
    tpu.wait_indirect_dma semaphore(%arg8 : memref<!tpu.dma_semaphore, #tpu.memory_space<semaphore_mem>>) src(%dma_wait3A_115 : memref<16384x128xf32, #tpu.memory_space<hbm>>) dst(%arg7 : memref<128x128xf32, #tpu.memory_space<vmem>>)
    %add3A_116 = arith.constant 640 : i32
    %add3A_117 = arith.addi %mul3A_2, %add3A_116 : i32
    %dma_start3A_118 = arith.constant 0 : i32
    %dma_start3A_119 = tpu.memref_slice %arg4[%add3A_117, %dma_start3A_118] : memref<65536x128xf32, #tpu.memory_space<hbm>> -> memref<128x128xf32, #tpu.memory_space<hbm>>
    %dma_start3A_120 = arith.constant 0 : i32
    %dma_start3A_121 = tpu.memref_slice %arg4[%add3A_117, %dma_start3A_120] : memref<65536x128xf32, #tpu.memory_space<hbm>> -> memref<128x128xf32, #tpu.memory_space<hbm>>
    tpu.enqueue_dma source(%arg7 : memref<128x128xf32, #tpu.memory_space<vmem>>) target(%dma_start3A_121 : memref<128x128xf32, #tpu.memory_space<hbm>>) target_semaphore(%arg9 : memref<!tpu.dma_semaphore, #tpu.memory_space<semaphore_mem>>)
    %dma_wait3A_122 = arith.constant 0 : i32
    %dma_wait3A_123 = tpu.memref_slice %arg4[%add3A_117, %dma_wait3A_122] : memref<65536x128xf32, #tpu.memory_space<hbm>> -> memref<128x128xf32, #tpu.memory_space<hbm>>
    %dma_wait3A_124 = arith.constant 0 : i32
    %dma_wait3A_125 = tpu.memref_slice %arg4[%add3A_117, %dma_wait3A_124] : memref<65536x128xf32, #tpu.memory_space<hbm>> -> memref<128x128xf32, #tpu.memory_space<hbm>>
    tpu.wait_dma2 semaphore(%arg9 : memref<!tpu.dma_semaphore, #tpu.memory_space<semaphore_mem>>) src(%arg7 : memref<128x128xf32, #tpu.memory_space<vmem>>) dst(%dma_wait3A_125 : memref<128x128xf32, #tpu.memory_space<hbm>>)
    %dma_start3A_126 = arith.constant 896 : i32
    %dma_start3A_127 = tpu.memref_slice %arg5[%dma_start3A_126] : memref<2048xi32, #tpu.memory_space<vmem>> -> memref<128xi32, #tpu.memory_space<vmem>>
    %dma_start3A_128 = arith.constant 0 : i32
    %dma_start3A_129 = arith.constant 0 : i32
    %dma_start3A_130 = tpu.memref_slice %arg3[%dma_start3A_128, %dma_start3A_129] : memref<16384x128xf32, #tpu.memory_space<hbm>> -> memref<16384x128xf32, #tpu.memory_space<hbm>>
    tpu.enqueue_indirect_dma source(%dma_start3A_130 : memref<16384x128xf32, #tpu.memory_space<hbm>>) target(%arg7 : memref<128x128xf32, #tpu.memory_space<vmem>>) offsets(%dma_start3A_127 : memref<128xi32, #tpu.memory_space<vmem>>) semaphore(%arg8 : memref<!tpu.dma_semaphore, #tpu.memory_space<semaphore_mem>>)
    %dma_wait3A_131 = arith.constant 768 : i32
    %dma_wait3A_132 = tpu.memref_slice %arg5[%dma_wait3A_131] : memref<2048xi32, #tpu.memory_space<vmem>> -> memref<128xi32, #tpu.memory_space<vmem>>
    %dma_wait3A_133 = arith.constant 0 : i32
    %dma_wait3A_134 = arith.constant 0 : i32
    %dma_wait3A_135 = tpu.memref_slice %arg3[%dma_wait3A_133, %dma_wait3A_134] : memref<16384x128xf32, #tpu.memory_space<hbm>> -> memref<16384x128xf32, #tpu.memory_space<hbm>>
    tpu.wait_indirect_dma semaphore(%arg8 : memref<!tpu.dma_semaphore, #tpu.memory_space<semaphore_mem>>) src(%dma_wait3A_135 : memref<16384x128xf32, #tpu.memory_space<hbm>>) dst(%arg6 : memref<128x128xf32, #tpu.memory_space<vmem>>)
    %add3A_136 = arith.constant 768 : i32
    %add3A_137 = arith.addi %mul3A_2, %add3A_136 : i32
    %dma_start3A_138 = arith.constant 0 : i32
    %dma_start3A_139 = tpu.memref_slice %arg4[%add3A_137, %dma_start3A_138] : memref<65536x128xf32, #tpu.memory_space<hbm>> -> memref<128x128xf32, #tpu.memory_space<hbm>>
    %dma_start3A_140 = arith.constant 0 : i32
    %dma_start3A_141 = tpu.memref_slice %arg4[%add3A_137, %dma_start3A_140] : memref<65536x128xf32, #tpu.memory_space<hbm>> -> memref<128x128xf32, #tpu.memory_space<hbm>>
    tpu.enqueue_dma source(%arg6 : memref<128x128xf32, #tpu.memory_space<vmem>>) target(%dma_start3A_141 : memref<128x128xf32, #tpu.memory_space<hbm>>) target_semaphore(%arg9 : memref<!tpu.dma_semaphore, #tpu.memory_space<semaphore_mem>>)
    %dma_wait3A_142 = arith.constant 0 : i32
    %dma_wait3A_143 = tpu.memref_slice %arg4[%add3A_137, %dma_wait3A_142] : memref<65536x128xf32, #tpu.memory_space<hbm>> -> memref<128x128xf32, #tpu.memory_space<hbm>>
    %dma_wait3A_144 = arith.constant 0 : i32
    %dma_wait3A_145 = tpu.memref_slice %arg4[%add3A_137, %dma_wait3A_144] : memref<65536x128xf32, #tpu.memory_space<hbm>> -> memref<128x128xf32, #tpu.memory_space<hbm>>
    tpu.wait_dma2 semaphore(%arg9 : memref<!tpu.dma_semaphore, #tpu.memory_space<semaphore_mem>>) src(%arg6 : memref<128x128xf32, #tpu.memory_space<vmem>>) dst(%dma_wait3A_145 : memref<128x128xf32, #tpu.memory_space<hbm>>)
    %dma_start3A_146 = arith.constant 1024 : i32
    %dma_start3A_147 = tpu.memref_slice %arg5[%dma_start3A_146] : memref<2048xi32, #tpu.memory_space<vmem>> -> memref<128xi32, #tpu.memory_space<vmem>>
    %dma_start3A_148 = arith.constant 0 : i32
    %dma_start3A_149 = arith.constant 0 : i32
    %dma_start3A_150 = tpu.memref_slice %arg3[%dma_start3A_148, %dma_start3A_149] : memref<16384x128xf32, #tpu.memory_space<hbm>> -> memref<16384x128xf32, #tpu.memory_space<hbm>>
    tpu.enqueue_indirect_dma source(%dma_start3A_150 : memref<16384x128xf32, #tpu.memory_space<hbm>>) target(%arg6 : memref<128x128xf32, #tpu.memory_space<vmem>>) offsets(%dma_start3A_147 : memref<128xi32, #tpu.memory_space<vmem>>) semaphore(%arg8 : memref<!tpu.dma_semaphore, #tpu.memory_space<semaphore_mem>>)
    %dma_wait3A_151 = arith.constant 896 : i32
    %dma_wait3A_152 = tpu.memref_slice %arg5[%dma_wait3A_151] : memref<2048xi32, #tpu.memory_space<vmem>> -> memref<128xi32, #tpu.memory_space<vmem>>
    %dma_wait3A_153 = arith.constant 0 : i32
    %dma_wait3A_154 = arith.constant 0 : i32
    %dma_wait3A_155 = tpu.memref_slice %arg3[%dma_wait3A_153, %dma_wait3A_154] : memref<16384x128xf32, #tpu.memory_space<hbm>> -> memref<16384x128xf32, #tpu.memory_space<hbm>>
    tpu.wait_indirect_dma semaphore(%arg8 : memref<!tpu.dma_semaphore, #tpu.memory_space<semaphore_mem>>) src(%dma_wait3A_155 : memref<16384x128xf32, #tpu.memory_space<hbm>>) dst(%arg7 : memref<128x128xf32, #tpu.memory_space<vmem>>)
    %add3A_156 = arith.constant 896 : i32
    %add3A_157 = arith.addi %mul3A_2, %add3A_156 : i32
    %dma_start3A_158 = arith.constant 0 : i32
    %dma_start3A_159 = tpu.memref_slice %arg4[%add3A_157, %dma_start3A_158] : memref<65536x128xf32, #tpu.memory_space<hbm>> -> memref<128x128xf32, #tpu.memory_space<hbm>>
    %dma_start3A_160 = arith.constant 0 : i32
    %dma_start3A_161 = tpu.memref_slice %arg4[%add3A_157, %dma_start3A_160] : memref<65536x128xf32, #tpu.memory_space<hbm>> -> memref<128x128xf32, #tpu.memory_space<hbm>>
    tpu.enqueue_dma source(%arg7 : memref<128x128xf32, #tpu.memory_space<vmem>>) target(%dma_start3A_161 : memref<128x128xf32, #tpu.memory_space<hbm>>) target_semaphore(%arg9 : memref<!tpu.dma_semaphore, #tpu.memory_space<semaphore_mem>>)
    %dma_wait3A_162 = arith.constant 0 : i32
    %dma_wait3A_163 = tpu.memref_slice %arg4[%add3A_157, %dma_wait3A_162] : memref<65536x128xf32, #tpu.memory_space<hbm>> -> memref<128x128xf32, #tpu.memory_space<hbm>>
    %dma_wait3A_164 = arith.constant 0 : i32
    %dma_wait3A_165 = tpu.memref_slice %arg4[%add3A_157, %dma_wait3A_164] : memref<65536x128xf32, #tpu.memory_space<hbm>> -> memref<128x128xf32, #tpu.memory_space<hbm>>
    tpu.wait_dma2 semaphore(%arg9 : memref<!tpu.dma_semaphore, #tpu.memory_space<semaphore_mem>>) src(%arg7 : memref<128x128xf32, #tpu.memory_space<vmem>>) dst(%dma_wait3A_165 : memref<128x128xf32, #tpu.memory_space<hbm>>)
    %dma_start3A_166 = arith.constant 1152 : i32
    %dma_start3A_167 = tpu.memref_slice %arg5[%dma_start3A_166] : memref<2048xi32, #tpu.memory_space<vmem>> -> memref<128xi32, #tpu.memory_space<vmem>>
    %dma_start3A_168 = arith.constant 0 : i32
    %dma_start3A_169 = arith.constant 0 : i32
    %dma_start3A_170 = tpu.memref_slice %arg3[%dma_start3A_168, %dma_start3A_169] : memref<16384x128xf32, #tpu.memory_space<hbm>> -> memref<16384x128xf32, #tpu.memory_space<hbm>>
    tpu.enqueue_indirect_dma source(%dma_start3A_170 : memref<16384x128xf32, #tpu.memory_space<hbm>>) target(%arg7 : memref<128x128xf32, #tpu.memory_space<vmem>>) offsets(%dma_start3A_167 : memref<128xi32, #tpu.memory_space<vmem>>) semaphore(%arg8 : memref<!tpu.dma_semaphore, #tpu.memory_space<semaphore_mem>>)
    %dma_wait3A_171 = arith.constant 1024 : i32
    %dma_wait3A_172 = tpu.memref_slice %arg5[%dma_wait3A_171] : memref<2048xi32, #tpu.memory_space<vmem>> -> memref<128xi32, #tpu.memory_space<vmem>>
    %dma_wait3A_173 = arith.constant 0 : i32
    %dma_wait3A_174 = arith.constant 0 : i32
    %dma_wait3A_175 = tpu.memref_slice %arg3[%dma_wait3A_173, %dma_wait3A_174] : memref<16384x128xf32, #tpu.memory_space<hbm>> -> memref<16384x128xf32, #tpu.memory_space<hbm>>
    tpu.wait_indirect_dma semaphore(%arg8 : memref<!tpu.dma_semaphore, #tpu.memory_space<semaphore_mem>>) src(%dma_wait3A_175 : memref<16384x128xf32, #tpu.memory_space<hbm>>) dst(%arg6 : memref<128x128xf32, #tpu.memory_space<vmem>>)
    %add3A_176 = arith.constant 1024 : i32
    %add3A_177 = arith.addi %mul3A_2, %add3A_176 : i32
    %dma_start3A_178 = arith.constant 0 : i32
    %dma_start3A_179 = tpu.memref_slice %arg4[%add3A_177, %dma_start3A_178] : memref<65536x128xf32, #tpu.memory_space<hbm>> -> memref<128x128xf32, #tpu.memory_space<hbm>>
    %dma_start3A_180 = arith.constant 0 : i32
    %dma_start3A_181 = tpu.memref_slice %arg4[%add3A_177, %dma_start3A_180] : memref<65536x128xf32, #tpu.memory_space<hbm>> -> memref<128x128xf32, #tpu.memory_space<hbm>>
    tpu.enqueue_dma source(%arg6 : memref<128x128xf32, #tpu.memory_space<vmem>>) target(%dma_start3A_181 : memref<128x128xf32, #tpu.memory_space<hbm>>) target_semaphore(%arg9 : memref<!tpu.dma_semaphore, #tpu.memory_space<semaphore_mem>>)
    %dma_wait3A_182 = arith.constant 0 : i32
    %dma_wait3A_183 = tpu.memref_slice %arg4[%add3A_177, %dma_wait3A_182] : memref<65536x128xf32, #tpu.memory_space<hbm>> -> memref<128x128xf32, #tpu.memory_space<hbm>>
    %dma_wait3A_184 = arith.constant 0 : i32
    %dma_wait3A_185 = tpu.memref_slice %arg4[%add3A_177, %dma_wait3A_184] : memref<65536x128xf32, #tpu.memory_space<hbm>> -> memref<128x128xf32, #tpu.memory_space<hbm>>
    tpu.wait_dma2 semaphore(%arg9 : memref<!tpu.dma_semaphore, #tpu.memory_space<semaphore_mem>>) src(%arg6 : memref<128x128xf32, #tpu.memory_space<vmem>>) dst(%dma_wait3A_185 : memref<128x128xf32, #tpu.memory_space<hbm>>)
    %dma_start3A_186 = arith.constant 1280 : i32
    %dma_start3A_187 = tpu.memref_slice %arg5[%dma_start3A_186] : memref<2048xi32, #tpu.memory_space<vmem>> -> memref<128xi32, #tpu.memory_space<vmem>>
    %dma_start3A_188 = arith.constant 0 : i32
    %dma_start3A_189 = arith.constant 0 : i32
    %dma_start3A_190 = tpu.memref_slice %arg3[%dma_start3A_188, %dma_start3A_189] : memref<16384x128xf32, #tpu.memory_space<hbm>> -> memref<16384x128xf32, #tpu.memory_space<hbm>>
    tpu.enqueue_indirect_dma source(%dma_start3A_190 : memref<16384x128xf32, #tpu.memory_space<hbm>>) target(%arg6 : memref<128x128xf32, #tpu.memory_space<vmem>>) offsets(%dma_start3A_187 : memref<128xi32, #tpu.memory_space<vmem>>) semaphore(%arg8 : memref<!tpu.dma_semaphore, #tpu.memory_space<semaphore_mem>>)
    %dma_wait3A_191 = arith.constant 1152 : i32
    %dma_wait3A_192 = tpu.memref_slice %arg5[%dma_wait3A_191] : memref<2048xi32, #tpu.memory_space<vmem>> -> memref<128xi32, #tpu.memory_space<vmem>>
    %dma_wait3A_193 = arith.constant 0 : i32
    %dma_wait3A_194 = arith.constant 0 : i32
    %dma_wait3A_195 = tpu.memref_slice %arg3[%dma_wait3A_193, %dma_wait3A_194] : memref<16384x128xf32, #tpu.memory_space<hbm>> -> memref<16384x128xf32, #tpu.memory_space<hbm>>
    tpu.wait_indirect_dma semaphore(%arg8 : memref<!tpu.dma_semaphore, #tpu.memory_space<semaphore_mem>>) src(%dma_wait3A_195 : memref<16384x128xf32, #tpu.memory_space<hbm>>) dst(%arg7 : memref<128x128xf32, #tpu.memory_space<vmem>>)
    %add3A_196 = arith.constant 1152 : i32
    %add3A_197 = arith.addi %mul3A_2, %add3A_196 : i32
    %dma_start3A_198 = arith.constant 0 : i32
    %dma_start3A_199 = tpu.memref_slice %arg4[%add3A_197, %dma_start3A_198] : memref<65536x128xf32, #tpu.memory_space<hbm>> -> memref<128x128xf32, #tpu.memory_space<hbm>>
    %dma_start3A_200 = arith.constant 0 : i32
    %dma_start3A_201 = tpu.memref_slice %arg4[%add3A_197, %dma_start3A_200] : memref<65536x128xf32, #tpu.memory_space<hbm>> -> memref<128x128xf32, #tpu.memory_space<hbm>>
    tpu.enqueue_dma source(%arg7 : memref<128x128xf32, #tpu.memory_space<vmem>>) target(%dma_start3A_201 : memref<128x128xf32, #tpu.memory_space<hbm>>) target_semaphore(%arg9 : memref<!tpu.dma_semaphore, #tpu.memory_space<semaphore_mem>>)
    %dma_wait3A_202 = arith.constant 0 : i32
    %dma_wait3A_203 = tpu.memref_slice %arg4[%add3A_197, %dma_wait3A_202] : memref<65536x128xf32, #tpu.memory_space<hbm>> -> memref<128x128xf32, #tpu.memory_space<hbm>>
    %dma_wait3A_204 = arith.constant 0 : i32
    %dma_wait3A_205 = tpu.memref_slice %arg4[%add3A_197, %dma_wait3A_204] : memref<65536x128xf32, #tpu.memory_space<hbm>> -> memref<128x128xf32, #tpu.memory_space<hbm>>
    tpu.wait_dma2 semaphore(%arg9 : memref<!tpu.dma_semaphore, #tpu.memory_space<semaphore_mem>>) src(%arg7 : memref<128x128xf32, #tpu.memory_space<vmem>>) dst(%dma_wait3A_205 : memref<128x128xf32, #tpu.memory_space<hbm>>)
    %dma_start3A_206 = arith.constant 1408 : i32
    %dma_start3A_207 = tpu.memref_slice %arg5[%dma_start3A_206] : memref<2048xi32, #tpu.memory_space<vmem>> -> memref<128xi32, #tpu.memory_space<vmem>>
    %dma_start3A_208 = arith.constant 0 : i32
    %dma_start3A_209 = arith.constant 0 : i32
    %dma_start3A_210 = tpu.memref_slice %arg3[%dma_start3A_208, %dma_start3A_209] : memref<16384x128xf32, #tpu.memory_space<hbm>> -> memref<16384x128xf32, #tpu.memory_space<hbm>>
    tpu.enqueue_indirect_dma source(%dma_start3A_210 : memref<16384x128xf32, #tpu.memory_space<hbm>>) target(%arg7 : memref<128x128xf32, #tpu.memory_space<vmem>>) offsets(%dma_start3A_207 : memref<128xi32, #tpu.memory_space<vmem>>) semaphore(%arg8 : memref<!tpu.dma_semaphore, #tpu.memory_space<semaphore_mem>>)
    %dma_wait3A_211 = arith.constant 1280 : i32
    %dma_wait3A_212 = tpu.memref_slice %arg5[%dma_wait3A_211] : memref<2048xi32, #tpu.memory_space<vmem>> -> memref<128xi32, #tpu.memory_space<vmem>>
    %dma_wait3A_213 = arith.constant 0 : i32
    %dma_wait3A_214 = arith.constant 0 : i32
    %dma_wait3A_215 = tpu.memref_slice %arg3[%dma_wait3A_213, %dma_wait3A_214] : memref<16384x128xf32, #tpu.memory_space<hbm>> -> memref<16384x128xf32, #tpu.memory_space<hbm>>
    tpu.wait_indirect_dma semaphore(%arg8 : memref<!tpu.dma_semaphore, #tpu.memory_space<semaphore_mem>>) src(%dma_wait3A_215 : memref<16384x128xf32, #tpu.memory_space<hbm>>) dst(%arg6 : memref<128x128xf32, #tpu.memory_space<vmem>>)
    %add3A_216 = arith.constant 1280 : i32
    %add3A_217 = arith.addi %mul3A_2, %add3A_216 : i32
    %dma_start3A_218 = arith.constant 0 : i32
    %dma_start3A_219 = tpu.memref_slice %arg4[%add3A_217, %dma_start3A_218] : memref<65536x128xf32, #tpu.memory_space<hbm>> -> memref<128x128xf32, #tpu.memory_space<hbm>>
    %dma_start3A_220 = arith.constant 0 : i32
    %dma_start3A_221 = tpu.memref_slice %arg4[%add3A_217, %dma_start3A_220] : memref<65536x128xf32, #tpu.memory_space<hbm>> -> memref<128x128xf32, #tpu.memory_space<hbm>>
    tpu.enqueue_dma source(%arg6 : memref<128x128xf32, #tpu.memory_space<vmem>>) target(%dma_start3A_221 : memref<128x128xf32, #tpu.memory_space<hbm>>) target_semaphore(%arg9 : memref<!tpu.dma_semaphore, #tpu.memory_space<semaphore_mem>>)
    %dma_wait3A_222 = arith.constant 0 : i32
    %dma_wait3A_223 = tpu.memref_slice %arg4[%add3A_217, %dma_wait3A_222] : memref<65536x128xf32, #tpu.memory_space<hbm>> -> memref<128x128xf32, #tpu.memory_space<hbm>>
    %dma_wait3A_224 = arith.constant 0 : i32
    %dma_wait3A_225 = tpu.memref_slice %arg4[%add3A_217, %dma_wait3A_224] : memref<65536x128xf32, #tpu.memory_space<hbm>> -> memref<128x128xf32, #tpu.memory_space<hbm>>
    tpu.wait_dma2 semaphore(%arg9 : memref<!tpu.dma_semaphore, #tpu.memory_space<semaphore_mem>>) src(%arg6 : memref<128x128xf32, #tpu.memory_space<vmem>>) dst(%dma_wait3A_225 : memref<128x128xf32, #tpu.memory_space<hbm>>)
    %dma_start3A_226 = arith.constant 1536 : i32
    %dma_start3A_227 = tpu.memref_slice %arg5[%dma_start3A_226] : memref<2048xi32, #tpu.memory_space<vmem>> -> memref<128xi32, #tpu.memory_space<vmem>>
    %dma_start3A_228 = arith.constant 0 : i32
    %dma_start3A_229 = arith.constant 0 : i32
    %dma_start3A_230 = tpu.memref_slice %arg3[%dma_start3A_228, %dma_start3A_229] : memref<16384x128xf32, #tpu.memory_space<hbm>> -> memref<16384x128xf32, #tpu.memory_space<hbm>>
    tpu.enqueue_indirect_dma source(%dma_start3A_230 : memref<16384x128xf32, #tpu.memory_space<hbm>>) target(%arg6 : memref<128x128xf32, #tpu.memory_space<vmem>>) offsets(%dma_start3A_227 : memref<128xi32, #tpu.memory_space<vmem>>) semaphore(%arg8 : memref<!tpu.dma_semaphore, #tpu.memory_space<semaphore_mem>>)
    %dma_wait3A_231 = arith.constant 1408 : i32
    %dma_wait3A_232 = tpu.memref_slice %arg5[%dma_wait3A_231] : memref<2048xi32, #tpu.memory_space<vmem>> -> memref<128xi32, #tpu.memory_space<vmem>>
    %dma_wait3A_233 = arith.constant 0 : i32
    %dma_wait3A_234 = arith.constant 0 : i32
    %dma_wait3A_235 = tpu.memref_slice %arg3[%dma_wait3A_233, %dma_wait3A_234] : memref<16384x128xf32, #tpu.memory_space<hbm>> -> memref<16384x128xf32, #tpu.memory_space<hbm>>
    tpu.wait_indirect_dma semaphore(%arg8 : memref<!tpu.dma_semaphore, #tpu.memory_space<semaphore_mem>>) src(%dma_wait3A_235 : memref<16384x128xf32, #tpu.memory_space<hbm>>) dst(%arg7 : memref<128x128xf32, #tpu.memory_space<vmem>>)
    %add3A_236 = arith.constant 1408 : i32
    %add3A_237 = arith.addi %mul3A_2, %add3A_236 : i32
    %dma_start3A_238 = arith.constant 0 : i32
    %dma_start3A_239 = tpu.memref_slice %arg4[%add3A_237, %dma_start3A_238] : memref<65536x128xf32, #tpu.memory_space<hbm>> -> memref<128x128xf32, #tpu.memory_space<hbm>>
    %dma_start3A_240 = arith.constant 0 : i32
    %dma_start3A_241 = tpu.memref_slice %arg4[%add3A_237, %dma_start3A_240] : memref<65536x128xf32, #tpu.memory_space<hbm>> -> memref<128x128xf32, #tpu.memory_space<hbm>>
    tpu.enqueue_dma source(%arg7 : memref<128x128xf32, #tpu.memory_space<vmem>>) target(%dma_start3A_241 : memref<128x128xf32, #tpu.memory_space<hbm>>) target_semaphore(%arg9 : memref<!tpu.dma_semaphore, #tpu.memory_space<semaphore_mem>>)
    %dma_wait3A_242 = arith.constant 0 : i32
    %dma_wait3A_243 = tpu.memref_slice %arg4[%add3A_237, %dma_wait3A_242] : memref<65536x128xf32, #tpu.memory_space<hbm>> -> memref<128x128xf32, #tpu.memory_space<hbm>>
    %dma_wait3A_244 = arith.constant 0 : i32
    %dma_wait3A_245 = tpu.memref_slice %arg4[%add3A_237, %dma_wait3A_244] : memref<65536x128xf32, #tpu.memory_space<hbm>> -> memref<128x128xf32, #tpu.memory_space<hbm>>
    tpu.wait_dma2 semaphore(%arg9 : memref<!tpu.dma_semaphore, #tpu.memory_space<semaphore_mem>>) src(%arg7 : memref<128x128xf32, #tpu.memory_space<vmem>>) dst(%dma_wait3A_245 : memref<128x128xf32, #tpu.memory_space<hbm>>)
    %dma_start3A_246 = arith.constant 1664 : i32
    %dma_start3A_247 = tpu.memref_slice %arg5[%dma_start3A_246] : memref<2048xi32, #tpu.memory_space<vmem>> -> memref<128xi32, #tpu.memory_space<vmem>>
    %dma_start3A_248 = arith.constant 0 : i32
    %dma_start3A_249 = arith.constant 0 : i32
    %dma_start3A_250 = tpu.memref_slice %arg3[%dma_start3A_248, %dma_start3A_249] : memref<16384x128xf32, #tpu.memory_space<hbm>> -> memref<16384x128xf32, #tpu.memory_space<hbm>>
    tpu.enqueue_indirect_dma source(%dma_start3A_250 : memref<16384x128xf32, #tpu.memory_space<hbm>>) target(%arg7 : memref<128x128xf32, #tpu.memory_space<vmem>>) offsets(%dma_start3A_247 : memref<128xi32, #tpu.memory_space<vmem>>) semaphore(%arg8 : memref<!tpu.dma_semaphore, #tpu.memory_space<semaphore_mem>>)
    %dma_wait3A_251 = arith.constant 1536 : i32
    %dma_wait3A_252 = tpu.memref_slice %arg5[%dma_wait3A_251] : memref<2048xi32, #tpu.memory_space<vmem>> -> memref<128xi32, #tpu.memory_space<vmem>>
    %dma_wait3A_253 = arith.constant 0 : i32
    %dma_wait3A_254 = arith.constant 0 : i32
    %dma_wait3A_255 = tpu.memref_slice %arg3[%dma_wait3A_253, %dma_wait3A_254] : memref<16384x128xf32, #tpu.memory_space<hbm>> -> memref<16384x128xf32, #tpu.memory_space<hbm>>
    tpu.wait_indirect_dma semaphore(%arg8 : memref<!tpu.dma_semaphore, #tpu.memory_space<semaphore_mem>>) src(%dma_wait3A_255 : memref<16384x128xf32, #tpu.memory_space<hbm>>) dst(%arg6 : memref<128x128xf32, #tpu.memory_space<vmem>>)
    %add3A_256 = arith.constant 1536 : i32
    %add3A_257 = arith.addi %mul3A_2, %add3A_256 : i32
    %dma_start3A_258 = arith.constant 0 : i32
    %dma_start3A_259 = tpu.memref_slice %arg4[%add3A_257, %dma_start3A_258] : memref<65536x128xf32, #tpu.memory_space<hbm>> -> memref<128x128xf32, #tpu.memory_space<hbm>>
    %dma_start3A_260 = arith.constant 0 : i32
    %dma_start3A_261 = tpu.memref_slice %arg4[%add3A_257, %dma_start3A_260] : memref<65536x128xf32, #tpu.memory_space<hbm>> -> memref<128x128xf32, #tpu.memory_space<hbm>>
    tpu.enqueue_dma source(%arg6 : memref<128x128xf32, #tpu.memory_space<vmem>>) target(%dma_start3A_261 : memref<128x128xf32, #tpu.memory_space<hbm>>) target_semaphore(%arg9 : memref<!tpu.dma_semaphore, #tpu.memory_space<semaphore_mem>>)
    %dma_wait3A_262 = arith.constant 0 : i32
    %dma_wait3A_263 = tpu.memref_slice %arg4[%add3A_257, %dma_wait3A_262] : memref<65536x128xf32, #tpu.memory_space<hbm>> -> memref<128x128xf32, #tpu.memory_space<hbm>>
    %dma_wait3A_264 = arith.constant 0 : i32
    %dma_wait3A_265 = tpu.memref_slice %arg4[%add3A_257, %dma_wait3A_264] : memref<65536x128xf32, #tpu.memory_space<hbm>> -> memref<128x128xf32, #tpu.memory_space<hbm>>
    tpu.wait_dma2 semaphore(%arg9 : memref<!tpu.dma_semaphore, #tpu.memory_space<semaphore_mem>>) src(%arg6 : memref<128x128xf32, #tpu.memory_space<vmem>>) dst(%dma_wait3A_265 : memref<128x128xf32, #tpu.memory_space<hbm>>)
    %dma_start3A_266 = arith.constant 1792 : i32
    %dma_start3A_267 = tpu.memref_slice %arg5[%dma_start3A_266] : memref<2048xi32, #tpu.memory_space<vmem>> -> memref<128xi32, #tpu.memory_space<vmem>>
    %dma_start3A_268 = arith.constant 0 : i32
    %dma_start3A_269 = arith.constant 0 : i32
    %dma_start3A_270 = tpu.memref_slice %arg3[%dma_start3A_268, %dma_start3A_269] : memref<16384x128xf32, #tpu.memory_space<hbm>> -> memref<16384x128xf32, #tpu.memory_space<hbm>>
    tpu.enqueue_indirect_dma source(%dma_start3A_270 : memref<16384x128xf32, #tpu.memory_space<hbm>>) target(%arg6 : memref<128x128xf32, #tpu.memory_space<vmem>>) offsets(%dma_start3A_267 : memref<128xi32, #tpu.memory_space<vmem>>) semaphore(%arg8 : memref<!tpu.dma_semaphore, #tpu.memory_space<semaphore_mem>>)
    %dma_wait3A_271 = arith.constant 1664 : i32
    %dma_wait3A_272 = tpu.memref_slice %arg5[%dma_wait3A_271] : memref<2048xi32, #tpu.memory_space<vmem>> -> memref<128xi32, #tpu.memory_space<vmem>>
    %dma_wait3A_273 = arith.constant 0 : i32
    %dma_wait3A_274 = arith.constant 0 : i32
    %dma_wait3A_275 = tpu.memref_slice %arg3[%dma_wait3A_273, %dma_wait3A_274] : memref<16384x128xf32, #tpu.memory_space<hbm>> -> memref<16384x128xf32, #tpu.memory_space<hbm>>
    tpu.wait_indirect_dma semaphore(%arg8 : memref<!tpu.dma_semaphore, #tpu.memory_space<semaphore_mem>>) src(%dma_wait3A_275 : memref<16384x128xf32, #tpu.memory_space<hbm>>) dst(%arg7 : memref<128x128xf32, #tpu.memory_space<vmem>>)
    %add3A_276 = arith.constant 1664 : i32
    %add3A_277 = arith.addi %mul3A_2, %add3A_276 : i32
    %dma_start3A_278 = arith.constant 0 : i32
    %dma_start3A_279 = tpu.memref_slice %arg4[%add3A_277, %dma_start3A_278] : memref<65536x128xf32, #tpu.memory_space<hbm>> -> memref<128x128xf32, #tpu.memory_space<hbm>>
    %dma_start3A_280 = arith.constant 0 : i32
    %dma_start3A_281 = tpu.memref_slice %arg4[%add3A_277, %dma_start3A_280] : memref<65536x128xf32, #tpu.memory_space<hbm>> -> memref<128x128xf32, #tpu.memory_space<hbm>>
    tpu.enqueue_dma source(%arg7 : memref<128x128xf32, #tpu.memory_space<vmem>>) target(%dma_start3A_281 : memref<128x128xf32, #tpu.memory_space<hbm>>) target_semaphore(%arg9 : memref<!tpu.dma_semaphore, #tpu.memory_space<semaphore_mem>>)
    %dma_wait3A_282 = arith.constant 0 : i32
    %dma_wait3A_283 = tpu.memref_slice %arg4[%add3A_277, %dma_wait3A_282] : memref<65536x128xf32, #tpu.memory_space<hbm>> -> memref<128x128xf32, #tpu.memory_space<hbm>>
    %dma_wait3A_284 = arith.constant 0 : i32
    %dma_wait3A_285 = tpu.memref_slice %arg4[%add3A_277, %dma_wait3A_284] : memref<65536x128xf32, #tpu.memory_space<hbm>> -> memref<128x128xf32, #tpu.memory_space<hbm>>
    tpu.wait_dma2 semaphore(%arg9 : memref<!tpu.dma_semaphore, #tpu.memory_space<semaphore_mem>>) src(%arg7 : memref<128x128xf32, #tpu.memory_space<vmem>>) dst(%dma_wait3A_285 : memref<128x128xf32, #tpu.memory_space<hbm>>)
    %dma_start3A_286 = arith.constant 1920 : i32
    %dma_start3A_287 = tpu.memref_slice %arg5[%dma_start3A_286] : memref<2048xi32, #tpu.memory_space<vmem>> -> memref<128xi32, #tpu.memory_space<vmem>>
    %dma_start3A_288 = arith.constant 0 : i32
    %dma_start3A_289 = arith.constant 0 : i32
    %dma_start3A_290 = tpu.memref_slice %arg3[%dma_start3A_288, %dma_start3A_289] : memref<16384x128xf32, #tpu.memory_space<hbm>> -> memref<16384x128xf32, #tpu.memory_space<hbm>>
    tpu.enqueue_indirect_dma source(%dma_start3A_290 : memref<16384x128xf32, #tpu.memory_space<hbm>>) target(%arg7 : memref<128x128xf32, #tpu.memory_space<vmem>>) offsets(%dma_start3A_287 : memref<128xi32, #tpu.memory_space<vmem>>) semaphore(%arg8 : memref<!tpu.dma_semaphore, #tpu.memory_space<semaphore_mem>>)
    %dma_wait3A_291 = arith.constant 1792 : i32
    %dma_wait3A_292 = tpu.memref_slice %arg5[%dma_wait3A_291] : memref<2048xi32, #tpu.memory_space<vmem>> -> memref<128xi32, #tpu.memory_space<vmem>>
    %dma_wait3A_293 = arith.constant 0 : i32
    %dma_wait3A_294 = arith.constant 0 : i32
    %dma_wait3A_295 = tpu.memref_slice %arg3[%dma_wait3A_293, %dma_wait3A_294] : memref<16384x128xf32, #tpu.memory_space<hbm>> -> memref<16384x128xf32, #tpu.memory_space<hbm>>
    tpu.wait_indirect_dma semaphore(%arg8 : memref<!tpu.dma_semaphore, #tpu.memory_space<semaphore_mem>>) src(%dma_wait3A_295 : memref<16384x128xf32, #tpu.memory_space<hbm>>) dst(%arg6 : memref<128x128xf32, #tpu.memory_space<vmem>>)
    %add3A_296 = arith.constant 1792 : i32
    %add3A_297 = arith.addi %mul3A_2, %add3A_296 : i32
    %dma_start3A_298 = arith.constant 0 : i32
    %dma_start3A_299 = tpu.memref_slice %arg4[%add3A_297, %dma_start3A_298] : memref<65536x128xf32, #tpu.memory_space<hbm>> -> memref<128x128xf32, #tpu.memory_space<hbm>>
    %dma_start3A_300 = arith.constant 0 : i32
    %dma_start3A_301 = tpu.memref_slice %arg4[%add3A_297, %dma_start3A_300] : memref<65536x128xf32, #tpu.memory_space<hbm>> -> memref<128x128xf32, #tpu.memory_space<hbm>>
    tpu.enqueue_dma source(%arg6 : memref<128x128xf32, #tpu.memory_space<vmem>>) target(%dma_start3A_301 : memref<128x128xf32, #tpu.memory_space<hbm>>) target_semaphore(%arg9 : memref<!tpu.dma_semaphore, #tpu.memory_space<semaphore_mem>>)
    %dma_wait3A_302 = arith.constant 1920 : i32
    %dma_wait3A_303 = tpu.memref_slice %arg5[%dma_wait3A_302] : memref<2048xi32, #tpu.memory_space<vmem>> -> memref<128xi32, #tpu.memory_space<vmem>>
    %dma_wait3A_304 = arith.constant 0 : i32
    %dma_wait3A_305 = arith.constant 0 : i32
    %dma_wait3A_306 = tpu.memref_slice %arg3[%dma_wait3A_304, %dma_wait3A_305] : memref<16384x128xf32, #tpu.memory_space<hbm>> -> memref<16384x128xf32, #tpu.memory_space<hbm>>
    tpu.wait_indirect_dma semaphore(%arg8 : memref<!tpu.dma_semaphore, #tpu.memory_space<semaphore_mem>>) src(%dma_wait3A_306 : memref<16384x128xf32, #tpu.memory_space<hbm>>) dst(%arg7 : memref<128x128xf32, #tpu.memory_space<vmem>>)
    %add3A_307 = arith.constant 1920 : i32
    %add3A_308 = arith.addi %mul3A_2, %add3A_307 : i32
    %dma_start3A_309 = arith.constant 0 : i32
    %dma_start3A_310 = tpu.memref_slice %arg4[%add3A_308, %dma_start3A_309] : memref<65536x128xf32, #tpu.memory_space<hbm>> -> memref<128x128xf32, #tpu.memory_space<hbm>>
    %dma_start3A_311 = arith.constant 0 : i32
    %dma_start3A_312 = tpu.memref_slice %arg4[%add3A_308, %dma_start3A_311] : memref<65536x128xf32, #tpu.memory_space<hbm>> -> memref<128x128xf32, #tpu.memory_space<hbm>>
    tpu.enqueue_dma source(%arg7 : memref<128x128xf32, #tpu.memory_space<vmem>>) target(%dma_start3A_312 : memref<128x128xf32, #tpu.memory_space<hbm>>) target_semaphore(%arg9 : memref<!tpu.dma_semaphore, #tpu.memory_space<semaphore_mem>>)
    %dma_wait3A_313 = arith.constant 0 : i32
    %dma_wait3A_314 = tpu.memref_slice %arg4[%add3A_308, %dma_wait3A_313] : memref<65536x128xf32, #tpu.memory_space<hbm>> -> memref<128x128xf32, #tpu.memory_space<hbm>>
    %dma_wait3A_315 = arith.constant 0 : i32
    %dma_wait3A_316 = tpu.memref_slice %arg4[%add3A_308, %dma_wait3A_315] : memref<65536x128xf32, #tpu.memory_space<hbm>> -> memref<128x128xf32, #tpu.memory_space<hbm>>
    tpu.wait_dma2 semaphore(%arg9 : memref<!tpu.dma_semaphore, #tpu.memory_space<semaphore_mem>>) src(%arg7 : memref<128x128xf32, #tpu.memory_space<vmem>>) dst(%dma_wait3A_316 : memref<128x128xf32, #tpu.memory_space<hbm>>)
    %dma_wait3A_317 = arith.constant 0 : i32
    %dma_wait3A_318 = tpu.memref_slice %arg4[%add3A_297, %dma_wait3A_317] : memref<65536x128xf32, #tpu.memory_space<hbm>> -> memref<128x128xf32, #tpu.memory_space<hbm>>
    %dma_wait3A_319 = arith.constant 0 : i32
    %dma_wait3A_320 = tpu.memref_slice %arg4[%add3A_297, %dma_wait3A_319] : memref<65536x128xf32, #tpu.memory_space<hbm>> -> memref<128x128xf32, #tpu.memory_space<hbm>>
    tpu.wait_dma2 semaphore(%arg9 : memref<!tpu.dma_semaphore, #tpu.memory_space<semaphore_mem>>) src(%arg6 : memref<128x128xf32, #tpu.memory_space<vmem>>) dst(%dma_wait3A_320 : memref<128x128xf32, #tpu.memory_space<hbm>>)
    return
  }
}

module attributes {stable_mosaic.version = 14 : i64} {
  func.func @_topk_body(%arg0: i32, %arg1: i32, %arg2: memref<1x128x3xf32, #tpu.memory_space<vmem>>, %arg3: memref<1x3x8192xf32, #tpu.memory_space<vmem>>, %arg4: memref<1x128x16xi32, #tpu.memory_space<vmem>>, %arg5: memref<128x8192xf32, #tpu.memory_space<vmem>>) attributes {dimension_semantics = [#tpu.dimension_semantics<arbitrary>, #tpu.dimension_semantics<arbitrary>], iteration_bounds = array<i64: 2, 16>, scalar_prefetch = 0 : i64, scratch_operands = 1 : i64, tpu.core_type = #tpu.core_type<tc>, window_params = [{transform_indices = @transform_0, window_bounds = array<i64: 1, 128, 3>}, {transform_indices = @transform_1, window_bounds = array<i64: 1, 3, 8192>}, {transform_indices = @transform_2, window_bounds = array<i64: 1, 128, 16>}]} {
    %get3A = arith.constant 0 : index
    %get3A_0 = arith.constant 0 : index
    %get3A_1 = arith.constant 0 : index
    %get3A_2 = vector.load %arg2[%get3A, %get3A_0, %get3A_1] : memref<1x128x3xf32, #tpu.memory_space<vmem>>, vector<1x128x3xf32>
    %get3A_3 = vector.shape_cast %get3A_2 : vector<1x128x3xf32> to vector<128x3xf32>
    %get3A_4 = arith.constant 0 : index
    %get3A_5 = arith.constant 0 : index
    %get3A_6 = arith.constant 0 : index
    %get3A_7 = vector.load %arg3[%get3A_4, %get3A_5, %get3A_6] : memref<1x3x8192xf32, #tpu.memory_space<vmem>>, vector<1x3x8192xf32>
    %get3A_8 = vector.shape_cast %get3A_7 : vector<1x3x8192xf32> to vector<3x8192xf32>
    %mul3A = arith.mulf %get3A_8, %get3A_8 : vector<3x8192xf32>
    %reduce_sum3A = arith.constant dense<0.000000e+00> : vector<8192xf32>
    %reduce_sum3A_9 = vector.multi_reduction <add>, %mul3A, %reduce_sum3A [0] : vector<3x8192xf32> to vector<8192xf32>
    %broadcast_in_dim3A = vector.shape_cast %reduce_sum3A_9 : vector<8192xf32> to vector<1x8192xf32>
    %mul3A_10 = arith.mulf %get3A_3, %get3A_3 : vector<128x3xf32>
    %reduce_sum3A_11 = arith.constant dense<0.000000e+00> : vector<128xf32>
    %reduce_sum3A_12 = vector.multi_reduction <add>, %mul3A_10, %reduce_sum3A_11 [1] : vector<128x3xf32> to vector<128xf32>
    %broadcast_in_dim3A_13 = vector.shape_cast %reduce_sum3A_12 : vector<128xf32> to vector<128x1xf32>
    %add3A = vector.broadcast %broadcast_in_dim3A_13 : vector<128x1xf32> to vector<128x8192xf32>
    %add3A_14 = vector.broadcast %broadcast_in_dim3A : vector<1x8192xf32> to vector<128x8192xf32>
    %add3A_15 = arith.addf %add3A, %add3A_14 : vector<128x8192xf32>
    %dot_general3A = arith.constant dense<0.000000e+00> : vector<128x8192xf32>
    %dot_general3A_16 = tpu.matmul %get3A_3, %get3A_8, %dot_general3A {dimension_numbers = #tpu.dot_dimension_numbers<[1], [0], [0], [1], [0, 0, 1, 1], [], []>, transpose_lhs_hint = false} : vector<128x3xf32>, vector<3x8192xf32>, vector<128x8192xf32> -> vector<128x8192xf32>
    %mul3A_17 = arith.constant 2.000000e+00 : f32
    %mul3A_18 = vector.broadcast %mul3A_17 : f32 to vector<128x8192xf32>
    %mul3A_19 = arith.mulf %mul3A_18, %dot_general3A_16 : vector<128x8192xf32>
    %sub3A = arith.subf %add3A_15, %mul3A_19 : vector<128x8192xf32>
    %swap3A = arith.constant 0 : index
    %swap3A_20 = arith.constant 0 : index
    %swap3A_21 = vector.load %arg5[%swap3A, %swap3A_20] : memref<128x8192xf32, #tpu.memory_space<vmem>>, vector<128x8192xf32>
    tpu.vector_store %arg5[%swap3A, %swap3A_20], %sub3A {strides = array<i32>} : memref<128x8192xf32, #tpu.memory_space<vmem>>, vector<128x8192xf32>,
    %iota3A = tpu.iota {dimensions = array<i32: 1>} : vector<128x8192xi32>
    %mul3A_22 = arith.constant 8192 : i32
    %mul3A_23 = arith.muli %arg0, %mul3A_22 : i32
    %get3A_24 = arith.constant 0 : index
    %get3A_25 = arith.constant 0 : index
    %get3A_26 = vector.load %arg5[%get3A_24, %get3A_25] : memref<128x8192xf32, #tpu.memory_space<vmem>>, vector<128x8192xf32>
    %argmin3A = tpu.reduce_index %get3A_26 {axis = 1 : i32, kind = #tpu.reduction_kind<arg_min>} : vector<128x8192xf32> -> vector<128xi32>
    %broadcast_in_dim3A_27 = vector.shape_cast %argmin3A : vector<128xi32> to vector<128x1xi32>
    %eq3A = vector.broadcast %broadcast_in_dim3A_27 : vector<128x1xi32> to vector<128x8192xi32>
    %eq3A_28 = arith.cmpi eq, %iota3A, %eq3A : vector<128x8192xi32>
    %jit3A = arith.constant 0x7F800000 : f32
    %broadcast_in_dim3A_29 = vector.broadcast %jit3A : f32 to vector<128x8192xf32>
    %select_n3A = arith.select %eq3A_28, %broadcast_in_dim3A_29, %get3A_26 : vector<128x8192xi1>, vector<128x8192xf32>
    %swap3A_30 = arith.constant 0 : index
    %swap3A_31 = arith.constant 0 : index
    %swap3A_32 = vector.load %arg5[%swap3A_30, %swap3A_31] : memref<128x8192xf32, #tpu.memory_space<vmem>>, vector<128x8192xf32>
    tpu.vector_store %arg5[%swap3A_30, %swap3A_31], %select_n3A {strides = array<i32>} : memref<128x8192xf32, #tpu.memory_space<vmem>>, vector<128x8192xf32>,
    %add3A_33 = vector.broadcast %mul3A_23 : i32 to vector<128x1xi32>
    %add3A_34 = arith.addi %broadcast_in_dim3A_27, %add3A_33 : vector<128x1xi32>
    %swap3A_35 = arith.constant 0 : index
    %swap3A_36 = arith.constant 0 : index
    %swap3A_37 = arith.constant 0 : index
    %swap3A_38 = vector.load %arg4[%swap3A_35, %swap3A_36, %swap3A_37] : memref<1x128x16xi32, #tpu.memory_space<vmem>>, vector<1x128x1xi32>
    %swap3A_39 = vector.shape_cast %swap3A_38 : vector<1x128x1xi32> to vector<128x1xi32>
    %swap3A_40 = vector.shape_cast %add3A_34 : vector<128x1xi32> to vector<1x128x1xi32>
    tpu.vector_store %arg4[%swap3A_35, %swap3A_36, %swap3A_37], %swap3A_40 {strides = array<i32>} : memref<1x128x16xi32, #tpu.memory_space<vmem>>, vector<1x128x1xi32>,
    %get3A_41 = arith.constant 0 : index
    %get3A_42 = arith.constant 0 : index
    %get3A_43 = vector.load %arg5[%get3A_41, %get3A_42] : memref<128x8192xf32, #tpu.memory_space<vmem>>, vector<128x8192xf32>
    %argmin3A_44 = tpu.reduce_index %get3A_43 {axis = 1 : i32, kind = #tpu.reduction_kind<arg_min>} : vector<128x8192xf32> -> vector<128xi32>
    %broadcast_in_dim3A_45 = vector.shape_cast %argmin3A_44 : vector<128xi32> to vector<128x1xi32>
    %eq3A_46 = vector.broadcast %broadcast_in_dim3A_45 : vector<128x1xi32> to vector<128x8192xi32>
    %eq3A_47 = arith.cmpi eq, %iota3A, %eq3A_46 : vector<128x8192xi32>
    %jit3A_48 = arith.constant 0x7F800000 : f32
    %broadcast_in_dim3A_49 = vector.broadcast %jit3A_48 : f32 to vector<128x8192xf32>
    %select_n3A_50 = arith.select %eq3A_47, %broadcast_in_dim3A_49, %get3A_43 : vector<128x8192xi1>, vector<128x8192xf32>
    %swap3A_51 = arith.constant 0 : index
    %swap3A_52 = arith.constant 0 : index
    %swap3A_53 = vector.load %arg5[%swap3A_51, %swap3A_52] : memref<128x8192xf32, #tpu.memory_space<vmem>>, vector<128x8192xf32>
    tpu.vector_store %arg5[%swap3A_51, %swap3A_52], %select_n3A_50 {strides = array<i32>} : memref<128x8192xf32, #tpu.memory_space<vmem>>, vector<128x8192xf32>,
    %add3A_54 = vector.broadcast %mul3A_23 : i32 to vector<128x1xi32>
    %add3A_55 = arith.addi %broadcast_in_dim3A_45, %add3A_54 : vector<128x1xi32>
    %swap3A_56 = arith.constant 0 : index
    %swap3A_57 = arith.constant 0 : index
    %swap3A_58 = arith.constant 1 : index
    %swap3A_59 = vector.load %arg4[%swap3A_56, %swap3A_57, %swap3A_58] : memref<1x128x16xi32, #tpu.memory_space<vmem>>, vector<1x128x1xi32>
    %swap3A_60 = vector.shape_cast %swap3A_59 : vector<1x128x1xi32> to vector<128x1xi32>
    %swap3A_61 = vector.shape_cast %add3A_55 : vector<128x1xi32> to vector<1x128x1xi32>
    tpu.vector_store %arg4[%swap3A_56, %swap3A_57, %swap3A_58], %swap3A_61 {strides = array<i32>} : memref<1x128x16xi32, #tpu.memory_space<vmem>>, vector<1x128x1xi32>,
    %get3A_62 = arith.constant 0 : index
    %get3A_63 = arith.constant 0 : index
    %get3A_64 = vector.load %arg5[%get3A_62, %get3A_63] : memref<128x8192xf32, #tpu.memory_space<vmem>>, vector<128x8192xf32>
    %argmin3A_65 = tpu.reduce_index %get3A_64 {axis = 1 : i32, kind = #tpu.reduction_kind<arg_min>} : vector<128x8192xf32> -> vector<128xi32>
    %broadcast_in_dim3A_66 = vector.shape_cast %argmin3A_65 : vector<128xi32> to vector<128x1xi32>
    %eq3A_67 = vector.broadcast %broadcast_in_dim3A_66 : vector<128x1xi32> to vector<128x8192xi32>
    %eq3A_68 = arith.cmpi eq, %iota3A, %eq3A_67 : vector<128x8192xi32>
    %jit3A_69 = arith.constant 0x7F800000 : f32
    %broadcast_in_dim3A_70 = vector.broadcast %jit3A_69 : f32 to vector<128x8192xf32>
    %select_n3A_71 = arith.select %eq3A_68, %broadcast_in_dim3A_70, %get3A_64 : vector<128x8192xi1>, vector<128x8192xf32>
    %swap3A_72 = arith.constant 0 : index
    %swap3A_73 = arith.constant 0 : index
    %swap3A_74 = vector.load %arg5[%swap3A_72, %swap3A_73] : memref<128x8192xf32, #tpu.memory_space<vmem>>, vector<128x8192xf32>
    tpu.vector_store %arg5[%swap3A_72, %swap3A_73], %select_n3A_71 {strides = array<i32>} : memref<128x8192xf32, #tpu.memory_space<vmem>>, vector<128x8192xf32>,
    %add3A_75 = vector.broadcast %mul3A_23 : i32 to vector<128x1xi32>
    %add3A_76 = arith.addi %broadcast_in_dim3A_66, %add3A_75 : vector<128x1xi32>
    %swap3A_77 = arith.constant 0 : index
    %swap3A_78 = arith.constant 0 : index
    %swap3A_79 = arith.constant 2 : index
    %swap3A_80 = vector.load %arg4[%swap3A_77, %swap3A_78, %swap3A_79] : memref<1x128x16xi32, #tpu.memory_space<vmem>>, vector<1x128x1xi32>
    %swap3A_81 = vector.shape_cast %swap3A_80 : vector<1x128x1xi32> to vector<128x1xi32>
    %swap3A_82 = vector.shape_cast %add3A_76 : vector<128x1xi32> to vector<1x128x1xi32>
    tpu.vector_store %arg4[%swap3A_77, %swap3A_78, %swap3A_79], %swap3A_82 {strides = array<i32>} : memref<1x128x16xi32, #tpu.memory_space<vmem>>, vector<1x128x1xi32>,
    %get3A_83 = arith.constant 0 : index
    %get3A_84 = arith.constant 0 : index
    %get3A_85 = vector.load %arg5[%get3A_83, %get3A_84] : memref<128x8192xf32, #tpu.memory_space<vmem>>, vector<128x8192xf32>
    %argmin3A_86 = tpu.reduce_index %get3A_85 {axis = 1 : i32, kind = #tpu.reduction_kind<arg_min>} : vector<128x8192xf32> -> vector<128xi32>
    %broadcast_in_dim3A_87 = vector.shape_cast %argmin3A_86 : vector<128xi32> to vector<128x1xi32>
    %eq3A_88 = vector.broadcast %broadcast_in_dim3A_87 : vector<128x1xi32> to vector<128x8192xi32>
    %eq3A_89 = arith.cmpi eq, %iota3A, %eq3A_88 : vector<128x8192xi32>
    %jit3A_90 = arith.constant 0x7F800000 : f32
    %broadcast_in_dim3A_91 = vector.broadcast %jit3A_90 : f32 to vector<128x8192xf32>
    %select_n3A_92 = arith.select %eq3A_89, %broadcast_in_dim3A_91, %get3A_85 : vector<128x8192xi1>, vector<128x8192xf32>
    %swap3A_93 = arith.constant 0 : index
    %swap3A_94 = arith.constant 0 : index
    %swap3A_95 = vector.load %arg5[%swap3A_93, %swap3A_94] : memref<128x8192xf32, #tpu.memory_space<vmem>>, vector<128x8192xf32>
    tpu.vector_store %arg5[%swap3A_93, %swap3A_94], %select_n3A_92 {strides = array<i32>} : memref<128x8192xf32, #tpu.memory_space<vmem>>, vector<128x8192xf32>,
    %add3A_96 = vector.broadcast %mul3A_23 : i32 to vector<128x1xi32>
    %add3A_97 = arith.addi %broadcast_in_dim3A_87, %add3A_96 : vector<128x1xi32>
    %swap3A_98 = arith.constant 0 : index
    %swap3A_99 = arith.constant 0 : index
    %swap3A_100 = arith.constant 3 : index
    %swap3A_101 = vector.load %arg4[%swap3A_98, %swap3A_99, %swap3A_100] : memref<1x128x16xi32, #tpu.memory_space<vmem>>, vector<1x128x1xi32>
    %swap3A_102 = vector.shape_cast %swap3A_101 : vector<1x128x1xi32> to vector<128x1xi32>
    %swap3A_103 = vector.shape_cast %add3A_97 : vector<128x1xi32> to vector<1x128x1xi32>
    tpu.vector_store %arg4[%swap3A_98, %swap3A_99, %swap3A_100], %swap3A_103 {strides = array<i32>} : memref<1x128x16xi32, #tpu.memory_space<vmem>>, vector<1x128x1xi32>,
    %get3A_104 = arith.constant 0 : index
    %get3A_105 = arith.constant 0 : index
    %get3A_106 = vector.load %arg5[%get3A_104, %get3A_105] : memref<128x8192xf32, #tpu.memory_space<vmem>>, vector<128x8192xf32>
    %argmin3A_107 = tpu.reduce_index %get3A_106 {axis = 1 : i32, kind = #tpu.reduction_kind<arg_min>} : vector<128x8192xf32> -> vector<128xi32>
    %broadcast_in_dim3A_108 = vector.shape_cast %argmin3A_107 : vector<128xi32> to vector<128x1xi32>
    %eq3A_109 = vector.broadcast %broadcast_in_dim3A_108 : vector<128x1xi32> to vector<128x8192xi32>
    %eq3A_110 = arith.cmpi eq, %iota3A, %eq3A_109 : vector<128x8192xi32>
    %jit3A_111 = arith.constant 0x7F800000 : f32
    %broadcast_in_dim3A_112 = vector.broadcast %jit3A_111 : f32 to vector<128x8192xf32>
    %select_n3A_113 = arith.select %eq3A_110, %broadcast_in_dim3A_112, %get3A_106 : vector<128x8192xi1>, vector<128x8192xf32>
    %swap3A_114 = arith.constant 0 : index
    %swap3A_115 = arith.constant 0 : index
    %swap3A_116 = vector.load %arg5[%swap3A_114, %swap3A_115] : memref<128x8192xf32, #tpu.memory_space<vmem>>, vector<128x8192xf32>
    tpu.vector_store %arg5[%swap3A_114, %swap3A_115], %select_n3A_113 {strides = array<i32>} : memref<128x8192xf32, #tpu.memory_space<vmem>>, vector<128x8192xf32>,
    %add3A_117 = vector.broadcast %mul3A_23 : i32 to vector<128x1xi32>
    %add3A_118 = arith.addi %broadcast_in_dim3A_108, %add3A_117 : vector<128x1xi32>
    %swap3A_119 = arith.constant 0 : index
    %swap3A_120 = arith.constant 0 : index
    %swap3A_121 = arith.constant 4 : index
    %swap3A_122 = vector.load %arg4[%swap3A_119, %swap3A_120, %swap3A_121] : memref<1x128x16xi32, #tpu.memory_space<vmem>>, vector<1x128x1xi32>
    %swap3A_123 = vector.shape_cast %swap3A_122 : vector<1x128x1xi32> to vector<128x1xi32>
    %swap3A_124 = vector.shape_cast %add3A_118 : vector<128x1xi32> to vector<1x128x1xi32>
    tpu.vector_store %arg4[%swap3A_119, %swap3A_120, %swap3A_121], %swap3A_124 {strides = array<i32>} : memref<1x128x16xi32, #tpu.memory_space<vmem>>, vector<1x128x1xi32>,
    %get3A_125 = arith.constant 0 : index
    %get3A_126 = arith.constant 0 : index
    %get3A_127 = vector.load %arg5[%get3A_125, %get3A_126] : memref<128x8192xf32, #tpu.memory_space<vmem>>, vector<128x8192xf32>
    %argmin3A_128 = tpu.reduce_index %get3A_127 {axis = 1 : i32, kind = #tpu.reduction_kind<arg_min>} : vector<128x8192xf32> -> vector<128xi32>
    %broadcast_in_dim3A_129 = vector.shape_cast %argmin3A_128 : vector<128xi32> to vector<128x1xi32>
    %eq3A_130 = vector.broadcast %broadcast_in_dim3A_129 : vector<128x1xi32> to vector<128x8192xi32>
    %eq3A_131 = arith.cmpi eq, %iota3A, %eq3A_130 : vector<128x8192xi32>
    %jit3A_132 = arith.constant 0x7F800000 : f32
    %broadcast_in_dim3A_133 = vector.broadcast %jit3A_132 : f32 to vector<128x8192xf32>
    %select_n3A_134 = arith.select %eq3A_131, %broadcast_in_dim3A_133, %get3A_127 : vector<128x8192xi1>, vector<128x8192xf32>
    %swap3A_135 = arith.constant 0 : index
    %swap3A_136 = arith.constant 0 : index
    %swap3A_137 = vector.load %arg5[%swap3A_135, %swap3A_136] : memref<128x8192xf32, #tpu.memory_space<vmem>>, vector<128x8192xf32>
    tpu.vector_store %arg5[%swap3A_135, %swap3A_136], %select_n3A_134 {strides = array<i32>} : memref<128x8192xf32, #tpu.memory_space<vmem>>, vector<128x8192xf32>,
    %add3A_138 = vector.broadcast %mul3A_23 : i32 to vector<128x1xi32>
    %add3A_139 = arith.addi %broadcast_in_dim3A_129, %add3A_138 : vector<128x1xi32>
    %swap3A_140 = arith.constant 0 : index
    %swap3A_141 = arith.constant 0 : index
    %swap3A_142 = arith.constant 5 : index
    %swap3A_143 = vector.load %arg4[%swap3A_140, %swap3A_141, %swap3A_142] : memref<1x128x16xi32, #tpu.memory_space<vmem>>, vector<1x128x1xi32>
    %swap3A_144 = vector.shape_cast %swap3A_143 : vector<1x128x1xi32> to vector<128x1xi32>
    %swap3A_145 = vector.shape_cast %add3A_139 : vector<128x1xi32> to vector<1x128x1xi32>
    tpu.vector_store %arg4[%swap3A_140, %swap3A_141, %swap3A_142], %swap3A_145 {strides = array<i32>} : memref<1x128x16xi32, #tpu.memory_space<vmem>>, vector<1x128x1xi32>,
    %get3A_146 = arith.constant 0 : index
    %get3A_147 = arith.constant 0 : index
    %get3A_148 = vector.load %arg5[%get3A_146, %get3A_147] : memref<128x8192xf32, #tpu.memory_space<vmem>>, vector<128x8192xf32>
    %argmin3A_149 = tpu.reduce_index %get3A_148 {axis = 1 : i32, kind = #tpu.reduction_kind<arg_min>} : vector<128x8192xf32> -> vector<128xi32>
    %broadcast_in_dim3A_150 = vector.shape_cast %argmin3A_149 : vector<128xi32> to vector<128x1xi32>
    %eq3A_151 = vector.broadcast %broadcast_in_dim3A_150 : vector<128x1xi32> to vector<128x8192xi32>
    %eq3A_152 = arith.cmpi eq, %iota3A, %eq3A_151 : vector<128x8192xi32>
    %jit3A_153 = arith.constant 0x7F800000 : f32
    %broadcast_in_dim3A_154 = vector.broadcast %jit3A_153 : f32 to vector<128x8192xf32>
    %select_n3A_155 = arith.select %eq3A_152, %broadcast_in_dim3A_154, %get3A_148 : vector<128x8192xi1>, vector<128x8192xf32>
    %swap3A_156 = arith.constant 0 : index
    %swap3A_157 = arith.constant 0 : index
    %swap3A_158 = vector.load %arg5[%swap3A_156, %swap3A_157] : memref<128x8192xf32, #tpu.memory_space<vmem>>, vector<128x8192xf32>
    tpu.vector_store %arg5[%swap3A_156, %swap3A_157], %select_n3A_155 {strides = array<i32>} : memref<128x8192xf32, #tpu.memory_space<vmem>>, vector<128x8192xf32>,
    %add3A_159 = vector.broadcast %mul3A_23 : i32 to vector<128x1xi32>
    %add3A_160 = arith.addi %broadcast_in_dim3A_150, %add3A_159 : vector<128x1xi32>
    %swap3A_161 = arith.constant 0 : index
    %swap3A_162 = arith.constant 0 : index
    %swap3A_163 = arith.constant 6 : index
    %swap3A_164 = vector.load %arg4[%swap3A_161, %swap3A_162, %swap3A_163] : memref<1x128x16xi32, #tpu.memory_space<vmem>>, vector<1x128x1xi32>
    %swap3A_165 = vector.shape_cast %swap3A_164 : vector<1x128x1xi32> to vector<128x1xi32>
    %swap3A_166 = vector.shape_cast %add3A_160 : vector<128x1xi32> to vector<1x128x1xi32>
    tpu.vector_store %arg4[%swap3A_161, %swap3A_162, %swap3A_163], %swap3A_166 {strides = array<i32>} : memref<1x128x16xi32, #tpu.memory_space<vmem>>, vector<1x128x1xi32>,
    %get3A_167 = arith.constant 0 : index
    %get3A_168 = arith.constant 0 : index
    %get3A_169 = vector.load %arg5[%get3A_167, %get3A_168] : memref<128x8192xf32, #tpu.memory_space<vmem>>, vector<128x8192xf32>
    %argmin3A_170 = tpu.reduce_index %get3A_169 {axis = 1 : i32, kind = #tpu.reduction_kind<arg_min>} : vector<128x8192xf32> -> vector<128xi32>
    %broadcast_in_dim3A_171 = vector.shape_cast %argmin3A_170 : vector<128xi32> to vector<128x1xi32>
    %eq3A_172 = vector.broadcast %broadcast_in_dim3A_171 : vector<128x1xi32> to vector<128x8192xi32>
    %eq3A_173 = arith.cmpi eq, %iota3A, %eq3A_172 : vector<128x8192xi32>
    %jit3A_174 = arith.constant 0x7F800000 : f32
    %broadcast_in_dim3A_175 = vector.broadcast %jit3A_174 : f32 to vector<128x8192xf32>
    %select_n3A_176 = arith.select %eq3A_173, %broadcast_in_dim3A_175, %get3A_169 : vector<128x8192xi1>, vector<128x8192xf32>
    %swap3A_177 = arith.constant 0 : index
    %swap3A_178 = arith.constant 0 : index
    %swap3A_179 = vector.load %arg5[%swap3A_177, %swap3A_178] : memref<128x8192xf32, #tpu.memory_space<vmem>>, vector<128x8192xf32>
    tpu.vector_store %arg5[%swap3A_177, %swap3A_178], %select_n3A_176 {strides = array<i32>} : memref<128x8192xf32, #tpu.memory_space<vmem>>, vector<128x8192xf32>,
    %add3A_180 = vector.broadcast %mul3A_23 : i32 to vector<128x1xi32>
    %add3A_181 = arith.addi %broadcast_in_dim3A_171, %add3A_180 : vector<128x1xi32>
    %swap3A_182 = arith.constant 0 : index
    %swap3A_183 = arith.constant 0 : index
    %swap3A_184 = arith.constant 7 : index
    %swap3A_185 = vector.load %arg4[%swap3A_182, %swap3A_183, %swap3A_184] : memref<1x128x16xi32, #tpu.memory_space<vmem>>, vector<1x128x1xi32>
    %swap3A_186 = vector.shape_cast %swap3A_185 : vector<1x128x1xi32> to vector<128x1xi32>
    %swap3A_187 = vector.shape_cast %add3A_181 : vector<128x1xi32> to vector<1x128x1xi32>
    tpu.vector_store %arg4[%swap3A_182, %swap3A_183, %swap3A_184], %swap3A_187 {strides = array<i32>} : memref<1x128x16xi32, #tpu.memory_space<vmem>>, vector<1x128x1xi32>,
    %get3A_188 = arith.constant 0 : index
    %get3A_189 = arith.constant 0 : index
    %get3A_190 = vector.load %arg5[%get3A_188, %get3A_189] : memref<128x8192xf32, #tpu.memory_space<vmem>>, vector<128x8192xf32>
    %argmin3A_191 = tpu.reduce_index %get3A_190 {axis = 1 : i32, kind = #tpu.reduction_kind<arg_min>} : vector<128x8192xf32> -> vector<128xi32>
    %broadcast_in_dim3A_192 = vector.shape_cast %argmin3A_191 : vector<128xi32> to vector<128x1xi32>
    %eq3A_193 = vector.broadcast %broadcast_in_dim3A_192 : vector<128x1xi32> to vector<128x8192xi32>
    %eq3A_194 = arith.cmpi eq, %iota3A, %eq3A_193 : vector<128x8192xi32>
    %jit3A_195 = arith.constant 0x7F800000 : f32
    %broadcast_in_dim3A_196 = vector.broadcast %jit3A_195 : f32 to vector<128x8192xf32>
    %select_n3A_197 = arith.select %eq3A_194, %broadcast_in_dim3A_196, %get3A_190 : vector<128x8192xi1>, vector<128x8192xf32>
    %swap3A_198 = arith.constant 0 : index
    %swap3A_199 = arith.constant 0 : index
    %swap3A_200 = vector.load %arg5[%swap3A_198, %swap3A_199] : memref<128x8192xf32, #tpu.memory_space<vmem>>, vector<128x8192xf32>
    tpu.vector_store %arg5[%swap3A_198, %swap3A_199], %select_n3A_197 {strides = array<i32>} : memref<128x8192xf32, #tpu.memory_space<vmem>>, vector<128x8192xf32>,
    %add3A_201 = vector.broadcast %mul3A_23 : i32 to vector<128x1xi32>
    %add3A_202 = arith.addi %broadcast_in_dim3A_192, %add3A_201 : vector<128x1xi32>
    %swap3A_203 = arith.constant 0 : index
    %swap3A_204 = arith.constant 0 : index
    %swap3A_205 = arith.constant 8 : index
    %swap3A_206 = vector.load %arg4[%swap3A_203, %swap3A_204, %swap3A_205] : memref<1x128x16xi32, #tpu.memory_space<vmem>>, vector<1x128x1xi32>
    %swap3A_207 = vector.shape_cast %swap3A_206 : vector<1x128x1xi32> to vector<128x1xi32>
    %swap3A_208 = vector.shape_cast %add3A_202 : vector<128x1xi32> to vector<1x128x1xi32>
    tpu.vector_store %arg4[%swap3A_203, %swap3A_204, %swap3A_205], %swap3A_208 {strides = array<i32>} : memref<1x128x16xi32, #tpu.memory_space<vmem>>, vector<1x128x1xi32>,
    %get3A_209 = arith.constant 0 : index
    %get3A_210 = arith.constant 0 : index
    %get3A_211 = vector.load %arg5[%get3A_209, %get3A_210] : memref<128x8192xf32, #tpu.memory_space<vmem>>, vector<128x8192xf32>
    %argmin3A_212 = tpu.reduce_index %get3A_211 {axis = 1 : i32, kind = #tpu.reduction_kind<arg_min>} : vector<128x8192xf32> -> vector<128xi32>
    %broadcast_in_dim3A_213 = vector.shape_cast %argmin3A_212 : vector<128xi32> to vector<128x1xi32>
    %eq3A_214 = vector.broadcast %broadcast_in_dim3A_213 : vector<128x1xi32> to vector<128x8192xi32>
    %eq3A_215 = arith.cmpi eq, %iota3A, %eq3A_214 : vector<128x8192xi32>
    %jit3A_216 = arith.constant 0x7F800000 : f32
    %broadcast_in_dim3A_217 = vector.broadcast %jit3A_216 : f32 to vector<128x8192xf32>
    %select_n3A_218 = arith.select %eq3A_215, %broadcast_in_dim3A_217, %get3A_211 : vector<128x8192xi1>, vector<128x8192xf32>
    %swap3A_219 = arith.constant 0 : index
    %swap3A_220 = arith.constant 0 : index
    %swap3A_221 = vector.load %arg5[%swap3A_219, %swap3A_220] : memref<128x8192xf32, #tpu.memory_space<vmem>>, vector<128x8192xf32>
    tpu.vector_store %arg5[%swap3A_219, %swap3A_220], %select_n3A_218 {strides = array<i32>} : memref<128x8192xf32, #tpu.memory_space<vmem>>, vector<128x8192xf32>,
    %add3A_222 = vector.broadcast %mul3A_23 : i32 to vector<128x1xi32>
    %add3A_223 = arith.addi %broadcast_in_dim3A_213, %add3A_222 : vector<128x1xi32>
    %swap3A_224 = arith.constant 0 : index
    %swap3A_225 = arith.constant 0 : index
    %swap3A_226 = arith.constant 9 : index
    %swap3A_227 = vector.load %arg4[%swap3A_224, %swap3A_225, %swap3A_226] : memref<1x128x16xi32, #tpu.memory_space<vmem>>, vector<1x128x1xi32>
    %swap3A_228 = vector.shape_cast %swap3A_227 : vector<1x128x1xi32> to vector<128x1xi32>
    %swap3A_229 = vector.shape_cast %add3A_223 : vector<128x1xi32> to vector<1x128x1xi32>
    tpu.vector_store %arg4[%swap3A_224, %swap3A_225, %swap3A_226], %swap3A_229 {strides = array<i32>} : memref<1x128x16xi32, #tpu.memory_space<vmem>>, vector<1x128x1xi32>,
    %get3A_230 = arith.constant 0 : index
    %get3A_231 = arith.constant 0 : index
    %get3A_232 = vector.load %arg5[%get3A_230, %get3A_231] : memref<128x8192xf32, #tpu.memory_space<vmem>>, vector<128x8192xf32>
    %argmin3A_233 = tpu.reduce_index %get3A_232 {axis = 1 : i32, kind = #tpu.reduction_kind<arg_min>} : vector<128x8192xf32> -> vector<128xi32>
    %broadcast_in_dim3A_234 = vector.shape_cast %argmin3A_233 : vector<128xi32> to vector<128x1xi32>
    %eq3A_235 = vector.broadcast %broadcast_in_dim3A_234 : vector<128x1xi32> to vector<128x8192xi32>
    %eq3A_236 = arith.cmpi eq, %iota3A, %eq3A_235 : vector<128x8192xi32>
    %jit3A_237 = arith.constant 0x7F800000 : f32
    %broadcast_in_dim3A_238 = vector.broadcast %jit3A_237 : f32 to vector<128x8192xf32>
    %select_n3A_239 = arith.select %eq3A_236, %broadcast_in_dim3A_238, %get3A_232 : vector<128x8192xi1>, vector<128x8192xf32>
    %swap3A_240 = arith.constant 0 : index
    %swap3A_241 = arith.constant 0 : index
    %swap3A_242 = vector.load %arg5[%swap3A_240, %swap3A_241] : memref<128x8192xf32, #tpu.memory_space<vmem>>, vector<128x8192xf32>
    tpu.vector_store %arg5[%swap3A_240, %swap3A_241], %select_n3A_239 {strides = array<i32>} : memref<128x8192xf32, #tpu.memory_space<vmem>>, vector<128x8192xf32>,
    %add3A_243 = vector.broadcast %mul3A_23 : i32 to vector<128x1xi32>
    %add3A_244 = arith.addi %broadcast_in_dim3A_234, %add3A_243 : vector<128x1xi32>
    %swap3A_245 = arith.constant 0 : index
    %swap3A_246 = arith.constant 0 : index
    %swap3A_247 = arith.constant 10 : index
    %swap3A_248 = vector.load %arg4[%swap3A_245, %swap3A_246, %swap3A_247] : memref<1x128x16xi32, #tpu.memory_space<vmem>>, vector<1x128x1xi32>
    %swap3A_249 = vector.shape_cast %swap3A_248 : vector<1x128x1xi32> to vector<128x1xi32>
    %swap3A_250 = vector.shape_cast %add3A_244 : vector<128x1xi32> to vector<1x128x1xi32>
    tpu.vector_store %arg4[%swap3A_245, %swap3A_246, %swap3A_247], %swap3A_250 {strides = array<i32>} : memref<1x128x16xi32, #tpu.memory_space<vmem>>, vector<1x128x1xi32>,
    %get3A_251 = arith.constant 0 : index
    %get3A_252 = arith.constant 0 : index
    %get3A_253 = vector.load %arg5[%get3A_251, %get3A_252] : memref<128x8192xf32, #tpu.memory_space<vmem>>, vector<128x8192xf32>
    %argmin3A_254 = tpu.reduce_index %get3A_253 {axis = 1 : i32, kind = #tpu.reduction_kind<arg_min>} : vector<128x8192xf32> -> vector<128xi32>
    %broadcast_in_dim3A_255 = vector.shape_cast %argmin3A_254 : vector<128xi32> to vector<128x1xi32>
    %eq3A_256 = vector.broadcast %broadcast_in_dim3A_255 : vector<128x1xi32> to vector<128x8192xi32>
    %eq3A_257 = arith.cmpi eq, %iota3A, %eq3A_256 : vector<128x8192xi32>
    %jit3A_258 = arith.constant 0x7F800000 : f32
    %broadcast_in_dim3A_259 = vector.broadcast %jit3A_258 : f32 to vector<128x8192xf32>
    %select_n3A_260 = arith.select %eq3A_257, %broadcast_in_dim3A_259, %get3A_253 : vector<128x8192xi1>, vector<128x8192xf32>
    %swap3A_261 = arith.constant 0 : index
    %swap3A_262 = arith.constant 0 : index
    %swap3A_263 = vector.load %arg5[%swap3A_261, %swap3A_262] : memref<128x8192xf32, #tpu.memory_space<vmem>>, vector<128x8192xf32>
    tpu.vector_store %arg5[%swap3A_261, %swap3A_262], %select_n3A_260 {strides = array<i32>} : memref<128x8192xf32, #tpu.memory_space<vmem>>, vector<128x8192xf32>,
    %add3A_264 = vector.broadcast %mul3A_23 : i32 to vector<128x1xi32>
    %add3A_265 = arith.addi %broadcast_in_dim3A_255, %add3A_264 : vector<128x1xi32>
    %swap3A_266 = arith.constant 0 : index
    %swap3A_267 = arith.constant 0 : index
    %swap3A_268 = arith.constant 11 : index
    %swap3A_269 = vector.load %arg4[%swap3A_266, %swap3A_267, %swap3A_268] : memref<1x128x16xi32, #tpu.memory_space<vmem>>, vector<1x128x1xi32>
    %swap3A_270 = vector.shape_cast %swap3A_269 : vector<1x128x1xi32> to vector<128x1xi32>
    %swap3A_271 = vector.shape_cast %add3A_265 : vector<128x1xi32> to vector<1x128x1xi32>
    tpu.vector_store %arg4[%swap3A_266, %swap3A_267, %swap3A_268], %swap3A_271 {strides = array<i32>} : memref<1x128x16xi32, #tpu.memory_space<vmem>>, vector<1x128x1xi32>,
    %get3A_272 = arith.constant 0 : index
    %get3A_273 = arith.constant 0 : index
    %get3A_274 = vector.load %arg5[%get3A_272, %get3A_273] : memref<128x8192xf32, #tpu.memory_space<vmem>>, vector<128x8192xf32>
    %argmin3A_275 = tpu.reduce_index %get3A_274 {axis = 1 : i32, kind = #tpu.reduction_kind<arg_min>} : vector<128x8192xf32> -> vector<128xi32>
    %broadcast_in_dim3A_276 = vector.shape_cast %argmin3A_275 : vector<128xi32> to vector<128x1xi32>
    %eq3A_277 = vector.broadcast %broadcast_in_dim3A_276 : vector<128x1xi32> to vector<128x8192xi32>
    %eq3A_278 = arith.cmpi eq, %iota3A, %eq3A_277 : vector<128x8192xi32>
    %jit3A_279 = arith.constant 0x7F800000 : f32
    %broadcast_in_dim3A_280 = vector.broadcast %jit3A_279 : f32 to vector<128x8192xf32>
    %select_n3A_281 = arith.select %eq3A_278, %broadcast_in_dim3A_280, %get3A_274 : vector<128x8192xi1>, vector<128x8192xf32>
    %swap3A_282 = arith.constant 0 : index
    %swap3A_283 = arith.constant 0 : index
    %swap3A_284 = vector.load %arg5[%swap3A_282, %swap3A_283] : memref<128x8192xf32, #tpu.memory_space<vmem>>, vector<128x8192xf32>
    tpu.vector_store %arg5[%swap3A_282, %swap3A_283], %select_n3A_281 {strides = array<i32>} : memref<128x8192xf32, #tpu.memory_space<vmem>>, vector<128x8192xf32>,
    %add3A_285 = vector.broadcast %mul3A_23 : i32 to vector<128x1xi32>
    %add3A_286 = arith.addi %broadcast_in_dim3A_276, %add3A_285 : vector<128x1xi32>
    %swap3A_287 = arith.constant 0 : index
    %swap3A_288 = arith.constant 0 : index
    %swap3A_289 = arith.constant 12 : index
    %swap3A_290 = vector.load %arg4[%swap3A_287, %swap3A_288, %swap3A_289] : memref<1x128x16xi32, #tpu.memory_space<vmem>>, vector<1x128x1xi32>
    %swap3A_291 = vector.shape_cast %swap3A_290 : vector<1x128x1xi32> to vector<128x1xi32>
    %swap3A_292 = vector.shape_cast %add3A_286 : vector<128x1xi32> to vector<1x128x1xi32>
    tpu.vector_store %arg4[%swap3A_287, %swap3A_288, %swap3A_289], %swap3A_292 {strides = array<i32>} : memref<1x128x16xi32, #tpu.memory_space<vmem>>, vector<1x128x1xi32>,
    %get3A_293 = arith.constant 0 : index
    %get3A_294 = arith.constant 0 : index
    %get3A_295 = vector.load %arg5[%get3A_293, %get3A_294] : memref<128x8192xf32, #tpu.memory_space<vmem>>, vector<128x8192xf32>
    %argmin3A_296 = tpu.reduce_index %get3A_295 {axis = 1 : i32, kind = #tpu.reduction_kind<arg_min>} : vector<128x8192xf32> -> vector<128xi32>
    %broadcast_in_dim3A_297 = vector.shape_cast %argmin3A_296 : vector<128xi32> to vector<128x1xi32>
    %eq3A_298 = vector.broadcast %broadcast_in_dim3A_297 : vector<128x1xi32> to vector<128x8192xi32>
    %eq3A_299 = arith.cmpi eq, %iota3A, %eq3A_298 : vector<128x8192xi32>
    %jit3A_300 = arith.constant 0x7F800000 : f32
    %broadcast_in_dim3A_301 = vector.broadcast %jit3A_300 : f32 to vector<128x8192xf32>
    %select_n3A_302 = arith.select %eq3A_299, %broadcast_in_dim3A_301, %get3A_295 : vector<128x8192xi1>, vector<128x8192xf32>
    %swap3A_303 = arith.constant 0 : index
    %swap3A_304 = arith.constant 0 : index
    %swap3A_305 = vector.load %arg5[%swap3A_303, %swap3A_304] : memref<128x8192xf32, #tpu.memory_space<vmem>>, vector<128x8192xf32>
    tpu.vector_store %arg5[%swap3A_303, %swap3A_304], %select_n3A_302 {strides = array<i32>} : memref<128x8192xf32, #tpu.memory_space<vmem>>, vector<128x8192xf32>,
    %add3A_306 = vector.broadcast %mul3A_23 : i32 to vector<128x1xi32>
    %add3A_307 = arith.addi %broadcast_in_dim3A_297, %add3A_306 : vector<128x1xi32>
    %swap3A_308 = arith.constant 0 : index
    %swap3A_309 = arith.constant 0 : index
    %swap3A_310 = arith.constant 13 : index
    %swap3A_311 = vector.load %arg4[%swap3A_308, %swap3A_309, %swap3A_310] : memref<1x128x16xi32, #tpu.memory_space<vmem>>, vector<1x128x1xi32>
    %swap3A_312 = vector.shape_cast %swap3A_311 : vector<1x128x1xi32> to vector<128x1xi32>
    %swap3A_313 = vector.shape_cast %add3A_307 : vector<128x1xi32> to vector<1x128x1xi32>
    tpu.vector_store %arg4[%swap3A_308, %swap3A_309, %swap3A_310], %swap3A_313 {strides = array<i32>} : memref<1x128x16xi32, #tpu.memory_space<vmem>>, vector<1x128x1xi32>,
    %get3A_314 = arith.constant 0 : index
    %get3A_315 = arith.constant 0 : index
    %get3A_316 = vector.load %arg5[%get3A_314, %get3A_315] : memref<128x8192xf32, #tpu.memory_space<vmem>>, vector<128x8192xf32>
    %argmin3A_317 = tpu.reduce_index %get3A_316 {axis = 1 : i32, kind = #tpu.reduction_kind<arg_min>} : vector<128x8192xf32> -> vector<128xi32>
    %broadcast_in_dim3A_318 = vector.shape_cast %argmin3A_317 : vector<128xi32> to vector<128x1xi32>
    %eq3A_319 = vector.broadcast %broadcast_in_dim3A_318 : vector<128x1xi32> to vector<128x8192xi32>
    %eq3A_320 = arith.cmpi eq, %iota3A, %eq3A_319 : vector<128x8192xi32>
    %jit3A_321 = arith.constant 0x7F800000 : f32
    %broadcast_in_dim3A_322 = vector.broadcast %jit3A_321 : f32 to vector<128x8192xf32>
    %select_n3A_323 = arith.select %eq3A_320, %broadcast_in_dim3A_322, %get3A_316 : vector<128x8192xi1>, vector<128x8192xf32>
    %swap3A_324 = arith.constant 0 : index
    %swap3A_325 = arith.constant 0 : index
    %swap3A_326 = vector.load %arg5[%swap3A_324, %swap3A_325] : memref<128x8192xf32, #tpu.memory_space<vmem>>, vector<128x8192xf32>
    tpu.vector_store %arg5[%swap3A_324, %swap3A_325], %select_n3A_323 {strides = array<i32>} : memref<128x8192xf32, #tpu.memory_space<vmem>>, vector<128x8192xf32>,
    %add3A_327 = vector.broadcast %mul3A_23 : i32 to vector<128x1xi32>
    %add3A_328 = arith.addi %broadcast_in_dim3A_318, %add3A_327 : vector<128x1xi32>
    %swap3A_329 = arith.constant 0 : index
    %swap3A_330 = arith.constant 0 : index
    %swap3A_331 = arith.constant 14 : index
    %swap3A_332 = vector.load %arg4[%swap3A_329, %swap3A_330, %swap3A_331] : memref<1x128x16xi32, #tpu.memory_space<vmem>>, vector<1x128x1xi32>
    %swap3A_333 = vector.shape_cast %swap3A_332 : vector<1x128x1xi32> to vector<128x1xi32>
    %swap3A_334 = vector.shape_cast %add3A_328 : vector<128x1xi32> to vector<1x128x1xi32>
    tpu.vector_store %arg4[%swap3A_329, %swap3A_330, %swap3A_331], %swap3A_334 {strides = array<i32>} : memref<1x128x16xi32, #tpu.memory_space<vmem>>, vector<1x128x1xi32>,
    %get3A_335 = arith.constant 0 : index
    %get3A_336 = arith.constant 0 : index
    %get3A_337 = vector.load %arg5[%get3A_335, %get3A_336] : memref<128x8192xf32, #tpu.memory_space<vmem>>, vector<128x8192xf32>
    %argmin3A_338 = tpu.reduce_index %get3A_337 {axis = 1 : i32, kind = #tpu.reduction_kind<arg_min>} : vector<128x8192xf32> -> vector<128xi32>
    %broadcast_in_dim3A_339 = vector.shape_cast %argmin3A_338 : vector<128xi32> to vector<128x1xi32>
    %eq3A_340 = vector.broadcast %broadcast_in_dim3A_339 : vector<128x1xi32> to vector<128x8192xi32>
    %eq3A_341 = arith.cmpi eq, %iota3A, %eq3A_340 : vector<128x8192xi32>
    %jit3A_342 = arith.constant 0x7F800000 : f32
    %broadcast_in_dim3A_343 = vector.broadcast %jit3A_342 : f32 to vector<128x8192xf32>
    %select_n3A_344 = arith.select %eq3A_341, %broadcast_in_dim3A_343, %get3A_337 : vector<128x8192xi1>, vector<128x8192xf32>
    %swap3A_345 = arith.constant 0 : index
    %swap3A_346 = arith.constant 0 : index
    %swap3A_347 = vector.load %arg5[%swap3A_345, %swap3A_346] : memref<128x8192xf32, #tpu.memory_space<vmem>>, vector<128x8192xf32>
    tpu.vector_store %arg5[%swap3A_345, %swap3A_346], %select_n3A_344 {strides = array<i32>} : memref<128x8192xf32, #tpu.memory_space<vmem>>, vector<128x8192xf32>,
    %add3A_348 = vector.broadcast %mul3A_23 : i32 to vector<128x1xi32>
    %add3A_349 = arith.addi %broadcast_in_dim3A_339, %add3A_348 : vector<128x1xi32>
    %swap3A_350 = arith.constant 0 : index
    %swap3A_351 = arith.constant 0 : index
    %swap3A_352 = arith.constant 15 : index
    %swap3A_353 = vector.load %arg4[%swap3A_350, %swap3A_351, %swap3A_352] : memref<1x128x16xi32, #tpu.memory_space<vmem>>, vector<1x128x1xi32>
    %swap3A_354 = vector.shape_cast %swap3A_353 : vector<1x128x1xi32> to vector<128x1xi32>
    %swap3A_355 = vector.shape_cast %add3A_349 : vector<128x1xi32> to vector<1x128x1xi32>
    tpu.vector_store %arg4[%swap3A_350, %swap3A_351, %swap3A_352], %swap3A_355 {strides = array<i32>} : memref<1x128x16xi32, #tpu.memory_space<vmem>>, vector<1x128x1xi32>,
    return
  }
  func.func @transform_0(%arg0: i32, %arg1: i32) -> (i32, i32, i32) {
    %c0_i32 = arith.constant 0 : i32
    %c0_i32_0 = arith.constant 0 : i32
    return %arg0, %arg1, %c0_i32 : i32, i32, i32
  }
  func.func @transform_1(%arg0: i32, %arg1: i32) -> (i32, i32, i32) {
    %c0_i32 = arith.constant 0 : i32
    %c0_i32_0 = arith.constant 0 : i32
    %c0_i32_1 = arith.constant 0 : i32
    return %arg0, %c0_i32, %c0_i32_0 : i32, i32, i32
  }
  func.func @transform_2(%arg0: i32, %arg1: i32) -> (i32, i32, i32) {
    %c0_i32 = arith.constant 0 : i32
    %c0_i32_0 = arith.constant 0 : i32
    return %arg0, %arg1, %c0_i32 : i32, i32, i32
  }
}

module attributes {stable_mosaic.version = 14 : i64} {
  func.func @_mlp_body(%arg0: i32, %arg1: memref<1x8192x3xf32, #tpu.memory_space<vmem>>, %arg2: memref<3x32xf32, #tpu.memory_space<vmem>>, %arg3: memref<1x32xf32, #tpu.memory_space<vmem>>, %arg4: memref<32x32xf32, #tpu.memory_space<vmem>>, %arg5: memref<1x32xf32, #tpu.memory_space<vmem>>, %arg6: memref<1x8192x32xf32, #tpu.memory_space<vmem>>) attributes {dimension_semantics = [#tpu.dimension_semantics<arbitrary>], iteration_bounds = array<i64: 2>, scalar_prefetch = 0 : i64, scratch_operands = 0 : i64, tpu.core_type = #tpu.core_type<tc>, window_params = [{transform_indices = @transform_0, window_bounds = array<i64: 1, 8192, 3>}, {pipeline_mode = #tpu.pipeline_mode<synchronous>, transform_indices = @transform_1, window_bounds = array<i64: 3, 32>}, {pipeline_mode = #tpu.pipeline_mode<synchronous>, transform_indices = @transform_2, window_bounds = array<i64: 1, 32>}, {pipeline_mode = #tpu.pipeline_mode<synchronous>, transform_indices = @transform_3, window_bounds = array<i64: 32, 32>}, {pipeline_mode = #tpu.pipeline_mode<synchronous>, transform_indices = @transform_4, window_bounds = array<i64: 1, 32>}, {transform_indices = @transform_5, window_bounds = array<i64: 1, 8192, 32>}]} {
    %get3A = arith.constant 0 : index
    %get3A_0 = arith.constant 0 : index
    %get3A_1 = arith.constant 0 : index
    %get3A_2 = vector.load %arg1[%get3A, %get3A_0, %get3A_1] : memref<1x8192x3xf32, #tpu.memory_space<vmem>>, vector<1x8192x3xf32>
    %get3A_3 = vector.shape_cast %get3A_2 : vector<1x8192x3xf32> to vector<8192x3xf32>
    %get3A_4 = arith.constant 0 : index
    %get3A_5 = arith.constant 0 : index
    %get3A_6 = vector.load %arg2[%get3A_4, %get3A_5] : memref<3x32xf32, #tpu.memory_space<vmem>>, vector<3x32xf32>
    %dot_general3A = arith.constant dense<0.000000e+00> : vector<8192x32xf32>
    %dot_general3A_7 = tpu.matmul %get3A_3, %get3A_6, %dot_general3A {dimension_numbers = #tpu.dot_dimension_numbers<[1], [0], [0], [1], [0, 0, 1, 1], [], []>, transpose_lhs_hint = false} : vector<8192x3xf32>, vector<3x32xf32>, vector<8192x32xf32> -> vector<8192x32xf32>
    %get3A_8 = arith.constant 0 : index
    %get3A_9 = arith.constant 0 : index
    %get3A_10 = vector.load %arg3[%get3A_8, %get3A_9] : memref<1x32xf32, #tpu.memory_space<vmem>>, vector<1x32xf32>
    %add3A = vector.broadcast %get3A_10 : vector<1x32xf32> to vector<8192x32xf32>
    %add3A_11 = arith.addf %dot_general3A_7, %add3A : vector<8192x32xf32>
    %max3A = arith.constant 0.000000e+00 : f32
    %max3A_12 = vector.broadcast %max3A : f32 to vector<8192x32xf32>
    %max3A_13 = arith.maximumf %add3A_11, %max3A_12 : vector<8192x32xf32>
    %get3A_14 = arith.constant 0 : index
    %get3A_15 = arith.constant 0 : index
    %get3A_16 = vector.load %arg4[%get3A_14, %get3A_15] : memref<32x32xf32, #tpu.memory_space<vmem>>, vector<32x32xf32>
    %dot_general3A_17 = arith.constant dense<0.000000e+00> : vector<8192x32xf32>
    %dot_general3A_18 = tpu.matmul %max3A_13, %get3A_16, %dot_general3A_17 {dimension_numbers = #tpu.dot_dimension_numbers<[1], [0], [0], [1], [0, 0, 1, 1], [], []>, transpose_lhs_hint = false} : vector<8192x32xf32>, vector<32x32xf32>, vector<8192x32xf32> -> vector<8192x32xf32>
    %get3A_19 = arith.constant 0 : index
    %get3A_20 = arith.constant 0 : index
    %get3A_21 = vector.load %arg5[%get3A_19, %get3A_20] : memref<1x32xf32, #tpu.memory_space<vmem>>, vector<1x32xf32>
    %add3A_22 = vector.broadcast %get3A_21 : vector<1x32xf32> to vector<8192x32xf32>
    %add3A_23 = arith.addf %dot_general3A_18, %add3A_22 : vector<8192x32xf32>
    %max3A_24 = arith.constant 0.000000e+00 : f32
    %max3A_25 = vector.broadcast %max3A_24 : f32 to vector<8192x32xf32>
    %max3A_26 = arith.maximumf %add3A_23, %max3A_25 : vector<8192x32xf32>
    %swap3A = arith.constant 0 : index
    %swap3A_27 = arith.constant 0 : index
    %swap3A_28 = arith.constant 0 : index
    %swap3A_29 = vector.load %arg6[%swap3A, %swap3A_27, %swap3A_28] : memref<1x8192x32xf32, #tpu.memory_space<vmem>>, vector<1x8192x32xf32>
    %swap3A_30 = vector.shape_cast %swap3A_29 : vector<1x8192x32xf32> to vector<8192x32xf32>
    %swap3A_31 = vector.shape_cast %max3A_26 : vector<8192x32xf32> to vector<1x8192x32xf32>
    tpu.vector_store %arg6[%swap3A, %swap3A_27, %swap3A_28], %swap3A_31 {strides = array<i32>} : memref<1x8192x32xf32, #tpu.memory_space<vmem>>, vector<1x8192x32xf32>,
    return
  }
  func.func @transform_0(%arg0: i32) -> (i32, i32, i32) {
    %c0_i32 = arith.constant 0 : i32
    %c0_i32_0 = arith.constant 0 : i32
    %c0_i32_1 = arith.constant 0 : i32
    return %arg0, %c0_i32, %c0_i32_0 : i32, i32, i32
  }
  func.func @transform_1(%arg0: i32) -> (i32, i32) {
    %c0_i32 = arith.constant 0 : i32
    %c0_i32_0 = arith.constant 0 : i32
    %c0_i32_1 = arith.constant 0 : i32
    return %c0_i32, %c0_i32_0 : i32, i32
  }
  func.func @transform_2(%arg0: i32) -> (i32, i32) {
    %c0_i32 = arith.constant 0 : i32
    %c0_i32_0 = arith.constant 0 : i32
    %c0_i32_1 = arith.constant 0 : i32
    return %c0_i32, %c0_i32_0 : i32, i32
  }
  func.func @transform_3(%arg0: i32) -> (i32, i32) {
    %c0_i32 = arith.constant 0 : i32
    %c0_i32_0 = arith.constant 0 : i32
    %c0_i32_1 = arith.constant 0 : i32
    return %c0_i32, %c0_i32_0 : i32, i32
  }
  func.func @transform_4(%arg0: i32) -> (i32, i32) {
    %c0_i32 = arith.constant 0 : i32
    %c0_i32_0 = arith.constant 0 : i32
    %c0_i32_1 = arith.constant 0 : i32
    return %c0_i32, %c0_i32_0 : i32, i32
  }
  func.func @transform_5(%arg0: i32) -> (i32, i32, i32) {
    %c0_i32 = arith.constant 0 : i32
    %c0_i32_0 = arith.constant 0 : i32
    %c0_i32_1 = arith.constant 0 : i32
    return %arg0, %c0_i32, %c0_i32_0 : i32, i32, i32
  }
}

module attributes {stable_mosaic.version = 14 : i64} {
  func.func @_topk_body(%arg0: i32, %arg1: i32, %arg2: memref<1x128x3xf32, #tpu.memory_space<vmem>>, %arg3: memref<1x3x2048xf32, #tpu.memory_space<vmem>>, %arg4: memref<1x128x16xi32, #tpu.memory_space<vmem>>, %arg5: memref<128x2048xf32, #tpu.memory_space<vmem>>) attributes {dimension_semantics = [#tpu.dimension_semantics<arbitrary>, #tpu.dimension_semantics<arbitrary>], iteration_bounds = array<i64: 2, 4>, scalar_prefetch = 0 : i64, scratch_operands = 1 : i64, tpu.core_type = #tpu.core_type<tc>, window_params = [{transform_indices = @transform_0, window_bounds = array<i64: 1, 128, 3>}, {transform_indices = @transform_1, window_bounds = array<i64: 1, 3, 2048>}, {transform_indices = @transform_2, window_bounds = array<i64: 1, 128, 16>}]} {
    %get3A = arith.constant 0 : index
    %get3A_0 = arith.constant 0 : index
    %get3A_1 = arith.constant 0 : index
    %get3A_2 = vector.load %arg2[%get3A, %get3A_0, %get3A_1] : memref<1x128x3xf32, #tpu.memory_space<vmem>>, vector<1x128x3xf32>
    %get3A_3 = vector.shape_cast %get3A_2 : vector<1x128x3xf32> to vector<128x3xf32>
    %get3A_4 = arith.constant 0 : index
    %get3A_5 = arith.constant 0 : index
    %get3A_6 = arith.constant 0 : index
    %get3A_7 = vector.load %arg3[%get3A_4, %get3A_5, %get3A_6] : memref<1x3x2048xf32, #tpu.memory_space<vmem>>, vector<1x3x2048xf32>
    %get3A_8 = vector.shape_cast %get3A_7 : vector<1x3x2048xf32> to vector<3x2048xf32>
    %mul3A = arith.mulf %get3A_8, %get3A_8 : vector<3x2048xf32>
    %reduce_sum3A = arith.constant dense<0.000000e+00> : vector<2048xf32>
    %reduce_sum3A_9 = vector.multi_reduction <add>, %mul3A, %reduce_sum3A [0] : vector<3x2048xf32> to vector<2048xf32>
    %broadcast_in_dim3A = vector.shape_cast %reduce_sum3A_9 : vector<2048xf32> to vector<1x2048xf32>
    %mul3A_10 = arith.mulf %get3A_3, %get3A_3 : vector<128x3xf32>
    %reduce_sum3A_11 = arith.constant dense<0.000000e+00> : vector<128xf32>
    %reduce_sum3A_12 = vector.multi_reduction <add>, %mul3A_10, %reduce_sum3A_11 [1] : vector<128x3xf32> to vector<128xf32>
    %broadcast_in_dim3A_13 = vector.shape_cast %reduce_sum3A_12 : vector<128xf32> to vector<128x1xf32>
    %add3A = vector.broadcast %broadcast_in_dim3A_13 : vector<128x1xf32> to vector<128x2048xf32>
    %add3A_14 = vector.broadcast %broadcast_in_dim3A : vector<1x2048xf32> to vector<128x2048xf32>
    %add3A_15 = arith.addf %add3A, %add3A_14 : vector<128x2048xf32>
    %dot_general3A = arith.constant dense<0.000000e+00> : vector<128x2048xf32>
    %dot_general3A_16 = tpu.matmul %get3A_3, %get3A_8, %dot_general3A {dimension_numbers = #tpu.dot_dimension_numbers<[1], [0], [0], [1], [0, 0, 1, 1], [], []>, transpose_lhs_hint = false} : vector<128x3xf32>, vector<3x2048xf32>, vector<128x2048xf32> -> vector<128x2048xf32>
    %mul3A_17 = arith.constant 2.000000e+00 : f32
    %mul3A_18 = vector.broadcast %mul3A_17 : f32 to vector<128x2048xf32>
    %mul3A_19 = arith.mulf %mul3A_18, %dot_general3A_16 : vector<128x2048xf32>
    %sub3A = arith.subf %add3A_15, %mul3A_19 : vector<128x2048xf32>
    %swap3A = arith.constant 0 : index
    %swap3A_20 = arith.constant 0 : index
    %swap3A_21 = vector.load %arg5[%swap3A, %swap3A_20] : memref<128x2048xf32, #tpu.memory_space<vmem>>, vector<128x2048xf32>
    tpu.vector_store %arg5[%swap3A, %swap3A_20], %sub3A {strides = array<i32>} : memref<128x2048xf32, #tpu.memory_space<vmem>>, vector<128x2048xf32>,
    %iota3A = tpu.iota {dimensions = array<i32: 1>} : vector<128x2048xi32>
    %mul3A_22 = arith.constant 2048 : i32
    %mul3A_23 = arith.muli %arg0, %mul3A_22 : i32
    %get3A_24 = arith.constant 0 : index
    %get3A_25 = arith.constant 0 : index
    %get3A_26 = vector.load %arg5[%get3A_24, %get3A_25] : memref<128x2048xf32, #tpu.memory_space<vmem>>, vector<128x2048xf32>
    %argmin3A = tpu.reduce_index %get3A_26 {axis = 1 : i32, kind = #tpu.reduction_kind<arg_min>} : vector<128x2048xf32> -> vector<128xi32>
    %broadcast_in_dim3A_27 = vector.shape_cast %argmin3A : vector<128xi32> to vector<128x1xi32>
    %eq3A = vector.broadcast %broadcast_in_dim3A_27 : vector<128x1xi32> to vector<128x2048xi32>
    %eq3A_28 = arith.cmpi eq, %iota3A, %eq3A : vector<128x2048xi32>
    %jit3A = arith.constant 0x7F800000 : f32
    %broadcast_in_dim3A_29 = vector.broadcast %jit3A : f32 to vector<128x2048xf32>
    %select_n3A = arith.select %eq3A_28, %broadcast_in_dim3A_29, %get3A_26 : vector<128x2048xi1>, vector<128x2048xf32>
    %swap3A_30 = arith.constant 0 : index
    %swap3A_31 = arith.constant 0 : index
    %swap3A_32 = vector.load %arg5[%swap3A_30, %swap3A_31] : memref<128x2048xf32, #tpu.memory_space<vmem>>, vector<128x2048xf32>
    tpu.vector_store %arg5[%swap3A_30, %swap3A_31], %select_n3A {strides = array<i32>} : memref<128x2048xf32, #tpu.memory_space<vmem>>, vector<128x2048xf32>,
    %add3A_33 = vector.broadcast %mul3A_23 : i32 to vector<128x1xi32>
    %add3A_34 = arith.addi %broadcast_in_dim3A_27, %add3A_33 : vector<128x1xi32>
    %swap3A_35 = arith.constant 0 : index
    %swap3A_36 = arith.constant 0 : index
    %swap3A_37 = arith.constant 0 : index
    %swap3A_38 = vector.load %arg4[%swap3A_35, %swap3A_36, %swap3A_37] : memref<1x128x16xi32, #tpu.memory_space<vmem>>, vector<1x128x1xi32>
    %swap3A_39 = vector.shape_cast %swap3A_38 : vector<1x128x1xi32> to vector<128x1xi32>
    %swap3A_40 = vector.shape_cast %add3A_34 : vector<128x1xi32> to vector<1x128x1xi32>
    tpu.vector_store %arg4[%swap3A_35, %swap3A_36, %swap3A_37], %swap3A_40 {strides = array<i32>} : memref<1x128x16xi32, #tpu.memory_space<vmem>>, vector<1x128x1xi32>,
    %get3A_41 = arith.constant 0 : index
    %get3A_42 = arith.constant 0 : index
    %get3A_43 = vector.load %arg5[%get3A_41, %get3A_42] : memref<128x2048xf32, #tpu.memory_space<vmem>>, vector<128x2048xf32>
    %argmin3A_44 = tpu.reduce_index %get3A_43 {axis = 1 : i32, kind = #tpu.reduction_kind<arg_min>} : vector<128x2048xf32> -> vector<128xi32>
    %broadcast_in_dim3A_45 = vector.shape_cast %argmin3A_44 : vector<128xi32> to vector<128x1xi32>
    %eq3A_46 = vector.broadcast %broadcast_in_dim3A_45 : vector<128x1xi32> to vector<128x2048xi32>
    %eq3A_47 = arith.cmpi eq, %iota3A, %eq3A_46 : vector<128x2048xi32>
    %jit3A_48 = arith.constant 0x7F800000 : f32
    %broadcast_in_dim3A_49 = vector.broadcast %jit3A_48 : f32 to vector<128x2048xf32>
    %select_n3A_50 = arith.select %eq3A_47, %broadcast_in_dim3A_49, %get3A_43 : vector<128x2048xi1>, vector<128x2048xf32>
    %swap3A_51 = arith.constant 0 : index
    %swap3A_52 = arith.constant 0 : index
    %swap3A_53 = vector.load %arg5[%swap3A_51, %swap3A_52] : memref<128x2048xf32, #tpu.memory_space<vmem>>, vector<128x2048xf32>
    tpu.vector_store %arg5[%swap3A_51, %swap3A_52], %select_n3A_50 {strides = array<i32>} : memref<128x2048xf32, #tpu.memory_space<vmem>>, vector<128x2048xf32>,
    %add3A_54 = vector.broadcast %mul3A_23 : i32 to vector<128x1xi32>
    %add3A_55 = arith.addi %broadcast_in_dim3A_45, %add3A_54 : vector<128x1xi32>
    %swap3A_56 = arith.constant 0 : index
    %swap3A_57 = arith.constant 0 : index
    %swap3A_58 = arith.constant 1 : index
    %swap3A_59 = vector.load %arg4[%swap3A_56, %swap3A_57, %swap3A_58] : memref<1x128x16xi32, #tpu.memory_space<vmem>>, vector<1x128x1xi32>
    %swap3A_60 = vector.shape_cast %swap3A_59 : vector<1x128x1xi32> to vector<128x1xi32>
    %swap3A_61 = vector.shape_cast %add3A_55 : vector<128x1xi32> to vector<1x128x1xi32>
    tpu.vector_store %arg4[%swap3A_56, %swap3A_57, %swap3A_58], %swap3A_61 {strides = array<i32>} : memref<1x128x16xi32, #tpu.memory_space<vmem>>, vector<1x128x1xi32>,
    %get3A_62 = arith.constant 0 : index
    %get3A_63 = arith.constant 0 : index
    %get3A_64 = vector.load %arg5[%get3A_62, %get3A_63] : memref<128x2048xf32, #tpu.memory_space<vmem>>, vector<128x2048xf32>
    %argmin3A_65 = tpu.reduce_index %get3A_64 {axis = 1 : i32, kind = #tpu.reduction_kind<arg_min>} : vector<128x2048xf32> -> vector<128xi32>
    %broadcast_in_dim3A_66 = vector.shape_cast %argmin3A_65 : vector<128xi32> to vector<128x1xi32>
    %eq3A_67 = vector.broadcast %broadcast_in_dim3A_66 : vector<128x1xi32> to vector<128x2048xi32>
    %eq3A_68 = arith.cmpi eq, %iota3A, %eq3A_67 : vector<128x2048xi32>
    %jit3A_69 = arith.constant 0x7F800000 : f32
    %broadcast_in_dim3A_70 = vector.broadcast %jit3A_69 : f32 to vector<128x2048xf32>
    %select_n3A_71 = arith.select %eq3A_68, %broadcast_in_dim3A_70, %get3A_64 : vector<128x2048xi1>, vector<128x2048xf32>
    %swap3A_72 = arith.constant 0 : index
    %swap3A_73 = arith.constant 0 : index
    %swap3A_74 = vector.load %arg5[%swap3A_72, %swap3A_73] : memref<128x2048xf32, #tpu.memory_space<vmem>>, vector<128x2048xf32>
    tpu.vector_store %arg5[%swap3A_72, %swap3A_73], %select_n3A_71 {strides = array<i32>} : memref<128x2048xf32, #tpu.memory_space<vmem>>, vector<128x2048xf32>,
    %add3A_75 = vector.broadcast %mul3A_23 : i32 to vector<128x1xi32>
    %add3A_76 = arith.addi %broadcast_in_dim3A_66, %add3A_75 : vector<128x1xi32>
    %swap3A_77 = arith.constant 0 : index
    %swap3A_78 = arith.constant 0 : index
    %swap3A_79 = arith.constant 2 : index
    %swap3A_80 = vector.load %arg4[%swap3A_77, %swap3A_78, %swap3A_79] : memref<1x128x16xi32, #tpu.memory_space<vmem>>, vector<1x128x1xi32>
    %swap3A_81 = vector.shape_cast %swap3A_80 : vector<1x128x1xi32> to vector<128x1xi32>
    %swap3A_82 = vector.shape_cast %add3A_76 : vector<128x1xi32> to vector<1x128x1xi32>
    tpu.vector_store %arg4[%swap3A_77, %swap3A_78, %swap3A_79], %swap3A_82 {strides = array<i32>} : memref<1x128x16xi32, #tpu.memory_space<vmem>>, vector<1x128x1xi32>,
    %get3A_83 = arith.constant 0 : index
    %get3A_84 = arith.constant 0 : index
    %get3A_85 = vector.load %arg5[%get3A_83, %get3A_84] : memref<128x2048xf32, #tpu.memory_space<vmem>>, vector<128x2048xf32>
    %argmin3A_86 = tpu.reduce_index %get3A_85 {axis = 1 : i32, kind = #tpu.reduction_kind<arg_min>} : vector<128x2048xf32> -> vector<128xi32>
    %broadcast_in_dim3A_87 = vector.shape_cast %argmin3A_86 : vector<128xi32> to vector<128x1xi32>
    %eq3A_88 = vector.broadcast %broadcast_in_dim3A_87 : vector<128x1xi32> to vector<128x2048xi32>
    %eq3A_89 = arith.cmpi eq, %iota3A, %eq3A_88 : vector<128x2048xi32>
    %jit3A_90 = arith.constant 0x7F800000 : f32
    %broadcast_in_dim3A_91 = vector.broadcast %jit3A_90 : f32 to vector<128x2048xf32>
    %select_n3A_92 = arith.select %eq3A_89, %broadcast_in_dim3A_91, %get3A_85 : vector<128x2048xi1>, vector<128x2048xf32>
    %swap3A_93 = arith.constant 0 : index
    %swap3A_94 = arith.constant 0 : index
    %swap3A_95 = vector.load %arg5[%swap3A_93, %swap3A_94] : memref<128x2048xf32, #tpu.memory_space<vmem>>, vector<128x2048xf32>
    tpu.vector_store %arg5[%swap3A_93, %swap3A_94], %select_n3A_92 {strides = array<i32>} : memref<128x2048xf32, #tpu.memory_space<vmem>>, vector<128x2048xf32>,
    %add3A_96 = vector.broadcast %mul3A_23 : i32 to vector<128x1xi32>
    %add3A_97 = arith.addi %broadcast_in_dim3A_87, %add3A_96 : vector<128x1xi32>
    %swap3A_98 = arith.constant 0 : index
    %swap3A_99 = arith.constant 0 : index
    %swap3A_100 = arith.constant 3 : index
    %swap3A_101 = vector.load %arg4[%swap3A_98, %swap3A_99, %swap3A_100] : memref<1x128x16xi32, #tpu.memory_space<vmem>>, vector<1x128x1xi32>
    %swap3A_102 = vector.shape_cast %swap3A_101 : vector<1x128x1xi32> to vector<128x1xi32>
    %swap3A_103 = vector.shape_cast %add3A_97 : vector<128x1xi32> to vector<1x128x1xi32>
    tpu.vector_store %arg4[%swap3A_98, %swap3A_99, %swap3A_100], %swap3A_103 {strides = array<i32>} : memref<1x128x16xi32, #tpu.memory_space<vmem>>, vector<1x128x1xi32>,
    %get3A_104 = arith.constant 0 : index
    %get3A_105 = arith.constant 0 : index
    %get3A_106 = vector.load %arg5[%get3A_104, %get3A_105] : memref<128x2048xf32, #tpu.memory_space<vmem>>, vector<128x2048xf32>
    %argmin3A_107 = tpu.reduce_index %get3A_106 {axis = 1 : i32, kind = #tpu.reduction_kind<arg_min>} : vector<128x2048xf32> -> vector<128xi32>
    %broadcast_in_dim3A_108 = vector.shape_cast %argmin3A_107 : vector<128xi32> to vector<128x1xi32>
    %eq3A_109 = vector.broadcast %broadcast_in_dim3A_108 : vector<128x1xi32> to vector<128x2048xi32>
    %eq3A_110 = arith.cmpi eq, %iota3A, %eq3A_109 : vector<128x2048xi32>
    %jit3A_111 = arith.constant 0x7F800000 : f32
    %broadcast_in_dim3A_112 = vector.broadcast %jit3A_111 : f32 to vector<128x2048xf32>
    %select_n3A_113 = arith.select %eq3A_110, %broadcast_in_dim3A_112, %get3A_106 : vector<128x2048xi1>, vector<128x2048xf32>
    %swap3A_114 = arith.constant 0 : index
    %swap3A_115 = arith.constant 0 : index
    %swap3A_116 = vector.load %arg5[%swap3A_114, %swap3A_115] : memref<128x2048xf32, #tpu.memory_space<vmem>>, vector<128x2048xf32>
    tpu.vector_store %arg5[%swap3A_114, %swap3A_115], %select_n3A_113 {strides = array<i32>} : memref<128x2048xf32, #tpu.memory_space<vmem>>, vector<128x2048xf32>,
    %add3A_117 = vector.broadcast %mul3A_23 : i32 to vector<128x1xi32>
    %add3A_118 = arith.addi %broadcast_in_dim3A_108, %add3A_117 : vector<128x1xi32>
    %swap3A_119 = arith.constant 0 : index
    %swap3A_120 = arith.constant 0 : index
    %swap3A_121 = arith.constant 4 : index
    %swap3A_122 = vector.load %arg4[%swap3A_119, %swap3A_120, %swap3A_121] : memref<1x128x16xi32, #tpu.memory_space<vmem>>, vector<1x128x1xi32>
    %swap3A_123 = vector.shape_cast %swap3A_122 : vector<1x128x1xi32> to vector<128x1xi32>
    %swap3A_124 = vector.shape_cast %add3A_118 : vector<128x1xi32> to vector<1x128x1xi32>
    tpu.vector_store %arg4[%swap3A_119, %swap3A_120, %swap3A_121], %swap3A_124 {strides = array<i32>} : memref<1x128x16xi32, #tpu.memory_space<vmem>>, vector<1x128x1xi32>,
    %get3A_125 = arith.constant 0 : index
    %get3A_126 = arith.constant 0 : index
    %get3A_127 = vector.load %arg5[%get3A_125, %get3A_126] : memref<128x2048xf32, #tpu.memory_space<vmem>>, vector<128x2048xf32>
    %argmin3A_128 = tpu.reduce_index %get3A_127 {axis = 1 : i32, kind = #tpu.reduction_kind<arg_min>} : vector<128x2048xf32> -> vector<128xi32>
    %broadcast_in_dim3A_129 = vector.shape_cast %argmin3A_128 : vector<128xi32> to vector<128x1xi32>
    %eq3A_130 = vector.broadcast %broadcast_in_dim3A_129 : vector<128x1xi32> to vector<128x2048xi32>
    %eq3A_131 = arith.cmpi eq, %iota3A, %eq3A_130 : vector<128x2048xi32>
    %jit3A_132 = arith.constant 0x7F800000 : f32
    %broadcast_in_dim3A_133 = vector.broadcast %jit3A_132 : f32 to vector<128x2048xf32>
    %select_n3A_134 = arith.select %eq3A_131, %broadcast_in_dim3A_133, %get3A_127 : vector<128x2048xi1>, vector<128x2048xf32>
    %swap3A_135 = arith.constant 0 : index
    %swap3A_136 = arith.constant 0 : index
    %swap3A_137 = vector.load %arg5[%swap3A_135, %swap3A_136] : memref<128x2048xf32, #tpu.memory_space<vmem>>, vector<128x2048xf32>
    tpu.vector_store %arg5[%swap3A_135, %swap3A_136], %select_n3A_134 {strides = array<i32>} : memref<128x2048xf32, #tpu.memory_space<vmem>>, vector<128x2048xf32>,
    %add3A_138 = vector.broadcast %mul3A_23 : i32 to vector<128x1xi32>
    %add3A_139 = arith.addi %broadcast_in_dim3A_129, %add3A_138 : vector<128x1xi32>
    %swap3A_140 = arith.constant 0 : index
    %swap3A_141 = arith.constant 0 : index
    %swap3A_142 = arith.constant 5 : index
    %swap3A_143 = vector.load %arg4[%swap3A_140, %swap3A_141, %swap3A_142] : memref<1x128x16xi32, #tpu.memory_space<vmem>>, vector<1x128x1xi32>
    %swap3A_144 = vector.shape_cast %swap3A_143 : vector<1x128x1xi32> to vector<128x1xi32>
    %swap3A_145 = vector.shape_cast %add3A_139 : vector<128x1xi32> to vector<1x128x1xi32>
    tpu.vector_store %arg4[%swap3A_140, %swap3A_141, %swap3A_142], %swap3A_145 {strides = array<i32>} : memref<1x128x16xi32, #tpu.memory_space<vmem>>, vector<1x128x1xi32>,
    %get3A_146 = arith.constant 0 : index
    %get3A_147 = arith.constant 0 : index
    %get3A_148 = vector.load %arg5[%get3A_146, %get3A_147] : memref<128x2048xf32, #tpu.memory_space<vmem>>, vector<128x2048xf32>
    %argmin3A_149 = tpu.reduce_index %get3A_148 {axis = 1 : i32, kind = #tpu.reduction_kind<arg_min>} : vector<128x2048xf32> -> vector<128xi32>
    %broadcast_in_dim3A_150 = vector.shape_cast %argmin3A_149 : vector<128xi32> to vector<128x1xi32>
    %eq3A_151 = vector.broadcast %broadcast_in_dim3A_150 : vector<128x1xi32> to vector<128x2048xi32>
    %eq3A_152 = arith.cmpi eq, %iota3A, %eq3A_151 : vector<128x2048xi32>
    %jit3A_153 = arith.constant 0x7F800000 : f32
    %broadcast_in_dim3A_154 = vector.broadcast %jit3A_153 : f32 to vector<128x2048xf32>
    %select_n3A_155 = arith.select %eq3A_152, %broadcast_in_dim3A_154, %get3A_148 : vector<128x2048xi1>, vector<128x2048xf32>
    %swap3A_156 = arith.constant 0 : index
    %swap3A_157 = arith.constant 0 : index
    %swap3A_158 = vector.load %arg5[%swap3A_156, %swap3A_157] : memref<128x2048xf32, #tpu.memory_space<vmem>>, vector<128x2048xf32>
    tpu.vector_store %arg5[%swap3A_156, %swap3A_157], %select_n3A_155 {strides = array<i32>} : memref<128x2048xf32, #tpu.memory_space<vmem>>, vector<128x2048xf32>,
    %add3A_159 = vector.broadcast %mul3A_23 : i32 to vector<128x1xi32>
    %add3A_160 = arith.addi %broadcast_in_dim3A_150, %add3A_159 : vector<128x1xi32>
    %swap3A_161 = arith.constant 0 : index
    %swap3A_162 = arith.constant 0 : index
    %swap3A_163 = arith.constant 6 : index
    %swap3A_164 = vector.load %arg4[%swap3A_161, %swap3A_162, %swap3A_163] : memref<1x128x16xi32, #tpu.memory_space<vmem>>, vector<1x128x1xi32>
    %swap3A_165 = vector.shape_cast %swap3A_164 : vector<1x128x1xi32> to vector<128x1xi32>
    %swap3A_166 = vector.shape_cast %add3A_160 : vector<128x1xi32> to vector<1x128x1xi32>
    tpu.vector_store %arg4[%swap3A_161, %swap3A_162, %swap3A_163], %swap3A_166 {strides = array<i32>} : memref<1x128x16xi32, #tpu.memory_space<vmem>>, vector<1x128x1xi32>,
    %get3A_167 = arith.constant 0 : index
    %get3A_168 = arith.constant 0 : index
    %get3A_169 = vector.load %arg5[%get3A_167, %get3A_168] : memref<128x2048xf32, #tpu.memory_space<vmem>>, vector<128x2048xf32>
    %argmin3A_170 = tpu.reduce_index %get3A_169 {axis = 1 : i32, kind = #tpu.reduction_kind<arg_min>} : vector<128x2048xf32> -> vector<128xi32>
    %broadcast_in_dim3A_171 = vector.shape_cast %argmin3A_170 : vector<128xi32> to vector<128x1xi32>
    %eq3A_172 = vector.broadcast %broadcast_in_dim3A_171 : vector<128x1xi32> to vector<128x2048xi32>
    %eq3A_173 = arith.cmpi eq, %iota3A, %eq3A_172 : vector<128x2048xi32>
    %jit3A_174 = arith.constant 0x7F800000 : f32
    %broadcast_in_dim3A_175 = vector.broadcast %jit3A_174 : f32 to vector<128x2048xf32>
    %select_n3A_176 = arith.select %eq3A_173, %broadcast_in_dim3A_175, %get3A_169 : vector<128x2048xi1>, vector<128x2048xf32>
    %swap3A_177 = arith.constant 0 : index
    %swap3A_178 = arith.constant 0 : index
    %swap3A_179 = vector.load %arg5[%swap3A_177, %swap3A_178] : memref<128x2048xf32, #tpu.memory_space<vmem>>, vector<128x2048xf32>
    tpu.vector_store %arg5[%swap3A_177, %swap3A_178], %select_n3A_176 {strides = array<i32>} : memref<128x2048xf32, #tpu.memory_space<vmem>>, vector<128x2048xf32>,
    %add3A_180 = vector.broadcast %mul3A_23 : i32 to vector<128x1xi32>
    %add3A_181 = arith.addi %broadcast_in_dim3A_171, %add3A_180 : vector<128x1xi32>
    %swap3A_182 = arith.constant 0 : index
    %swap3A_183 = arith.constant 0 : index
    %swap3A_184 = arith.constant 7 : index
    %swap3A_185 = vector.load %arg4[%swap3A_182, %swap3A_183, %swap3A_184] : memref<1x128x16xi32, #tpu.memory_space<vmem>>, vector<1x128x1xi32>
    %swap3A_186 = vector.shape_cast %swap3A_185 : vector<1x128x1xi32> to vector<128x1xi32>
    %swap3A_187 = vector.shape_cast %add3A_181 : vector<128x1xi32> to vector<1x128x1xi32>
    tpu.vector_store %arg4[%swap3A_182, %swap3A_183, %swap3A_184], %swap3A_187 {strides = array<i32>} : memref<1x128x16xi32, #tpu.memory_space<vmem>>, vector<1x128x1xi32>,
    %get3A_188 = arith.constant 0 : index
    %get3A_189 = arith.constant 0 : index
    %get3A_190 = vector.load %arg5[%get3A_188, %get3A_189] : memref<128x2048xf32, #tpu.memory_space<vmem>>, vector<128x2048xf32>
    %argmin3A_191 = tpu.reduce_index %get3A_190 {axis = 1 : i32, kind = #tpu.reduction_kind<arg_min>} : vector<128x2048xf32> -> vector<128xi32>
    %broadcast_in_dim3A_192 = vector.shape_cast %argmin3A_191 : vector<128xi32> to vector<128x1xi32>
    %eq3A_193 = vector.broadcast %broadcast_in_dim3A_192 : vector<128x1xi32> to vector<128x2048xi32>
    %eq3A_194 = arith.cmpi eq, %iota3A, %eq3A_193 : vector<128x2048xi32>
    %jit3A_195 = arith.constant 0x7F800000 : f32
    %broadcast_in_dim3A_196 = vector.broadcast %jit3A_195 : f32 to vector<128x2048xf32>
    %select_n3A_197 = arith.select %eq3A_194, %broadcast_in_dim3A_196, %get3A_190 : vector<128x2048xi1>, vector<128x2048xf32>
    %swap3A_198 = arith.constant 0 : index
    %swap3A_199 = arith.constant 0 : index
    %swap3A_200 = vector.load %arg5[%swap3A_198, %swap3A_199] : memref<128x2048xf32, #tpu.memory_space<vmem>>, vector<128x2048xf32>
    tpu.vector_store %arg5[%swap3A_198, %swap3A_199], %select_n3A_197 {strides = array<i32>} : memref<128x2048xf32, #tpu.memory_space<vmem>>, vector<128x2048xf32>,
    %add3A_201 = vector.broadcast %mul3A_23 : i32 to vector<128x1xi32>
    %add3A_202 = arith.addi %broadcast_in_dim3A_192, %add3A_201 : vector<128x1xi32>
    %swap3A_203 = arith.constant 0 : index
    %swap3A_204 = arith.constant 0 : index
    %swap3A_205 = arith.constant 8 : index
    %swap3A_206 = vector.load %arg4[%swap3A_203, %swap3A_204, %swap3A_205] : memref<1x128x16xi32, #tpu.memory_space<vmem>>, vector<1x128x1xi32>
    %swap3A_207 = vector.shape_cast %swap3A_206 : vector<1x128x1xi32> to vector<128x1xi32>
    %swap3A_208 = vector.shape_cast %add3A_202 : vector<128x1xi32> to vector<1x128x1xi32>
    tpu.vector_store %arg4[%swap3A_203, %swap3A_204, %swap3A_205], %swap3A_208 {strides = array<i32>} : memref<1x128x16xi32, #tpu.memory_space<vmem>>, vector<1x128x1xi32>,
    %get3A_209 = arith.constant 0 : index
    %get3A_210 = arith.constant 0 : index
    %get3A_211 = vector.load %arg5[%get3A_209, %get3A_210] : memref<128x2048xf32, #tpu.memory_space<vmem>>, vector<128x2048xf32>
    %argmin3A_212 = tpu.reduce_index %get3A_211 {axis = 1 : i32, kind = #tpu.reduction_kind<arg_min>} : vector<128x2048xf32> -> vector<128xi32>
    %broadcast_in_dim3A_213 = vector.shape_cast %argmin3A_212 : vector<128xi32> to vector<128x1xi32>
    %eq3A_214 = vector.broadcast %broadcast_in_dim3A_213 : vector<128x1xi32> to vector<128x2048xi32>
    %eq3A_215 = arith.cmpi eq, %iota3A, %eq3A_214 : vector<128x2048xi32>
    %jit3A_216 = arith.constant 0x7F800000 : f32
    %broadcast_in_dim3A_217 = vector.broadcast %jit3A_216 : f32 to vector<128x2048xf32>
    %select_n3A_218 = arith.select %eq3A_215, %broadcast_in_dim3A_217, %get3A_211 : vector<128x2048xi1>, vector<128x2048xf32>
    %swap3A_219 = arith.constant 0 : index
    %swap3A_220 = arith.constant 0 : index
    %swap3A_221 = vector.load %arg5[%swap3A_219, %swap3A_220] : memref<128x2048xf32, #tpu.memory_space<vmem>>, vector<128x2048xf32>
    tpu.vector_store %arg5[%swap3A_219, %swap3A_220], %select_n3A_218 {strides = array<i32>} : memref<128x2048xf32, #tpu.memory_space<vmem>>, vector<128x2048xf32>,
    %add3A_222 = vector.broadcast %mul3A_23 : i32 to vector<128x1xi32>
    %add3A_223 = arith.addi %broadcast_in_dim3A_213, %add3A_222 : vector<128x1xi32>
    %swap3A_224 = arith.constant 0 : index
    %swap3A_225 = arith.constant 0 : index
    %swap3A_226 = arith.constant 9 : index
    %swap3A_227 = vector.load %arg4[%swap3A_224, %swap3A_225, %swap3A_226] : memref<1x128x16xi32, #tpu.memory_space<vmem>>, vector<1x128x1xi32>
    %swap3A_228 = vector.shape_cast %swap3A_227 : vector<1x128x1xi32> to vector<128x1xi32>
    %swap3A_229 = vector.shape_cast %add3A_223 : vector<128x1xi32> to vector<1x128x1xi32>
    tpu.vector_store %arg4[%swap3A_224, %swap3A_225, %swap3A_226], %swap3A_229 {strides = array<i32>} : memref<1x128x16xi32, #tpu.memory_space<vmem>>, vector<1x128x1xi32>,
    %get3A_230 = arith.constant 0 : index
    %get3A_231 = arith.constant 0 : index
    %get3A_232 = vector.load %arg5[%get3A_230, %get3A_231] : memref<128x2048xf32, #tpu.memory_space<vmem>>, vector<128x2048xf32>
    %argmin3A_233 = tpu.reduce_index %get3A_232 {axis = 1 : i32, kind = #tpu.reduction_kind<arg_min>} : vector<128x2048xf32> -> vector<128xi32>
    %broadcast_in_dim3A_234 = vector.shape_cast %argmin3A_233 : vector<128xi32> to vector<128x1xi32>
    %eq3A_235 = vector.broadcast %broadcast_in_dim3A_234 : vector<128x1xi32> to vector<128x2048xi32>
    %eq3A_236 = arith.cmpi eq, %iota3A, %eq3A_235 : vector<128x2048xi32>
    %jit3A_237 = arith.constant 0x7F800000 : f32
    %broadcast_in_dim3A_238 = vector.broadcast %jit3A_237 : f32 to vector<128x2048xf32>
    %select_n3A_239 = arith.select %eq3A_236, %broadcast_in_dim3A_238, %get3A_232 : vector<128x2048xi1>, vector<128x2048xf32>
    %swap3A_240 = arith.constant 0 : index
    %swap3A_241 = arith.constant 0 : index
    %swap3A_242 = vector.load %arg5[%swap3A_240, %swap3A_241] : memref<128x2048xf32, #tpu.memory_space<vmem>>, vector<128x2048xf32>
    tpu.vector_store %arg5[%swap3A_240, %swap3A_241], %select_n3A_239 {strides = array<i32>} : memref<128x2048xf32, #tpu.memory_space<vmem>>, vector<128x2048xf32>,
    %add3A_243 = vector.broadcast %mul3A_23 : i32 to vector<128x1xi32>
    %add3A_244 = arith.addi %broadcast_in_dim3A_234, %add3A_243 : vector<128x1xi32>
    %swap3A_245 = arith.constant 0 : index
    %swap3A_246 = arith.constant 0 : index
    %swap3A_247 = arith.constant 10 : index
    %swap3A_248 = vector.load %arg4[%swap3A_245, %swap3A_246, %swap3A_247] : memref<1x128x16xi32, #tpu.memory_space<vmem>>, vector<1x128x1xi32>
    %swap3A_249 = vector.shape_cast %swap3A_248 : vector<1x128x1xi32> to vector<128x1xi32>
    %swap3A_250 = vector.shape_cast %add3A_244 : vector<128x1xi32> to vector<1x128x1xi32>
    tpu.vector_store %arg4[%swap3A_245, %swap3A_246, %swap3A_247], %swap3A_250 {strides = array<i32>} : memref<1x128x16xi32, #tpu.memory_space<vmem>>, vector<1x128x1xi32>,
    %get3A_251 = arith.constant 0 : index
    %get3A_252 = arith.constant 0 : index
    %get3A_253 = vector.load %arg5[%get3A_251, %get3A_252] : memref<128x2048xf32, #tpu.memory_space<vmem>>, vector<128x2048xf32>
    %argmin3A_254 = tpu.reduce_index %get3A_253 {axis = 1 : i32, kind = #tpu.reduction_kind<arg_min>} : vector<128x2048xf32> -> vector<128xi32>
    %broadcast_in_dim3A_255 = vector.shape_cast %argmin3A_254 : vector<128xi32> to vector<128x1xi32>
    %eq3A_256 = vector.broadcast %broadcast_in_dim3A_255 : vector<128x1xi32> to vector<128x2048xi32>
    %eq3A_257 = arith.cmpi eq, %iota3A, %eq3A_256 : vector<128x2048xi32>
    %jit3A_258 = arith.constant 0x7F800000 : f32
    %broadcast_in_dim3A_259 = vector.broadcast %jit3A_258 : f32 to vector<128x2048xf32>
    %select_n3A_260 = arith.select %eq3A_257, %broadcast_in_dim3A_259, %get3A_253 : vector<128x2048xi1>, vector<128x2048xf32>
    %swap3A_261 = arith.constant 0 : index
    %swap3A_262 = arith.constant 0 : index
    %swap3A_263 = vector.load %arg5[%swap3A_261, %swap3A_262] : memref<128x2048xf32, #tpu.memory_space<vmem>>, vector<128x2048xf32>
    tpu.vector_store %arg5[%swap3A_261, %swap3A_262], %select_n3A_260 {strides = array<i32>} : memref<128x2048xf32, #tpu.memory_space<vmem>>, vector<128x2048xf32>,
    %add3A_264 = vector.broadcast %mul3A_23 : i32 to vector<128x1xi32>
    %add3A_265 = arith.addi %broadcast_in_dim3A_255, %add3A_264 : vector<128x1xi32>
    %swap3A_266 = arith.constant 0 : index
    %swap3A_267 = arith.constant 0 : index
    %swap3A_268 = arith.constant 11 : index
    %swap3A_269 = vector.load %arg4[%swap3A_266, %swap3A_267, %swap3A_268] : memref<1x128x16xi32, #tpu.memory_space<vmem>>, vector<1x128x1xi32>
    %swap3A_270 = vector.shape_cast %swap3A_269 : vector<1x128x1xi32> to vector<128x1xi32>
    %swap3A_271 = vector.shape_cast %add3A_265 : vector<128x1xi32> to vector<1x128x1xi32>
    tpu.vector_store %arg4[%swap3A_266, %swap3A_267, %swap3A_268], %swap3A_271 {strides = array<i32>} : memref<1x128x16xi32, #tpu.memory_space<vmem>>, vector<1x128x1xi32>,
    %get3A_272 = arith.constant 0 : index
    %get3A_273 = arith.constant 0 : index
    %get3A_274 = vector.load %arg5[%get3A_272, %get3A_273] : memref<128x2048xf32, #tpu.memory_space<vmem>>, vector<128x2048xf32>
    %argmin3A_275 = tpu.reduce_index %get3A_274 {axis = 1 : i32, kind = #tpu.reduction_kind<arg_min>} : vector<128x2048xf32> -> vector<128xi32>
    %broadcast_in_dim3A_276 = vector.shape_cast %argmin3A_275 : vector<128xi32> to vector<128x1xi32>
    %eq3A_277 = vector.broadcast %broadcast_in_dim3A_276 : vector<128x1xi32> to vector<128x2048xi32>
    %eq3A_278 = arith.cmpi eq, %iota3A, %eq3A_277 : vector<128x2048xi32>
    %jit3A_279 = arith.constant 0x7F800000 : f32
    %broadcast_in_dim3A_280 = vector.broadcast %jit3A_279 : f32 to vector<128x2048xf32>
    %select_n3A_281 = arith.select %eq3A_278, %broadcast_in_dim3A_280, %get3A_274 : vector<128x2048xi1>, vector<128x2048xf32>
    %swap3A_282 = arith.constant 0 : index
    %swap3A_283 = arith.constant 0 : index
    %swap3A_284 = vector.load %arg5[%swap3A_282, %swap3A_283] : memref<128x2048xf32, #tpu.memory_space<vmem>>, vector<128x2048xf32>
    tpu.vector_store %arg5[%swap3A_282, %swap3A_283], %select_n3A_281 {strides = array<i32>} : memref<128x2048xf32, #tpu.memory_space<vmem>>, vector<128x2048xf32>,
    %add3A_285 = vector.broadcast %mul3A_23 : i32 to vector<128x1xi32>
    %add3A_286 = arith.addi %broadcast_in_dim3A_276, %add3A_285 : vector<128x1xi32>
    %swap3A_287 = arith.constant 0 : index
    %swap3A_288 = arith.constant 0 : index
    %swap3A_289 = arith.constant 12 : index
    %swap3A_290 = vector.load %arg4[%swap3A_287, %swap3A_288, %swap3A_289] : memref<1x128x16xi32, #tpu.memory_space<vmem>>, vector<1x128x1xi32>
    %swap3A_291 = vector.shape_cast %swap3A_290 : vector<1x128x1xi32> to vector<128x1xi32>
    %swap3A_292 = vector.shape_cast %add3A_286 : vector<128x1xi32> to vector<1x128x1xi32>
    tpu.vector_store %arg4[%swap3A_287, %swap3A_288, %swap3A_289], %swap3A_292 {strides = array<i32>} : memref<1x128x16xi32, #tpu.memory_space<vmem>>, vector<1x128x1xi32>,
    %get3A_293 = arith.constant 0 : index
    %get3A_294 = arith.constant 0 : index
    %get3A_295 = vector.load %arg5[%get3A_293, %get3A_294] : memref<128x2048xf32, #tpu.memory_space<vmem>>, vector<128x2048xf32>
    %argmin3A_296 = tpu.reduce_index %get3A_295 {axis = 1 : i32, kind = #tpu.reduction_kind<arg_min>} : vector<128x2048xf32> -> vector<128xi32>
    %broadcast_in_dim3A_297 = vector.shape_cast %argmin3A_296 : vector<128xi32> to vector<128x1xi32>
    %eq3A_298 = vector.broadcast %broadcast_in_dim3A_297 : vector<128x1xi32> to vector<128x2048xi32>
    %eq3A_299 = arith.cmpi eq, %iota3A, %eq3A_298 : vector<128x2048xi32>
    %jit3A_300 = arith.constant 0x7F800000 : f32
    %broadcast_in_dim3A_301 = vector.broadcast %jit3A_300 : f32 to vector<128x2048xf32>
    %select_n3A_302 = arith.select %eq3A_299, %broadcast_in_dim3A_301, %get3A_295 : vector<128x2048xi1>, vector<128x2048xf32>
    %swap3A_303 = arith.constant 0 : index
    %swap3A_304 = arith.constant 0 : index
    %swap3A_305 = vector.load %arg5[%swap3A_303, %swap3A_304] : memref<128x2048xf32, #tpu.memory_space<vmem>>, vector<128x2048xf32>
    tpu.vector_store %arg5[%swap3A_303, %swap3A_304], %select_n3A_302 {strides = array<i32>} : memref<128x2048xf32, #tpu.memory_space<vmem>>, vector<128x2048xf32>,
    %add3A_306 = vector.broadcast %mul3A_23 : i32 to vector<128x1xi32>
    %add3A_307 = arith.addi %broadcast_in_dim3A_297, %add3A_306 : vector<128x1xi32>
    %swap3A_308 = arith.constant 0 : index
    %swap3A_309 = arith.constant 0 : index
    %swap3A_310 = arith.constant 13 : index
    %swap3A_311 = vector.load %arg4[%swap3A_308, %swap3A_309, %swap3A_310] : memref<1x128x16xi32, #tpu.memory_space<vmem>>, vector<1x128x1xi32>
    %swap3A_312 = vector.shape_cast %swap3A_311 : vector<1x128x1xi32> to vector<128x1xi32>
    %swap3A_313 = vector.shape_cast %add3A_307 : vector<128x1xi32> to vector<1x128x1xi32>
    tpu.vector_store %arg4[%swap3A_308, %swap3A_309, %swap3A_310], %swap3A_313 {strides = array<i32>} : memref<1x128x16xi32, #tpu.memory_space<vmem>>, vector<1x128x1xi32>,
    %get3A_314 = arith.constant 0 : index
    %get3A_315 = arith.constant 0 : index
    %get3A_316 = vector.load %arg5[%get3A_314, %get3A_315] : memref<128x2048xf32, #tpu.memory_space<vmem>>, vector<128x2048xf32>
    %argmin3A_317 = tpu.reduce_index %get3A_316 {axis = 1 : i32, kind = #tpu.reduction_kind<arg_min>} : vector<128x2048xf32> -> vector<128xi32>
    %broadcast_in_dim3A_318 = vector.shape_cast %argmin3A_317 : vector<128xi32> to vector<128x1xi32>
    %eq3A_319 = vector.broadcast %broadcast_in_dim3A_318 : vector<128x1xi32> to vector<128x2048xi32>
    %eq3A_320 = arith.cmpi eq, %iota3A, %eq3A_319 : vector<128x2048xi32>
    %jit3A_321 = arith.constant 0x7F800000 : f32
    %broadcast_in_dim3A_322 = vector.broadcast %jit3A_321 : f32 to vector<128x2048xf32>
    %select_n3A_323 = arith.select %eq3A_320, %broadcast_in_dim3A_322, %get3A_316 : vector<128x2048xi1>, vector<128x2048xf32>
    %swap3A_324 = arith.constant 0 : index
    %swap3A_325 = arith.constant 0 : index
    %swap3A_326 = vector.load %arg5[%swap3A_324, %swap3A_325] : memref<128x2048xf32, #tpu.memory_space<vmem>>, vector<128x2048xf32>
    tpu.vector_store %arg5[%swap3A_324, %swap3A_325], %select_n3A_323 {strides = array<i32>} : memref<128x2048xf32, #tpu.memory_space<vmem>>, vector<128x2048xf32>,
    %add3A_327 = vector.broadcast %mul3A_23 : i32 to vector<128x1xi32>
    %add3A_328 = arith.addi %broadcast_in_dim3A_318, %add3A_327 : vector<128x1xi32>
    %swap3A_329 = arith.constant 0 : index
    %swap3A_330 = arith.constant 0 : index
    %swap3A_331 = arith.constant 14 : index
    %swap3A_332 = vector.load %arg4[%swap3A_329, %swap3A_330, %swap3A_331] : memref<1x128x16xi32, #tpu.memory_space<vmem>>, vector<1x128x1xi32>
    %swap3A_333 = vector.shape_cast %swap3A_332 : vector<1x128x1xi32> to vector<128x1xi32>
    %swap3A_334 = vector.shape_cast %add3A_328 : vector<128x1xi32> to vector<1x128x1xi32>
    tpu.vector_store %arg4[%swap3A_329, %swap3A_330, %swap3A_331], %swap3A_334 {strides = array<i32>} : memref<1x128x16xi32, #tpu.memory_space<vmem>>, vector<1x128x1xi32>,
    %get3A_335 = arith.constant 0 : index
    %get3A_336 = arith.constant 0 : index
    %get3A_337 = vector.load %arg5[%get3A_335, %get3A_336] : memref<128x2048xf32, #tpu.memory_space<vmem>>, vector<128x2048xf32>
    %argmin3A_338 = tpu.reduce_index %get3A_337 {axis = 1 : i32, kind = #tpu.reduction_kind<arg_min>} : vector<128x2048xf32> -> vector<128xi32>
    %broadcast_in_dim3A_339 = vector.shape_cast %argmin3A_338 : vector<128xi32> to vector<128x1xi32>
    %eq3A_340 = vector.broadcast %broadcast_in_dim3A_339 : vector<128x1xi32> to vector<128x2048xi32>
    %eq3A_341 = arith.cmpi eq, %iota3A, %eq3A_340 : vector<128x2048xi32>
    %jit3A_342 = arith.constant 0x7F800000 : f32
    %broadcast_in_dim3A_343 = vector.broadcast %jit3A_342 : f32 to vector<128x2048xf32>
    %select_n3A_344 = arith.select %eq3A_341, %broadcast_in_dim3A_343, %get3A_337 : vector<128x2048xi1>, vector<128x2048xf32>
    %swap3A_345 = arith.constant 0 : index
    %swap3A_346 = arith.constant 0 : index
    %swap3A_347 = vector.load %arg5[%swap3A_345, %swap3A_346] : memref<128x2048xf32, #tpu.memory_space<vmem>>, vector<128x2048xf32>
    tpu.vector_store %arg5[%swap3A_345, %swap3A_346], %select_n3A_344 {strides = array<i32>} : memref<128x2048xf32, #tpu.memory_space<vmem>>, vector<128x2048xf32>,
    %add3A_348 = vector.broadcast %mul3A_23 : i32 to vector<128x1xi32>
    %add3A_349 = arith.addi %broadcast_in_dim3A_339, %add3A_348 : vector<128x1xi32>
    %swap3A_350 = arith.constant 0 : index
    %swap3A_351 = arith.constant 0 : index
    %swap3A_352 = arith.constant 15 : index
    %swap3A_353 = vector.load %arg4[%swap3A_350, %swap3A_351, %swap3A_352] : memref<1x128x16xi32, #tpu.memory_space<vmem>>, vector<1x128x1xi32>
    %swap3A_354 = vector.shape_cast %swap3A_353 : vector<1x128x1xi32> to vector<128x1xi32>
    %swap3A_355 = vector.shape_cast %add3A_349 : vector<128x1xi32> to vector<1x128x1xi32>
    tpu.vector_store %arg4[%swap3A_350, %swap3A_351, %swap3A_352], %swap3A_355 {strides = array<i32>} : memref<1x128x16xi32, #tpu.memory_space<vmem>>, vector<1x128x1xi32>,
    return
  }
  func.func @transform_0(%arg0: i32, %arg1: i32) -> (i32, i32, i32) {
    %c0_i32 = arith.constant 0 : i32
    %c0_i32_0 = arith.constant 0 : i32
    return %arg0, %arg1, %c0_i32 : i32, i32, i32
  }
  func.func @transform_1(%arg0: i32, %arg1: i32) -> (i32, i32, i32) {
    %c0_i32 = arith.constant 0 : i32
    %c0_i32_0 = arith.constant 0 : i32
    %c0_i32_1 = arith.constant 0 : i32
    return %arg0, %c0_i32, %c0_i32_0 : i32, i32, i32
  }
  func.func @transform_2(%arg0: i32, %arg1: i32) -> (i32, i32, i32) {
    %c0_i32 = arith.constant 0 : i32
    %c0_i32_0 = arith.constant 0 : i32
    return %arg0, %arg1, %c0_i32 : i32, i32, i32
  }
}

module attributes {stable_mosaic.version = 14 : i64} {
  func.func @_stagec_body(%arg0: i32, %arg1: i32, %arg2: memref<1x16x128x128xf32, #tpu.memory_space<vmem>>, %arg3: memref<1x128x3xf32, #tpu.memory_space<vmem>>, %arg4: memref<3x10xf32, #tpu.memory_space<vmem>>, %arg5: memref<1x10xf32, #tpu.memory_space<vmem>>, %arg6: memref<10x20xf32, #tpu.memory_space<vmem>>, %arg7: memref<1x20xf32, #tpu.memory_space<vmem>>, %arg8: memref<640x32xf32, #tpu.memory_space<vmem>>, %arg9: memref<1x32xf32, #tpu.memory_space<vmem>>, %arg10: memref<1x128x32xf32, #tpu.memory_space<vmem>>) attributes {dimension_semantics = [#tpu.dimension_semantics<arbitrary>, #tpu.dimension_semantics<arbitrary>], iteration_bounds = array<i64: 2, 16>, scalar_prefetch = 0 : i64, scratch_operands = 0 : i64, tpu.core_type = #tpu.core_type<tc>, window_params = [{transform_indices = @transform_0, window_bounds = array<i64: 1, 16, 128, 128>}, {transform_indices = @transform_1, window_bounds = array<i64: 1, 128, 3>}, {pipeline_mode = #tpu.pipeline_mode<synchronous>, transform_indices = @transform_2, window_bounds = array<i64: 3, 10>}, {pipeline_mode = #tpu.pipeline_mode<synchronous>, transform_indices = @transform_3, window_bounds = array<i64: 1, 10>}, {pipeline_mode = #tpu.pipeline_mode<synchronous>, transform_indices = @transform_4, window_bounds = array<i64: 10, 20>}, {pipeline_mode = #tpu.pipeline_mode<synchronous>, transform_indices = @transform_5, window_bounds = array<i64: 1, 20>}, {pipeline_mode = #tpu.pipeline_mode<synchronous>, transform_indices = @transform_6, window_bounds = array<i64: 640, 32>}, {pipeline_mode = #tpu.pipeline_mode<synchronous>, transform_indices = @transform_7, window_bounds = array<i64: 1, 32>}, {transform_indices = @transform_8, window_bounds = array<i64: 1, 128, 32>}]} {
    %get3A = arith.constant 0 : index
    %get3A_0 = arith.constant 0 : index
    %get3A_1 = arith.constant 0 : index
    %get3A_2 = vector.load %arg3[%get3A, %get3A_0, %get3A_1] : memref<1x128x3xf32, #tpu.memory_space<vmem>>, vector<1x128x3xf32>
    %get3A_3 = vector.shape_cast %get3A_2 : vector<1x128x3xf32> to vector<128x3xf32>
    %get3A_4 = arith.constant 0 : index
    %get3A_5 = arith.constant 0 : index
    %get3A_6 = arith.constant 0 : index
    %get3A_7 = arith.constant 0 : index
    %get3A_8 = vector.load %arg2[%get3A_4, %get3A_5, %get3A_6, %get3A_7] : memref<1x16x128x128xf32, #tpu.memory_space<vmem>>, vector<1x16x128x128xf32>
    %get3A_9 = vector.shape_cast %get3A_8 : vector<1x16x128x128xf32> to vector<16x128x128xf32>
    %reshape3A = vector.shape_cast %get3A_9 : vector<16x128x128xf32> to vector<2048x128xf32>
    %tile3A = tpu.concatenate %get3A_3, %get3A_3, %get3A_3, %get3A_3, %get3A_3, %get3A_3, %get3A_3, %get3A_3, %get3A_3, %get3A_3, %get3A_3, %get3A_3, %get3A_3, %get3A_3, %get3A_3, %get3A_3 in 0 : vector<128x3xf32>, vector<128x3xf32>, vector<128x3xf32>, vector<128x3xf32>, vector<128x3xf32>, vector<128x3xf32>, vector<128x3xf32>, vector<128x3xf32>, vector<128x3xf32>, vector<128x3xf32>, vector<128x3xf32>, vector<128x3xf32>, vector<128x3xf32>, vector<128x3xf32>, vector<128x3xf32>, vector<128x3xf32> -> vector<2048x3xf32>
    %slice3A = vector.extract_strided_slice %reshape3A {offsets = [0, 0], sizes = [2048, 3], strides = [1, 1]} : vector<2048x128xf32> to vector<2048x3xf32>
    %sub3A = arith.subf %slice3A, %tile3A : vector<2048x3xf32>
    %get3A_10 = arith.constant 0 : index
    %get3A_11 = arith.constant 0 : index
    %get3A_12 = vector.load %arg4[%get3A_10, %get3A_11] : memref<3x10xf32, #tpu.memory_space<vmem>>, vector<3x10xf32>
    %dot_general3A = arith.constant dense<0.000000e+00> : vector<2048x10xf32>
    %dot_general3A_13 = tpu.matmul %sub3A, %get3A_12, %dot_general3A {dimension_numbers = #tpu.dot_dimension_numbers<[1], [0], [0], [1], [0, 0, 1, 1], [], []>, transpose_lhs_hint = false} : vector<2048x3xf32>, vector<3x10xf32>, vector<2048x10xf32> -> vector<2048x10xf32>
    %get3A_14 = arith.constant 0 : index
    %get3A_15 = arith.constant 0 : index
    %get3A_16 = vector.load %arg5[%get3A_14, %get3A_15] : memref<1x10xf32, #tpu.memory_space<vmem>>, vector<1x10xf32>
    %add3A = vector.broadcast %get3A_16 : vector<1x10xf32> to vector<2048x10xf32>
    %add3A_17 = arith.addf %dot_general3A_13, %add3A : vector<2048x10xf32>
    %max3A = arith.constant 0.000000e+00 : f32
    %max3A_18 = vector.broadcast %max3A : f32 to vector<2048x10xf32>
    %max3A_19 = arith.maximumf %add3A_17, %max3A_18 : vector<2048x10xf32>
    %get3A_20 = arith.constant 0 : index
    %get3A_21 = arith.constant 0 : index
    %get3A_22 = vector.load %arg6[%get3A_20, %get3A_21] : memref<10x20xf32, #tpu.memory_space<vmem>>, vector<10x20xf32>
    %dot_general3A_23 = arith.constant dense<0.000000e+00> : vector<2048x20xf32>
    %dot_general3A_24 = tpu.matmul %max3A_19, %get3A_22, %dot_general3A_23 {dimension_numbers = #tpu.dot_dimension_numbers<[1], [0], [0], [1], [0, 0, 1, 1], [], []>, transpose_lhs_hint = false} : vector<2048x10xf32>, vector<10x20xf32>, vector<2048x20xf32> -> vector<2048x20xf32>
    %get3A_25 = arith.constant 0 : index
    %get3A_26 = arith.constant 0 : index
    %get3A_27 = vector.load %arg7[%get3A_25, %get3A_26] : memref<1x20xf32, #tpu.memory_space<vmem>>, vector<1x20xf32>
    %add3A_28 = vector.broadcast %get3A_27 : vector<1x20xf32> to vector<2048x20xf32>
    %add3A_29 = arith.addf %dot_general3A_24, %add3A_28 : vector<2048x20xf32>
    %max3A_30 = arith.constant 0.000000e+00 : f32
    %max3A_31 = vector.broadcast %max3A_30 : f32 to vector<2048x20xf32>
    %max3A_32 = arith.maximumf %add3A_29, %max3A_31 : vector<2048x20xf32>
    %slice3A_33 = vector.extract_strided_slice %reshape3A {offsets = [0, 3], sizes = [2048, 32], strides = [1, 1]} : vector<2048x128xf32> to vector<2048x32xf32>
    %iota3A = tpu.iota {dimensions = array<i32: 1>} : vector<20x640xi32>
    %iota3A_34 = tpu.iota {dimensions = array<i32: 0>} : vector<20x640xi32>
    %jit3A = arith.constant 32 : i32
    %div3A = vector.broadcast %jit3A : i32 to vector<20x640xi32>
    %div3A_35 = arith.divsi %iota3A, %div3A : vector<20x640xi32>
    %sign3A = arith.constant 0 : i32
    %sign3A_36 = vector.broadcast %sign3A : i32 to vector<20x640xi32>
    %sign3A_37 = arith.cmpi sgt, %iota3A, %sign3A_36 : vector<20x640xi32>
    %sign3A_38 = arith.extui %sign3A_37 : vector<20x640xi1> to vector<20x640xi32>
    %sign3A_39 = arith.constant 0 : i32
    %sign3A_40 = vector.broadcast %sign3A_39 : i32 to vector<20x640xi32>
    %sign3A_41 = arith.cmpi slt, %iota3A, %sign3A_40 : vector<20x640xi32>
    %sign3A_42 = arith.extui %sign3A_41 : vector<20x640xi1> to vector<20x640xi32>
    %sign3A_43 = arith.subi %sign3A_38, %sign3A_42 : vector<20x640xi32>
    %sign3A_44 = arith.constant 0 : i32
    %sign3A_45 = arith.cmpi sgt, %jit3A, %sign3A_44 : i32
    %sign3A_46 = arith.extui %sign3A_45 : i1 to i32
    %sign3A_47 = arith.constant 0 : i32
    %sign3A_48 = arith.cmpi slt, %jit3A, %sign3A_47 : i32
    %sign3A_49 = arith.extui %sign3A_48 : i1 to i32
    %sign3A_50 = arith.subi %sign3A_46, %sign3A_49 : i32
    %ne3A = vector.broadcast %sign3A_50 : i32 to vector<20x640xi32>
    %ne3A_51 = arith.cmpi ne, %sign3A_43, %ne3A : vector<20x640xi32>
    %rem3A = vector.broadcast %jit3A : i32 to vector<20x640xi32>
    %rem3A_52 = arith.remsi %iota3A, %rem3A : vector<20x640xi32>
    %ne3A_53 = arith.constant 0 : i32
    %ne3A_54 = vector.broadcast %ne3A_53 : i32 to vector<20x640xi32>
    %ne3A_55 = arith.cmpi ne, %rem3A_52, %ne3A_54 : vector<20x640xi32>
    %and3A = arith.andi %ne3A_51, %ne3A_55 : vector<20x640xi1>
    %sub3A_56 = arith.constant 1 : i32
    %sub3A_57 = vector.broadcast %sub3A_56 : i32 to vector<20x640xi32>
    %sub3A_58 = arith.subi %div3A_35, %sub3A_57 : vector<20x640xi32>
    %select_n3A = arith.select %and3A, %sub3A_58, %div3A_35 : vector<20x640xi1>, vector<20x640xi32>
    %eq3A = arith.cmpi eq, %select_n3A, %iota3A_34 : vector<20x640xi32>
    %convert_element_type3A = arith.extui %eq3A : vector<20x640xi1> to vector<20x640xi32>
    %convert_element_type3A_59 = arith.sitofp %convert_element_type3A : vector<20x640xi32> to vector<20x640xf32>
    %dot_general3A_60 = arith.constant dense<0.000000e+00> : vector<2048x640xf32>
    %dot_general3A_61 = tpu.matmul %max3A_32, %convert_element_type3A_59, %dot_general3A_60 {dimension_numbers = #tpu.dot_dimension_numbers<[1], [0], [0], [1], [0, 0, 1, 1], [], []>, transpose_lhs_hint = false} : vector<2048x20xf32>, vector<20x640xf32>, vector<2048x640xf32> -> vector<2048x640xf32>
    %tile3A_62 = tpu.concatenate %slice3A_33, %slice3A_33, %slice3A_33, %slice3A_33, %slice3A_33, %slice3A_33, %slice3A_33, %slice3A_33, %slice3A_33, %slice3A_33, %slice3A_33, %slice3A_33, %slice3A_33, %slice3A_33, %slice3A_33, %slice3A_33, %slice3A_33, %slice3A_33, %slice3A_33, %slice3A_33 in 1 : vector<2048x32xf32>, vector<2048x32xf32>, vector<2048x32xf32>, vector<2048x32xf32>, vector<2048x32xf32>, vector<2048x32xf32>, vector<2048x32xf32>, vector<2048x32xf32>, vector<2048x32xf32>, vector<2048x32xf32>, vector<2048x32xf32>, vector<2048x32xf32>, vector<2048x32xf32>, vector<2048x32xf32>, vector<2048x32xf32>, vector<2048x32xf32>, vector<2048x32xf32>, vector<2048x32xf32>, vector<2048x32xf32>, vector<2048x32xf32> -> vector<2048x640xf32>
    %mul3A = arith.mulf %tile3A_62, %dot_general3A_61 : vector<2048x640xf32>
    %reshape3A_63 = vector.shape_cast %mul3A : vector<2048x640xf32> to vector<16x128x640xf32>
    %reduce_sum3A = arith.constant dense<0.000000e+00> : vector<128x640xf32>
    %reduce_sum3A_64 = vector.multi_reduction <add>, %reshape3A_63, %reduce_sum3A [0] : vector<16x128x640xf32> to vector<128x640xf32>
    %get3A_65 = arith.constant 0 : index
    %get3A_66 = arith.constant 0 : index
    %get3A_67 = vector.load %arg8[%get3A_65, %get3A_66] : memref<640x32xf32, #tpu.memory_space<vmem>>, vector<640x32xf32>
    %dot_general3A_68 = arith.constant dense<0.000000e+00> : vector<128x32xf32>
    %dot_general3A_69 = tpu.matmul %reduce_sum3A_64, %get3A_67, %dot_general3A_68 {dimension_numbers = #tpu.dot_dimension_numbers<[1], [0], [0], [1], [0, 0, 1, 1], [], []>, transpose_lhs_hint = false} : vector<128x640xf32>, vector<640x32xf32>, vector<128x32xf32> -> vector<128x32xf32>
    %get3A_70 = arith.constant 0 : index
    %get3A_71 = arith.constant 0 : index
    %get3A_72 = vector.load %arg9[%get3A_70, %get3A_71] : memref<1x32xf32, #tpu.memory_space<vmem>>, vector<1x32xf32>
    %add3A_73 = vector.broadcast %get3A_72 : vector<1x32xf32> to vector<128x32xf32>
    %add3A_74 = arith.addf %dot_general3A_69, %add3A_73 : vector<128x32xf32>
    %max3A_75 = arith.constant 0.000000e+00 : f32
    %max3A_76 = vector.broadcast %max3A_75 : f32 to vector<128x32xf32>
    %max3A_77 = arith.maximumf %add3A_74, %max3A_76 : vector<128x32xf32>
    %swap3A = arith.constant 0 : index
    %swap3A_78 = arith.constant 0 : index
    %swap3A_79 = arith.constant 0 : index
    %swap3A_80 = vector.load %arg10[%swap3A, %swap3A_78, %swap3A_79] : memref<1x128x32xf32, #tpu.memory_space<vmem>>, vector<1x128x32xf32>
    %swap3A_81 = vector.shape_cast %swap3A_80 : vector<1x128x32xf32> to vector<128x32xf32>
    %swap3A_82 = vector.shape_cast %max3A_77 : vector<128x32xf32> to vector<1x128x32xf32>
    tpu.vector_store %arg10[%swap3A, %swap3A_78, %swap3A_79], %swap3A_82 {strides = array<i32>} : memref<1x128x32xf32, #tpu.memory_space<vmem>>, vector<1x128x32xf32>,
    return
  }
  func.func @transform_0(%arg0: i32, %arg1: i32) -> (i32, i32, i32, i32) {
    %c0_i32 = arith.constant 0 : i32
    %c0_i32_0 = arith.constant 0 : i32
    %c0_i32_1 = arith.constant 0 : i32
    return %arg0, %c0_i32, %arg1, %c0_i32_0 : i32, i32, i32, i32
  }
  func.func @transform_1(%arg0: i32, %arg1: i32) -> (i32, i32, i32) {
    %c0_i32 = arith.constant 0 : i32
    %c0_i32_0 = arith.constant 0 : i32
    return %arg0, %arg1, %c0_i32 : i32, i32, i32
  }
  func.func @transform_2(%arg0: i32, %arg1: i32) -> (i32, i32) {
    %c0_i32 = arith.constant 0 : i32
    %c0_i32_0 = arith.constant 0 : i32
    %c0_i32_1 = arith.constant 0 : i32
    return %c0_i32, %c0_i32_0 : i32, i32
  }
  func.func @transform_3(%arg0: i32, %arg1: i32) -> (i32, i32) {
    %c0_i32 = arith.constant 0 : i32
    %c0_i32_0 = arith.constant 0 : i32
    %c0_i32_1 = arith.constant 0 : i32
    return %c0_i32, %c0_i32_0 : i32, i32
  }
  func.func @transform_4(%arg0: i32, %arg1: i32) -> (i32, i32) {
    %c0_i32 = arith.constant 0 : i32
    %c0_i32_0 = arith.constant 0 : i32
    %c0_i32_1 = arith.constant 0 : i32
    return %c0_i32, %c0_i32_0 : i32, i32
  }
  func.func @transform_5(%arg0: i32, %arg1: i32) -> (i32, i32) {
    %c0_i32 = arith.constant 0 : i32
    %c0_i32_0 = arith.constant 0 : i32
    %c0_i32_1 = arith.constant 0 : i32
    return %c0_i32, %c0_i32_0 : i32, i32
  }
  func.func @transform_6(%arg0: i32, %arg1: i32) -> (i32, i32) {
    %c0_i32 = arith.constant 0 : i32
    %c0_i32_0 = arith.constant 0 : i32
    %c0_i32_1 = arith.constant 0 : i32
    return %c0_i32, %c0_i32_0 : i32, i32
  }
  func.func @transform_7(%arg0: i32, %arg1: i32) -> (i32, i32) {
    %c0_i32 = arith.constant 0 : i32
    %c0_i32_0 = arith.constant 0 : i32
    %c0_i32_1 = arith.constant 0 : i32
    return %c0_i32, %c0_i32_0 : i32, i32
  }
  func.func @transform_8(%arg0: i32, %arg1: i32) -> (i32, i32, i32) {
    %c0_i32 = arith.constant 0 : i32
    %c0_i32_0 = arith.constant 0 : i32
    return %arg0, %arg1, %c0_i32 : i32, i32, i32
  }
}

module attributes {stable_mosaic.version = 14 : i64} {
  func.func @_mlp_body(%arg0: i32, %arg1: memref<1x2048x32xf32, #tpu.memory_space<vmem>>, %arg2: memref<32x32xf32, #tpu.memory_space<vmem>>, %arg3: memref<1x32xf32, #tpu.memory_space<vmem>>, %arg4: memref<32x64xf32, #tpu.memory_space<vmem>>, %arg5: memref<1x64xf32, #tpu.memory_space<vmem>>, %arg6: memref<1x2048x64xf32, #tpu.memory_space<vmem>>) attributes {dimension_semantics = [#tpu.dimension_semantics<arbitrary>], iteration_bounds = array<i64: 2>, scalar_prefetch = 0 : i64, scratch_operands = 0 : i64, tpu.core_type = #tpu.core_type<tc>, window_params = [{transform_indices = @transform_0, window_bounds = array<i64: 1, 2048, 32>}, {pipeline_mode = #tpu.pipeline_mode<synchronous>, transform_indices = @transform_1, window_bounds = array<i64: 32, 32>}, {pipeline_mode = #tpu.pipeline_mode<synchronous>, transform_indices = @transform_2, window_bounds = array<i64: 1, 32>}, {pipeline_mode = #tpu.pipeline_mode<synchronous>, transform_indices = @transform_3, window_bounds = array<i64: 32, 64>}, {pipeline_mode = #tpu.pipeline_mode<synchronous>, transform_indices = @transform_4, window_bounds = array<i64: 1, 64>}, {transform_indices = @transform_5, window_bounds = array<i64: 1, 2048, 64>}]} {
    %get3A = arith.constant 0 : index
    %get3A_0 = arith.constant 0 : index
    %get3A_1 = arith.constant 0 : index
    %get3A_2 = vector.load %arg1[%get3A, %get3A_0, %get3A_1] : memref<1x2048x32xf32, #tpu.memory_space<vmem>>, vector<1x2048x32xf32>
    %get3A_3 = vector.shape_cast %get3A_2 : vector<1x2048x32xf32> to vector<2048x32xf32>
    %get3A_4 = arith.constant 0 : index
    %get3A_5 = arith.constant 0 : index
    %get3A_6 = vector.load %arg2[%get3A_4, %get3A_5] : memref<32x32xf32, #tpu.memory_space<vmem>>, vector<32x32xf32>
    %dot_general3A = arith.constant dense<0.000000e+00> : vector<2048x32xf32>
    %dot_general3A_7 = tpu.matmul %get3A_3, %get3A_6, %dot_general3A {dimension_numbers = #tpu.dot_dimension_numbers<[1], [0], [0], [1], [0, 0, 1, 1], [], []>, transpose_lhs_hint = false} : vector<2048x32xf32>, vector<32x32xf32>, vector<2048x32xf32> -> vector<2048x32xf32>
    %get3A_8 = arith.constant 0 : index
    %get3A_9 = arith.constant 0 : index
    %get3A_10 = vector.load %arg3[%get3A_8, %get3A_9] : memref<1x32xf32, #tpu.memory_space<vmem>>, vector<1x32xf32>
    %add3A = vector.broadcast %get3A_10 : vector<1x32xf32> to vector<2048x32xf32>
    %add3A_11 = arith.addf %dot_general3A_7, %add3A : vector<2048x32xf32>
    %max3A = arith.constant 0.000000e+00 : f32
    %max3A_12 = vector.broadcast %max3A : f32 to vector<2048x32xf32>
    %max3A_13 = arith.maximumf %add3A_11, %max3A_12 : vector<2048x32xf32>
    %get3A_14 = arith.constant 0 : index
    %get3A_15 = arith.constant 0 : index
    %get3A_16 = vector.load %arg4[%get3A_14, %get3A_15] : memref<32x64xf32, #tpu.memory_space<vmem>>, vector<32x64xf32>
    %dot_general3A_17 = arith.constant dense<0.000000e+00> : vector<2048x64xf32>
    %dot_general3A_18 = tpu.matmul %max3A_13, %get3A_16, %dot_general3A_17 {dimension_numbers = #tpu.dot_dimension_numbers<[1], [0], [0], [1], [0, 0, 1, 1], [], []>, transpose_lhs_hint = false} : vector<2048x32xf32>, vector<32x64xf32>, vector<2048x64xf32> -> vector<2048x64xf32>
    %get3A_19 = arith.constant 0 : index
    %get3A_20 = arith.constant 0 : index
    %get3A_21 = vector.load %arg5[%get3A_19, %get3A_20] : memref<1x64xf32, #tpu.memory_space<vmem>>, vector<1x64xf32>
    %add3A_22 = vector.broadcast %get3A_21 : vector<1x64xf32> to vector<2048x64xf32>
    %add3A_23 = arith.addf %dot_general3A_18, %add3A_22 : vector<2048x64xf32>
    %max3A_24 = arith.constant 0.000000e+00 : f32
    %max3A_25 = vector.broadcast %max3A_24 : f32 to vector<2048x64xf32>
    %max3A_26 = arith.maximumf %add3A_23, %max3A_25 : vector<2048x64xf32>
    %swap3A = arith.constant 0 : index
    %swap3A_27 = arith.constant 0 : index
    %swap3A_28 = arith.constant 0 : index
    %swap3A_29 = vector.load %arg6[%swap3A, %swap3A_27, %swap3A_28] : memref<1x2048x64xf32, #tpu.memory_space<vmem>>, vector<1x2048x64xf32>
    %swap3A_30 = vector.shape_cast %swap3A_29 : vector<1x2048x64xf32> to vector<2048x64xf32>
    %swap3A_31 = vector.shape_cast %max3A_26 : vector<2048x64xf32> to vector<1x2048x64xf32>
    tpu.vector_store %arg6[%swap3A, %swap3A_27, %swap3A_28], %swap3A_31 {strides = array<i32>} : memref<1x2048x64xf32, #tpu.memory_space<vmem>>, vector<1x2048x64xf32>,
    return
  }
  func.func @transform_0(%arg0: i32) -> (i32, i32, i32) {
    %c0_i32 = arith.constant 0 : i32
    %c0_i32_0 = arith.constant 0 : i32
    %c0_i32_1 = arith.constant 0 : i32
    return %arg0, %c0_i32, %c0_i32_0 : i32, i32, i32
  }
  func.func @transform_1(%arg0: i32) -> (i32, i32) {
    %c0_i32 = arith.constant 0 : i32
    %c0_i32_0 = arith.constant 0 : i32
    %c0_i32_1 = arith.constant 0 : i32
    return %c0_i32, %c0_i32_0 : i32, i32
  }
  func.func @transform_2(%arg0: i32) -> (i32, i32) {
    %c0_i32 = arith.constant 0 : i32
    %c0_i32_0 = arith.constant 0 : i32
    %c0_i32_1 = arith.constant 0 : i32
    return %c0_i32, %c0_i32_0 : i32, i32
  }
  func.func @transform_3(%arg0: i32) -> (i32, i32) {
    %c0_i32 = arith.constant 0 : i32
    %c0_i32_0 = arith.constant 0 : i32
    %c0_i32_1 = arith.constant 0 : i32
    return %c0_i32, %c0_i32_0 : i32, i32
  }
  func.func @transform_4(%arg0: i32) -> (i32, i32) {
    %c0_i32 = arith.constant 0 : i32
    %c0_i32_0 = arith.constant 0 : i32
    %c0_i32_1 = arith.constant 0 : i32
    return %c0_i32, %c0_i32_0 : i32, i32
  }
  func.func @transform_5(%arg0: i32) -> (i32, i32, i32) {
    %c0_i32 = arith.constant 0 : i32
    %c0_i32_0 = arith.constant 0 : i32
    %c0_i32_1 = arith.constant 0 : i32
    return %arg0, %c0_i32, %c0_i32_0 : i32, i32, i32
  }
}

module attributes {stable_mosaic.version = 14 : i64} {
  func.func @_topk_body(%arg0: i32, %arg1: i32, %arg2: memref<1x128x3xf32, #tpu.memory_space<vmem>>, %arg3: memref<1x3x512xf32, #tpu.memory_space<vmem>>, %arg4: memref<1x128x16xi32, #tpu.memory_space<vmem>>, %arg5: memref<128x512xf32, #tpu.memory_space<vmem>>) attributes {dimension_semantics = [#tpu.dimension_semantics<arbitrary>, #tpu.dimension_semantics<arbitrary>], iteration_bounds = array<i64: 2, 1>, scalar_prefetch = 0 : i64, scratch_operands = 1 : i64, tpu.core_type = #tpu.core_type<tc>, window_params = [{transform_indices = @transform_0, window_bounds = array<i64: 1, 128, 3>}, {transform_indices = @transform_1, window_bounds = array<i64: 1, 3, 512>}, {transform_indices = @transform_2, window_bounds = array<i64: 1, 128, 16>}]} {
    %get3A = arith.constant 0 : index
    %get3A_0 = arith.constant 0 : index
    %get3A_1 = arith.constant 0 : index
    %get3A_2 = vector.load %arg2[%get3A, %get3A_0, %get3A_1] : memref<1x128x3xf32, #tpu.memory_space<vmem>>, vector<1x128x3xf32>
    %get3A_3 = vector.shape_cast %get3A_2 : vector<1x128x3xf32> to vector<128x3xf32>
    %get3A_4 = arith.constant 0 : index
    %get3A_5 = arith.constant 0 : index
    %get3A_6 = arith.constant 0 : index
    %get3A_7 = vector.load %arg3[%get3A_4, %get3A_5, %get3A_6] : memref<1x3x512xf32, #tpu.memory_space<vmem>>, vector<1x3x512xf32>
    %get3A_8 = vector.shape_cast %get3A_7 : vector<1x3x512xf32> to vector<3x512xf32>
    %mul3A = arith.mulf %get3A_8, %get3A_8 : vector<3x512xf32>
    %reduce_sum3A = arith.constant dense<0.000000e+00> : vector<512xf32>
    %reduce_sum3A_9 = vector.multi_reduction <add>, %mul3A, %reduce_sum3A [0] : vector<3x512xf32> to vector<512xf32>
    %broadcast_in_dim3A = vector.shape_cast %reduce_sum3A_9 : vector<512xf32> to vector<1x512xf32>
    %mul3A_10 = arith.mulf %get3A_3, %get3A_3 : vector<128x3xf32>
    %reduce_sum3A_11 = arith.constant dense<0.000000e+00> : vector<128xf32>
    %reduce_sum3A_12 = vector.multi_reduction <add>, %mul3A_10, %reduce_sum3A_11 [1] : vector<128x3xf32> to vector<128xf32>
    %broadcast_in_dim3A_13 = vector.shape_cast %reduce_sum3A_12 : vector<128xf32> to vector<128x1xf32>
    %add3A = vector.broadcast %broadcast_in_dim3A_13 : vector<128x1xf32> to vector<128x512xf32>
    %add3A_14 = vector.broadcast %broadcast_in_dim3A : vector<1x512xf32> to vector<128x512xf32>
    %add3A_15 = arith.addf %add3A, %add3A_14 : vector<128x512xf32>
    %dot_general3A = arith.constant dense<0.000000e+00> : vector<128x512xf32>
    %dot_general3A_16 = tpu.matmul %get3A_3, %get3A_8, %dot_general3A {dimension_numbers = #tpu.dot_dimension_numbers<[1], [0], [0], [1], [0, 0, 1, 1], [], []>, transpose_lhs_hint = false} : vector<128x3xf32>, vector<3x512xf32>, vector<128x512xf32> -> vector<128x512xf32>
    %mul3A_17 = arith.constant 2.000000e+00 : f32
    %mul3A_18 = vector.broadcast %mul3A_17 : f32 to vector<128x512xf32>
    %mul3A_19 = arith.mulf %mul3A_18, %dot_general3A_16 : vector<128x512xf32>
    %sub3A = arith.subf %add3A_15, %mul3A_19 : vector<128x512xf32>
    %swap3A = arith.constant 0 : index
    %swap3A_20 = arith.constant 0 : index
    %swap3A_21 = vector.load %arg5[%swap3A, %swap3A_20] : memref<128x512xf32, #tpu.memory_space<vmem>>, vector<128x512xf32>
    tpu.vector_store %arg5[%swap3A, %swap3A_20], %sub3A {strides = array<i32>} : memref<128x512xf32, #tpu.memory_space<vmem>>, vector<128x512xf32>,
    %iota3A = tpu.iota {dimensions = array<i32: 1>} : vector<128x512xi32>
    %mul3A_22 = arith.constant 512 : i32
    %mul3A_23 = arith.muli %arg0, %mul3A_22 : i32
    %get3A_24 = arith.constant 0 : index
    %get3A_25 = arith.constant 0 : index
    %get3A_26 = vector.load %arg5[%get3A_24, %get3A_25] : memref<128x512xf32, #tpu.memory_space<vmem>>, vector<128x512xf32>
    %argmin3A = tpu.reduce_index %get3A_26 {axis = 1 : i32, kind = #tpu.reduction_kind<arg_min>} : vector<128x512xf32> -> vector<128xi32>
    %broadcast_in_dim3A_27 = vector.shape_cast %argmin3A : vector<128xi32> to vector<128x1xi32>
    %eq3A = vector.broadcast %broadcast_in_dim3A_27 : vector<128x1xi32> to vector<128x512xi32>
    %eq3A_28 = arith.cmpi eq, %iota3A, %eq3A : vector<128x512xi32>
    %jit3A = arith.constant 0x7F800000 : f32
    %broadcast_in_dim3A_29 = vector.broadcast %jit3A : f32 to vector<128x512xf32>
    %select_n3A = arith.select %eq3A_28, %broadcast_in_dim3A_29, %get3A_26 : vector<128x512xi1>, vector<128x512xf32>
    %swap3A_30 = arith.constant 0 : index
    %swap3A_31 = arith.constant 0 : index
    %swap3A_32 = vector.load %arg5[%swap3A_30, %swap3A_31] : memref<128x512xf32, #tpu.memory_space<vmem>>, vector<128x512xf32>
    tpu.vector_store %arg5[%swap3A_30, %swap3A_31], %select_n3A {strides = array<i32>} : memref<128x512xf32, #tpu.memory_space<vmem>>, vector<128x512xf32>,
    %add3A_33 = vector.broadcast %mul3A_23 : i32 to vector<128x1xi32>
    %add3A_34 = arith.addi %broadcast_in_dim3A_27, %add3A_33 : vector<128x1xi32>
    %swap3A_35 = arith.constant 0 : index
    %swap3A_36 = arith.constant 0 : index
    %swap3A_37 = arith.constant 0 : index
    %swap3A_38 = vector.load %arg4[%swap3A_35, %swap3A_36, %swap3A_37] : memref<1x128x16xi32, #tpu.memory_space<vmem>>, vector<1x128x1xi32>
    %swap3A_39 = vector.shape_cast %swap3A_38 : vector<1x128x1xi32> to vector<128x1xi32>
    %swap3A_40 = vector.shape_cast %add3A_34 : vector<128x1xi32> to vector<1x128x1xi32>
    tpu.vector_store %arg4[%swap3A_35, %swap3A_36, %swap3A_37], %swap3A_40 {strides = array<i32>} : memref<1x128x16xi32, #tpu.memory_space<vmem>>, vector<1x128x1xi32>,
    %get3A_41 = arith.constant 0 : index
    %get3A_42 = arith.constant 0 : index
    %get3A_43 = vector.load %arg5[%get3A_41, %get3A_42] : memref<128x512xf32, #tpu.memory_space<vmem>>, vector<128x512xf32>
    %argmin3A_44 = tpu.reduce_index %get3A_43 {axis = 1 : i32, kind = #tpu.reduction_kind<arg_min>} : vector<128x512xf32> -> vector<128xi32>
    %broadcast_in_dim3A_45 = vector.shape_cast %argmin3A_44 : vector<128xi32> to vector<128x1xi32>
    %eq3A_46 = vector.broadcast %broadcast_in_dim3A_45 : vector<128x1xi32> to vector<128x512xi32>
    %eq3A_47 = arith.cmpi eq, %iota3A, %eq3A_46 : vector<128x512xi32>
    %jit3A_48 = arith.constant 0x7F800000 : f32
    %broadcast_in_dim3A_49 = vector.broadcast %jit3A_48 : f32 to vector<128x512xf32>
    %select_n3A_50 = arith.select %eq3A_47, %broadcast_in_dim3A_49, %get3A_43 : vector<128x512xi1>, vector<128x512xf32>
    %swap3A_51 = arith.constant 0 : index
    %swap3A_52 = arith.constant 0 : index
    %swap3A_53 = vector.load %arg5[%swap3A_51, %swap3A_52] : memref<128x512xf32, #tpu.memory_space<vmem>>, vector<128x512xf32>
    tpu.vector_store %arg5[%swap3A_51, %swap3A_52], %select_n3A_50 {strides = array<i32>} : memref<128x512xf32, #tpu.memory_space<vmem>>, vector<128x512xf32>,
    %add3A_54 = vector.broadcast %mul3A_23 : i32 to vector<128x1xi32>
    %add3A_55 = arith.addi %broadcast_in_dim3A_45, %add3A_54 : vector<128x1xi32>
    %swap3A_56 = arith.constant 0 : index
    %swap3A_57 = arith.constant 0 : index
    %swap3A_58 = arith.constant 1 : index
    %swap3A_59 = vector.load %arg4[%swap3A_56, %swap3A_57, %swap3A_58] : memref<1x128x16xi32, #tpu.memory_space<vmem>>, vector<1x128x1xi32>
    %swap3A_60 = vector.shape_cast %swap3A_59 : vector<1x128x1xi32> to vector<128x1xi32>
    %swap3A_61 = vector.shape_cast %add3A_55 : vector<128x1xi32> to vector<1x128x1xi32>
    tpu.vector_store %arg4[%swap3A_56, %swap3A_57, %swap3A_58], %swap3A_61 {strides = array<i32>} : memref<1x128x16xi32, #tpu.memory_space<vmem>>, vector<1x128x1xi32>,
    %get3A_62 = arith.constant 0 : index
    %get3A_63 = arith.constant 0 : index
    %get3A_64 = vector.load %arg5[%get3A_62, %get3A_63] : memref<128x512xf32, #tpu.memory_space<vmem>>, vector<128x512xf32>
    %argmin3A_65 = tpu.reduce_index %get3A_64 {axis = 1 : i32, kind = #tpu.reduction_kind<arg_min>} : vector<128x512xf32> -> vector<128xi32>
    %broadcast_in_dim3A_66 = vector.shape_cast %argmin3A_65 : vector<128xi32> to vector<128x1xi32>
    %eq3A_67 = vector.broadcast %broadcast_in_dim3A_66 : vector<128x1xi32> to vector<128x512xi32>
    %eq3A_68 = arith.cmpi eq, %iota3A, %eq3A_67 : vector<128x512xi32>
    %jit3A_69 = arith.constant 0x7F800000 : f32
    %broadcast_in_dim3A_70 = vector.broadcast %jit3A_69 : f32 to vector<128x512xf32>
    %select_n3A_71 = arith.select %eq3A_68, %broadcast_in_dim3A_70, %get3A_64 : vector<128x512xi1>, vector<128x512xf32>
    %swap3A_72 = arith.constant 0 : index
    %swap3A_73 = arith.constant 0 : index
    %swap3A_74 = vector.load %arg5[%swap3A_72, %swap3A_73] : memref<128x512xf32, #tpu.memory_space<vmem>>, vector<128x512xf32>
    tpu.vector_store %arg5[%swap3A_72, %swap3A_73], %select_n3A_71 {strides = array<i32>} : memref<128x512xf32, #tpu.memory_space<vmem>>, vector<128x512xf32>,
    %add3A_75 = vector.broadcast %mul3A_23 : i32 to vector<128x1xi32>
    %add3A_76 = arith.addi %broadcast_in_dim3A_66, %add3A_75 : vector<128x1xi32>
    %swap3A_77 = arith.constant 0 : index
    %swap3A_78 = arith.constant 0 : index
    %swap3A_79 = arith.constant 2 : index
    %swap3A_80 = vector.load %arg4[%swap3A_77, %swap3A_78, %swap3A_79] : memref<1x128x16xi32, #tpu.memory_space<vmem>>, vector<1x128x1xi32>
    %swap3A_81 = vector.shape_cast %swap3A_80 : vector<1x128x1xi32> to vector<128x1xi32>
    %swap3A_82 = vector.shape_cast %add3A_76 : vector<128x1xi32> to vector<1x128x1xi32>
    tpu.vector_store %arg4[%swap3A_77, %swap3A_78, %swap3A_79], %swap3A_82 {strides = array<i32>} : memref<1x128x16xi32, #tpu.memory_space<vmem>>, vector<1x128x1xi32>,
    %get3A_83 = arith.constant 0 : index
    %get3A_84 = arith.constant 0 : index
    %get3A_85 = vector.load %arg5[%get3A_83, %get3A_84] : memref<128x512xf32, #tpu.memory_space<vmem>>, vector<128x512xf32>
    %argmin3A_86 = tpu.reduce_index %get3A_85 {axis = 1 : i32, kind = #tpu.reduction_kind<arg_min>} : vector<128x512xf32> -> vector<128xi32>
    %broadcast_in_dim3A_87 = vector.shape_cast %argmin3A_86 : vector<128xi32> to vector<128x1xi32>
    %eq3A_88 = vector.broadcast %broadcast_in_dim3A_87 : vector<128x1xi32> to vector<128x512xi32>
    %eq3A_89 = arith.cmpi eq, %iota3A, %eq3A_88 : vector<128x512xi32>
    %jit3A_90 = arith.constant 0x7F800000 : f32
    %broadcast_in_dim3A_91 = vector.broadcast %jit3A_90 : f32 to vector<128x512xf32>
    %select_n3A_92 = arith.select %eq3A_89, %broadcast_in_dim3A_91, %get3A_85 : vector<128x512xi1>, vector<128x512xf32>
    %swap3A_93 = arith.constant 0 : index
    %swap3A_94 = arith.constant 0 : index
    %swap3A_95 = vector.load %arg5[%swap3A_93, %swap3A_94] : memref<128x512xf32, #tpu.memory_space<vmem>>, vector<128x512xf32>
    tpu.vector_store %arg5[%swap3A_93, %swap3A_94], %select_n3A_92 {strides = array<i32>} : memref<128x512xf32, #tpu.memory_space<vmem>>, vector<128x512xf32>,
    %add3A_96 = vector.broadcast %mul3A_23 : i32 to vector<128x1xi32>
    %add3A_97 = arith.addi %broadcast_in_dim3A_87, %add3A_96 : vector<128x1xi32>
    %swap3A_98 = arith.constant 0 : index
    %swap3A_99 = arith.constant 0 : index
    %swap3A_100 = arith.constant 3 : index
    %swap3A_101 = vector.load %arg4[%swap3A_98, %swap3A_99, %swap3A_100] : memref<1x128x16xi32, #tpu.memory_space<vmem>>, vector<1x128x1xi32>
    %swap3A_102 = vector.shape_cast %swap3A_101 : vector<1x128x1xi32> to vector<128x1xi32>
    %swap3A_103 = vector.shape_cast %add3A_97 : vector<128x1xi32> to vector<1x128x1xi32>
    tpu.vector_store %arg4[%swap3A_98, %swap3A_99, %swap3A_100], %swap3A_103 {strides = array<i32>} : memref<1x128x16xi32, #tpu.memory_space<vmem>>, vector<1x128x1xi32>,
    %get3A_104 = arith.constant 0 : index
    %get3A_105 = arith.constant 0 : index
    %get3A_106 = vector.load %arg5[%get3A_104, %get3A_105] : memref<128x512xf32, #tpu.memory_space<vmem>>, vector<128x512xf32>
    %argmin3A_107 = tpu.reduce_index %get3A_106 {axis = 1 : i32, kind = #tpu.reduction_kind<arg_min>} : vector<128x512xf32> -> vector<128xi32>
    %broadcast_in_dim3A_108 = vector.shape_cast %argmin3A_107 : vector<128xi32> to vector<128x1xi32>
    %eq3A_109 = vector.broadcast %broadcast_in_dim3A_108 : vector<128x1xi32> to vector<128x512xi32>
    %eq3A_110 = arith.cmpi eq, %iota3A, %eq3A_109 : vector<128x512xi32>
    %jit3A_111 = arith.constant 0x7F800000 : f32
    %broadcast_in_dim3A_112 = vector.broadcast %jit3A_111 : f32 to vector<128x512xf32>
    %select_n3A_113 = arith.select %eq3A_110, %broadcast_in_dim3A_112, %get3A_106 : vector<128x512xi1>, vector<128x512xf32>
    %swap3A_114 = arith.constant 0 : index
    %swap3A_115 = arith.constant 0 : index
    %swap3A_116 = vector.load %arg5[%swap3A_114, %swap3A_115] : memref<128x512xf32, #tpu.memory_space<vmem>>, vector<128x512xf32>
    tpu.vector_store %arg5[%swap3A_114, %swap3A_115], %select_n3A_113 {strides = array<i32>} : memref<128x512xf32, #tpu.memory_space<vmem>>, vector<128x512xf32>,
    %add3A_117 = vector.broadcast %mul3A_23 : i32 to vector<128x1xi32>
    %add3A_118 = arith.addi %broadcast_in_dim3A_108, %add3A_117 : vector<128x1xi32>
    %swap3A_119 = arith.constant 0 : index
    %swap3A_120 = arith.constant 0 : index
    %swap3A_121 = arith.constant 4 : index
    %swap3A_122 = vector.load %arg4[%swap3A_119, %swap3A_120, %swap3A_121] : memref<1x128x16xi32, #tpu.memory_space<vmem>>, vector<1x128x1xi32>
    %swap3A_123 = vector.shape_cast %swap3A_122 : vector<1x128x1xi32> to vector<128x1xi32>
    %swap3A_124 = vector.shape_cast %add3A_118 : vector<128x1xi32> to vector<1x128x1xi32>
    tpu.vector_store %arg4[%swap3A_119, %swap3A_120, %swap3A_121], %swap3A_124 {strides = array<i32>} : memref<1x128x16xi32, #tpu.memory_space<vmem>>, vector<1x128x1xi32>,
    %get3A_125 = arith.constant 0 : index
    %get3A_126 = arith.constant 0 : index
    %get3A_127 = vector.load %arg5[%get3A_125, %get3A_126] : memref<128x512xf32, #tpu.memory_space<vmem>>, vector<128x512xf32>
    %argmin3A_128 = tpu.reduce_index %get3A_127 {axis = 1 : i32, kind = #tpu.reduction_kind<arg_min>} : vector<128x512xf32> -> vector<128xi32>
    %broadcast_in_dim3A_129 = vector.shape_cast %argmin3A_128 : vector<128xi32> to vector<128x1xi32>
    %eq3A_130 = vector.broadcast %broadcast_in_dim3A_129 : vector<128x1xi32> to vector<128x512xi32>
    %eq3A_131 = arith.cmpi eq, %iota3A, %eq3A_130 : vector<128x512xi32>
    %jit3A_132 = arith.constant 0x7F800000 : f32
    %broadcast_in_dim3A_133 = vector.broadcast %jit3A_132 : f32 to vector<128x512xf32>
    %select_n3A_134 = arith.select %eq3A_131, %broadcast_in_dim3A_133, %get3A_127 : vector<128x512xi1>, vector<128x512xf32>
    %swap3A_135 = arith.constant 0 : index
    %swap3A_136 = arith.constant 0 : index
    %swap3A_137 = vector.load %arg5[%swap3A_135, %swap3A_136] : memref<128x512xf32, #tpu.memory_space<vmem>>, vector<128x512xf32>
    tpu.vector_store %arg5[%swap3A_135, %swap3A_136], %select_n3A_134 {strides = array<i32>} : memref<128x512xf32, #tpu.memory_space<vmem>>, vector<128x512xf32>,
    %add3A_138 = vector.broadcast %mul3A_23 : i32 to vector<128x1xi32>
    %add3A_139 = arith.addi %broadcast_in_dim3A_129, %add3A_138 : vector<128x1xi32>
    %swap3A_140 = arith.constant 0 : index
    %swap3A_141 = arith.constant 0 : index
    %swap3A_142 = arith.constant 5 : index
    %swap3A_143 = vector.load %arg4[%swap3A_140, %swap3A_141, %swap3A_142] : memref<1x128x16xi32, #tpu.memory_space<vmem>>, vector<1x128x1xi32>
    %swap3A_144 = vector.shape_cast %swap3A_143 : vector<1x128x1xi32> to vector<128x1xi32>
    %swap3A_145 = vector.shape_cast %add3A_139 : vector<128x1xi32> to vector<1x128x1xi32>
    tpu.vector_store %arg4[%swap3A_140, %swap3A_141, %swap3A_142], %swap3A_145 {strides = array<i32>} : memref<1x128x16xi32, #tpu.memory_space<vmem>>, vector<1x128x1xi32>,
    %get3A_146 = arith.constant 0 : index
    %get3A_147 = arith.constant 0 : index
    %get3A_148 = vector.load %arg5[%get3A_146, %get3A_147] : memref<128x512xf32, #tpu.memory_space<vmem>>, vector<128x512xf32>
    %argmin3A_149 = tpu.reduce_index %get3A_148 {axis = 1 : i32, kind = #tpu.reduction_kind<arg_min>} : vector<128x512xf32> -> vector<128xi32>
    %broadcast_in_dim3A_150 = vector.shape_cast %argmin3A_149 : vector<128xi32> to vector<128x1xi32>
    %eq3A_151 = vector.broadcast %broadcast_in_dim3A_150 : vector<128x1xi32> to vector<128x512xi32>
    %eq3A_152 = arith.cmpi eq, %iota3A, %eq3A_151 : vector<128x512xi32>
    %jit3A_153 = arith.constant 0x7F800000 : f32
    %broadcast_in_dim3A_154 = vector.broadcast %jit3A_153 : f32 to vector<128x512xf32>
    %select_n3A_155 = arith.select %eq3A_152, %broadcast_in_dim3A_154, %get3A_148 : vector<128x512xi1>, vector<128x512xf32>
    %swap3A_156 = arith.constant 0 : index
    %swap3A_157 = arith.constant 0 : index
    %swap3A_158 = vector.load %arg5[%swap3A_156, %swap3A_157] : memref<128x512xf32, #tpu.memory_space<vmem>>, vector<128x512xf32>
    tpu.vector_store %arg5[%swap3A_156, %swap3A_157], %select_n3A_155 {strides = array<i32>} : memref<128x512xf32, #tpu.memory_space<vmem>>, vector<128x512xf32>,
    %add3A_159 = vector.broadcast %mul3A_23 : i32 to vector<128x1xi32>
    %add3A_160 = arith.addi %broadcast_in_dim3A_150, %add3A_159 : vector<128x1xi32>
    %swap3A_161 = arith.constant 0 : index
    %swap3A_162 = arith.constant 0 : index
    %swap3A_163 = arith.constant 6 : index
    %swap3A_164 = vector.load %arg4[%swap3A_161, %swap3A_162, %swap3A_163] : memref<1x128x16xi32, #tpu.memory_space<vmem>>, vector<1x128x1xi32>
    %swap3A_165 = vector.shape_cast %swap3A_164 : vector<1x128x1xi32> to vector<128x1xi32>
    %swap3A_166 = vector.shape_cast %add3A_160 : vector<128x1xi32> to vector<1x128x1xi32>
    tpu.vector_store %arg4[%swap3A_161, %swap3A_162, %swap3A_163], %swap3A_166 {strides = array<i32>} : memref<1x128x16xi32, #tpu.memory_space<vmem>>, vector<1x128x1xi32>,
    %get3A_167 = arith.constant 0 : index
    %get3A_168 = arith.constant 0 : index
    %get3A_169 = vector.load %arg5[%get3A_167, %get3A_168] : memref<128x512xf32, #tpu.memory_space<vmem>>, vector<128x512xf32>
    %argmin3A_170 = tpu.reduce_index %get3A_169 {axis = 1 : i32, kind = #tpu.reduction_kind<arg_min>} : vector<128x512xf32> -> vector<128xi32>
    %broadcast_in_dim3A_171 = vector.shape_cast %argmin3A_170 : vector<128xi32> to vector<128x1xi32>
    %eq3A_172 = vector.broadcast %broadcast_in_dim3A_171 : vector<128x1xi32> to vector<128x512xi32>
    %eq3A_173 = arith.cmpi eq, %iota3A, %eq3A_172 : vector<128x512xi32>
    %jit3A_174 = arith.constant 0x7F800000 : f32
    %broadcast_in_dim3A_175 = vector.broadcast %jit3A_174 : f32 to vector<128x512xf32>
    %select_n3A_176 = arith.select %eq3A_173, %broadcast_in_dim3A_175, %get3A_169 : vector<128x512xi1>, vector<128x512xf32>
    %swap3A_177 = arith.constant 0 : index
    %swap3A_178 = arith.constant 0 : index
    %swap3A_179 = vector.load %arg5[%swap3A_177, %swap3A_178] : memref<128x512xf32, #tpu.memory_space<vmem>>, vector<128x512xf32>
    tpu.vector_store %arg5[%swap3A_177, %swap3A_178], %select_n3A_176 {strides = array<i32>} : memref<128x512xf32, #tpu.memory_space<vmem>>, vector<128x512xf32>,
    %add3A_180 = vector.broadcast %mul3A_23 : i32 to vector<128x1xi32>
    %add3A_181 = arith.addi %broadcast_in_dim3A_171, %add3A_180 : vector<128x1xi32>
    %swap3A_182 = arith.constant 0 : index
    %swap3A_183 = arith.constant 0 : index
    %swap3A_184 = arith.constant 7 : index
    %swap3A_185 = vector.load %arg4[%swap3A_182, %swap3A_183, %swap3A_184] : memref<1x128x16xi32, #tpu.memory_space<vmem>>, vector<1x128x1xi32>
    %swap3A_186 = vector.shape_cast %swap3A_185 : vector<1x128x1xi32> to vector<128x1xi32>
    %swap3A_187 = vector.shape_cast %add3A_181 : vector<128x1xi32> to vector<1x128x1xi32>
    tpu.vector_store %arg4[%swap3A_182, %swap3A_183, %swap3A_184], %swap3A_187 {strides = array<i32>} : memref<1x128x16xi32, #tpu.memory_space<vmem>>, vector<1x128x1xi32>,
    %get3A_188 = arith.constant 0 : index
    %get3A_189 = arith.constant 0 : index
    %get3A_190 = vector.load %arg5[%get3A_188, %get3A_189] : memref<128x512xf32, #tpu.memory_space<vmem>>, vector<128x512xf32>
    %argmin3A_191 = tpu.reduce_index %get3A_190 {axis = 1 : i32, kind = #tpu.reduction_kind<arg_min>} : vector<128x512xf32> -> vector<128xi32>
    %broadcast_in_dim3A_192 = vector.shape_cast %argmin3A_191 : vector<128xi32> to vector<128x1xi32>
    %eq3A_193 = vector.broadcast %broadcast_in_dim3A_192 : vector<128x1xi32> to vector<128x512xi32>
    %eq3A_194 = arith.cmpi eq, %iota3A, %eq3A_193 : vector<128x512xi32>
    %jit3A_195 = arith.constant 0x7F800000 : f32
    %broadcast_in_dim3A_196 = vector.broadcast %jit3A_195 : f32 to vector<128x512xf32>
    %select_n3A_197 = arith.select %eq3A_194, %broadcast_in_dim3A_196, %get3A_190 : vector<128x512xi1>, vector<128x512xf32>
    %swap3A_198 = arith.constant 0 : index
    %swap3A_199 = arith.constant 0 : index
    %swap3A_200 = vector.load %arg5[%swap3A_198, %swap3A_199] : memref<128x512xf32, #tpu.memory_space<vmem>>, vector<128x512xf32>
    tpu.vector_store %arg5[%swap3A_198, %swap3A_199], %select_n3A_197 {strides = array<i32>} : memref<128x512xf32, #tpu.memory_space<vmem>>, vector<128x512xf32>,
    %add3A_201 = vector.broadcast %mul3A_23 : i32 to vector<128x1xi32>
    %add3A_202 = arith.addi %broadcast_in_dim3A_192, %add3A_201 : vector<128x1xi32>
    %swap3A_203 = arith.constant 0 : index
    %swap3A_204 = arith.constant 0 : index
    %swap3A_205 = arith.constant 8 : index
    %swap3A_206 = vector.load %arg4[%swap3A_203, %swap3A_204, %swap3A_205] : memref<1x128x16xi32, #tpu.memory_space<vmem>>, vector<1x128x1xi32>
    %swap3A_207 = vector.shape_cast %swap3A_206 : vector<1x128x1xi32> to vector<128x1xi32>
    %swap3A_208 = vector.shape_cast %add3A_202 : vector<128x1xi32> to vector<1x128x1xi32>
    tpu.vector_store %arg4[%swap3A_203, %swap3A_204, %swap3A_205], %swap3A_208 {strides = array<i32>} : memref<1x128x16xi32, #tpu.memory_space<vmem>>, vector<1x128x1xi32>,
    %get3A_209 = arith.constant 0 : index
    %get3A_210 = arith.constant 0 : index
    %get3A_211 = vector.load %arg5[%get3A_209, %get3A_210] : memref<128x512xf32, #tpu.memory_space<vmem>>, vector<128x512xf32>
    %argmin3A_212 = tpu.reduce_index %get3A_211 {axis = 1 : i32, kind = #tpu.reduction_kind<arg_min>} : vector<128x512xf32> -> vector<128xi32>
    %broadcast_in_dim3A_213 = vector.shape_cast %argmin3A_212 : vector<128xi32> to vector<128x1xi32>
    %eq3A_214 = vector.broadcast %broadcast_in_dim3A_213 : vector<128x1xi32> to vector<128x512xi32>
    %eq3A_215 = arith.cmpi eq, %iota3A, %eq3A_214 : vector<128x512xi32>
    %jit3A_216 = arith.constant 0x7F800000 : f32
    %broadcast_in_dim3A_217 = vector.broadcast %jit3A_216 : f32 to vector<128x512xf32>
    %select_n3A_218 = arith.select %eq3A_215, %broadcast_in_dim3A_217, %get3A_211 : vector<128x512xi1>, vector<128x512xf32>
    %swap3A_219 = arith.constant 0 : index
    %swap3A_220 = arith.constant 0 : index
    %swap3A_221 = vector.load %arg5[%swap3A_219, %swap3A_220] : memref<128x512xf32, #tpu.memory_space<vmem>>, vector<128x512xf32>
    tpu.vector_store %arg5[%swap3A_219, %swap3A_220], %select_n3A_218 {strides = array<i32>} : memref<128x512xf32, #tpu.memory_space<vmem>>, vector<128x512xf32>,
    %add3A_222 = vector.broadcast %mul3A_23 : i32 to vector<128x1xi32>
    %add3A_223 = arith.addi %broadcast_in_dim3A_213, %add3A_222 : vector<128x1xi32>
    %swap3A_224 = arith.constant 0 : index
    %swap3A_225 = arith.constant 0 : index
    %swap3A_226 = arith.constant 9 : index
    %swap3A_227 = vector.load %arg4[%swap3A_224, %swap3A_225, %swap3A_226] : memref<1x128x16xi32, #tpu.memory_space<vmem>>, vector<1x128x1xi32>
    %swap3A_228 = vector.shape_cast %swap3A_227 : vector<1x128x1xi32> to vector<128x1xi32>
    %swap3A_229 = vector.shape_cast %add3A_223 : vector<128x1xi32> to vector<1x128x1xi32>
    tpu.vector_store %arg4[%swap3A_224, %swap3A_225, %swap3A_226], %swap3A_229 {strides = array<i32>} : memref<1x128x16xi32, #tpu.memory_space<vmem>>, vector<1x128x1xi32>,
    %get3A_230 = arith.constant 0 : index
    %get3A_231 = arith.constant 0 : index
    %get3A_232 = vector.load %arg5[%get3A_230, %get3A_231] : memref<128x512xf32, #tpu.memory_space<vmem>>, vector<128x512xf32>
    %argmin3A_233 = tpu.reduce_index %get3A_232 {axis = 1 : i32, kind = #tpu.reduction_kind<arg_min>} : vector<128x512xf32> -> vector<128xi32>
    %broadcast_in_dim3A_234 = vector.shape_cast %argmin3A_233 : vector<128xi32> to vector<128x1xi32>
    %eq3A_235 = vector.broadcast %broadcast_in_dim3A_234 : vector<128x1xi32> to vector<128x512xi32>
    %eq3A_236 = arith.cmpi eq, %iota3A, %eq3A_235 : vector<128x512xi32>
    %jit3A_237 = arith.constant 0x7F800000 : f32
    %broadcast_in_dim3A_238 = vector.broadcast %jit3A_237 : f32 to vector<128x512xf32>
    %select_n3A_239 = arith.select %eq3A_236, %broadcast_in_dim3A_238, %get3A_232 : vector<128x512xi1>, vector<128x512xf32>
    %swap3A_240 = arith.constant 0 : index
    %swap3A_241 = arith.constant 0 : index
    %swap3A_242 = vector.load %arg5[%swap3A_240, %swap3A_241] : memref<128x512xf32, #tpu.memory_space<vmem>>, vector<128x512xf32>
    tpu.vector_store %arg5[%swap3A_240, %swap3A_241], %select_n3A_239 {strides = array<i32>} : memref<128x512xf32, #tpu.memory_space<vmem>>, vector<128x512xf32>,
    %add3A_243 = vector.broadcast %mul3A_23 : i32 to vector<128x1xi32>
    %add3A_244 = arith.addi %broadcast_in_dim3A_234, %add3A_243 : vector<128x1xi32>
    %swap3A_245 = arith.constant 0 : index
    %swap3A_246 = arith.constant 0 : index
    %swap3A_247 = arith.constant 10 : index
    %swap3A_248 = vector.load %arg4[%swap3A_245, %swap3A_246, %swap3A_247] : memref<1x128x16xi32, #tpu.memory_space<vmem>>, vector<1x128x1xi32>
    %swap3A_249 = vector.shape_cast %swap3A_248 : vector<1x128x1xi32> to vector<128x1xi32>
    %swap3A_250 = vector.shape_cast %add3A_244 : vector<128x1xi32> to vector<1x128x1xi32>
    tpu.vector_store %arg4[%swap3A_245, %swap3A_246, %swap3A_247], %swap3A_250 {strides = array<i32>} : memref<1x128x16xi32, #tpu.memory_space<vmem>>, vector<1x128x1xi32>,
    %get3A_251 = arith.constant 0 : index
    %get3A_252 = arith.constant 0 : index
    %get3A_253 = vector.load %arg5[%get3A_251, %get3A_252] : memref<128x512xf32, #tpu.memory_space<vmem>>, vector<128x512xf32>
    %argmin3A_254 = tpu.reduce_index %get3A_253 {axis = 1 : i32, kind = #tpu.reduction_kind<arg_min>} : vector<128x512xf32> -> vector<128xi32>
    %broadcast_in_dim3A_255 = vector.shape_cast %argmin3A_254 : vector<128xi32> to vector<128x1xi32>
    %eq3A_256 = vector.broadcast %broadcast_in_dim3A_255 : vector<128x1xi32> to vector<128x512xi32>
    %eq3A_257 = arith.cmpi eq, %iota3A, %eq3A_256 : vector<128x512xi32>
    %jit3A_258 = arith.constant 0x7F800000 : f32
    %broadcast_in_dim3A_259 = vector.broadcast %jit3A_258 : f32 to vector<128x512xf32>
    %select_n3A_260 = arith.select %eq3A_257, %broadcast_in_dim3A_259, %get3A_253 : vector<128x512xi1>, vector<128x512xf32>
    %swap3A_261 = arith.constant 0 : index
    %swap3A_262 = arith.constant 0 : index
    %swap3A_263 = vector.load %arg5[%swap3A_261, %swap3A_262] : memref<128x512xf32, #tpu.memory_space<vmem>>, vector<128x512xf32>
    tpu.vector_store %arg5[%swap3A_261, %swap3A_262], %select_n3A_260 {strides = array<i32>} : memref<128x512xf32, #tpu.memory_space<vmem>>, vector<128x512xf32>,
    %add3A_264 = vector.broadcast %mul3A_23 : i32 to vector<128x1xi32>
    %add3A_265 = arith.addi %broadcast_in_dim3A_255, %add3A_264 : vector<128x1xi32>
    %swap3A_266 = arith.constant 0 : index
    %swap3A_267 = arith.constant 0 : index
    %swap3A_268 = arith.constant 11 : index
    %swap3A_269 = vector.load %arg4[%swap3A_266, %swap3A_267, %swap3A_268] : memref<1x128x16xi32, #tpu.memory_space<vmem>>, vector<1x128x1xi32>
    %swap3A_270 = vector.shape_cast %swap3A_269 : vector<1x128x1xi32> to vector<128x1xi32>
    %swap3A_271 = vector.shape_cast %add3A_265 : vector<128x1xi32> to vector<1x128x1xi32>
    tpu.vector_store %arg4[%swap3A_266, %swap3A_267, %swap3A_268], %swap3A_271 {strides = array<i32>} : memref<1x128x16xi32, #tpu.memory_space<vmem>>, vector<1x128x1xi32>,
    %get3A_272 = arith.constant 0 : index
    %get3A_273 = arith.constant 0 : index
    %get3A_274 = vector.load %arg5[%get3A_272, %get3A_273] : memref<128x512xf32, #tpu.memory_space<vmem>>, vector<128x512xf32>
    %argmin3A_275 = tpu.reduce_index %get3A_274 {axis = 1 : i32, kind = #tpu.reduction_kind<arg_min>} : vector<128x512xf32> -> vector<128xi32>
    %broadcast_in_dim3A_276 = vector.shape_cast %argmin3A_275 : vector<128xi32> to vector<128x1xi32>
    %eq3A_277 = vector.broadcast %broadcast_in_dim3A_276 : vector<128x1xi32> to vector<128x512xi32>
    %eq3A_278 = arith.cmpi eq, %iota3A, %eq3A_277 : vector<128x512xi32>
    %jit3A_279 = arith.constant 0x7F800000 : f32
    %broadcast_in_dim3A_280 = vector.broadcast %jit3A_279 : f32 to vector<128x512xf32>
    %select_n3A_281 = arith.select %eq3A_278, %broadcast_in_dim3A_280, %get3A_274 : vector<128x512xi1>, vector<128x512xf32>
    %swap3A_282 = arith.constant 0 : index
    %swap3A_283 = arith.constant 0 : index
    %swap3A_284 = vector.load %arg5[%swap3A_282, %swap3A_283] : memref<128x512xf32, #tpu.memory_space<vmem>>, vector<128x512xf32>
    tpu.vector_store %arg5[%swap3A_282, %swap3A_283], %select_n3A_281 {strides = array<i32>} : memref<128x512xf32, #tpu.memory_space<vmem>>, vector<128x512xf32>,
    %add3A_285 = vector.broadcast %mul3A_23 : i32 to vector<128x1xi32>
    %add3A_286 = arith.addi %broadcast_in_dim3A_276, %add3A_285 : vector<128x1xi32>
    %swap3A_287 = arith.constant 0 : index
    %swap3A_288 = arith.constant 0 : index
    %swap3A_289 = arith.constant 12 : index
    %swap3A_290 = vector.load %arg4[%swap3A_287, %swap3A_288, %swap3A_289] : memref<1x128x16xi32, #tpu.memory_space<vmem>>, vector<1x128x1xi32>
    %swap3A_291 = vector.shape_cast %swap3A_290 : vector<1x128x1xi32> to vector<128x1xi32>
    %swap3A_292 = vector.shape_cast %add3A_286 : vector<128x1xi32> to vector<1x128x1xi32>
    tpu.vector_store %arg4[%swap3A_287, %swap3A_288, %swap3A_289], %swap3A_292 {strides = array<i32>} : memref<1x128x16xi32, #tpu.memory_space<vmem>>, vector<1x128x1xi32>,
    %get3A_293 = arith.constant 0 : index
    %get3A_294 = arith.constant 0 : index
    %get3A_295 = vector.load %arg5[%get3A_293, %get3A_294] : memref<128x512xf32, #tpu.memory_space<vmem>>, vector<128x512xf32>
    %argmin3A_296 = tpu.reduce_index %get3A_295 {axis = 1 : i32, kind = #tpu.reduction_kind<arg_min>} : vector<128x512xf32> -> vector<128xi32>
    %broadcast_in_dim3A_297 = vector.shape_cast %argmin3A_296 : vector<128xi32> to vector<128x1xi32>
    %eq3A_298 = vector.broadcast %broadcast_in_dim3A_297 : vector<128x1xi32> to vector<128x512xi32>
    %eq3A_299 = arith.cmpi eq, %iota3A, %eq3A_298 : vector<128x512xi32>
    %jit3A_300 = arith.constant 0x7F800000 : f32
    %broadcast_in_dim3A_301 = vector.broadcast %jit3A_300 : f32 to vector<128x512xf32>
    %select_n3A_302 = arith.select %eq3A_299, %broadcast_in_dim3A_301, %get3A_295 : vector<128x512xi1>, vector<128x512xf32>
    %swap3A_303 = arith.constant 0 : index
    %swap3A_304 = arith.constant 0 : index
    %swap3A_305 = vector.load %arg5[%swap3A_303, %swap3A_304] : memref<128x512xf32, #tpu.memory_space<vmem>>, vector<128x512xf32>
    tpu.vector_store %arg5[%swap3A_303, %swap3A_304], %select_n3A_302 {strides = array<i32>} : memref<128x512xf32, #tpu.memory_space<vmem>>, vector<128x512xf32>,
    %add3A_306 = vector.broadcast %mul3A_23 : i32 to vector<128x1xi32>
    %add3A_307 = arith.addi %broadcast_in_dim3A_297, %add3A_306 : vector<128x1xi32>
    %swap3A_308 = arith.constant 0 : index
    %swap3A_309 = arith.constant 0 : index
    %swap3A_310 = arith.constant 13 : index
    %swap3A_311 = vector.load %arg4[%swap3A_308, %swap3A_309, %swap3A_310] : memref<1x128x16xi32, #tpu.memory_space<vmem>>, vector<1x128x1xi32>
    %swap3A_312 = vector.shape_cast %swap3A_311 : vector<1x128x1xi32> to vector<128x1xi32>
    %swap3A_313 = vector.shape_cast %add3A_307 : vector<128x1xi32> to vector<1x128x1xi32>
    tpu.vector_store %arg4[%swap3A_308, %swap3A_309, %swap3A_310], %swap3A_313 {strides = array<i32>} : memref<1x128x16xi32, #tpu.memory_space<vmem>>, vector<1x128x1xi32>,
    %get3A_314 = arith.constant 0 : index
    %get3A_315 = arith.constant 0 : index
    %get3A_316 = vector.load %arg5[%get3A_314, %get3A_315] : memref<128x512xf32, #tpu.memory_space<vmem>>, vector<128x512xf32>
    %argmin3A_317 = tpu.reduce_index %get3A_316 {axis = 1 : i32, kind = #tpu.reduction_kind<arg_min>} : vector<128x512xf32> -> vector<128xi32>
    %broadcast_in_dim3A_318 = vector.shape_cast %argmin3A_317 : vector<128xi32> to vector<128x1xi32>
    %eq3A_319 = vector.broadcast %broadcast_in_dim3A_318 : vector<128x1xi32> to vector<128x512xi32>
    %eq3A_320 = arith.cmpi eq, %iota3A, %eq3A_319 : vector<128x512xi32>
    %jit3A_321 = arith.constant 0x7F800000 : f32
    %broadcast_in_dim3A_322 = vector.broadcast %jit3A_321 : f32 to vector<128x512xf32>
    %select_n3A_323 = arith.select %eq3A_320, %broadcast_in_dim3A_322, %get3A_316 : vector<128x512xi1>, vector<128x512xf32>
    %swap3A_324 = arith.constant 0 : index
    %swap3A_325 = arith.constant 0 : index
    %swap3A_326 = vector.load %arg5[%swap3A_324, %swap3A_325] : memref<128x512xf32, #tpu.memory_space<vmem>>, vector<128x512xf32>
    tpu.vector_store %arg5[%swap3A_324, %swap3A_325], %select_n3A_323 {strides = array<i32>} : memref<128x512xf32, #tpu.memory_space<vmem>>, vector<128x512xf32>,
    %add3A_327 = vector.broadcast %mul3A_23 : i32 to vector<128x1xi32>
    %add3A_328 = arith.addi %broadcast_in_dim3A_318, %add3A_327 : vector<128x1xi32>
    %swap3A_329 = arith.constant 0 : index
    %swap3A_330 = arith.constant 0 : index
    %swap3A_331 = arith.constant 14 : index
    %swap3A_332 = vector.load %arg4[%swap3A_329, %swap3A_330, %swap3A_331] : memref<1x128x16xi32, #tpu.memory_space<vmem>>, vector<1x128x1xi32>
    %swap3A_333 = vector.shape_cast %swap3A_332 : vector<1x128x1xi32> to vector<128x1xi32>
    %swap3A_334 = vector.shape_cast %add3A_328 : vector<128x1xi32> to vector<1x128x1xi32>
    tpu.vector_store %arg4[%swap3A_329, %swap3A_330, %swap3A_331], %swap3A_334 {strides = array<i32>} : memref<1x128x16xi32, #tpu.memory_space<vmem>>, vector<1x128x1xi32>,
    %get3A_335 = arith.constant 0 : index
    %get3A_336 = arith.constant 0 : index
    %get3A_337 = vector.load %arg5[%get3A_335, %get3A_336] : memref<128x512xf32, #tpu.memory_space<vmem>>, vector<128x512xf32>
    %argmin3A_338 = tpu.reduce_index %get3A_337 {axis = 1 : i32, kind = #tpu.reduction_kind<arg_min>} : vector<128x512xf32> -> vector<128xi32>
    %broadcast_in_dim3A_339 = vector.shape_cast %argmin3A_338 : vector<128xi32> to vector<128x1xi32>
    %eq3A_340 = vector.broadcast %broadcast_in_dim3A_339 : vector<128x1xi32> to vector<128x512xi32>
    %eq3A_341 = arith.cmpi eq, %iota3A, %eq3A_340 : vector<128x512xi32>
    %jit3A_342 = arith.constant 0x7F800000 : f32
    %broadcast_in_dim3A_343 = vector.broadcast %jit3A_342 : f32 to vector<128x512xf32>
    %select_n3A_344 = arith.select %eq3A_341, %broadcast_in_dim3A_343, %get3A_337 : vector<128x512xi1>, vector<128x512xf32>
    %swap3A_345 = arith.constant 0 : index
    %swap3A_346 = arith.constant 0 : index
    %swap3A_347 = vector.load %arg5[%swap3A_345, %swap3A_346] : memref<128x512xf32, #tpu.memory_space<vmem>>, vector<128x512xf32>
    tpu.vector_store %arg5[%swap3A_345, %swap3A_346], %select_n3A_344 {strides = array<i32>} : memref<128x512xf32, #tpu.memory_space<vmem>>, vector<128x512xf32>,
    %add3A_348 = vector.broadcast %mul3A_23 : i32 to vector<128x1xi32>
    %add3A_349 = arith.addi %broadcast_in_dim3A_339, %add3A_348 : vector<128x1xi32>
    %swap3A_350 = arith.constant 0 : index
    %swap3A_351 = arith.constant 0 : index
    %swap3A_352 = arith.constant 15 : index
    %swap3A_353 = vector.load %arg4[%swap3A_350, %swap3A_351, %swap3A_352] : memref<1x128x16xi32, #tpu.memory_space<vmem>>, vector<1x128x1xi32>
    %swap3A_354 = vector.shape_cast %swap3A_353 : vector<1x128x1xi32> to vector<128x1xi32>
    %swap3A_355 = vector.shape_cast %add3A_349 : vector<128x1xi32> to vector<1x128x1xi32>
    tpu.vector_store %arg4[%swap3A_350, %swap3A_351, %swap3A_352], %swap3A_355 {strides = array<i32>} : memref<1x128x16xi32, #tpu.memory_space<vmem>>, vector<1x128x1xi32>,
    return
  }
  func.func @transform_0(%arg0: i32, %arg1: i32) -> (i32, i32, i32) {
    %c0_i32 = arith.constant 0 : i32
    %c0_i32_0 = arith.constant 0 : i32
    return %arg0, %arg1, %c0_i32 : i32, i32, i32
  }
  func.func @transform_1(%arg0: i32, %arg1: i32) -> (i32, i32, i32) {
    %c0_i32 = arith.constant 0 : i32
    %c0_i32_0 = arith.constant 0 : i32
    %c0_i32_1 = arith.constant 0 : i32
    return %arg0, %c0_i32, %c0_i32_0 : i32, i32, i32
  }
  func.func @transform_2(%arg0: i32, %arg1: i32) -> (i32, i32, i32) {
    %c0_i32 = arith.constant 0 : i32
    %c0_i32_0 = arith.constant 0 : i32
    return %arg0, %arg1, %c0_i32 : i32, i32, i32
  }
}

module attributes {stable_mosaic.version = 14 : i64} {
  func.func @_stagec_body(%arg0: i32, %arg1: i32, %arg2: memref<1x16x64x128xf32, #tpu.memory_space<vmem>>, %arg3: memref<1x64x3xf32, #tpu.memory_space<vmem>>, %arg4: memref<3x10xf32, #tpu.memory_space<vmem>>, %arg5: memref<1x10xf32, #tpu.memory_space<vmem>>, %arg6: memref<10x20xf32, #tpu.memory_space<vmem>>, %arg7: memref<1x20xf32, #tpu.memory_space<vmem>>, %arg8: memref<1280x64xf32, #tpu.memory_space<vmem>>, %arg9: memref<1x64xf32, #tpu.memory_space<vmem>>, %arg10: memref<1x64x64xf32, #tpu.memory_space<vmem>>) attributes {dimension_semantics = [#tpu.dimension_semantics<arbitrary>, #tpu.dimension_semantics<arbitrary>], iteration_bounds = array<i64: 2, 8>, scalar_prefetch = 0 : i64, scratch_operands = 0 : i64, tpu.core_type = #tpu.core_type<tc>, window_params = [{transform_indices = @transform_0, window_bounds = array<i64: 1, 16, 64, 128>}, {transform_indices = @transform_1, window_bounds = array<i64: 1, 64, 3>}, {pipeline_mode = #tpu.pipeline_mode<synchronous>, transform_indices = @transform_2, window_bounds = array<i64: 3, 10>}, {pipeline_mode = #tpu.pipeline_mode<synchronous>, transform_indices = @transform_3, window_bounds = array<i64: 1, 10>}, {pipeline_mode = #tpu.pipeline_mode<synchronous>, transform_indices = @transform_4, window_bounds = array<i64: 10, 20>}, {pipeline_mode = #tpu.pipeline_mode<synchronous>, transform_indices = @transform_5, window_bounds = array<i64: 1, 20>}, {pipeline_mode = #tpu.pipeline_mode<synchronous>, transform_indices = @transform_6, window_bounds = array<i64: 1280, 64>}, {pipeline_mode = #tpu.pipeline_mode<synchronous>, transform_indices = @transform_7, window_bounds = array<i64: 1, 64>}, {transform_indices = @transform_8, window_bounds = array<i64: 1, 64, 64>}]} {
    %get3A = arith.constant 0 : index
    %get3A_0 = arith.constant 0 : index
    %get3A_1 = arith.constant 0 : index
    %get3A_2 = vector.load %arg3[%get3A, %get3A_0, %get3A_1] : memref<1x64x3xf32, #tpu.memory_space<vmem>>, vector<1x64x3xf32>
    %get3A_3 = vector.shape_cast %get3A_2 : vector<1x64x3xf32> to vector<64x3xf32>
    %get3A_4 = arith.constant 0 : index
    %get3A_5 = arith.constant 0 : index
    %get3A_6 = arith.constant 0 : index
    %get3A_7 = arith.constant 0 : index
    %get3A_8 = vector.load %arg2[%get3A_4, %get3A_5, %get3A_6, %get3A_7] : memref<1x16x64x128xf32, #tpu.memory_space<vmem>>, vector<1x16x64x128xf32>
    %get3A_9 = vector.shape_cast %get3A_8 : vector<1x16x64x128xf32> to vector<16x64x128xf32>
    %reshape3A = vector.shape_cast %get3A_9 : vector<16x64x128xf32> to vector<1024x128xf32>
    %tile3A = tpu.concatenate %get3A_3, %get3A_3, %get3A_3, %get3A_3, %get3A_3, %get3A_3, %get3A_3, %get3A_3, %get3A_3, %get3A_3, %get3A_3, %get3A_3, %get3A_3, %get3A_3, %get3A_3, %get3A_3 in 0 : vector<64x3xf32>, vector<64x3xf32>, vector<64x3xf32>, vector<64x3xf32>, vector<64x3xf32>, vector<64x3xf32>, vector<64x3xf32>, vector<64x3xf32>, vector<64x3xf32>, vector<64x3xf32>, vector<64x3xf32>, vector<64x3xf32>, vector<64x3xf32>, vector<64x3xf32>, vector<64x3xf32>, vector<64x3xf32> -> vector<1024x3xf32>
    %slice3A = vector.extract_strided_slice %reshape3A {offsets = [0, 0], sizes = [1024, 3], strides = [1, 1]} : vector<1024x128xf32> to vector<1024x3xf32>
    %sub3A = arith.subf %slice3A, %tile3A : vector<1024x3xf32>
    %get3A_10 = arith.constant 0 : index
    %get3A_11 = arith.constant 0 : index
    %get3A_12 = vector.load %arg4[%get3A_10, %get3A_11] : memref<3x10xf32, #tpu.memory_space<vmem>>, vector<3x10xf32>
    %dot_general3A = arith.constant dense<0.000000e+00> : vector<1024x10xf32>
    %dot_general3A_13 = tpu.matmul %sub3A, %get3A_12, %dot_general3A {dimension_numbers = #tpu.dot_dimension_numbers<[1], [0], [0], [1], [0, 0, 1, 1], [], []>, transpose_lhs_hint = false} : vector<1024x3xf32>, vector<3x10xf32>, vector<1024x10xf32> -> vector<1024x10xf32>
    %get3A_14 = arith.constant 0 : index
    %get3A_15 = arith.constant 0 : index
    %get3A_16 = vector.load %arg5[%get3A_14, %get3A_15] : memref<1x10xf32, #tpu.memory_space<vmem>>, vector<1x10xf32>
    %add3A = vector.broadcast %get3A_16 : vector<1x10xf32> to vector<1024x10xf32>
    %add3A_17 = arith.addf %dot_general3A_13, %add3A : vector<1024x10xf32>
    %max3A = arith.constant 0.000000e+00 : f32
    %max3A_18 = vector.broadcast %max3A : f32 to vector<1024x10xf32>
    %max3A_19 = arith.maximumf %add3A_17, %max3A_18 : vector<1024x10xf32>
    %get3A_20 = arith.constant 0 : index
    %get3A_21 = arith.constant 0 : index
    %get3A_22 = vector.load %arg6[%get3A_20, %get3A_21] : memref<10x20xf32, #tpu.memory_space<vmem>>, vector<10x20xf32>
    %dot_general3A_23 = arith.constant dense<0.000000e+00> : vector<1024x20xf32>
    %dot_general3A_24 = tpu.matmul %max3A_19, %get3A_22, %dot_general3A_23 {dimension_numbers = #tpu.dot_dimension_numbers<[1], [0], [0], [1], [0, 0, 1, 1], [], []>, transpose_lhs_hint = false} : vector<1024x10xf32>, vector<10x20xf32>, vector<1024x20xf32> -> vector<1024x20xf32>
    %get3A_25 = arith.constant 0 : index
    %get3A_26 = arith.constant 0 : index
    %get3A_27 = vector.load %arg7[%get3A_25, %get3A_26] : memref<1x20xf32, #tpu.memory_space<vmem>>, vector<1x20xf32>
    %add3A_28 = vector.broadcast %get3A_27 : vector<1x20xf32> to vector<1024x20xf32>
    %add3A_29 = arith.addf %dot_general3A_24, %add3A_28 : vector<1024x20xf32>
    %max3A_30 = arith.constant 0.000000e+00 : f32
    %max3A_31 = vector.broadcast %max3A_30 : f32 to vector<1024x20xf32>
    %max3A_32 = arith.maximumf %add3A_29, %max3A_31 : vector<1024x20xf32>
    %slice3A_33 = vector.extract_strided_slice %reshape3A {offsets = [0, 3], sizes = [1024, 64], strides = [1, 1]} : vector<1024x128xf32> to vector<1024x64xf32>
    %iota3A = tpu.iota {dimensions = array<i32: 1>} : vector<20x1280xi32>
    %iota3A_34 = tpu.iota {dimensions = array<i32: 0>} : vector<20x1280xi32>
    %jit3A = arith.constant 64 : i32
    %div3A = vector.broadcast %jit3A : i32 to vector<20x1280xi32>
    %div3A_35 = arith.divsi %iota3A, %div3A : vector<20x1280xi32>
    %sign3A = arith.constant 0 : i32
    %sign3A_36 = vector.broadcast %sign3A : i32 to vector<20x1280xi32>
    %sign3A_37 = arith.cmpi sgt, %iota3A, %sign3A_36 : vector<20x1280xi32>
    %sign3A_38 = arith.extui %sign3A_37 : vector<20x1280xi1> to vector<20x1280xi32>
    %sign3A_39 = arith.constant 0 : i32
    %sign3A_40 = vector.broadcast %sign3A_39 : i32 to vector<20x1280xi32>
    %sign3A_41 = arith.cmpi slt, %iota3A, %sign3A_40 : vector<20x1280xi32>
    %sign3A_42 = arith.extui %sign3A_41 : vector<20x1280xi1> to vector<20x1280xi32>
    %sign3A_43 = arith.subi %sign3A_38, %sign3A_42 : vector<20x1280xi32>
    %sign3A_44 = arith.constant 0 : i32
    %sign3A_45 = arith.cmpi sgt, %jit3A, %sign3A_44 : i32
    %sign3A_46 = arith.extui %sign3A_45 : i1 to i32
    %sign3A_47 = arith.constant 0 : i32
    %sign3A_48 = arith.cmpi slt, %jit3A, %sign3A_47 : i32
    %sign3A_49 = arith.extui %sign3A_48 : i1 to i32
    %sign3A_50 = arith.subi %sign3A_46, %sign3A_49 : i32
    %ne3A = vector.broadcast %sign3A_50 : i32 to vector<20x1280xi32>
    %ne3A_51 = arith.cmpi ne, %sign3A_43, %ne3A : vector<20x1280xi32>
    %rem3A = vector.broadcast %jit3A : i32 to vector<20x1280xi32>
    %rem3A_52 = arith.remsi %iota3A, %rem3A : vector<20x1280xi32>
    %ne3A_53 = arith.constant 0 : i32
    %ne3A_54 = vector.broadcast %ne3A_53 : i32 to vector<20x1280xi32>
    %ne3A_55 = arith.cmpi ne, %rem3A_52, %ne3A_54 : vector<20x1280xi32>
    %and3A = arith.andi %ne3A_51, %ne3A_55 : vector<20x1280xi1>
    %sub3A_56 = arith.constant 1 : i32
    %sub3A_57 = vector.broadcast %sub3A_56 : i32 to vector<20x1280xi32>
    %sub3A_58 = arith.subi %div3A_35, %sub3A_57 : vector<20x1280xi32>
    %select_n3A = arith.select %and3A, %sub3A_58, %div3A_35 : vector<20x1280xi1>, vector<20x1280xi32>
    %eq3A = arith.cmpi eq, %select_n3A, %iota3A_34 : vector<20x1280xi32>
    %convert_element_type3A = arith.extui %eq3A : vector<20x1280xi1> to vector<20x1280xi32>
    %convert_element_type3A_59 = arith.sitofp %convert_element_type3A : vector<20x1280xi32> to vector<20x1280xf32>
    %dot_general3A_60 = arith.constant dense<0.000000e+00> : vector<1024x1280xf32>
    %dot_general3A_61 = tpu.matmul %max3A_32, %convert_element_type3A_59, %dot_general3A_60 {dimension_numbers = #tpu.dot_dimension_numbers<[1], [0], [0], [1], [0, 0, 1, 1], [], []>, transpose_lhs_hint = false} : vector<1024x20xf32>, vector<20x1280xf32>, vector<1024x1280xf32> -> vector<1024x1280xf32>
    %tile3A_62 = tpu.concatenate %slice3A_33, %slice3A_33, %slice3A_33, %slice3A_33, %slice3A_33, %slice3A_33, %slice3A_33, %slice3A_33, %slice3A_33, %slice3A_33, %slice3A_33, %slice3A_33, %slice3A_33, %slice3A_33, %slice3A_33, %slice3A_33, %slice3A_33, %slice3A_33, %slice3A_33, %slice3A_33 in 1 : vector<1024x64xf32>, vector<1024x64xf32>, vector<1024x64xf32>, vector<1024x64xf32>, vector<1024x64xf32>, vector<1024x64xf32>, vector<1024x64xf32>, vector<1024x64xf32>, vector<1024x64xf32>, vector<1024x64xf32>, vector<1024x64xf32>, vector<1024x64xf32>, vector<1024x64xf32>, vector<1024x64xf32>, vector<1024x64xf32>, vector<1024x64xf32>, vector<1024x64xf32>, vector<1024x64xf32>, vector<1024x64xf32>, vector<1024x64xf32> -> vector<1024x1280xf32>
    %mul3A = arith.mulf %tile3A_62, %dot_general3A_61 : vector<1024x1280xf32>
    %reshape3A_63 = vector.shape_cast %mul3A : vector<1024x1280xf32> to vector<16x64x1280xf32>
    %reduce_sum3A = arith.constant dense<0.000000e+00> : vector<64x1280xf32>
    %reduce_sum3A_64 = vector.multi_reduction <add>, %reshape3A_63, %reduce_sum3A [0] : vector<16x64x1280xf32> to vector<64x1280xf32>
    %get3A_65 = arith.constant 0 : index
    %get3A_66 = arith.constant 0 : index
    %get3A_67 = vector.load %arg8[%get3A_65, %get3A_66] : memref<1280x64xf32, #tpu.memory_space<vmem>>, vector<1280x64xf32>
    %dot_general3A_68 = arith.constant dense<0.000000e+00> : vector<64x64xf32>
    %dot_general3A_69 = tpu.matmul %reduce_sum3A_64, %get3A_67, %dot_general3A_68 {dimension_numbers = #tpu.dot_dimension_numbers<[1], [0], [0], [1], [0, 0, 1, 1], [], []>, transpose_lhs_hint = false} : vector<64x1280xf32>, vector<1280x64xf32>, vector<64x64xf32> -> vector<64x64xf32>
    %get3A_70 = arith.constant 0 : index
    %get3A_71 = arith.constant 0 : index
    %get3A_72 = vector.load %arg9[%get3A_70, %get3A_71] : memref<1x64xf32, #tpu.memory_space<vmem>>, vector<1x64xf32>
    %add3A_73 = vector.broadcast %get3A_72 : vector<1x64xf32> to vector<64x64xf32>
    %add3A_74 = arith.addf %dot_general3A_69, %add3A_73 : vector<64x64xf32>
    %max3A_75 = arith.constant 0.000000e+00 : f32
    %max3A_76 = vector.broadcast %max3A_75 : f32 to vector<64x64xf32>
    %max3A_77 = arith.maximumf %add3A_74, %max3A_76 : vector<64x64xf32>
    %swap3A = arith.constant 0 : index
    %swap3A_78 = arith.constant 0 : index
    %swap3A_79 = arith.constant 0 : index
    %swap3A_80 = vector.load %arg10[%swap3A, %swap3A_78, %swap3A_79] : memref<1x64x64xf32, #tpu.memory_space<vmem>>, vector<1x64x64xf32>
    %swap3A_81 = vector.shape_cast %swap3A_80 : vector<1x64x64xf32> to vector<64x64xf32>
    %swap3A_82 = vector.shape_cast %max3A_77 : vector<64x64xf32> to vector<1x64x64xf32>
    tpu.vector_store %arg10[%swap3A, %swap3A_78, %swap3A_79], %swap3A_82 {strides = array<i32>} : memref<1x64x64xf32, #tpu.memory_space<vmem>>, vector<1x64x64xf32>,
    return
  }
  func.func @transform_0(%arg0: i32, %arg1: i32) -> (i32, i32, i32, i32) {
    %c0_i32 = arith.constant 0 : i32
    %c0_i32_0 = arith.constant 0 : i32
    %c0_i32_1 = arith.constant 0 : i32
    return %arg0, %c0_i32, %arg1, %c0_i32_0 : i32, i32, i32, i32
  }
  func.func @transform_1(%arg0: i32, %arg1: i32) -> (i32, i32, i32) {
    %c0_i32 = arith.constant 0 : i32
    %c0_i32_0 = arith.constant 0 : i32
    return %arg0, %arg1, %c0_i32 : i32, i32, i32
  }
  func.func @transform_2(%arg0: i32, %arg1: i32) -> (i32, i32) {
    %c0_i32 = arith.constant 0 : i32
    %c0_i32_0 = arith.constant 0 : i32
    %c0_i32_1 = arith.constant 0 : i32
    return %c0_i32, %c0_i32_0 : i32, i32
  }
  func.func @transform_3(%arg0: i32, %arg1: i32) -> (i32, i32) {
    %c0_i32 = arith.constant 0 : i32
    %c0_i32_0 = arith.constant 0 : i32
    %c0_i32_1 = arith.constant 0 : i32
    return %c0_i32, %c0_i32_0 : i32, i32
  }
  func.func @transform_4(%arg0: i32, %arg1: i32) -> (i32, i32) {
    %c0_i32 = arith.constant 0 : i32
    %c0_i32_0 = arith.constant 0 : i32
    %c0_i32_1 = arith.constant 0 : i32
    return %c0_i32, %c0_i32_0 : i32, i32
  }
  func.func @transform_5(%arg0: i32, %arg1: i32) -> (i32, i32) {
    %c0_i32 = arith.constant 0 : i32
    %c0_i32_0 = arith.constant 0 : i32
    %c0_i32_1 = arith.constant 0 : i32
    return %c0_i32, %c0_i32_0 : i32, i32
  }
  func.func @transform_6(%arg0: i32, %arg1: i32) -> (i32, i32) {
    %c0_i32 = arith.constant 0 : i32
    %c0_i32_0 = arith.constant 0 : i32
    %c0_i32_1 = arith.constant 0 : i32
    return %c0_i32, %c0_i32_0 : i32, i32
  }
  func.func @transform_7(%arg0: i32, %arg1: i32) -> (i32, i32) {
    %c0_i32 = arith.constant 0 : i32
    %c0_i32_0 = arith.constant 0 : i32
    %c0_i32_1 = arith.constant 0 : i32
    return %c0_i32, %c0_i32_0 : i32, i32
  }
  func.func @transform_8(%arg0: i32, %arg1: i32) -> (i32, i32, i32) {
    %c0_i32 = arith.constant 0 : i32
    %c0_i32_0 = arith.constant 0 : i32
    return %arg0, %arg1, %c0_i32 : i32, i32, i32
  }
}

module attributes {stable_mosaic.version = 14 : i64} {
  func.func @_mlp_body(%arg0: i32, %arg1: memref<1x512x64xf32, #tpu.memory_space<vmem>>, %arg2: memref<64x64xf32, #tpu.memory_space<vmem>>, %arg3: memref<1x64xf32, #tpu.memory_space<vmem>>, %arg4: memref<64x128xf32, #tpu.memory_space<vmem>>, %arg5: memref<1x128xf32, #tpu.memory_space<vmem>>, %arg6: memref<1x512x128xf32, #tpu.memory_space<vmem>>) attributes {dimension_semantics = [#tpu.dimension_semantics<arbitrary>], iteration_bounds = array<i64: 2>, scalar_prefetch = 0 : i64, scratch_operands = 0 : i64, tpu.core_type = #tpu.core_type<tc>, window_params = [{transform_indices = @transform_0, window_bounds = array<i64: 1, 512, 64>}, {pipeline_mode = #tpu.pipeline_mode<synchronous>, transform_indices = @transform_1, window_bounds = array<i64: 64, 64>}, {pipeline_mode = #tpu.pipeline_mode<synchronous>, transform_indices = @transform_2, window_bounds = array<i64: 1, 64>}, {pipeline_mode = #tpu.pipeline_mode<synchronous>, transform_indices = @transform_3, window_bounds = array<i64: 64, 128>}, {pipeline_mode = #tpu.pipeline_mode<synchronous>, transform_indices = @transform_4, window_bounds = array<i64: 1, 128>}, {transform_indices = @transform_5, window_bounds = array<i64: 1, 512, 128>}]} {
    %get3A = arith.constant 0 : index
    %get3A_0 = arith.constant 0 : index
    %get3A_1 = arith.constant 0 : index
    %get3A_2 = vector.load %arg1[%get3A, %get3A_0, %get3A_1] : memref<1x512x64xf32, #tpu.memory_space<vmem>>, vector<1x512x64xf32>
    %get3A_3 = vector.shape_cast %get3A_2 : vector<1x512x64xf32> to vector<512x64xf32>
    %get3A_4 = arith.constant 0 : index
    %get3A_5 = arith.constant 0 : index
    %get3A_6 = vector.load %arg2[%get3A_4, %get3A_5] : memref<64x64xf32, #tpu.memory_space<vmem>>, vector<64x64xf32>
    %dot_general3A = arith.constant dense<0.000000e+00> : vector<512x64xf32>
    %dot_general3A_7 = tpu.matmul %get3A_3, %get3A_6, %dot_general3A {dimension_numbers = #tpu.dot_dimension_numbers<[1], [0], [0], [1], [0, 0, 1, 1], [], []>, transpose_lhs_hint = false} : vector<512x64xf32>, vector<64x64xf32>, vector<512x64xf32> -> vector<512x64xf32>
    %get3A_8 = arith.constant 0 : index
    %get3A_9 = arith.constant 0 : index
    %get3A_10 = vector.load %arg3[%get3A_8, %get3A_9] : memref<1x64xf32, #tpu.memory_space<vmem>>, vector<1x64xf32>
    %add3A = vector.broadcast %get3A_10 : vector<1x64xf32> to vector<512x64xf32>
    %add3A_11 = arith.addf %dot_general3A_7, %add3A : vector<512x64xf32>
    %max3A = arith.constant 0.000000e+00 : f32
    %max3A_12 = vector.broadcast %max3A : f32 to vector<512x64xf32>
    %max3A_13 = arith.maximumf %add3A_11, %max3A_12 : vector<512x64xf32>
    %get3A_14 = arith.constant 0 : index
    %get3A_15 = arith.constant 0 : index
    %get3A_16 = vector.load %arg4[%get3A_14, %get3A_15] : memref<64x128xf32, #tpu.memory_space<vmem>>, vector<64x128xf32>
    %dot_general3A_17 = arith.constant dense<0.000000e+00> : vector<512x128xf32>
    %dot_general3A_18 = tpu.matmul %max3A_13, %get3A_16, %dot_general3A_17 {dimension_numbers = #tpu.dot_dimension_numbers<[1], [0], [0], [1], [0, 0, 1, 1], [], []>, transpose_lhs_hint = false} : vector<512x64xf32>, vector<64x128xf32>, vector<512x128xf32> -> vector<512x128xf32>
    %get3A_19 = arith.constant 0 : index
    %get3A_20 = arith.constant 0 : index
    %get3A_21 = vector.load %arg5[%get3A_19, %get3A_20] : memref<1x128xf32, #tpu.memory_space<vmem>>, vector<1x128xf32>
    %add3A_22 = vector.broadcast %get3A_21 : vector<1x128xf32> to vector<512x128xf32>
    %add3A_23 = arith.addf %dot_general3A_18, %add3A_22 : vector<512x128xf32>
    %max3A_24 = arith.constant 0.000000e+00 : f32
    %max3A_25 = vector.broadcast %max3A_24 : f32 to vector<512x128xf32>
    %max3A_26 = arith.maximumf %add3A_23, %max3A_25 : vector<512x128xf32>
    %swap3A = arith.constant 0 : index
    %swap3A_27 = arith.constant 0 : index
    %swap3A_28 = arith.constant 0 : index
    %swap3A_29 = vector.load %arg6[%swap3A, %swap3A_27, %swap3A_28] : memref<1x512x128xf32, #tpu.memory_space<vmem>>, vector<1x512x128xf32>
    %swap3A_30 = vector.shape_cast %swap3A_29 : vector<1x512x128xf32> to vector<512x128xf32>
    %swap3A_31 = vector.shape_cast %max3A_26 : vector<512x128xf32> to vector<1x512x128xf32>
    tpu.vector_store %arg6[%swap3A, %swap3A_27, %swap3A_28], %swap3A_31 {strides = array<i32>} : memref<1x512x128xf32, #tpu.memory_space<vmem>>, vector<1x512x128xf32>,
    return
  }
  func.func @transform_0(%arg0: i32) -> (i32, i32, i32) {
    %c0_i32 = arith.constant 0 : i32
    %c0_i32_0 = arith.constant 0 : i32
    %c0_i32_1 = arith.constant 0 : i32
    return %arg0, %c0_i32, %c0_i32_0 : i32, i32, i32
  }
  func.func @transform_1(%arg0: i32) -> (i32, i32) {
    %c0_i32 = arith.constant 0 : i32
    %c0_i32_0 = arith.constant 0 : i32
    %c0_i32_1 = arith.constant 0 : i32
    return %c0_i32, %c0_i32_0 : i32, i32
  }
  func.func @transform_2(%arg0: i32) -> (i32, i32) {
    %c0_i32 = arith.constant 0 : i32
    %c0_i32_0 = arith.constant 0 : i32
    %c0_i32_1 = arith.constant 0 : i32
    return %c0_i32, %c0_i32_0 : i32, i32
  }
  func.func @transform_3(%arg0: i32) -> (i32, i32) {
    %c0_i32 = arith.constant 0 : i32
    %c0_i32_0 = arith.constant 0 : i32
    %c0_i32_1 = arith.constant 0 : i32
    return %c0_i32, %c0_i32_0 : i32, i32
  }
  func.func @transform_4(%arg0: i32) -> (i32, i32) {
    %c0_i32 = arith.constant 0 : i32
    %c0_i32_0 = arith.constant 0 : i32
    %c0_i32_1 = arith.constant 0 : i32
    return %c0_i32, %c0_i32_0 : i32, i32
  }
  func.func @transform_5(%arg0: i32) -> (i32, i32, i32) {
    %c0_i32 = arith.constant 0 : i32
    %c0_i32_0 = arith.constant 0 : i32
    %c0_i32_1 = arith.constant 0 : i32
    return %arg0, %c0_i32, %c0_i32_0 : i32, i32, i32
  }
}

module attributes {stable_mosaic.version = 14 : i64} {
  func.func @_stagec_body(%arg0: i32, %arg1: i32, %arg2: memref<1x16x32x256xf32, #tpu.memory_space<vmem>>, %arg3: memref<1x32x3xf32, #tpu.memory_space<vmem>>, %arg4: memref<3x10xf32, #tpu.memory_space<vmem>>, %arg5: memref<1x10xf32, #tpu.memory_space<vmem>>, %arg6: memref<10x20xf32, #tpu.memory_space<vmem>>, %arg7: memref<1x20xf32, #tpu.memory_space<vmem>>, %arg8: memref<2560x128xf32, #tpu.memory_space<vmem>>, %arg9: memref<1x128xf32, #tpu.memory_space<vmem>>, %arg10: memref<1x32x128xf32, #tpu.memory_space<vmem>>) attributes {dimension_semantics = [#tpu.dimension_semantics<arbitrary>, #tpu.dimension_semantics<arbitrary>], iteration_bounds = array<i64: 2, 4>, scalar_prefetch = 0 : i64, scratch_operands = 0 : i64, tpu.core_type = #tpu.core_type<tc>, window_params = [{transform_indices = @transform_0, window_bounds = array<i64: 1, 16, 32, 256>}, {transform_indices = @transform_1, window_bounds = array<i64: 1, 32, 3>}, {pipeline_mode = #tpu.pipeline_mode<synchronous>, transform_indices = @transform_2, window_bounds = array<i64: 3, 10>}, {pipeline_mode = #tpu.pipeline_mode<synchronous>, transform_indices = @transform_3, window_bounds = array<i64: 1, 10>}, {pipeline_mode = #tpu.pipeline_mode<synchronous>, transform_indices = @transform_4, window_bounds = array<i64: 10, 20>}, {pipeline_mode = #tpu.pipeline_mode<synchronous>, transform_indices = @transform_5, window_bounds = array<i64: 1, 20>}, {pipeline_mode = #tpu.pipeline_mode<synchronous>, transform_indices = @transform_6, window_bounds = array<i64: 2560, 128>}, {pipeline_mode = #tpu.pipeline_mode<synchronous>, transform_indices = @transform_7, window_bounds = array<i64: 1, 128>}, {transform_indices = @transform_8, window_bounds = array<i64: 1, 32, 128>}]} {
    %get3A = arith.constant 0 : index
    %get3A_0 = arith.constant 0 : index
    %get3A_1 = arith.constant 0 : index
    %get3A_2 = vector.load %arg3[%get3A, %get3A_0, %get3A_1] : memref<1x32x3xf32, #tpu.memory_space<vmem>>, vector<1x32x3xf32>
    %get3A_3 = vector.shape_cast %get3A_2 : vector<1x32x3xf32> to vector<32x3xf32>
    %get3A_4 = arith.constant 0 : index
    %get3A_5 = arith.constant 0 : index
    %get3A_6 = arith.constant 0 : index
    %get3A_7 = arith.constant 0 : index
    %get3A_8 = vector.load %arg2[%get3A_4, %get3A_5, %get3A_6, %get3A_7] : memref<1x16x32x256xf32, #tpu.memory_space<vmem>>, vector<1x16x32x256xf32>
    %get3A_9 = vector.shape_cast %get3A_8 : vector<1x16x32x256xf32> to vector<16x32x256xf32>
    %reshape3A = vector.shape_cast %get3A_9 : vector<16x32x256xf32> to vector<512x256xf32>
    %tile3A = tpu.concatenate %get3A_3, %get3A_3, %get3A_3, %get3A_3, %get3A_3, %get3A_3, %get3A_3, %get3A_3, %get3A_3, %get3A_3, %get3A_3, %get3A_3, %get3A_3, %get3A_3, %get3A_3, %get3A_3 in 0 : vector<32x3xf32>, vector<32x3xf32>, vector<32x3xf32>, vector<32x3xf32>, vector<32x3xf32>, vector<32x3xf32>, vector<32x3xf32>, vector<32x3xf32>, vector<32x3xf32>, vector<32x3xf32>, vector<32x3xf32>, vector<32x3xf32>, vector<32x3xf32>, vector<32x3xf32>, vector<32x3xf32>, vector<32x3xf32> -> vector<512x3xf32>
    %slice3A = vector.extract_strided_slice %reshape3A {offsets = [0, 0], sizes = [512, 3], strides = [1, 1]} : vector<512x256xf32> to vector<512x3xf32>
    %sub3A = arith.subf %slice3A, %tile3A : vector<512x3xf32>
    %get3A_10 = arith.constant 0 : index
    %get3A_11 = arith.constant 0 : index
    %get3A_12 = vector.load %arg4[%get3A_10, %get3A_11] : memref<3x10xf32, #tpu.memory_space<vmem>>, vector<3x10xf32>
    %dot_general3A = arith.constant dense<0.000000e+00> : vector<512x10xf32>
    %dot_general3A_13 = tpu.matmul %sub3A, %get3A_12, %dot_general3A {dimension_numbers = #tpu.dot_dimension_numbers<[1], [0], [0], [1], [0, 0, 1, 1], [], []>, transpose_lhs_hint = false} : vector<512x3xf32>, vector<3x10xf32>, vector<512x10xf32> -> vector<512x10xf32>
    %get3A_14 = arith.constant 0 : index
    %get3A_15 = arith.constant 0 : index
    %get3A_16 = vector.load %arg5[%get3A_14, %get3A_15] : memref<1x10xf32, #tpu.memory_space<vmem>>, vector<1x10xf32>
    %add3A = vector.broadcast %get3A_16 : vector<1x10xf32> to vector<512x10xf32>
    %add3A_17 = arith.addf %dot_general3A_13, %add3A : vector<512x10xf32>
    %max3A = arith.constant 0.000000e+00 : f32
    %max3A_18 = vector.broadcast %max3A : f32 to vector<512x10xf32>
    %max3A_19 = arith.maximumf %add3A_17, %max3A_18 : vector<512x10xf32>
    %get3A_20 = arith.constant 0 : index
    %get3A_21 = arith.constant 0 : index
    %get3A_22 = vector.load %arg6[%get3A_20, %get3A_21] : memref<10x20xf32, #tpu.memory_space<vmem>>, vector<10x20xf32>
    %dot_general3A_23 = arith.constant dense<0.000000e+00> : vector<512x20xf32>
    %dot_general3A_24 = tpu.matmul %max3A_19, %get3A_22, %dot_general3A_23 {dimension_numbers = #tpu.dot_dimension_numbers<[1], [0], [0], [1], [0, 0, 1, 1], [], []>, transpose_lhs_hint = false} : vector<512x10xf32>, vector<10x20xf32>, vector<512x20xf32> -> vector<512x20xf32>
    %get3A_25 = arith.constant 0 : index
    %get3A_26 = arith.constant 0 : index
    %get3A_27 = vector.load %arg7[%get3A_25, %get3A_26] : memref<1x20xf32, #tpu.memory_space<vmem>>, vector<1x20xf32>
    %add3A_28 = vector.broadcast %get3A_27 : vector<1x20xf32> to vector<512x20xf32>
    %add3A_29 = arith.addf %dot_general3A_24, %add3A_28 : vector<512x20xf32>
    %max3A_30 = arith.constant 0.000000e+00 : f32
    %max3A_31 = vector.broadcast %max3A_30 : f32 to vector<512x20xf32>
    %max3A_32 = arith.maximumf %add3A_29, %max3A_31 : vector<512x20xf32>
    %slice3A_33 = vector.extract_strided_slice %reshape3A {offsets = [0, 3], sizes = [512, 128], strides = [1, 1]} : vector<512x256xf32> to vector<512x128xf32>
    %iota3A = tpu.iota {dimensions = array<i32: 1>} : vector<20x2560xi32>
    %iota3A_34 = tpu.iota {dimensions = array<i32: 0>} : vector<20x2560xi32>
    %jit3A = arith.constant 128 : i32
    %div3A = vector.broadcast %jit3A : i32 to vector<20x2560xi32>
    %div3A_35 = arith.divsi %iota3A, %div3A : vector<20x2560xi32>
    %sign3A = arith.constant 0 : i32
    %sign3A_36 = vector.broadcast %sign3A : i32 to vector<20x2560xi32>
    %sign3A_37 = arith.cmpi sgt, %iota3A, %sign3A_36 : vector<20x2560xi32>
    %sign3A_38 = arith.extui %sign3A_37 : vector<20x2560xi1> to vector<20x2560xi32>
    %sign3A_39 = arith.constant 0 : i32
    %sign3A_40 = vector.broadcast %sign3A_39 : i32 to vector<20x2560xi32>
    %sign3A_41 = arith.cmpi slt, %iota3A, %sign3A_40 : vector<20x2560xi32>
    %sign3A_42 = arith.extui %sign3A_41 : vector<20x2560xi1> to vector<20x2560xi32>
    %sign3A_43 = arith.subi %sign3A_38, %sign3A_42 : vector<20x2560xi32>
    %sign3A_44 = arith.constant 0 : i32
    %sign3A_45 = arith.cmpi sgt, %jit3A, %sign3A_44 : i32
    %sign3A_46 = arith.extui %sign3A_45 : i1 to i32
    %sign3A_47 = arith.constant 0 : i32
    %sign3A_48 = arith.cmpi slt, %jit3A, %sign3A_47 : i32
    %sign3A_49 = arith.extui %sign3A_48 : i1 to i32
    %sign3A_50 = arith.subi %sign3A_46, %sign3A_49 : i32
    %ne3A = vector.broadcast %sign3A_50 : i32 to vector<20x2560xi32>
    %ne3A_51 = arith.cmpi ne, %sign3A_43, %ne3A : vector<20x2560xi32>
    %rem3A = vector.broadcast %jit3A : i32 to vector<20x2560xi32>
    %rem3A_52 = arith.remsi %iota3A, %rem3A : vector<20x2560xi32>
    %ne3A_53 = arith.constant 0 : i32
    %ne3A_54 = vector.broadcast %ne3A_53 : i32 to vector<20x2560xi32>
    %ne3A_55 = arith.cmpi ne, %rem3A_52, %ne3A_54 : vector<20x2560xi32>
    %and3A = arith.andi %ne3A_51, %ne3A_55 : vector<20x2560xi1>
    %sub3A_56 = arith.constant 1 : i32
    %sub3A_57 = vector.broadcast %sub3A_56 : i32 to vector<20x2560xi32>
    %sub3A_58 = arith.subi %div3A_35, %sub3A_57 : vector<20x2560xi32>
    %select_n3A = arith.select %and3A, %sub3A_58, %div3A_35 : vector<20x2560xi1>, vector<20x2560xi32>
    %eq3A = arith.cmpi eq, %select_n3A, %iota3A_34 : vector<20x2560xi32>
    %convert_element_type3A = arith.extui %eq3A : vector<20x2560xi1> to vector<20x2560xi32>
    %convert_element_type3A_59 = arith.sitofp %convert_element_type3A : vector<20x2560xi32> to vector<20x2560xf32>
    %dot_general3A_60 = arith.constant dense<0.000000e+00> : vector<512x2560xf32>
    %dot_general3A_61 = tpu.matmul %max3A_32, %convert_element_type3A_59, %dot_general3A_60 {dimension_numbers = #tpu.dot_dimension_numbers<[1], [0], [0], [1], [0, 0, 1, 1], [], []>, transpose_lhs_hint = false} : vector<512x20xf32>, vector<20x2560xf32>, vector<512x2560xf32> -> vector<512x2560xf32>
    %tile3A_62 = tpu.concatenate %slice3A_33, %slice3A_33, %slice3A_33, %slice3A_33, %slice3A_33, %slice3A_33, %slice3A_33, %slice3A_33, %slice3A_33, %slice3A_33, %slice3A_33, %slice3A_33, %slice3A_33, %slice3A_33, %slice3A_33, %slice3A_33, %slice3A_33, %slice3A_33, %slice3A_33, %slice3A_33 in 1 : vector<512x128xf32>, vector<512x128xf32>, vector<512x128xf32>, vector<512x128xf32>, vector<512x128xf32>, vector<512x128xf32>, vector<512x128xf32>, vector<512x128xf32>, vector<512x128xf32>, vector<512x128xf32>, vector<512x128xf32>, vector<512x128xf32>, vector<512x128xf32>, vector<512x128xf32>, vector<512x128xf32>, vector<512x128xf32>, vector<512x128xf32>, vector<512x128xf32>, vector<512x128xf32>, vector<512x128xf32> -> vector<512x2560xf32>
    %mul3A = arith.mulf %tile3A_62, %dot_general3A_61 : vector<512x2560xf32>
    %reshape3A_63 = vector.shape_cast %mul3A : vector<512x2560xf32> to vector<16x32x2560xf32>
    %reduce_sum3A = arith.constant dense<0.000000e+00> : vector<32x2560xf32>
    %reduce_sum3A_64 = vector.multi_reduction <add>, %reshape3A_63, %reduce_sum3A [0] : vector<16x32x2560xf32> to vector<32x2560xf32>
    %get3A_65 = arith.constant 0 : index
    %get3A_66 = arith.constant 0 : index
    %get3A_67 = vector.load %arg8[%get3A_65, %get3A_66] : memref<2560x128xf32, #tpu.memory_space<vmem>>, vector<2560x128xf32>
    %dot_general3A_68 = arith.constant dense<0.000000e+00> : vector<32x128xf32>
    %dot_general3A_69 = tpu.matmul %reduce_sum3A_64, %get3A_67, %dot_general3A_68 {dimension_numbers = #tpu.dot_dimension_numbers<[1], [0], [0], [1], [0, 0, 1, 1], [], []>, transpose_lhs_hint = false} : vector<32x2560xf32>, vector<2560x128xf32>, vector<32x128xf32> -> vector<32x128xf32>
    %get3A_70 = arith.constant 0 : index
    %get3A_71 = arith.constant 0 : index
    %get3A_72 = vector.load %arg9[%get3A_70, %get3A_71] : memref<1x128xf32, #tpu.memory_space<vmem>>, vector<1x128xf32>
    %add3A_73 = vector.broadcast %get3A_72 : vector<1x128xf32> to vector<32x128xf32>
    %add3A_74 = arith.addf %dot_general3A_69, %add3A_73 : vector<32x128xf32>
    %max3A_75 = arith.constant 0.000000e+00 : f32
    %max3A_76 = vector.broadcast %max3A_75 : f32 to vector<32x128xf32>
    %max3A_77 = arith.maximumf %add3A_74, %max3A_76 : vector<32x128xf32>
    %swap3A = arith.constant 0 : index
    %swap3A_78 = arith.constant 0 : index
    %swap3A_79 = arith.constant 0 : index
    %swap3A_80 = vector.load %arg10[%swap3A, %swap3A_78, %swap3A_79] : memref<1x32x128xf32, #tpu.memory_space<vmem>>, vector<1x32x128xf32>
    %swap3A_81 = vector.shape_cast %swap3A_80 : vector<1x32x128xf32> to vector<32x128xf32>
    %swap3A_82 = vector.shape_cast %max3A_77 : vector<32x128xf32> to vector<1x32x128xf32>
    tpu.vector_store %arg10[%swap3A, %swap3A_78, %swap3A_79], %swap3A_82 {strides = array<i32>} : memref<1x32x128xf32, #tpu.memory_space<vmem>>, vector<1x32x128xf32>,
    return
  }
  func.func @transform_0(%arg0: i32, %arg1: i32) -> (i32, i32, i32, i32) {
    %c0_i32 = arith.constant 0 : i32
    %c0_i32_0 = arith.constant 0 : i32
    %c0_i32_1 = arith.constant 0 : i32
    return %arg0, %c0_i32, %arg1, %c0_i32_0 : i32, i32, i32, i32
  }
  func.func @transform_1(%arg0: i32, %arg1: i32) -> (i32, i32, i32) {
    %c0_i32 = arith.constant 0 : i32
    %c0_i32_0 = arith.constant 0 : i32
    return %arg0, %arg1, %c0_i32 : i32, i32, i32
  }
  func.func @transform_2(%arg0: i32, %arg1: i32) -> (i32, i32) {
    %c0_i32 = arith.constant 0 : i32
    %c0_i32_0 = arith.constant 0 : i32
    %c0_i32_1 = arith.constant 0 : i32
    return %c0_i32, %c0_i32_0 : i32, i32
  }
  func.func @transform_3(%arg0: i32, %arg1: i32) -> (i32, i32) {
    %c0_i32 = arith.constant 0 : i32
    %c0_i32_0 = arith.constant 0 : i32
    %c0_i32_1 = arith.constant 0 : i32
    return %c0_i32, %c0_i32_0 : i32, i32
  }
  func.func @transform_4(%arg0: i32, %arg1: i32) -> (i32, i32) {
    %c0_i32 = arith.constant 0 : i32
    %c0_i32_0 = arith.constant 0 : i32
    %c0_i32_1 = arith.constant 0 : i32
    return %c0_i32, %c0_i32_0 : i32, i32
  }
  func.func @transform_5(%arg0: i32, %arg1: i32) -> (i32, i32) {
    %c0_i32 = arith.constant 0 : i32
    %c0_i32_0 = arith.constant 0 : i32
    %c0_i32_1 = arith.constant 0 : i32
    return %c0_i32, %c0_i32_0 : i32, i32
  }
  func.func @transform_6(%arg0: i32, %arg1: i32) -> (i32, i32) {
    %c0_i32 = arith.constant 0 : i32
    %c0_i32_0 = arith.constant 0 : i32
    %c0_i32_1 = arith.constant 0 : i32
    return %c0_i32, %c0_i32_0 : i32, i32
  }
  func.func @transform_7(%arg0: i32, %arg1: i32) -> (i32, i32) {
    %c0_i32 = arith.constant 0 : i32
    %c0_i32_0 = arith.constant 0 : i32
    %c0_i32_1 = arith.constant 0 : i32
    return %c0_i32, %c0_i32_0 : i32, i32
  }
  func.func @transform_8(%arg0: i32, %arg1: i32) -> (i32, i32, i32) {
    %c0_i32 = arith.constant 0 : i32
    %c0_i32_0 = arith.constant 0 : i32
    return %arg0, %arg1, %c0_i32 : i32, i32, i32
  }
}

</mosaic_0001>

<sc_bundles>
// kernel: kernel.14.cloned.1.call-start
scs
__scs_entry_jumppad:
0x0: {  	(pc) =	sbr.rel $0x88, $3  }
0x1: {  	(tag) =	ssettag $0x0;
	lr =	simm.s32 $0x1  }
0x2: {  	[smem:$0x3F7F] =	sst lr;
	_ =	strace $0xD0000000  }
0x3: {  	_ = 	snop  }
0x4: {  	_ = 	snop  }
0x5: {  	_ = 	snop  }
0x6: {  	_ = 	snop  }
0x7: {  	_ = 	snop  }
__scs_overlays_trampoline_lowered:
0x8: {  	[smem:$0x3F8E] =	sst s0  }
0x9: {  	[smem:$0x3F8F] =	sst s1  }
0xa: {  	[smem:$0x3F90] =	sst s2  }
0xb: {  	[smem:$0x3F91] =	sst s3  }
0xc: {  	[smem:$0x3F92] =	sst s4  }
0xd: {  	[smem:$0x3F93] =	sst s5  }
0xe: {  	[smem:$0x3F94] =	sst s6  }
0xf: {  	[smem:$0x3F95] =	sst s7  }
0x10: {  	[smem:$0x3F96] =	sst s8  }
0x11: {  	[smem:$0x3F97] =	sst s9;
	s0 =	simm.s32 @!p0 $0x0  }
0x12: {  	s1 =	sld [smem:$0x3F7D];
	s0 =	simm.s32 @p0 $0x1  }
0x13: {  	[smem:$0x3F98] =	sst s0;
	s0 =	simm.s32 @!p1 $0x0  }
0x14: {  	s2 =	sld [smem:$0x3F7C];
	s0 =	simm.s32 @p1 $0x1  }
0x15: {  	[smem:$0x3F99] =	sst s0;
	s0 =	simm.s32 @!p2 $0x0  }
0x16: {  	s3 =	sld [smem:$0x3FDB];
	s0 =	simm.s32 @p2 $0x1  }
0x17: {  	s4 =	simm.s32 $0x1BF5;
	[smem:$0x3F9B] =	sst s0  }
0x18: {  	s0 =	sld [smem:$0x3F7E];
	_ =	swait.ge [sflag:s4], $0x0  }
0x19: {  	s7 =	sld [smem:$0x3F7F]  }
0x1a: {  	s8 =	sadd.s32 $0xFFFFE003, lr  }
0x1b: {  	s9 =	sadd.s32 $0xFFFFFEF7, lr;
	s5 =	simm.s32 $0xFFFFFFFF;
	p2 =	slt.u32 s8, $0xFFFFF086  }
0x1c: {  	p1 =	slt.u32 s9, $0xF7A;
	s5 =	simm.s32 @!p2 $0x0  }
0x1d: {  	s5 =	simm.s32 @p1 $0x1;
	p0 =	seq.s32 s7, s2  }
0x1e: {  	s7 =	smul.u32 @!p0 $0xF7A, s2;
	p2 =	seq.s32 @!p0 s5, $0x0  }
0x1f: {  	s9 =	smul.u32 $0xF7A, s1;
	s8 =	simm.s32 @!p0 $0x1BF5;
	p2 =	por !p2, p0  }
0x20: {  	[sflag:s8] =	ssyncset.s32 @!p0 $0xFFFFF086;
	s6 =	sadd.s32 @!p0 s3, s7;
	s7 =	simm.s32 @!p0 $0x108  }
0x21: {  	s3 =	sadd.s32 s3, s9;
	s6 =	sadd.s32 @!p0 $0x88, s6;
	s7 =	simm.s32 @p2 $0x1082  }
0x22: {  	[simem:s7], [sflag:s8] =	dma.local @!p0 [hbm:s6], $0xF7A  }
0x23: {  	s9 =	sor.u32 $0xD0000000, s2;
	s6 =	simm.s32 $0x108;
	_ =	swait.ge @!p0 [sflag:s8], $0x0  }
0x24: {  	s3 =	sadd.s32 $0x88, s3;
	s6 =	simm.s32 @!p1 $0x1082;
	[sflag:s4] =	ssyncset.s32 $0xFFFFF086  }
0x25: {  	[simem:s6], [sflag:s4] =	dma.local [hbm:s3], $0xF7A  }
0x26: {  	[smem:$0x3F7F] =	sst s1;
	(tag) =	ssettag s2;
	_ =	strace s9  }
0x27: {  	s1 =	sld [smem:$0x3F8F]  }
0x28: {  	s2 =	sld [smem:$0x3F90]  }
0x29: {  	s4 =	sld [smem:$0x3F92]  }
0x2a: {  	p0 =	seq.s32 s5, $0x0;
	s5 =	sld [smem:$0x3F93]  }
0x2b: {  	s6 =	sld [smem:$0x3F94]  }
0x2c: {  	s7 =	sld [smem:$0x3F95]  }
0x2d: {  	s3 =	simm.s32 $0x108;
	s8 =	sld [smem:$0x3F96]  }
0x2e: {  	s3 =	simm.s32 @!p0 $0x1082;
	s9 =	sld [smem:$0x3F97]  }
0x2f: {  	lr =	sadd.s32 s0, s3;
	s0 =	sld [smem:$0x3F8E]  }
0x30: {  	s3 =	sld [smem:$0x3F91]  }
0x31: {  	[smem:$0x3F9A] =	sst s10  }
0x32: {  	s10 =	sld [smem:$0x3F98];
	_ =	sdelay $0x3  }
0x33: {  	p0 =	seq.s32 s10, $0x1;
	s10 =	sld [smem:$0x3F9A];
	_ =	sdelay $0x3  }
0x34: {  	[smem:$0x3F9A] =	sst s10  }
0x35: {  	s10 =	sld [smem:$0x3F99];
	_ =	sdelay $0x3  }
0x36: {  	p1 =	seq.s32 s10, $0x1;
	s10 =	sld [smem:$0x3F9A];
	_ =	sdelay $0x3  }
0x37: {  	[smem:$0x3F9A] =	sst s10  }
0x38: {  	s10 =	sld [smem:$0x3F9B]  }
0x39: {  	_ = 	snop;
	(pc) =	sbr.ind lr, $3  }
0x3a: {  	_ = 	snop  }
0x3b: {  	_ = 	snop  }
0x3c: {  	p2 =	seq.s32 s10, $0x1;
	s10 =	sld [smem:$0x3F9A]  }
0x3d: {  	_ =	shalt  }
0x3e: {  	_ =	shalt  }
0x3f: {  	_ =	shalt  }
0x40: {  	_ =	shalt  }
0x41: {  	_ =	shalt  }
0x42: {  	_ =	shalt  }
0x43: {  	_ =	shalt  }
0x44: {  	_ =	shalt  }
0x45: {  	_ =	shalt  }
0x46: {  	_ =	shalt  }
0x47: {  	_ =	shalt  }
0x48: {  	_ =	shalt  }
0x49: {  	_ =	shalt  }
0x4a: {  	_ =	shalt  }
0x4b: {  	_ =	shalt  }
0x4c: {  	_ =	shalt  }
0x4d: {  	_ =	shalt  }
0x4e: {  	_ =	shalt  }
0x4f: {  	_ =	shalt  }
0x50: {  	_ =	shalt  }
0x51: {  	_ =	shalt  }
0x52: {  	_ =	shalt  }
0x53: {  	_ =	shalt  }
0x54: {  	_ =	shalt  }
0x55: {  	_ =	shalt  }
0x56: {  	_ =	shalt  }
0x57: {  	_ =	shalt  }
0x58: {  	_ =	shalt  }
0x59: {  	_ =	shalt  }
0x5a: {  	_ =	shalt  }
0x5b: {  	_ =	shalt  }
0x5c: {  	_ =	shalt  }
0x5d: {  	_ =	shalt  }
0x5e: {  	_ =	shalt  }
0x5f: {  	_ =	shalt  }
0x60: {  	_ =	shalt  }
0x61: {  	_ =	shalt  }
0x62: {  	_ =	shalt  }
0x63: {  	_ =	shalt  }
0x64: {  	_ =	shalt  }
0x65: {  	_ =	shalt  }
0x66: {  	_ =	shalt  }
0x67: {  	_ =	shalt  }
0x68: {  	_ =	shalt  }
0x69: {  	_ =	shalt  }
0x6a: {  	_ =	shalt  }
0x6b: {  	_ =	shalt  }
0x6c: {  	_ =	shalt  }
0x6d: {  	_ =	shalt  }
0x6e: {  	_ =	shalt  }
0x6f: {  	_ =	shalt  }
0x70: {  	_ =	shalt  }
0x71: {  	_ =	shalt  }
0x72: {  	_ =	shalt  }
0x73: {  	_ =	shalt  }
0x74: {  	_ =	shalt  }
0x75: {  	_ =	shalt  }
0x76: {  	_ =	shalt  }
0x77: {  	_ =	shalt  }
0x78: {  	_ =	shalt  }
0x79: {  	_ =	shalt  }
0x7a: {  	_ =	shalt  }
0x7b: {  	_ =	shalt  }
0x7c: {  	_ =	shalt  }
0x7d: {  	_ =	shalt  }
0x7e: {  	_ =	shalt  }
0x7f: {  	_ =	shalt  }
0x80: {  	_ =	shalt  }
0x81: {  	_ =	shalt  }
0x82: {  	_ =	shalt  }
0x83: {  	_ =	shalt  }
0x84: {  	_ =	shalt  }
0x85: {  	_ =	shalt  }
0x86: {  	_ =	shalt  }
0x87: {  	_ =	shalt  }
.Lfunc_end0:
.L_simem_size_0:
called_computation_lowered:
.L_overlay_start_0:
0x88: {  	s2 =	sld [smem:$0x3FD9]  }
0x89: {  	s3 =	sld [smem:$0x3FFE];
	_ =	sdelay $0x1  }
0x8a: {  	s1 =	srdreg.scid  }
0x8b: {  	s0 =	sand.u32 $0x1, s1  }
0x8c: {  	s14 =	sshll.u32 s0, $0xA;
	s2 =	sadd.s32 s3, s2  }
0x8d: {  	s2 =	sadd.s32 s2, s14  }
0x8e: {  	[smem:$0x3FA6] =	sst s2  }
0x8f: {  	_ = 	snop  }
0x90: {  	s2 =	sld [smem:$0x3FD0];
	_ =	sdelay $0x2  }
0x91: {  	s15 =	simm.s32 $0xA;
	s4 =	simm.s32 $0x10  }
0x92: {  	[smem:s4], [sflag:s15] =	dma.local [hbm:s2], $0x1  }
0x93: {  	_ =	swait.eq [sflag:s15], $0x1  }
0x94: {  	[sflag:s15] =	ssyncset.done $0x0  }
0x95: {  	[sflag:s15] =	ssyncadd.s32 $0xFFFFFFFF  }
0x96: {  	s16 =	sld [smem:$0x11];
	(tm) =	ssettm $0x1  }
0x97: {  	s17 =	sld [smem:$0x3FFB];
	_ =	sdelay $0x3  }
0x98: {  	_ =	strace s17  }
0x99: {  	s3 =	sld [smem:$0x3FFC];
	_ =	sdelay $0x3  }
0x9a: {  	_ =	strace s3  }
0x9b: {  	s3 =	sld [smem:$0x3FFD];
	_ =	sdelay $0x3  }
0x9c: {  	_ =	strace s3  }
0x9d: {  	_ =	strace $0x8FFFFFFF  }
0x9e: {  	s18 =	sld [smem:$0x3FDB];
	_ =	sdelay $0x1  }
0x9f: {  	s19 =	simm.s32 $_scs_section_size  }
0xa0: {  	s5 =	simm.s32 $_size__tile_overlayer_lowered;
	s6 =	simm.s32 $_tile_overlayer_lowered  }
0xa1: {  	s22 =	simm.s32 $0x1BFF;
	s21 =	sshll.u32 s6, $0x1;
	s3 =	sadd.s32 s19, s18  }
0xa2: {  	s7 =	simm.s32 $0x0;
	s20 =	sshll.u32 s5, $0x1;
	s5 =	sadd.s32 s21, s3  }
0xa3: {  	[timem:s7], [sflag:s22] =	dma.local [hbm:s5], s20  }
0xa4: {  	_ =	swait.ge [sflag:s22], s20  }
0xa5: {  	s4 =	ssub.s32 $0x0, s20;
	[sflag:s22] =	ssyncset.done $0x0  }
0xa6: {  	[sflag:s22] =	ssyncadd.s32 s4;
	_ =	sdelay $0x1  }
0xa7: {  	s23 =	simm.s32 $0x1B8B  }
0xa8: {  	_ =	swait.ge [sflag:s23], $0x1  }
0xa9: {  	[sflag:s23] =	ssyncset.done $0x0  }
0xaa: {  	s25 =	simm.s32 $0x1B8E;
	s24 =	sld [smem:$0x3FFE];
	[sflag:s23] =	ssyncadd.s32 $0xFFFFFFFF  }
0xab: {  	s26 =	simm.s32 $execute0_lowered;
	[smem:$0x3FD2] =	sst s25  }
0xac: {  	s5 =	sshll.u32 s26, $0x1;
	_ =	strace $0x80000046;
	[dreg:$0x1] =	wrdreg $0xFFFFFFFF  }
0xad: {  	s28 =	simm.s32 $_size_execute0_lowered;
	s3 =	sadd.s32 s3, s5;
	[dreg:$0x0] =	wrdreg $0x0  }
0xae: {  	s5 =	sshll.u32 s28, $0x1;
	[dreg:$0x2] =	wrdreg s3  }
0xaf: {  	[dreg:$0x3] =	wrdreg s5  }
0xb0: {  	[dreg:$0x4] =	wrdreg $0xC0  }
0xb1: {  	_ =	task [dreg:s7], $0x5FFFF  }
0xb2: {  	[dreg:$0x1] =	wrdreg $0xFFFFFFFF  }
0xb3: {  	[dreg:$0x0] =	wrdreg $0x60  }
0xb4: {  	[dreg:$0x2] =	wrdreg s16  }
0xb5: {  	[dreg:$0x3] =	wrdreg s24  }
0xb6: {  	[dreg:$0x4] =	wrdreg $0x9  }
0xb7: {  	_ =	task.clear_ibuf [dreg:s7], $0x5FFFF;
	_ =	strace $0x90000046  }
0xb8: {  	s29 =	simm.s32 $0x9;
	_ =	strace $0x80000048  }
0xb9: {  	_ =	swait.ge [sflag:s29], $0x1  }
0xba: {  	[sflag:s29] =	ssyncadd.s32 $0xFFFFFFFF  }
0xbb: {  	_ =	strace $0x90000048  }
0xbc: {  	_ =	sfence  }
0xbd: {  	s30 =	sld [smem:$0x0];
	_ =	sdelay $0x2  }
0xbe: {  	s31 =	sshll.u32 s1, $0xD;
	s1 =	sshrl.u32 s1, $0x2  }
0xbf: {  	s3 =	sand.u32 $0x4000, s31;
	s1 =	sadd.s32 s1, s30  }
0xc0: {  	s0 =	sor.u32 s3, s0;
	s1 =	sshll.u32 s1, $0x11  }
0xc1: {  	s0 =	sor.u32 s1, s0  }
0xc2: {  	s0 =	sadd.s32 $0x8F2B, s0  }
0xc3: {  	[sflag:s0] =	ssyncadd.remote.s32 $0x1  }
0xc4: {  	_ =	sfence.sel $0xFFFF  }
0xc5: {  	[dreg:$0x0] =	wrdreg $0xFFFFFFFF;
	(pc) =	sbr.abs _section_cstart, $3  }
0xc6: {  	[dreg:$0x1] =	wrdreg $0xFFFFFFFF  }
0xc7: {  	_ =	task.clear_ibuf [dreg:s7], $0x2FFFF;
	_ =	strace $0x9FFFFFFF  }
0xc8: {  	(tm) =	ssettm $0x7FFFFFFF  }
0xc9: {  	_ =	shalt  }
tec
execute0_lowered:
.L_overlay_start_1:
0x0: {  	(tag) =	ssettag $0x1  }
0x1: {  	s1 =	srdreg.scid  }
0x2: {  	s0 =	stileid.u32;
	s1 =	sand.u32 $0x1, s1  }
0x3: {  	s3 =	rddreg [dreg:$0x0];
	s5 =	sshll.u32 s0, $0xC;
	s6 =	sshll.u32 s1, $0xB  }
0x4: {  	s4 =	rddreg [dreg:$0x1];
	s5 =	sor.u32 s6, s5  }
0x5: {  	s2 =	simm.s32 $0x0;
	s6 =	sshll.u32 s5, $0x4;
	s5 =	sshrl.u32 s5, $0x3  }
0x6: {  	[smem:$0x7FF] =	sst s2;
	s31 =	sadd.s32 s6, s4;
	s3 =	sadd.s32 s3, s5  }
0x7: {  	_ =	strace $0x80000047;
	[dreg:$0x3] =	wrdreg s3;
	s17 =	sadd.s32 $0x45400, s31  }
0x8: {  	s18 =	sadd.s32 $0x45C00, s31;
	[dreg:$0x4] =	wrdreg s17  }
0x9: {  	s19 =	sadd.s32 $0x46400, s31;
	[dreg:$0x5] =	wrdreg s18  }
0xa: {  	s20 =	sadd.s32 $0x46C00, s31;
	[dreg:$0x6] =	wrdreg s19  }
0xb: {  	s21 =	sadd.s32 $0x47400, s31;
	[dreg:$0x7] =	wrdreg s20  }
0xc: {  	s22 =	sadd.s32 $0x47C00, s31;
	[dreg:$0x8] =	wrdreg s21  }
0xd: {  	s23 =	sadd.s32 $0x48400, s31;
	[dreg:$0x9] =	wrdreg s22  }
0xe: {  	[dreg:$0xa] =	wrdreg s23  }
0xf: {  	s24 =	sadd.s32 $0x48C00, s31;
	s25 =	rddreg [dreg:$0x3]  }
0x10: {  	s26 =	sadd.s32 $0x49400, s31;
	[dreg:$0xb] =	wrdreg s24  }
0x11: {  	s3 =	simm.s32 $0x3;
	[dreg:$0xc] =	wrdreg s26  }
0x12: {  	[tilespmem:s2], [sflag:$0x3] =	stream.linear.gather [hbm4b:s25+s2], $0x800, $0x38;
	[tilespmem:$0x8800] =	vst v63  }
0x13: {  	_ =	swait.ge [sflag:s3], $0x800  }
0x14: {  	s4 =	sadd.s32 $0x5400, s4;
	[sflag:s3] =	ssyncset.done $0x0  }
0x15: {  	s5 =	simm.s32 $0x80;
	s6 =	simm.s32 $0x800;
	[sflag:s3] =	ssyncadd.s32 $0xFFFFF800  }
0x16: {  	[tilespmem:s6], [sflag:$0x1] =	stream.indirect.gather [hbm4b:s4+s5], $0x80, s2, s5, $0xb8;
	[tilespmem:$0x8800] =	vst v63  }
0x17: {  	s7 =	simm.s32 $0x4800;
	s8 =	simm.s32 $0x1  }
0x18: {  	[tilespmem:s7], [sflag:$0x1] =	stream.indirect.gather [hbm4b:s4+s5], $0x80, s5, s5, $0xb8;
	[tilespmem:$0x8800] =	vst v63  }
0x19: {  	_ =	swait.ge [sflag:s8], $0x4000  }
0x1a: {  	[sflag:s8] =	ssyncset.done $0x0  }
0x1b: {  	s9 =	simm.s32 $0x2;
	s10 =	rddreg [dreg:$0x4];
	[sflag:s8] =	ssyncadd.s32 $0xFFFFC000  }
0x1c: {  	[hbm4b:s10+s2] =	stream.linear.scatter [tilespmem:s6], [sflag:$0x2], $0x4000, $0x38;
	[tilespmem:$0x8800] =	vst v63  }
0x1d: {  	_ =	swait.ge [sflag:s9], $0x4000  }
0x1e: {  	[sflag:s9] =	ssyncset.done $0x0  }
0x1f: {  	s10 =	simm.s32 $0x100;
	[sflag:s9] =	ssyncadd.s32 $0xFFFFC000  }
0x20: {  	[tilespmem:s6], [sflag:$0x1] =	stream.indirect.gather [hbm4b:s4+s5], $0x80, s10, s5, $0xb8;
	[tilespmem:$0x8800] =	vst v63  }
0x21: {  	_ =	swait.ge [sflag:s8], $0x4000  }
0x22: {  	[sflag:s8] =	ssyncset.done $0x0  }
0x23: {  	s11 =	rddreg [dreg:$0x5];
	[sflag:s8] =	ssyncadd.s32 $0xFFFFC000  }
0x24: {  	[hbm4b:s11+s2] =	stream.linear.scatter [tilespmem:s7], [sflag:$0x2], $0x4000, $0x38;
	[tilespmem:$0x8800] =	vst v63  }
0x25: {  	_ =	swait.ge [sflag:s9], $0x4000  }
0x26: {  	[sflag:s9] =	ssyncset.done $0x0  }
0x27: {  	s11 =	simm.s32 $0x180;
	[sflag:s9] =	ssyncadd.s32 $0xFFFFC000  }
0x28: {  	[tilespmem:s7], [sflag:$0x1] =	stream.indirect.gather [hbm4b:s4+s5], $0x80, s11, s5, $0xb8;
	[tilespmem:$0x8800] =	vst v63  }
0x29: {  	_ =	swait.ge [sflag:s8], $0x4000  }
0x2a: {  	[sflag:s8] =	ssyncset.done $0x0  }
0x2b: {  	s12 =	rddreg [dreg:$0x6];
	[sflag:s8] =	ssyncadd.s32 $0xFFFFC000  }
0x2c: {  	[hbm4b:s12+s2] =	stream.linear.scatter [tilespmem:s6], [sflag:$0x2], $0x4000, $0x38;
	[tilespmem:$0x8800] =	vst v63  }
0x2d: {  	_ =	swait.ge [sflag:s9], $0x4000  }
0x2e: {  	[sflag:s9] =	ssyncset.done $0x0  }
0x2f: {  	s12 =	simm.s32 $0x200;
	[sflag:s9] =	ssyncadd.s32 $0xFFFFC000  }
0x30: {  	[tilespmem:s6], [sflag:$0x1] =	stream.indirect.gather [hbm4b:s4+s5], $0x80, s12, s5, $0xb8;
	[tilespmem:$0x8800] =	vst v63  }
0x31: {  	_ =	swait.ge [sflag:s8], $0x4000  }
0x32: {  	[sflag:s8] =	ssyncset.done $0x0  }
0x33: {  	s13 =	rddreg [dreg:$0x7];
	[sflag:s8] =	ssyncadd.s32 $0xFFFFC000  }
0x34: {  	[hbm4b:s13+s2] =	stream.linear.scatter [tilespmem:s7], [sflag:$0x2], $0x4000, $0x38;
	[tilespmem:$0x8800] =	vst v63  }
0x35: {  	_ =	swait.ge [sflag:s9], $0x4000  }
0x36: {  	[sflag:s9] =	ssyncset.done $0x0  }
0x37: {  	s13 =	simm.s32 $0x280;
	[sflag:s9] =	ssyncadd.s32 $0xFFFFC000  }
0x38: {  	[tilespmem:s7], [sflag:$0x1] =	stream.indirect.gather [hbm4b:s4+s5], $0x80, s13, s5, $0xb8;
	[tilespmem:$0x8800] =	vst v63  }
0x39: {  	_ =	swait.ge [sflag:s8], $0x4000  }
0x3a: {  	[sflag:s8] =	ssyncset.done $0x0  }
0x3b: {  	s14 =	rddreg [dreg:$0x8];
	[sflag:s8] =	ssyncadd.s32 $0xFFFFC000  }
0x3c: {  	[hbm4b:s14+s2] =	stream.linear.scatter [tilespmem:s6], [sflag:$0x2], $0x4000, $0x38;
	[tilespmem:$0x8800] =	vst v63  }
0x3d: {  	_ =	swait.ge [sflag:s9], $0x4000  }
0x3e: {  	[sflag:s9] =	ssyncset.done $0x0  }
0x3f: {  	s14 =	simm.s32 $0x300;
	[sflag:s9] =	ssyncadd.s32 $0xFFFFC000  }
0x40: {  	[tilespmem:s6], [sflag:$0x1] =	stream.indirect.gather [hbm4b:s4+s5], $0x80, s14, s5, $0xb8;
	[tilespmem:$0x8800] =	vst v63  }
0x41: {  	_ =	swait.ge [sflag:s8], $0x4000  }
0x42: {  	[sflag:s8] =	ssyncset.done $0x0  }
0x43: {  	s15 =	rddreg [dreg:$0x9];
	[sflag:s8] =	ssyncadd.s32 $0xFFFFC000  }
0x44: {  	[hbm4b:s15+s2] =	stream.linear.scatter [tilespmem:s7], [sflag:$0x2], $0x4000, $0x38;
	[tilespmem:$0x8800] =	vst v63  }
0x45: {  	_ =	swait.ge [sflag:s9], $0x4000  }
0x46: {  	[sflag:s9] =	ssyncset.done $0x0  }
0x47: {  	s15 =	simm.s32 $0x380;
	[sflag:s9] =	ssyncadd.s32 $0xFFFFC000  }
0x48: {  	[tilespmem:s7], [sflag:$0x1] =	stream.indirect.gather [hbm4b:s4+s5], $0x80, s15, s5, $0xb8;
	[tilespmem:$0x8800] =	vst v63  }
0x49: {  	_ =	swait.ge [sflag:s8], $0x4000  }
0x4a: {  	[sflag:s8] =	ssyncset.done $0x0  }
0x4b: {  	s16 =	rddreg [dreg:$0xa];
	[sflag:s8] =	ssyncadd.s32 $0xFFFFC000  }
0x4c: {  	[hbm4b:s16+s2] =	stream.linear.scatter [tilespmem:s6], [sflag:$0x2], $0x4000, $0x38;
	[tilespmem:$0x8800] =	vst v63  }
0x4d: {  	_ =	swait.ge [sflag:s9], $0x4000  }
0x4e: {  	[sflag:s9] =	ssyncset.done $0x0  }
0x4f: {  	s16 =	simm.s32 $0x400;
	[sflag:s9] =	ssyncadd.s32 $0xFFFFC000  }
0x50: {  	[tilespmem:s6], [sflag:$0x1] =	stream.indirect.gather [hbm4b:s4+s5], $0x80, s16, s5, $0xb8;
	[tilespmem:$0x8800] =	vst v63  }
0x51: {  	_ =	swait.ge [sflag:s8], $0x4000  }
0x52: {  	[sflag:s8] =	ssyncset.done $0x0  }
0x53: {  	s17 =	rddreg [dreg:$0xb];
	[sflag:s8] =	ssyncadd.s32 $0xFFFFC000  }
0x54: {  	[hbm4b:s17+s2] =	stream.linear.scatter [tilespmem:s7], [sflag:$0x2], $0x4000, $0x38;
	[tilespmem:$0x8800] =	vst v63  }
0x55: {  	_ =	swait.ge [sflag:s9], $0x4000  }
0x56: {  	[sflag:s9] =	ssyncset.done $0x0  }
0x57: {  	s17 =	simm.s32 $0x480;
	[sflag:s9] =	ssyncadd.s32 $0xFFFFC000  }
0x58: {  	[tilespmem:s7], [sflag:$0x1] =	stream.indirect.gather [hbm4b:s4+s5], $0x80, s17, s5, $0xb8;
	[tilespmem:$0x8800] =	vst v63  }
0x59: {  	_ =	swait.ge [sflag:s8], $0x4000  }
0x5a: {  	[sflag:s8] =	ssyncset.done $0x0  }
0x5b: {  	s18 =	rddreg [dreg:$0xc];
	[sflag:s8] =	ssyncadd.s32 $0xFFFFC000  }
0x5c: {  	[hbm4b:s18+s2] =	stream.linear.scatter [tilespmem:s6], [sflag:$0x2], $0x4000, $0x38;
	[tilespmem:$0x8800] =	vst v63  }
0x5d: {  	_ =	swait.ge [sflag:s9], $0x4000  }
0x5e: {  	[sflag:s9] =	ssyncset.done $0x0  }
0x5f: {  	s18 =	simm.s32 $0x500;
	[sflag:s9] =	ssyncadd.s32 $0xFFFFC000  }
0x60: {  	[tilespmem:s6], [sflag:$0x1] =	stream.indirect.gather [hbm4b:s4+s5], $0x80, s18, s5, $0xb8;
	[tilespmem:$0x8800] =	vst v63  }
0x61: {  	_ =	swait.ge [sflag:s8], $0x4000  }
0x62: {  	[sflag:s8] =	ssyncset.done $0x0  }
0x63: {  	s19 =	sadd.s32 $0x49C00, s31;
	[sflag:s8] =	ssyncadd.s32 $0xFFFFC000  }
0x64: {  	[hbm4b:s19+s2] =	stream.linear.scatter [tilespmem:s7], [sflag:$0x2], $0x4000, $0x38;
	[tilespmem:$0x8800] =	vst v63  }
0x65: {  	_ =	swait.ge [sflag:s9], $0x4000  }
0x66: {  	[sflag:s9] =	ssyncset.done $0x0  }
0x67: {  	s20 =	simm.s32 $0x580;
	[sflag:s9] =	ssyncadd.s32 $0xFFFFC000  }
0x68: {  	[tilespmem:s7], [sflag:$0x1] =	stream.indirect.gather [hbm4b:s4+s5], $0x80, s20, s5, $0xb8;
	[tilespmem:$0x8800] =	vst v63  }
0x69: {  	_ =	swait.ge [sflag:s8], $0x4000  }
0x6a: {  	[sflag:s8] =	ssyncset.done $0x0  }
0x6b: {  	s21 =	sadd.s32 $0x4A400, s31;
	[sflag:s8] =	ssyncadd.s32 $0xFFFFC000  }
0x6c: {  	[hbm4b:s21+s2] =	stream.linear.scatter [tilespmem:s6], [sflag:$0x2], $0x4000, $0x38;
	[tilespmem:$0x8800] =	vst v63  }
0x6d: {  	_ =	swait.ge [sflag:s9], $0x4000  }
0x6e: {  	[sflag:s9] =	ssyncset.done $0x0  }
0x6f: {  	s22 =	simm.s32 $0x600;
	[sflag:s9] =	ssyncadd.s32 $0xFFFFC000  }
0x70: {  	[tilespmem:s6], [sflag:$0x1] =	stream.indirect.gather [hbm4b:s4+s5], $0x80, s22, s5, $0xb8;
	[tilespmem:$0x8800] =	vst v63  }
0x71: {  	_ =	swait.ge [sflag:s8], $0x4000  }
0x72: {  	[sflag:s8] =	ssyncset.done $0x0  }
0x73: {  	s23 =	sadd.s32 $0x4AC00, s31;
	[sflag:s8] =	ssyncadd.s32 $0xFFFFC000  }
0x74: {  	[hbm4b:s23+s2] =	stream.linear.scatter [tilespmem:s7], [sflag:$0x2], $0x4000, $0x38;
	[tilespmem:$0x8800] =	vst v63  }
0x75: {  	_ =	swait.ge [sflag:s9], $0x4000  }
0x76: {  	[sflag:s9] =	ssyncset.done $0x0  }
0x77: {  	s24 =	simm.s32 $0x680;
	[sflag:s9] =	ssyncadd.s32 $0xFFFFC000  }
0x78: {  	[tilespmem:s7], [sflag:$0x1] =	stream.indirect.gather [hbm4b:s4+s5], $0x80, s24, s5, $0xb8;
	[tilespmem:$0x8800] =	vst v63  }
0x79: {  	_ =	swait.ge [sflag:s8], $0x4000  }
0x7a: {  	[sflag:s8] =	ssyncset.done $0x0  }
0x7b: {  	s25 =	sadd.s32 $0x4B400, s31;
	[sflag:s8] =	ssyncadd.s32 $0xFFFFC000  }
0x7c: {  	[hbm4b:s25+s2] =	stream.linear.scatter [tilespmem:s6], [sflag:$0x2], $0x4000, $0x38;
	[tilespmem:$0x8800] =	vst v63  }
0x7d: {  	_ =	swait.ge [sflag:s9], $0x4000  }
0x7e: {  	[sflag:s9] =	ssyncset.done $0x0  }
0x7f: {  	s26 =	simm.s32 $0x700;
	[sflag:s9] =	ssyncadd.s32 $0xFFFFC000  }
0x80: {  	[tilespmem:s6], [sflag:$0x1] =	stream.indirect.gather [hbm4b:s4+s5], $0x80, s26, s5, $0xb8;
	[tilespmem:$0x8800] =	vst v63  }
0x81: {  	_ =	swait.ge [sflag:s8], $0x4000  }
0x82: {  	[sflag:s8] =	ssyncset.done $0x0  }
0x83: {  	s28 =	sadd.s32 $0x4BC00, s31;
	[sflag:s8] =	ssyncadd.s32 $0xFFFFC000  }
0x84: {  	[hbm4b:s28+s2] =	stream.linear.scatter [tilespmem:s7], [sflag:$0x2], $0x4000, $0x38;
	[tilespmem:$0x8800] =	vst v63  }
0x85: {  	_ =	swait.ge [sflag:s9], $0x4000  }
0x86: {  	[sflag:s9] =	ssyncset.done $0x0  }
0x87: {  	s29 =	simm.s32 $0x780;
	[sflag:s9] =	ssyncadd.s32 $0xFFFFC000  }
0x88: {  	[tilespmem:s7], [sflag:$0x1] =	stream.indirect.gather [hbm4b:s4+s5], $0x80, s29, s5, $0xb8;
	[tilespmem:$0x8800] =	vst v63  }
0x89: {  	_ =	swait.ge [sflag:s8], $0x4000  }
0x8a: {  	s1 =	ssub.s32 $0x2, s1;
	[sflag:s8] =	ssyncset.done $0x0  }
0x8b: {  	s0 =	sshrl.u32 s1, $0x1;
	s30 =	sadd.s32 $0x4C400, s31;
	[sflag:s8] =	ssyncadd.s32 $0xFFFFC000  }
0x8c: {  	[hbm4b:s30+s2] =	stream.linear.scatter [tilespmem:s6], [sflag:$0x2], $0x4000, $0x38;
	[tilespmem:$0x8800] =	vst v63  }
0x8d: {  	s0 =	ssub.s32 s1, s0;
	_ =	swait.ge [sflag:s8], $0x4000  }
0x8e: {  	s0 =	smax.u32 s0, $0x1;
	[sflag:s8] =	ssyncset.done $0x0  }
0x8f: {  	p0 =	sne.s32 s0, $0x1;
	s31 =	sadd.s32 $0x4CC00, s31;
	[sflag:s8] =	ssyncadd.s32 $0xFFFFC000  }
0x90: {  	[hbm4b:s31+s2] =	stream.linear.scatter [tilespmem:s7], [sflag:$0x2], $0x4000, $0x38;
	[tilespmem:$0x8800] =	vst v63  }
.Ltmp0:
0x91: {  	_ =	swait.ge [sflag:s9], $0x4000;
	(pc) =	sbr.rel @!p0 .LBB2_2-.Ltmp0, $4  }
0x92: {  	[sflag:s9] =	ssyncset.done $0x0  }
0x93: {  	[sflag:s9] =	ssyncadd.s32 $0xFFFFC000  }
0x94: {  	_ =	swait.ge [sflag:s9], $0x4000  }
0x95: {  	s1 =	sadd.s32 $0xFFFFFFFF, s0;
	[sflag:s9] =	ssyncset.done $0x0  }
.LBB2_1:
0x96: {  	s0 =	rddreg [dreg:$0x3];
	[sflag:s9] =	ssyncadd.s32 $0xFFFFC000  }
0x97: {  	[tilespmem:s2], [sflag:$0x3] =	stream.linear.gather [hbm4b:s0+s2], $0x800, $0x38;
	[tilespmem:$0x8800] =	vst v63  }
0x98: {  	_ =	swait.ge [sflag:s3], $0x800  }
0x99: {  	[sflag:s3] =	ssyncset.done $0x0  }
0x9a: {  	[sflag:s3] =	ssyncadd.s32 $0xFFFFF800  }
0x9b: {  	[tilespmem:s6], [sflag:$0x1] =	stream.indirect.gather [hbm4b:s4+s5], $0x80, s2, s5, $0xb8;
	[tilespmem:$0x8800] =	vst v63  }
0x9c: {  	_ = 	snop  }
0x9d: {  	[tilespmem:s7], [sflag:$0x1] =	stream.indirect.gather [hbm4b:s4+s5], $0x80, s5, s5, $0xb8;
	[tilespmem:$0x8800] =	vst v63  }
0x9e: {  	_ =	swait.ge [sflag:s8], $0x4000  }
0x9f: {  	[sflag:s8] =	ssyncset.done $0x0  }
0xa0: {  	s0 =	rddreg [dreg:$0x4];
	[sflag:s8] =	ssyncadd.s32 $0xFFFFC000  }
0xa1: {  	[hbm4b:s0+s2] =	stream.linear.scatter [tilespmem:s6], [sflag:$0x2], $0x4000, $0x38;
	[tilespmem:$0x8800] =	vst v63  }
0xa2: {  	_ =	swait.ge [sflag:s9], $0x4000  }
0xa3: {  	[sflag:s9] =	ssyncset.done $0x0  }
0xa4: {  	[sflag:s9] =	ssyncadd.s32 $0xFFFFC000  }
0xa5: {  	[tilespmem:s6], [sflag:$0x1] =	stream.indirect.gather [hbm4b:s4+s5], $0x80, s10, s5, $0xb8;
	[tilespmem:$0x8800] =	vst v63  }
0xa6: {  	_ =	swait.ge [sflag:s8], $0x4000  }
0xa7: {  	[sflag:s8] =	ssyncset.done $0x0  }
0xa8: {  	s0 =	rddreg [dreg:$0x5];
	[sflag:s8] =	ssyncadd.s32 $0xFFFFC000  }
0xa9: {  	[hbm4b:s0+s2] =	stream.linear.scatter [tilespmem:s7], [sflag:$0x2], $0x4000, $0x38;
	[tilespmem:$0x8800] =	vst v63  }
0xaa: {  	_ =	swait.ge [sflag:s9], $0x4000  }
0xab: {  	[sflag:s9] =	ssyncset.done $0x0  }
0xac: {  	[sflag:s9] =	ssyncadd.s32 $0xFFFFC000  }
0xad: {  	[tilespmem:s7], [sflag:$0x1] =	stream.indirect.gather [hbm4b:s4+s5], $0x80, s11, s5, $0xb8;
	[tilespmem:$0x8800] =	vst v63  }
0xae: {  	_ =	swait.ge [sflag:s8], $0x4000  }
0xaf: {  	[sflag:s8] =	ssyncset.done $0x0  }
0xb0: {  	s0 =	rddreg [dreg:$0x6];
	[sflag:s8] =	ssyncadd.s32 $0xFFFFC000  }
0xb1: {  	[hbm4b:s0+s2] =	stream.linear.scatter [tilespmem:s6], [sflag:$0x2], $0x4000, $0x38;
	[tilespmem:$0x8800] =	vst v63  }
0xb2: {  	_ =	swait.ge [sflag:s9], $0x4000  }
0xb3: {  	[sflag:s9] =	ssyncset.done $0x0  }
0xb4: {  	[sflag:s9] =	ssyncadd.s32 $0xFFFFC000  }
0xb5: {  	[tilespmem:s6], [sflag:$0x1] =	stream.indirect.gather [hbm4b:s4+s5], $0x80, s12, s5, $0xb8;
	[tilespmem:$0x8800] =	vst v63  }
0xb6: {  	_ =	swait.ge [sflag:s8], $0x4000  }
0xb7: {  	[sflag:s8] =	ssyncset.done $0x0  }
0xb8: {  	s0 =	rddreg [dreg:$0x7];
	[sflag:s8] =	ssyncadd.s32 $0xFFFFC000  }
0xb9: {  	[hbm4b:s0+s2] =	stream.linear.scatter [tilespmem:s7], [sflag:$0x2], $0x4000, $0x38;
	[tilespmem:$0x8800] =	vst v63  }
0xba: {  	_ =	swait.ge [sflag:s9], $0x4000  }
0xbb: {  	[sflag:s9] =	ssyncset.done $0x0  }
0xbc: {  	[sflag:s9] =	ssyncadd.s32 $0xFFFFC000  }
0xbd: {  	[tilespmem:s7], [sflag:$0x1] =	stream.indirect.gather [hbm4b:s4+s5], $0x80, s13, s5, $0xb8;
	[tilespmem:$0x8800] =	vst v63  }
0xbe: {  	_ =	swait.ge [sflag:s8], $0x4000  }
0xbf: {  	[sflag:s8] =	ssyncset.done $0x0  }
0xc0: {  	s0 =	rddreg [dreg:$0x8];
	[sflag:s8] =	ssyncadd.s32 $0xFFFFC000  }
0xc1: {  	[hbm4b:s0+s2] =	stream.linear.scatter [tilespmem:s6], [sflag:$0x2], $0x4000, $0x38;
	[tilespmem:$0x8800] =	vst v63  }
0xc2: {  	_ =	swait.ge [sflag:s9], $0x4000  }
0xc3: {  	[sflag:s9] =	ssyncset.done $0x0  }
0xc4: {  	[sflag:s9] =	ssyncadd.s32 $0xFFFFC000  }
0xc5: {  	[tilespmem:s6], [sflag:$0x1] =	stream.indirect.gather [hbm4b:s4+s5], $0x80, s14, s5, $0xb8;
	[tilespmem:$0x8800] =	vst v63  }
0xc6: {  	_ =	swait.ge [sflag:s8], $0x4000  }
0xc7: {  	[sflag:s8] =	ssyncset.done $0x0  }
0xc8: {  	s0 =	rddreg [dreg:$0x9];
	[sflag:s8] =	ssyncadd.s32 $0xFFFFC000  }
0xc9: {  	[hbm4b:s0+s2] =	stream.linear.scatter [tilespmem:s7], [sflag:$0x2], $0x4000, $0x38;
	[tilespmem:$0x8800] =	vst v63  }
0xca: {  	_ =	swait.ge [sflag:s9], $0x4000  }
0xcb: {  	[sflag:s9] =	ssyncset.done $0x0  }
0xcc: {  	[sflag:s9] =	ssyncadd.s32 $0xFFFFC000  }
0xcd: {  	[tilespmem:s7], [sflag:$0x1] =	stream.indirect.gather [hbm4b:s4+s5], $0x80, s15, s5, $0xb8;
	[tilespmem:$0x8800] =	vst v63  }
0xce: {  	_ =	swait.ge [sflag:s8], $0x4000  }
0xcf: {  	[sflag:s8] =	ssyncset.done $0x0  }
0xd0: {  	s0 =	rddreg [dreg:$0xa];
	[sflag:s8] =	ssyncadd.s32 $0xFFFFC000  }
0xd1: {  	[hbm4b:s0+s2] =	stream.linear.scatter [tilespmem:s6], [sflag:$0x2], $0x4000, $0x38;
	[tilespmem:$0x8800] =	vst v63  }
0xd2: {  	_ =	swait.ge [sflag:s9], $0x4000  }
0xd3: {  	[sflag:s9] =	ssyncset.done $0x0  }
0xd4: {  	[sflag:s9] =	ssyncadd.s32 $0xFFFFC000  }
0xd5: {  	[tilespmem:s6], [sflag:$0x1] =	stream.indirect.gather [hbm4b:s4+s5], $0x80, s16, s5, $0xb8;
	[tilespmem:$0x8800] =	vst v63  }
0xd6: {  	_ =	swait.ge [sflag:s8], $0x4000  }
0xd7: {  	[sflag:s8] =	ssyncset.done $0x0  }
0xd8: {  	s0 =	rddreg [dreg:$0xb];
	[sflag:s8] =	ssyncadd.s32 $0xFFFFC000  }
0xd9: {  	[hbm4b:s0+s2] =	stream.linear.scatter [tilespmem:s7], [sflag:$0x2], $0x4000, $0x38;
	[tilespmem:$0x8800] =	vst v63  }
0xda: {  	_ =	swait.ge [sflag:s9], $0x4000  }
0xdb: {  	[sflag:s9] =	ssyncset.done $0x0  }
0xdc: {  	[sflag:s9] =	ssyncadd.s32 $0xFFFFC000  }
0xdd: {  	[tilespmem:s7], [sflag:$0x1] =	stream.indirect.gather [hbm4b:s4+s5], $0x80, s17, s5, $0xb8;
	[tilespmem:$0x8800] =	vst v63  }
0xde: {  	_ =	swait.ge [sflag:s8], $0x4000  }
0xdf: {  	[sflag:s8] =	ssyncset.done $0x0  }
0xe0: {  	s0 =	rddreg [dreg:$0xc];
	[sflag:s8] =	ssyncadd.s32 $0xFFFFC000  }
0xe1: {  	[hbm4b:s0+s2] =	stream.linear.scatter [tilespmem:s6], [sflag:$0x2], $0x4000, $0x38;
	[tilespmem:$0x8800] =	vst v63  }
0xe2: {  	_ =	swait.ge [sflag:s9], $0x4000  }
0xe3: {  	[sflag:s9] =	ssyncset.done $0x0  }
0xe4: {  	[sflag:s9] =	ssyncadd.s32 $0xFFFFC000  }
0xe5: {  	[tilespmem:s6], [sflag:$0x1] =	stream.indirect.gather [hbm4b:s4+s5], $0x80, s18, s5, $0xb8;
	[tilespmem:$0x8800] =	vst v63  }
0xe6: {  	_ =	swait.ge [sflag:s8], $0x4000  }
0xe7: {  	[sflag:s8] =	ssyncset.done $0x0  }
0xe8: {  	[sflag:s8] =	ssyncadd.s32 $0xFFFFC000  }
0xe9: {  	[hbm4b:s19+s2] =	stream.linear.scatter [tilespmem:s7], [sflag:$0x2], $0x4000, $0x38;
	[tilespmem:$0x8800] =	vst v63  }
0xea: {  	_ =	swait.ge [sflag:s9], $0x4000  }
0xeb: {  	[sflag:s9] =	ssyncset.done $0x0  }
0xec: {  	[sflag:s9] =	ssyncadd.s32 $0xFFFFC000  }
0xed: {  	[tilespmem:s7], [sflag:$0x1] =	stream.indirect.gather [hbm4b:s4+s5], $0x80, s20, s5, $0xb8;
	[tilespmem:$0x8800] =	vst v63  }
0xee: {  	_ =	swait.ge [sflag:s8], $0x4000  }
0xef: {  	[sflag:s8] =	ssyncset.done $0x0  }
0xf0: {  	[sflag:s8] =	ssyncadd.s32 $0xFFFFC000  }
0xf1: {  	[hbm4b:s21+s2] =	stream.linear.scatter [tilespmem:s6], [sflag:$0x2], $0x4000, $0x38;
	[tilespmem:$0x8800] =	vst v63  }
0xf2: {  	_ =	swait.ge [sflag:s9], $0x4000  }
0xf3: {  	[sflag:s9] =	ssyncset.done $0x0  }
0xf4: {  	[sflag:s9] =	ssyncadd.s32 $0xFFFFC000  }
0xf5: {  	[tilespmem:s6], [sflag:$0x1] =	stream.indirect.gather [hbm4b:s4+s5], $0x80, s22, s5, $0xb8;
	[tilespmem:$0x8800] =	vst v63  }
0xf6: {  	_ =	swait.ge [sflag:s8], $0x4000  }
0xf7: {  	[sflag:s8] =	ssyncset.done $0x0  }
0xf8: {  	[sflag:s8] =	ssyncadd.s32 $0xFFFFC000  }
0xf9: {  	[hbm4b:s23+s2] =	stream.linear.scatter [tilespmem:s7], [sflag:$0x2], $0x4000, $0x38;
	[tilespmem:$0x8800] =	vst v63  }
0xfa: {  	_ =	swait.ge [sflag:s9], $0x4000  }
0xfb: {  	[sflag:s9] =	ssyncset.done $0x0  }
0xfc: {  	[sflag:s9] =	ssyncadd.s32 $0xFFFFC000  }
0xfd: {  	[tilespmem:s7], [sflag:$0x1] =	stream.indirect.gather [hbm4b:s4+s5], $0x80, s24, s5, $0xb8;
	[tilespmem:$0x8800] =	vst v63  }
0xfe: {  	_ =	swait.ge [sflag:s8], $0x4000  }
0xff: {  	[sflag:s8] =	ssyncset.done $0x0  }
0x100: {  	[sflag:s8] =	ssyncadd.s32 $0xFFFFC000  }
0x101: {  	[hbm4b:s25+s2] =	stream.linear.scatter [tilespmem:s6], [sflag:$0x2], $0x4000, $0x38;
	[tilespmem:$0x8800] =	vst v63  }
0x102: {  	_ =	swait.ge [sflag:s9], $0x4000  }
0x103: {  	[sflag:s9] =	ssyncset.done $0x0  }
0x104: {  	[sflag:s9] =	ssyncadd.s32 $0xFFFFC000  }
0x105: {  	[tilespmem:s6], [sflag:$0x1] =	stream.indirect.gather [hbm4b:s4+s5], $0x80, s26, s5, $0xb8;
	[tilespmem:$0x8800] =	vst v63  }
0x106: {  	_ =	swait.ge [sflag:s8], $0x4000  }
0x107: {  	[sflag:s8] =	ssyncset.done $0x0  }
0x108: {  	[sflag:s8] =	ssyncadd.s32 $0xFFFFC000  }
0x109: {  	[hbm4b:s28+s2] =	stream.linear.scatter [tilespmem:s7], [sflag:$0x2], $0x4000, $0x38;
	[tilespmem:$0x8800] =	vst v63  }
0x10a: {  	_ =	swait.ge [sflag:s9], $0x4000  }
0x10b: {  	[sflag:s9] =	ssyncset.done $0x0  }
0x10c: {  	[sflag:s9] =	ssyncadd.s32 $0xFFFFC000  }
0x10d: {  	[tilespmem:s7], [sflag:$0x1] =	stream.indirect.gather [hbm4b:s4+s5], $0x80, s29, s5, $0xb8;
	[tilespmem:$0x8800] =	vst v63  }
0x10e: {  	_ =	swait.ge [sflag:s8], $0x4000  }
0x10f: {  	[sflag:s8] =	ssyncset.done $0x0  }
0x110: {  	[sflag:s8] =	ssyncadd.s32 $0xFFFFC000  }
0x111: {  	[hbm4b:s30+s2] =	stream.linear.scatter [tilespmem:s6], [sflag:$0x2], $0x4000, $0x38;
	[tilespmem:$0x8800] =	vst v63  }
0x112: {  	_ =	swait.ge [sflag:s8], $0x4000  }
0x113: {  	[sflag:s8] =	ssyncset.done $0x0  }
0x114: {  	p0 =	sne.s32 s1, $0x1;
	[sflag:s8] =	ssyncadd.s32 $0xFFFFC000  }
0x115: {  	[hbm4b:s31+s2] =	stream.linear.scatter [tilespmem:s7], [sflag:$0x2], $0x4000, $0x38;
	[tilespmem:$0x8800] =	vst v63  }
.Ltmp1:
0x116: {  	_ =	swait.ge [sflag:s9], $0x4000;
	(pc) =	sbr.rel @p0 .LBB2_1-.Ltmp1, $4  }
0x117: {  	[sflag:s9] =	ssyncset.done $0x0  }
0x118: {  	[sflag:s9] =	ssyncadd.s32 $0xFFFFC000  }
0x119: {  	_ =	swait.ge [sflag:s9], $0x4000  }
0x11a: {  	s1 =	sadd.s32 $0xFFFFFFFF, s1;
	[sflag:s9] =	ssyncset.done $0x0  }
.LBB2_2:
0x11b: {  	[sflag:s9] =	ssyncadd.s32 $0xFFFFC000  }
0x11c: {  	_ =	sfence.sel $0x180000  }
0x11d: {  	[bflag:$0x0] =	sbarrier.arrive $0xFFFF  }
0x11e: {  	_ =	strace $0x90000047  }
0x11f: {  	s0 =	stileid.u32;
	[bflag:$0x2] =	sbarrier.arrive $0xFFFF  }
0x120: {  	p0 =	sne.s32 s0, $0x0;
	s0 =	rddreg [dreg:$0x2]  }
0x121: {  	s0 =	sadd.s32 @!p0 $0x100000, s0  }
0x122: {  	[sflag:s0] =	ssyncadd.tile.s32 @!p0 $0x1;
	_ =	shalt  }
.Lfunc_end2:
_tile_overlayer_lowered:
.L_overlay_start_2:
0x123: {  	(tag) =	ssettag $0x2  }
0x124: {  	s0 =	rddreg [dreg:$0x0];
	s2 =	stileid.u32  }
0x125: {  	s1 =	rddreg [dreg:$0x1];
	p0 =	sne.s32 s2, $0x0  }
0x126: {  	s3 =	rddreg [dreg:$0x2];
	[bflag:$0x3] =	sbarrier.arrive $0xFFFF;
	s2 =	simm.s32 @!p0 $0x1C03  }
0x127: {  	[timem:s3], [sflag:s2] =	dma.local @!p0 [hbm:s0], s1  }
0x128: {  	s0 =	simm.s32 @!p0 $0x3  }
0x129: {  	_ =	swait.ge @!p0 [sflag:s0], s1  }
0x12a: {  	s1 =	ssub.s32 @!p0 $0x0, s1;
	[sflag:s0] =	ssyncset.done @!p0 $0x0  }
0x12b: {  	[sflag:s0] =	ssyncadd.s32 @!p0 s1  }
0x12c: {  	[bflag:$0x3] =	sbarrier.arrive $0xFFFF  }
0x12d: {  	_ =	shalt  }

// kernel: kernel.17.cloned.1.call-start
scs
__scs_entry_jumppad:
0x0: {  	(pc) =	sbr.rel $0x88, $3  }
0x1: {  	(tag) =	ssettag $0x0;
	lr =	simm.s32 $0x1  }
0x2: {  	[smem:$0x3F7F] =	sst lr;
	_ =	strace $0xD0000000  }
0x3: {  	_ = 	snop  }
0x4: {  	_ = 	snop  }
0x5: {  	_ = 	snop  }
0x6: {  	_ = 	snop  }
0x7: {  	_ = 	snop  }
__scs_overlays_trampoline_lowered:
0x8: {  	[smem:$0x3F8E] =	sst s0  }
0x9: {  	[smem:$0x3F8F] =	sst s1  }
0xa: {  	[smem:$0x3F90] =	sst s2  }
0xb: {  	[smem:$0x3F91] =	sst s3  }
0xc: {  	[smem:$0x3F92] =	sst s4  }
0xd: {  	[smem:$0x3F93] =	sst s5  }
0xe: {  	[smem:$0x3F94] =	sst s6  }
0xf: {  	[smem:$0x3F95] =	sst s7  }
0x10: {  	[smem:$0x3F96] =	sst s8  }
0x11: {  	[smem:$0x3F97] =	sst s9;
	s0 =	simm.s32 @!p0 $0x0  }
0x12: {  	s1 =	sld [smem:$0x3F7D];
	s0 =	simm.s32 @p0 $0x1  }
0x13: {  	[smem:$0x3F98] =	sst s0;
	s0 =	simm.s32 @!p1 $0x0  }
0x14: {  	s2 =	sld [smem:$0x3F7C];
	s0 =	simm.s32 @p1 $0x1  }
0x15: {  	[smem:$0x3F99] =	sst s0;
	s0 =	simm.s32 @!p2 $0x0  }
0x16: {  	s3 =	sld [smem:$0x3FDB];
	s0 =	simm.s32 @p2 $0x1  }
0x17: {  	s4 =	simm.s32 $0x1BF5;
	[smem:$0x3F9B] =	sst s0  }
0x18: {  	s0 =	sld [smem:$0x3F7E];
	_ =	swait.ge [sflag:s4], $0x0  }
0x19: {  	s7 =	sld [smem:$0x3F7F]  }
0x1a: {  	s8 =	sadd.s32 $0xFFFFE003, lr  }
0x1b: {  	s9 =	sadd.s32 $0xFFFFFEF7, lr;
	s5 =	simm.s32 $0xFFFFFFFF;
	p2 =	slt.u32 s8, $0xFFFFF086  }
0x1c: {  	p1 =	slt.u32 s9, $0xF7A;
	s5 =	simm.s32 @!p2 $0x0  }
0x1d: {  	s5 =	simm.s32 @p1 $0x1;
	p0 =	seq.s32 s7, s2  }
0x1e: {  	s7 =	smul.u32 @!p0 $0xF7A, s2;
	p2 =	seq.s32 @!p0 s5, $0x0  }
0x1f: {  	s9 =	smul.u32 $0xF7A, s1;
	s8 =	simm.s32 @!p0 $0x1BF5;
	p2 =	por !p2, p0  }
0x20: {  	[sflag:s8] =	ssyncset.s32 @!p0 $0xFFFFF086;
	s6 =	sadd.s32 @!p0 s3, s7;
	s7 =	simm.s32 @!p0 $0x108  }
0x21: {  	s3 =	sadd.s32 s3, s9;
	s6 =	sadd.s32 @!p0 $0x88, s6;
	s7 =	simm.s32 @p2 $0x1082  }
0x22: {  	[simem:s7], [sflag:s8] =	dma.local @!p0 [hbm:s6], $0xF7A  }
0x23: {  	s9 =	sor.u32 $0xD0000000, s2;
	s6 =	simm.s32 $0x108;
	_ =	swait.ge @!p0 [sflag:s8], $0x0  }
0x24: {  	s3 =	sadd.s32 $0x88, s3;
	s6 =	simm.s32 @!p1 $0x1082;
	[sflag:s4] =	ssyncset.s32 $0xFFFFF086  }
0x25: {  	[simem:s6], [sflag:s4] =	dma.local [hbm:s3], $0xF7A  }
0x26: {  	[smem:$0x3F7F] =	sst s1;
	(tag) =	ssettag s2;
	_ =	strace s9  }
0x27: {  	s1 =	sld [smem:$0x3F8F]  }
0x28: {  	s2 =	sld [smem:$0x3F90]  }
0x29: {  	s4 =	sld [smem:$0x3F92]  }
0x2a: {  	p0 =	seq.s32 s5, $0x0;
	s5 =	sld [smem:$0x3F93]  }
0x2b: {  	s6 =	sld [smem:$0x3F94]  }
0x2c: {  	s7 =	sld [smem:$0x3F95]  }
0x2d: {  	s3 =	simm.s32 $0x108;
	s8 =	sld [smem:$0x3F96]  }
0x2e: {  	s3 =	simm.s32 @!p0 $0x1082;
	s9 =	sld [smem:$0x3F97]  }
0x2f: {  	lr =	sadd.s32 s0, s3;
	s0 =	sld [smem:$0x3F8E]  }
0x30: {  	s3 =	sld [smem:$0x3F91]  }
0x31: {  	[smem:$0x3F9A] =	sst s10  }
0x32: {  	s10 =	sld [smem:$0x3F98];
	_ =	sdelay $0x3  }
0x33: {  	p0 =	seq.s32 s10, $0x1;
	s10 =	sld [smem:$0x3F9A];
	_ =	sdelay $0x3  }
0x34: {  	[smem:$0x3F9A] =	sst s10  }
0x35: {  	s10 =	sld [smem:$0x3F99];
	_ =	sdelay $0x3  }
0x36: {  	p1 =	seq.s32 s10, $0x1;
	s10 =	sld [smem:$0x3F9A];
	_ =	sdelay $0x3  }
0x37: {  	[smem:$0x3F9A] =	sst s10  }
0x38: {  	s10 =	sld [smem:$0x3F9B]  }
0x39: {  	_ = 	snop;
	(pc) =	sbr.ind lr, $3  }
0x3a: {  	_ = 	snop  }
0x3b: {  	_ = 	snop  }
0x3c: {  	p2 =	seq.s32 s10, $0x1;
	s10 =	sld [smem:$0x3F9A]  }
0x3d: {  	_ =	shalt  }
0x3e: {  	_ =	shalt  }
0x3f: {  	_ =	shalt  }
0x40: {  	_ =	shalt  }
0x41: {  	_ =	shalt  }
0x42: {  	_ =	shalt  }
0x43: {  	_ =	shalt  }
0x44: {  	_ =	shalt  }
0x45: {  	_ =	shalt  }
0x46: {  	_ =	shalt  }
0x47: {  	_ =	shalt  }
0x48: {  	_ =	shalt  }
0x49: {  	_ =	shalt  }
0x4a: {  	_ =	shalt  }
0x4b: {  	_ =	shalt  }
0x4c: {  	_ =	shalt  }
0x4d: {  	_ =	shalt  }
0x4e: {  	_ =	shalt  }
0x4f: {  	_ =	shalt  }
0x50: {  	_ =	shalt  }
0x51: {  	_ =	shalt  }
0x52: {  	_ =	shalt  }
0x53: {  	_ =	shalt  }
0x54: {  	_ =	shalt  }
0x55: {  	_ =	shalt  }
0x56: {  	_ =	shalt  }
0x57: {  	_ =	shalt  }
0x58: {  	_ =	shalt  }
0x59: {  	_ =	shalt  }
0x5a: {  	_ =	shalt  }
0x5b: {  	_ =	shalt  }
0x5c: {  	_ =	shalt  }
0x5d: {  	_ =	shalt  }
0x5e: {  	_ =	shalt  }
0x5f: {  	_ =	shalt  }
0x60: {  	_ =	shalt  }
0x61: {  	_ =	shalt  }
0x62: {  	_ =	shalt  }
0x63: {  	_ =	shalt  }
0x64: {  	_ =	shalt  }
0x65: {  	_ =	shalt  }
0x66: {  	_ =	shalt  }
0x67: {  	_ =	shalt  }
0x68: {  	_ =	shalt  }
0x69: {  	_ =	shalt  }
0x6a: {  	_ =	shalt  }
0x6b: {  	_ =	shalt  }
0x6c: {  	_ =	shalt  }
0x6d: {  	_ =	shalt  }
0x6e: {  	_ =	shalt  }
0x6f: {  	_ =	shalt  }
0x70: {  	_ =	shalt  }
0x71: {  	_ =	shalt  }
0x72: {  	_ =	shalt  }
0x73: {  	_ =	shalt  }
0x74: {  	_ =	shalt  }
0x75: {  	_ =	shalt  }
0x76: {  	_ =	shalt  }
0x77: {  	_ =	shalt  }
0x78: {  	_ =	shalt  }
0x79: {  	_ =	shalt  }
0x7a: {  	_ =	shalt  }
0x7b: {  	_ =	shalt  }
0x7c: {  	_ =	shalt  }
0x7d: {  	_ =	shalt  }
0x7e: {  	_ =	shalt  }
0x7f: {  	_ =	shalt  }
0x80: {  	_ =	shalt  }
0x81: {  	_ =	shalt  }
0x82: {  	_ =	shalt  }
0x83: {  	_ =	shalt  }
0x84: {  	_ =	shalt  }
0x85: {  	_ =	shalt  }
0x86: {  	_ =	shalt  }
0x87: {  	_ =	shalt  }
.Lfunc_end0:
.L_simem_size_0:
called_computation.1_lowered:
.L_overlay_start_0:
0x88: {  	s2 =	sld [smem:$0x3FD9]  }
0x89: {  	s3 =	sld [smem:$0x3FFE];
	_ =	sdelay $0x1  }
0x8a: {  	s1 =	srdreg.scid  }
0x8b: {  	s0 =	sand.u32 $0x1, s1  }
0x8c: {  	s14 =	sshll.u32 s0, $0xA;
	s2 =	sadd.s32 s3, s2  }
0x8d: {  	s2 =	sadd.s32 s2, s14  }
0x8e: {  	[smem:$0x3FA6] =	sst s2  }
0x8f: {  	_ = 	snop  }
0x90: {  	s2 =	sld [smem:$0x3FD0];
	_ =	sdelay $0x2  }
0x91: {  	s15 =	simm.s32 $0xA;
	s4 =	simm.s32 $0x10  }
0x92: {  	[smem:s4], [sflag:s15] =	dma.local [hbm:s2], $0x1  }
0x93: {  	_ =	swait.eq [sflag:s15], $0x1  }
0x94: {  	[sflag:s15] =	ssyncset.done $0x0  }
0x95: {  	[sflag:s15] =	ssyncadd.s32 $0xFFFFFFFF  }
0x96: {  	s16 =	sld [smem:$0x12];
	(tm) =	ssettm $0x1  }
0x97: {  	s17 =	sld [smem:$0x3FFB];
	_ =	sdelay $0x3  }
0x98: {  	_ =	strace s17  }
0x99: {  	s3 =	sld [smem:$0x3FFC];
	_ =	sdelay $0x3  }
0x9a: {  	_ =	strace s3  }
0x9b: {  	s3 =	sld [smem:$0x3FFD];
	_ =	sdelay $0x3  }
0x9c: {  	_ =	strace s3  }
0x9d: {  	_ =	strace $0x8FFFFFFF  }
0x9e: {  	s18 =	sld [smem:$0x3FDB];
	_ =	sdelay $0x1  }
0x9f: {  	s19 =	simm.s32 $_scs_section_size  }
0xa0: {  	s5 =	simm.s32 $_size__tile_overlayer_lowered;
	s6 =	simm.s32 $_tile_overlayer_lowered  }
0xa1: {  	s22 =	simm.s32 $0x1BFF;
	s21 =	sshll.u32 s6, $0x1;
	s3 =	sadd.s32 s19, s18  }
0xa2: {  	s7 =	simm.s32 $0x0;
	s20 =	sshll.u32 s5, $0x1;
	s5 =	sadd.s32 s21, s3  }
0xa3: {  	[timem:s7], [sflag:s22] =	dma.local [hbm:s5], s20  }
0xa4: {  	_ =	swait.ge [sflag:s22], s20  }
0xa5: {  	s4 =	ssub.s32 $0x0, s20;
	[sflag:s22] =	ssyncset.done $0x0  }
0xa6: {  	[sflag:s22] =	ssyncadd.s32 s4;
	_ =	sdelay $0x1  }
0xa7: {  	s23 =	simm.s32 $0x1B8B  }
0xa8: {  	_ =	swait.ge [sflag:s23], $0x1  }
0xa9: {  	[sflag:s23] =	ssyncset.done $0x0  }
0xaa: {  	s25 =	simm.s32 $0x1B8E;
	s24 =	sld [smem:$0x3FFE];
	[sflag:s23] =	ssyncadd.s32 $0xFFFFFFFF  }
0xab: {  	s26 =	simm.s32 $execute0_lowered;
	[smem:$0x3FD2] =	sst s25  }
0xac: {  	s5 =	sshll.u32 s26, $0x1;
	_ =	strace $0x80000049;
	[dreg:$0x1] =	wrdreg $0xFFFFFFFF  }
0xad: {  	s28 =	simm.s32 $_size_execute0_lowered;
	s3 =	sadd.s32 s3, s5;
	[dreg:$0x0] =	wrdreg $0x0  }
0xae: {  	s5 =	sshll.u32 s28, $0x1;
	[dreg:$0x2] =	wrdreg s3  }
0xaf: {  	[dreg:$0x3] =	wrdreg s5  }
0xb0: {  	[dreg:$0x4] =	wrdreg $0xC0  }
0xb1: {  	_ =	task [dreg:s7], $0x5FFFF  }
0xb2: {  	[dreg:$0x1] =	wrdreg $0xFFFFFFFF  }
0xb3: {  	[dreg:$0x0] =	wrdreg $0x60  }
0xb4: {  	[dreg:$0x2] =	wrdreg s16  }
0xb5: {  	[dreg:$0x3] =	wrdreg s24  }
0xb6: {  	[dreg:$0x4] =	wrdreg $0x9  }
0xb7: {  	_ =	task.clear_ibuf [dreg:s7], $0x5FFFF;
	_ =	strace $0x90000049  }
0xb8: {  	s29 =	simm.s32 $0x9;
	_ =	strace $0x8000004B  }
0xb9: {  	_ =	swait.ge [sflag:s29], $0x1  }
0xba: {  	[sflag:s29] =	ssyncadd.s32 $0xFFFFFFFF  }
0xbb: {  	_ =	strace $0x9000004B  }
0xbc: {  	_ =	sfence  }
0xbd: {  	s30 =	sld [smem:$0x0];
	_ =	sdelay $0x2  }
0xbe: {  	s31 =	sshll.u32 s1, $0xD;
	s1 =	sshrl.u32 s1, $0x2  }
0xbf: {  	s3 =	sand.u32 $0x4000, s31;
	s1 =	sadd.s32 s1, s30  }
0xc0: {  	s0 =	sor.u32 s3, s0;
	s1 =	sshll.u32 s1, $0x11  }
0xc1: {  	s0 =	sor.u32 s1, s0  }
0xc2: {  	s0 =	sadd.s32 $0x8F2B, s0  }
0xc3: {  	[sflag:s0] =	ssyncadd.remote.s32 $0x1  }
0xc4: {  	_ =	sfence.sel $0xFFFF  }
0xc5: {  	[dreg:$0x0] =	wrdreg $0xFFFFFFFF;
	(pc) =	sbr.abs _section_cstart, $3  }
0xc6: {  	[dreg:$0x1] =	wrdreg $0xFFFFFFFF  }
0xc7: {  	_ =	task.clear_ibuf [dreg:s7], $0x2FFFF;
	_ =	strace $0x9FFFFFFF  }
0xc8: {  	(tm) =	ssettm $0x7FFFFFFF  }
0xc9: {  	_ =	shalt  }
tec
execute0_lowered:
.L_overlay_start_1:
0x0: {  	(tag) =	ssettag $0x1  }
0x1: {  	s1 =	srdreg.scid  }
0x2: {  	s3 =	rddreg [dreg:$0x0];
	s0 =	stileid.u32;
	s16 =	sand.u32 $0x1, s1  }
0x3: {  	s10 =	rddreg [dreg:$0x1];
	s4 =	sshll.u32 s0, $0xA;
	s5 =	sshll.u32 s16, $0x9  }
0x4: {  	s2 =	simm.s32 $0x0;
	s1 =	rddreg [dreg:$0x2];
	s11 =	sor.u32 s5, s4  }
0x5: {  	[smem:$0x7FF] =	sst s2;
	s4 =	sshrl.u32 s11, $0x3  }
0x6: {  	_ =	strace $0x8000004A;
	s3 =	sadd.s32 s3, s4;
	s4 =	simm.s32 $0x3  }
0x7: {  	[tilespmem:s2], [sflag:$0x3] =	stream.linear.gather [hbm4b:s3+s2], $0x200, $0x38;
	[tilespmem:$0x8200] =	vst v63  }
0x8: {  	_ =	swait.ge [sflag:s4], $0x200  }
0x9: {  	s6 =	simm.s32 $0x80;
	[sflag:s4] =	ssyncset.done $0x0  }
0xa: {  	s7 =	simm.s32 $0x200;
	s5 =	sadd.s32 $0x5400, s10;
	[sflag:s4] =	ssyncadd.s32 $0xFFFFFE00  }
0xb: {  	[tilespmem:s7], [sflag:$0x1] =	stream.indirect.gather [hbm4b:s5+s6], $0x80, s2, s6, $0xb8;
	[tilespmem:$0x8200] =	vst v63  }
0xc: {  	s8 =	simm.s32 $0x4200;
	s9 =	simm.s32 $0x1  }
0xd: {  	[tilespmem:s8], [sflag:$0x1] =	stream.indirect.gather [hbm4b:s5+s6], $0x80, s6, s6, $0xb8;
	[tilespmem:$0x8200] =	vst v63  }
0xe: {  	s11 =	sshll.u32 s11, $0x4;
	_ =	swait.ge [sflag:s9], $0x4000  }
0xf: {  	s17 =	sadd.s32 s11, s10;
	[sflag:s9] =	ssyncset.done $0x0  }
0x10: {  	s10 =	simm.s32 $0x2;
	s11 =	sadd.s32 $0x15400, s17;
	[sflag:s9] =	ssyncadd.s32 $0xFFFFC000  }
0x11: {  	[hbm4b:s11+s2] =	stream.linear.scatter [tilespmem:s7], [sflag:$0x2], $0x4000, $0x38;
	[tilespmem:$0x8200] =	vst v63  }
0x12: {  	_ =	swait.ge [sflag:s10], $0x4000  }
0x13: {  	[sflag:s10] =	ssyncset.done $0x0  }
0x14: {  	s12 =	simm.s32 $0x100;
	[sflag:s10] =	ssyncadd.s32 $0xFFFFC000  }
0x15: {  	[tilespmem:s7], [sflag:$0x1] =	stream.indirect.gather [hbm4b:s5+s6], $0x80, s12, s6, $0xb8;
	[tilespmem:$0x8200] =	vst v63  }
0x16: {  	_ =	swait.ge [sflag:s9], $0x4000  }
0x17: {  	[sflag:s9] =	ssyncset.done $0x0  }
0x18: {  	s13 =	sadd.s32 $0x15C00, s17;
	[sflag:s9] =	ssyncadd.s32 $0xFFFFC000  }
0x19: {  	[hbm4b:s13+s2] =	stream.linear.scatter [tilespmem:s8], [sflag:$0x2], $0x4000, $0x38;
	[tilespmem:$0x8200] =	vst v63  }
0x1a: {  	_ =	swait.ge [sflag:s10], $0x4000  }
0x1b: {  	[sflag:s10] =	ssyncset.done $0x0  }
0x1c: {  	s14 =	simm.s32 $0x180;
	[sflag:s10] =	ssyncadd.s32 $0xFFFFC000  }
0x1d: {  	[tilespmem:s8], [sflag:$0x1] =	stream.indirect.gather [hbm4b:s5+s6], $0x80, s14, s6, $0xb8;
	[tilespmem:$0x8200] =	vst v63  }
0x1e: {  	_ =	swait.ge [sflag:s9], $0x4000  }
0x1f: {  	s18 =	ssub.s32 $0x2, s16;
	[sflag:s9] =	ssyncset.done $0x0  }
0x20: {  	s31 =	sshrl.u32 s18, $0x1;
	s15 =	sadd.s32 $0x16400, s17;
	[sflag:s9] =	ssyncadd.s32 $0xFFFFC000  }
0x21: {  	[hbm4b:s15+s2] =	stream.linear.scatter [tilespmem:s7], [sflag:$0x2], $0x4000, $0x38;
	[tilespmem:$0x8200] =	vst v63  }
0x22: {  	s16 =	sadd.s32 $0x16C00, s17;
	s17 =	ssub.s32 s18, s31;
	_ =	swait.ge [sflag:s9], $0x4000  }
0x23: {  	s17 =	smax.u32 s17, $0x1;
	[sflag:s9] =	ssyncset.done $0x0  }
0x24: {  	p0 =	sne.s32 s17, $0x1;
	[sflag:s9] =	ssyncadd.s32 $0xFFFFC000  }
0x25: {  	[hbm4b:s16+s2] =	stream.linear.scatter [tilespmem:s8], [sflag:$0x2], $0x4000, $0x38;
	[tilespmem:$0x8200] =	vst v63  }
.Ltmp0:
0x26: {  	_ =	swait.ge [sflag:s10], $0x4000;
	(pc) =	sbr.rel @!p0 .LBB2_2-.Ltmp0, $4  }
0x27: {  	[sflag:s10] =	ssyncset.done $0x0  }
0x28: {  	[sflag:s10] =	ssyncadd.s32 $0xFFFFC000  }
0x29: {  	_ =	swait.ge [sflag:s10], $0x4000  }
0x2a: {  	s17 =	sadd.s32 $0xFFFFFFFF, s17;
	[sflag:s10] =	ssyncset.done $0x0  }
.LBB2_1:
0x2b: {  	p0 =	sne.s32 s17, $0x1;
	s17 =	sadd.s32 $0xFFFFFFFF, s17;
	[sflag:s10] =	ssyncadd.s32 $0xFFFFC000  }
0x2c: {  	[tilespmem:s2], [sflag:$0x3] =	stream.linear.gather [hbm4b:s3+s2], $0x200, $0x38;
	[tilespmem:$0x8200] =	vst v63  }
0x2d: {  	_ =	swait.ge [sflag:s4], $0x200  }
0x2e: {  	[sflag:s4] =	ssyncset.done $0x0  }
0x2f: {  	[sflag:s4] =	ssyncadd.s32 $0xFFFFFE00  }
0x30: {  	[tilespmem:s7], [sflag:$0x1] =	stream.indirect.gather [hbm4b:s5+s6], $0x80, s2, s6, $0xb8;
	[tilespmem:$0x8200] =	vst v63  }
0x31: {  	_ = 	snop  }
0x32: {  	[tilespmem:s8], [sflag:$0x1] =	stream.indirect.gather [hbm4b:s5+s6], $0x80, s6, s6, $0xb8;
	[tilespmem:$0x8200] =	vst v63  }
0x33: {  	_ =	swait.ge [sflag:s9], $0x4000  }
0x34: {  	[sflag:s9] =	ssyncset.done $0x0  }
0x35: {  	[sflag:s9] =	ssyncadd.s32 $0xFFFFC000  }
0x36: {  	[hbm4b:s11+s2] =	stream.linear.scatter [tilespmem:s7], [sflag:$0x2], $0x4000, $0x38;
	[tilespmem:$0x8200] =	vst v63  }
0x37: {  	_ =	swait.ge [sflag:s10], $0x4000  }
0x38: {  	[sflag:s10] =	ssyncset.done $0x0  }
0x39: {  	[sflag:s10] =	ssyncadd.s32 $0xFFFFC000  }
0x3a: {  	[tilespmem:s7], [sflag:$0x1] =	stream.indirect.gather [hbm4b:s5+s6], $0x80, s12, s6, $0xb8;
	[tilespmem:$0x8200] =	vst v63  }
0x3b: {  	_ =	swait.ge [sflag:s9], $0x4000  }
0x3c: {  	[sflag:s9] =	ssyncset.done $0x0  }
0x3d: {  	[sflag:s9] =	ssyncadd.s32 $0xFFFFC000  }
0x3e: {  	[hbm4b:s13+s2] =	stream.linear.scatter [tilespmem:s8], [sflag:$0x2], $0x4000, $0x38;
	[tilespmem:$0x8200] =	vst v63  }
0x3f: {  	_ =	swait.ge [sflag:s10], $0x4000  }
0x40: {  	[sflag:s10] =	ssyncset.done $0x0  }
0x41: {  	[sflag:s10] =	ssyncadd.s32 $0xFFFFC000  }
0x42: {  	[tilespmem:s8], [sflag:$0x1] =	stream.indirect.gather [hbm4b:s5+s6], $0x80, s14, s6, $0xb8;
	[tilespmem:$0x8200] =	vst v63  }
0x43: {  	_ =	swait.ge [sflag:s9], $0x4000  }
0x44: {  	[sflag:s9] =	ssyncset.done $0x0  }
0x45: {  	[sflag:s9] =	ssyncadd.s32 $0xFFFFC000  }
0x46: {  	[hbm4b:s15+s2] =	stream.linear.scatter [tilespmem:s7], [sflag:$0x2], $0x4000, $0x38;
	[tilespmem:$0x8200] =	vst v63  }
0x47: {  	_ =	swait.ge [sflag:s9], $0x4000  }
0x48: {  	[sflag:s9] =	ssyncset.done $0x0  }
0x49: {  	[sflag:s9] =	ssyncadd.s32 $0xFFFFC000  }
0x4a: {  	[hbm4b:s16+s2] =	stream.linear.scatter [tilespmem:s8], [sflag:$0x2], $0x4000, $0x38;
	[tilespmem:$0x8200] =	vst v63  }
.Ltmp1:
0x4b: {  	_ =	swait.ge [sflag:s10], $0x4000;
	(pc) =	sbr.rel @p0 .LBB2_1-.Ltmp1, $4  }
0x4c: {  	[sflag:s10] =	ssyncset.done $0x0  }
0x4d: {  	[sflag:s10] =	ssyncadd.s32 $0xFFFFC000  }
0x4e: {  	_ =	swait.ge [sflag:s10], $0x4000  }
0x4f: {  	[sflag:s10] =	ssyncset.done $0x0  }
.LBB2_2:
0x50: {  	[sflag:s10] =	ssyncadd.s32 $0xFFFFC000  }
0x51: {  	_ =	sfence.sel $0x180000  }
0x52: {  	[bflag:$0x0] =	sbarrier.arrive $0xFFFF  }
0x53: {  	p0 =	sne.s32 s0, $0x0;
	_ =	strace $0x9000004A  }
0x54: {  	s0 =	sadd.s32 @!p0 $0x100000, s1;
	[bflag:$0x2] =	sbarrier.arrive $0xFFFF  }
0x55: {  	[sflag:s0] =	ssyncadd.tile.s32 @!p0 $0x1;
	_ =	shalt  }
.Lfunc_end2:
_tile_overlayer_lowered:
.L_overlay_start_2:
0x56: {  	(tag) =	ssettag $0x2  }
0x57: {  	s0 =	rddreg [dreg:$0x0];
	s2 =	stileid.u32  }
0x58: {  	s1 =	rddreg [dreg:$0x1];
	p0 =	sne.s32 s2, $0x0  }
0x59: {  	s3 =	rddreg [dreg:$0x2];
	[bflag:$0x3] =	sbarrier.arrive $0xFFFF;
	s2 =	simm.s32 @!p0 $0x1C03  }
0x5a: {  	[timem:s3], [sflag:s2] =	dma.local @!p0 [hbm:s0], s1  }
0x5b: {  	s0 =	simm.s32 @!p0 $0x3  }
0x5c: {  	_ =	swait.ge @!p0 [sflag:s0], s1  }
0x5d: {  	s1 =	ssub.s32 @!p0 $0x0, s1;
	[sflag:s0] =	ssyncset.done @!p0 $0x0  }
0x5e: {  	[sflag:s0] =	ssyncadd.s32 @!p0 s1  }
0x5f: {  	[bflag:$0x3] =	sbarrier.arrive $0xFFFF  }
0x60: {  	_ =	shalt  }

// kernel: kernel.20.cloned.1.call-start
scs
__scs_entry_jumppad:
0x0: {  	(pc) =	sbr.rel $0x88, $3  }
0x1: {  	(tag) =	ssettag $0x0;
	lr =	simm.s32 $0x1  }
0x2: {  	[smem:$0x3F7F] =	sst lr;
	_ =	strace $0xD0000000  }
0x3: {  	_ = 	snop  }
0x4: {  	_ = 	snop  }
0x5: {  	_ = 	snop  }
0x6: {  	_ = 	snop  }
0x7: {  	_ = 	snop  }
__scs_overlays_trampoline_lowered:
0x8: {  	[smem:$0x3F8E] =	sst s0  }
0x9: {  	[smem:$0x3F8F] =	sst s1  }
0xa: {  	[smem:$0x3F90] =	sst s2  }
0xb: {  	[smem:$0x3F91] =	sst s3  }
0xc: {  	[smem:$0x3F92] =	sst s4  }
0xd: {  	[smem:$0x3F93] =	sst s5  }
0xe: {  	[smem:$0x3F94] =	sst s6  }
0xf: {  	[smem:$0x3F95] =	sst s7  }
0x10: {  	[smem:$0x3F96] =	sst s8  }
0x11: {  	[smem:$0x3F97] =	sst s9;
	s0 =	simm.s32 @!p0 $0x0  }
0x12: {  	s1 =	sld [smem:$0x3F7D];
	s0 =	simm.s32 @p0 $0x1  }
0x13: {  	[smem:$0x3F98] =	sst s0;
	s0 =	simm.s32 @!p1 $0x0  }
0x14: {  	s2 =	sld [smem:$0x3F7C];
	s0 =	simm.s32 @p1 $0x1  }
0x15: {  	[smem:$0x3F99] =	sst s0;
	s0 =	simm.s32 @!p2 $0x0  }
0x16: {  	s3 =	sld [smem:$0x3FDB];
	s0 =	simm.s32 @p2 $0x1  }
0x17: {  	s4 =	simm.s32 $0x1BF5;
	[smem:$0x3F9B] =	sst s0  }
0x18: {  	s0 =	sld [smem:$0x3F7E];
	_ =	swait.ge [sflag:s4], $0x0  }
0x19: {  	s7 =	sld [smem:$0x3F7F]  }
0x1a: {  	s8 =	sadd.s32 $0xFFFFE003, lr  }
0x1b: {  	s9 =	sadd.s32 $0xFFFFFEF7, lr;
	s5 =	simm.s32 $0xFFFFFFFF;
	p2 =	slt.u32 s8, $0xFFFFF086  }
0x1c: {  	p1 =	slt.u32 s9, $0xF7A;
	s5 =	simm.s32 @!p2 $0x0  }
0x1d: {  	s5 =	simm.s32 @p1 $0x1;
	p0 =	seq.s32 s7, s2  }
0x1e: {  	s7 =	smul.u32 @!p0 $0xF7A, s2;
	p2 =	seq.s32 @!p0 s5, $0x0  }
0x1f: {  	s9 =	smul.u32 $0xF7A, s1;
	s8 =	simm.s32 @!p0 $0x1BF5;
	p2 =	por !p2, p0  }
0x20: {  	[sflag:s8] =	ssyncset.s32 @!p0 $0xFFFFF086;
	s6 =	sadd.s32 @!p0 s3, s7;
	s7 =	simm.s32 @!p0 $0x108  }
0x21: {  	s3 =	sadd.s32 s3, s9;
	s6 =	sadd.s32 @!p0 $0x88, s6;
	s7 =	simm.s32 @p2 $0x1082  }
0x22: {  	[simem:s7], [sflag:s8] =	dma.local @!p0 [hbm:s6], $0xF7A  }
0x23: {  	s9 =	sor.u32 $0xD0000000, s2;
	s6 =	simm.s32 $0x108;
	_ =	swait.ge @!p0 [sflag:s8], $0x0  }
0x24: {  	s3 =	sadd.s32 $0x88, s3;
	s6 =	simm.s32 @!p1 $0x1082;
	[sflag:s4] =	ssyncset.s32 $0xFFFFF086  }
0x25: {  	[simem:s6], [sflag:s4] =	dma.local [hbm:s3], $0xF7A  }
0x26: {  	[smem:$0x3F7F] =	sst s1;
	(tag) =	ssettag s2;
	_ =	strace s9  }
0x27: {  	s1 =	sld [smem:$0x3F8F]  }
0x28: {  	s2 =	sld [smem:$0x3F90]  }
0x29: {  	s4 =	sld [smem:$0x3F92]  }
0x2a: {  	p0 =	seq.s32 s5, $0x0;
	s5 =	sld [smem:$0x3F93]  }
0x2b: {  	s6 =	sld [smem:$0x3F94]  }
0x2c: {  	s7 =	sld [smem:$0x3F95]  }
0x2d: {  	s3 =	simm.s32 $0x108;
	s8 =	sld [smem:$0x3F96]  }
0x2e: {  	s3 =	simm.s32 @!p0 $0x1082;
	s9 =	sld [smem:$0x3F97]  }
0x2f: {  	lr =	sadd.s32 s0, s3;
	s0 =	sld [smem:$0x3F8E]  }
0x30: {  	s3 =	sld [smem:$0x3F91]  }
0x31: {  	[smem:$0x3F9A] =	sst s10  }
0x32: {  	s10 =	sld [smem:$0x3F98];
	_ =	sdelay $0x3  }
0x33: {  	p0 =	seq.s32 s10, $0x1;
	s10 =	sld [smem:$0x3F9A];
	_ =	sdelay $0x3  }
0x34: {  	[smem:$0x3F9A] =	sst s10  }
0x35: {  	s10 =	sld [smem:$0x3F99];
	_ =	sdelay $0x3  }
0x36: {  	p1 =	seq.s32 s10, $0x1;
	s10 =	sld [smem:$0x3F9A];
	_ =	sdelay $0x3  }
0x37: {  	[smem:$0x3F9A] =	sst s10  }
0x38: {  	s10 =	sld [smem:$0x3F9B]  }
0x39: {  	_ = 	snop;
	(pc) =	sbr.ind lr, $3  }
0x3a: {  	_ = 	snop  }
0x3b: {  	_ = 	snop  }
0x3c: {  	p2 =	seq.s32 s10, $0x1;
	s10 =	sld [smem:$0x3F9A]  }
0x3d: {  	_ =	shalt  }
0x3e: {  	_ =	shalt  }
0x3f: {  	_ =	shalt  }
0x40: {  	_ =	shalt  }
0x41: {  	_ =	shalt  }
0x42: {  	_ =	shalt  }
0x43: {  	_ =	shalt  }
0x44: {  	_ =	shalt  }
0x45: {  	_ =	shalt  }
0x46: {  	_ =	shalt  }
0x47: {  	_ =	shalt  }
0x48: {  	_ =	shalt  }
0x49: {  	_ =	shalt  }
0x4a: {  	_ =	shalt  }
0x4b: {  	_ =	shalt  }
0x4c: {  	_ =	shalt  }
0x4d: {  	_ =	shalt  }
0x4e: {  	_ =	shalt  }
0x4f: {  	_ =	shalt  }
0x50: {  	_ =	shalt  }
0x51: {  	_ =	shalt  }
0x52: {  	_ =	shalt  }
0x53: {  	_ =	shalt  }
0x54: {  	_ =	shalt  }
0x55: {  	_ =	shalt  }
0x56: {  	_ =	shalt  }
0x57: {  	_ =	shalt  }
0x58: {  	_ =	shalt  }
0x59: {  	_ =	shalt  }
0x5a: {  	_ =	shalt  }
0x5b: {  	_ =	shalt  }
0x5c: {  	_ =	shalt  }
0x5d: {  	_ =	shalt  }
0x5e: {  	_ =	shalt  }
0x5f: {  	_ =	shalt  }
0x60: {  	_ =	shalt  }
0x61: {  	_ =	shalt  }
0x62: {  	_ =	shalt  }
0x63: {  	_ =	shalt  }
0x64: {  	_ =	shalt  }
0x65: {  	_ =	shalt  }
0x66: {  	_ =	shalt  }
0x67: {  	_ =	shalt  }
0x68: {  	_ =	shalt  }
0x69: {  	_ =	shalt  }
0x6a: {  	_ =	shalt  }
0x6b: {  	_ =	shalt  }
0x6c: {  	_ =	shalt  }
0x6d: {  	_ =	shalt  }
0x6e: {  	_ =	shalt  }
0x6f: {  	_ =	shalt  }
0x70: {  	_ =	shalt  }
0x71: {  	_ =	shalt  }
0x72: {  	_ =	shalt  }
0x73: {  	_ =	shalt  }
0x74: {  	_ =	shalt  }
0x75: {  	_ =	shalt  }
0x76: {  	_ =	shalt  }
0x77: {  	_ =	shalt  }
0x78: {  	_ =	shalt  }
0x79: {  	_ =	shalt  }
0x7a: {  	_ =	shalt  }
0x7b: {  	_ =	shalt  }
0x7c: {  	_ =	shalt  }
0x7d: {  	_ =	shalt  }
0x7e: {  	_ =	shalt  }
0x7f: {  	_ =	shalt  }
0x80: {  	_ =	shalt  }
0x81: {  	_ =	shalt  }
0x82: {  	_ =	shalt  }
0x83: {  	_ =	shalt  }
0x84: {  	_ =	shalt  }
0x85: {  	_ =	shalt  }
0x86: {  	_ =	shalt  }
0x87: {  	_ =	shalt  }
.Lfunc_end0:
.L_simem_size_0:
called_computation.2_lowered:
.L_overlay_start_0:
0x88: {  	s2 =	sld [smem:$0x3FD9]  }
0x89: {  	s3 =	sld [smem:$0x3FFE];
	_ =	sdelay $0x1  }
0x8a: {  	s1 =	srdreg.scid  }
0x8b: {  	s0 =	sand.u32 $0x1, s1  }
0x8c: {  	s16 =	sshll.u32 s0, $0xA;
	s2 =	sadd.s32 s3, s2  }
0x8d: {  	s2 =	sadd.s32 s2, s16  }
0x8e: {  	[smem:$0x3FA6] =	sst s2  }
0x8f: {  	_ = 	snop  }
0x90: {  	(tm) =	ssettm $0x1  }
0x91: {  	s17 =	sld [smem:$0x3FFB];
	_ =	sdelay $0x3  }
0x92: {  	_ =	strace s17  }
0x93: {  	s2 =	sld [smem:$0x3FFC];
	_ =	sdelay $0x3  }
0x94: {  	_ =	strace s2  }
0x95: {  	s2 =	sld [smem:$0x3FFD];
	_ =	sdelay $0x3  }
0x96: {  	_ =	strace s2  }
0x97: {  	_ =	strace $0x8FFFFFFF  }
0x98: {  	s18 =	sld [smem:$0x3FDB];
	_ =	sdelay $0x1  }
0x99: {  	s19 =	simm.s32 $_scs_section_size  }
0x9a: {  	s4 =	simm.s32 $_size__tile_overlayer_lowered;
	s5 =	simm.s32 $_tile_overlayer_lowered  }
0x9b: {  	s22 =	simm.s32 $0x1BFF;
	s21 =	sshll.u32 s5, $0x1;
	s2 =	sadd.s32 s19, s18  }
0x9c: {  	s6 =	simm.s32 $0x0;
	s20 =	sshll.u32 s4, $0x1;
	s4 =	sadd.s32 s21, s2  }
0x9d: {  	[timem:s6], [sflag:s22] =	dma.local [hbm:s4], s20  }
0x9e: {  	_ =	swait.ge [sflag:s22], s20  }
0x9f: {  	s3 =	ssub.s32 $0x0, s20;
	[sflag:s22] =	ssyncset.done $0x0  }
0xa0: {  	[sflag:s22] =	ssyncadd.s32 s3;
	_ =	sdelay $0x1  }
0xa1: {  	s23 =	simm.s32 $0x1B8B  }
0xa2: {  	_ =	swait.ge [sflag:s23], $0x1  }
0xa3: {  	[sflag:s23] =	ssyncset.done $0x0  }
0xa4: {  	s25 =	simm.s32 $0x1B8E;
	s24 =	sld [smem:$0x3FFE];
	[sflag:s23] =	ssyncadd.s32 $0xFFFFFFFF  }
0xa5: {  	s26 =	simm.s32 $execute0_lowered;
	[smem:$0x3FD2] =	sst s25  }
0xa6: {  	s4 =	sshll.u32 s26, $0x1;
	_ =	strace $0x8000004C;
	[dreg:$0x1] =	wrdreg $0xFFFFFFFF  }
0xa7: {  	s28 =	simm.s32 $_size_execute0_lowered;
	s2 =	sadd.s32 s2, s4;
	[dreg:$0x0] =	wrdreg $0x0  }
0xa8: {  	s4 =	sshll.u32 s28, $0x1;
	[dreg:$0x2] =	wrdreg s2  }
0xa9: {  	[dreg:$0x3] =	wrdreg s4  }
0xaa: {  	[dreg:$0x4] =	wrdreg $0xC0  }
0xab: {  	_ =	task [dreg:s6], $0x5FFFF  }
0xac: {  	[dreg:$0x1] =	wrdreg $0xFFFFFFFF  }
0xad: {  	[dreg:$0x0] =	wrdreg $0x60  }
0xae: {  	[dreg:$0x2] =	wrdreg s24  }
0xaf: {  	[dreg:$0x3] =	wrdreg $0x9  }
0xb0: {  	_ =	task.clear_ibuf [dreg:s6], $0x4FFFF;
	_ =	strace $0x9000004C  }
0xb1: {  	s29 =	simm.s32 $0x9;
	_ =	strace $0x8000004E  }
0xb2: {  	_ =	swait.ge [sflag:s29], $0x1  }
0xb3: {  	[sflag:s29] =	ssyncadd.s32 $0xFFFFFFFF  }
0xb4: {  	_ =	strace $0x9000004E  }
0xb5: {  	_ =	sfence  }
0xb6: {  	s30 =	sld [smem:$0x0];
	_ =	sdelay $0x2  }
0xb7: {  	s31 =	sshll.u32 s1, $0xD;
	s1 =	sshrl.u32 s1, $0x2  }
0xb8: {  	s3 =	sand.u32 $0x4000, s31;
	s1 =	sadd.s32 s1, s30  }
0xb9: {  	s0 =	sor.u32 s3, s0;
	s1 =	sshll.u32 s1, $0x11  }
0xba: {  	s0 =	sor.u32 s1, s0  }
0xbb: {  	s0 =	sadd.s32 $0x8F2B, s0  }
0xbc: {  	[sflag:s0] =	ssyncadd.remote.s32 $0x1  }
0xbd: {  	_ =	sfence.sel $0xFFFF  }
0xbe: {  	[dreg:$0x0] =	wrdreg $0xFFFFFFFF;
	(pc) =	sbr.abs _section_cstart, $3  }
0xbf: {  	[dreg:$0x1] =	wrdreg $0xFFFFFFFF  }
0xc0: {  	_ =	task.clear_ibuf [dreg:s6], $0x2FFFF;
	_ =	strace $0x9FFFFFFF  }
0xc1: {  	(tm) =	ssettm $0x7FFFFFFF  }
tec
execute0_lowered:
.L_overlay_start_1:
0x0: {  	(tag) =	ssettag $0x1  }
0x1: {  	s1 =	srdreg.scid;
	s0 =	stileid.u32  }
0x2: {  	s4 =	rddreg [dreg:$0x0];
	s2 =	simm.s32 $0x0;
	s9 =	simm.s32 $0x880  }
0x3: {  	s10 =	simm.s32 $0x1080;
	s11 =	simm.s32 $0x1880;
	s12 =	simm.s32 $0x2080  }
0x4: {  	s13 =	simm.s32 $0x2880;
	s14 =	simm.s32 $0x3080;
	s15 =	simm.s32 $0x3880  }
0x5: {  	s16 =	simm.s32 $0x4080;
	s17 =	simm.s32 $0x4880;
	s18 =	simm.s32 $0x5080  }
0x6: {  	s19 =	simm.s32 $0x5880;
	s20 =	simm.s32 $0x6080;
	s21 =	simm.s32 $0x6880  }
0x7: {  	s22 =	simm.s32 $0x7080;
	s23 =	simm.s32 $0x7880;
	s24 =	simm.s32 $0x1  }
0x8: {  	s25 =	simm.s32 $0x2;
	s3 =	sand.u32 $0x1, s1;
	s1 =	rddreg [dreg:$0x1]  }
0x9: {  	s5 =	sshll.u32 s0, $0x8;
	[smem:$0x7FF] =	sst s2;
	s6 =	sshll.u32 s3, $0x7  }
0xa: {  	_ =	strace $0x8000004D;
	s7 =	ssub.s32 $0x2, s3;
	s5 =	sor.u32 s6, s5  }
0xb: {  	s3 =	sadd.s32 $0x5400, s4;
	s8 =	sshrl.u32 s7, $0x1;
	s6 =	sshrl.u32 s5, $0x3  }
0xc: {  	v2 =	vlaneseq.u32;
	s5 =	sshll.u32 s5, $0x5;
	s7 =	ssub.s32 s7, s8;
	s6 =	sadd.s32 s6, s4  }
0xd: {  	vm0 =	vmmov $0xffff;
	v1 =	vshrl.u32 v2, $0x3;
	s8 =	simm.s32 $0x80;
	s5 =	sadd.s32 s5, s4;
	s4 =	sadd.s32 $0x55400, s6  }
0xe: {  	v0 =	vand.u32 $0x7, v2;
	v2 =	vor.u32 $0x8, v2;
	v1 =	vmul.u32 $0x8, v1;
	s5 =	sadd.s32 $0xD400, s5;
	s6 =	smax.u32 s7, $0x1;
	s7 =	simm.s32 $0x3  }
.LBB2_1:
0xf: {  	[tilespmem:s2], [sflag:$0x3] =	stream.linear.gather [hbm4b:s4+s2], $0x80, $0x38;
	[tilespmem:$0x8080] =	vst v63  }
0x10: {  	_ =	swait.ge [sflag:s7], $0x80  }
0x11: {  	[sflag:s7] =	ssyncset.done $0x0  }
0x12: {  	[sflag:s7] =	ssyncadd.s32 $0xFFFFFF80  }
0x13: {  	v3 =	vld [tilespmem:$0x0];
	_ =	sdelay $0x4  }
0x14: {  	v4 =	vshll.u32 v3, $0x1  }
0x15: {  	v3 =	vand.u32 $0x7, v3;
	v4 =	vand.u32 $0xFFFFFFF0, v4  }
0x16: {  	v3 =	vor.u32 v3, v4  }
0x17: {  	v4 =	vperm.xlane v3, v0;
	_ =	sdelay $0x1  }
0x18: {  	v3 =	vperm.xlane v3, v2;
	v4 =	vadd.s32 v1, v4;
	_ =	sdelay $0x1  }
0x19: {  	v3 =	vadd.s32 v1, v3;
	_ =	sdelay $0x2  }
0x1a: {  	[tilespmem:s8], [sflag:$0x1] =	stream.indirect_vreg.gather [hbm4b:s3+s2], $0x80, v4, vm0, $0xb8;
	[tilespmem:$0x8080] =	vst v63  }
0x1b: {  	_ = 	snop  }
0x1c: {  	[tilespmem:s9], [sflag:$0x1] =	stream.indirect_vreg.gather [hbm4b:s3+s2], $0x80, v3, vm0, $0xb8;
	[tilespmem:$0x8080] =	vst v63  }
0x1d: {  	v3 =	vld [tilespmem:$0x10];
	_ =	sdelay $0x4  }
0x1e: {  	v57 =	vshll.u32 v3, $0x1  }
0x1f: {  	v3 =	vand.u32 $0x7, v3;
	v4 =	vand.u32 $0xFFFFFFF0, v57  }
0x20: {  	v3 =	vor.u32 v3, v4  }
0x21: {  	v4 =	vperm.xlane v3, v0;
	_ =	sdelay $0x1  }
0x22: {  	v3 =	vperm.xlane v3, v2;
	v4 =	vadd.s32 v1, v4;
	_ =	sdelay $0x1  }
0x23: {  	v3 =	vadd.s32 v1, v3;
	_ =	sdelay $0x2  }
0x24: {  	[tilespmem:s10], [sflag:$0x1] =	stream.indirect_vreg.gather [hbm4b:s3+s2], $0x80, v4, vm0, $0xb8;
	[tilespmem:$0x8080] =	vst v63  }
0x25: {  	_ = 	snop  }
0x26: {  	[tilespmem:s11], [sflag:$0x1] =	stream.indirect_vreg.gather [hbm4b:s3+s2], $0x80, v3, vm0, $0xb8;
	[tilespmem:$0x8080] =	vst v63  }
0x27: {  	v3 =	vld [tilespmem:$0x20];
	_ =	sdelay $0x4  }
0x28: {  	v58 =	vshll.u32 v3, $0x1  }
0x29: {  	v3 =	vand.u32 $0x7, v3;
	v4 =	vand.u32 $0xFFFFFFF0, v58  }
0x2a: {  	v3 =	vor.u32 v3, v4  }
0x2b: {  	v4 =	vperm.xlane v3, v0;
	_ =	sdelay $0x1  }
0x2c: {  	v3 =	vperm.xlane v3, v2;
	v4 =	vadd.s32 v1, v4;
	_ =	sdelay $0x1  }
0x2d: {  	v3 =	vadd.s32 v1, v3;
	_ =	sdelay $0x2  }
0x2e: {  	[tilespmem:s12], [sflag:$0x1] =	stream.indirect_vreg.gather [hbm4b:s3+s2], $0x80, v4, vm0, $0xb8;
	[tilespmem:$0x8080] =	vst v63  }
0x2f: {  	_ = 	snop  }
0x30: {  	[tilespmem:s13], [sflag:$0x1] =	stream.indirect_vreg.gather [hbm4b:s3+s2], $0x80, v3, vm0, $0xb8;
	[tilespmem:$0x8080] =	vst v63  }
0x31: {  	v3 =	vld [tilespmem:$0x30];
	_ =	sdelay $0x4  }
0x32: {  	v59 =	vshll.u32 v3, $0x1  }
0x33: {  	v3 =	vand.u32 $0x7, v3;
	v4 =	vand.u32 $0xFFFFFFF0, v59  }
0x34: {  	v3 =	vor.u32 v3, v4  }
0x35: {  	v4 =	vperm.xlane v3, v0;
	_ =	sdelay $0x1  }
0x36: {  	v3 =	vperm.xlane v3, v2;
	v4 =	vadd.s32 v1, v4;
	_ =	sdelay $0x1  }
0x37: {  	v3 =	vadd.s32 v1, v3;
	_ =	sdelay $0x2  }
0x38: {  	[tilespmem:s14], [sflag:$0x1] =	stream.indirect_vreg.gather [hbm4b:s3+s2], $0x80, v4, vm0, $0xb8;
	[tilespmem:$0x8080] =	vst v63  }
0x39: {  	_ = 	snop  }
0x3a: {  	[tilespmem:s15], [sflag:$0x1] =	stream.indirect_vreg.gather [hbm4b:s3+s2], $0x80, v3, vm0, $0xb8;
	[tilespmem:$0x8080] =	vst v63  }
0x3b: {  	v3 =	vld [tilespmem:$0x40];
	_ =	sdelay $0x4  }
0x3c: {  	v60 =	vshll.u32 v3, $0x1  }
0x3d: {  	v3 =	vand.u32 $0x7, v3;
	v4 =	vand.u32 $0xFFFFFFF0, v60  }
0x3e: {  	v3 =	vor.u32 v3, v4  }
0x3f: {  	v4 =	vperm.xlane v3, v0;
	_ =	sdelay $0x1  }
0x40: {  	v3 =	vperm.xlane v3, v2;
	v4 =	vadd.s32 v1, v4;
	_ =	sdelay $0x1  }
0x41: {  	v3 =	vadd.s32 v1, v3;
	_ =	sdelay $0x2  }
0x42: {  	[tilespmem:s16], [sflag:$0x1] =	stream.indirect_vreg.gather [hbm4b:s3+s2], $0x80, v4, vm0, $0xb8;
	[tilespmem:$0x8080] =	vst v63  }
0x43: {  	_ = 	snop  }
0x44: {  	[tilespmem:s17], [sflag:$0x1] =	stream.indirect_vreg.gather [hbm4b:s3+s2], $0x80, v3, vm0, $0xb8;
	[tilespmem:$0x8080] =	vst v63  }
0x45: {  	v3 =	vld [tilespmem:$0x50];
	_ =	sdelay $0x4  }
0x46: {  	v61 =	vshll.u32 v3, $0x1  }
0x47: {  	v3 =	vand.u32 $0x7, v3;
	v4 =	vand.u32 $0xFFFFFFF0, v61  }
0x48: {  	v3 =	vor.u32 v3, v4  }
0x49: {  	v4 =	vperm.xlane v3, v0;
	_ =	sdelay $0x1  }
0x4a: {  	v3 =	vperm.xlane v3, v2;
	v4 =	vadd.s32 v1, v4;
	_ =	sdelay $0x1  }
0x4b: {  	v3 =	vadd.s32 v1, v3;
	_ =	sdelay $0x2  }
0x4c: {  	[tilespmem:s18], [sflag:$0x1] =	stream.indirect_vreg.gather [hbm4b:s3+s2], $0x80, v4, vm0, $0xb8;
	[tilespmem:$0x8080] =	vst v63  }
0x4d: {  	_ = 	snop  }
0x4e: {  	[tilespmem:s19], [sflag:$0x1] =	stream.indirect_vreg.gather [hbm4b:s3+s2], $0x80, v3, vm0, $0xb8;
	[tilespmem:$0x8080] =	vst v63  }
0x4f: {  	v3 =	vld [tilespmem:$0x60];
	_ =	sdelay $0x4  }
0x50: {  	v62 =	vshll.u32 v3, $0x1  }
0x51: {  	v3 =	vand.u32 $0x7, v3;
	v4 =	vand.u32 $0xFFFFFFF0, v62  }
0x52: {  	v3 =	vor.u32 v3, v4  }
0x53: {  	v4 =	vperm.xlane v3, v0;
	_ =	sdelay $0x1  }
0x54: {  	v3 =	vperm.xlane v3, v2;
	v4 =	vadd.s32 v1, v4;
	_ =	sdelay $0x1  }
0x55: {  	v3 =	vadd.s32 v1, v3;
	_ =	sdelay $0x2  }
0x56: {  	[tilespmem:s20], [sflag:$0x1] =	stream.indirect_vreg.gather [hbm4b:s3+s2], $0x80, v4, vm0, $0xb8;
	[tilespmem:$0x8080] =	vst v63  }
0x57: {  	_ = 	snop  }
0x58: {  	[tilespmem:s21], [sflag:$0x1] =	stream.indirect_vreg.gather [hbm4b:s3+s2], $0x80, v3, vm0, $0xb8;
	[tilespmem:$0x8080] =	vst v63  }
0x59: {  	v3 =	vld [tilespmem:$0x70];
	_ =	sdelay $0x4  }
0x5a: {  	v63 =	vshll.u32 v3, $0x1  }
0x5b: {  	v3 =	vand.u32 $0x7, v3;
	v4 =	vand.u32 $0xFFFFFFF0, v63  }
0x5c: {  	v3 =	vor.u32 v3, v4  }
0x5d: {  	v4 =	vperm.xlane v3, v0;
	_ =	sdelay $0x1  }
0x5e: {  	v3 =	vperm.xlane v3, v2;
	v4 =	vadd.s32 v1, v4;
	_ =	sdelay $0x1  }
0x5f: {  	v3 =	vadd.s32 v1, v3;
	_ =	sdelay $0x2  }
0x60: {  	[tilespmem:s22], [sflag:$0x1] =	stream.indirect_vreg.gather [hbm4b:s3+s2], $0x80, v4, vm0, $0xb8;
	[tilespmem:$0x8080] =	vst v63  }
0x61: {  	_ = 	snop  }
0x62: {  	[tilespmem:s23], [sflag:$0x1] =	stream.indirect_vreg.gather [hbm4b:s3+s2], $0x80, v3, vm0, $0xb8;
	[tilespmem:$0x8080] =	vst v63  }
0x63: {  	_ =	swait.ge [sflag:s24], $0x8000  }
0x64: {  	p0 =	sne.s32 s6, $0x1;
	[sflag:s24] =	ssyncset.done $0x0  }
.Ltmp0:
0x65: {  	[sflag:s24] =	ssyncadd.s32 $0xFFFF8000;
	(pc) =	sbr.rel @p0 .LBB2_1-.Ltmp0, $4  }
0x66: {  	[hbm4b:s5+s2] =	stream.linear.scatter [tilespmem:s8], [sflag:$0x2], $0x8000, $0x38;
	[tilespmem:$0x8080] =	vst v63  }
0x67: {  	_ =	swait.ge [sflag:s25], $0x8000  }
0x68: {  	[sflag:s25] =	ssyncset.done $0x0  }
0x69: {  	s6 =	sadd.s32 $0xFFFFFFFF, s6;
	[sflag:s25] =	ssyncadd.s32 $0xFFFF8000  }
0x6a: {  	_ =	sfence.sel $0x180000  }
0x6b: {  	[bflag:$0x0] =	sbarrier.arrive $0xFFFF  }
0x6c: {  	p0 =	sne.s32 s0, $0x0;
	_ =	strace $0x9000004D  }
0x6d: {  	s0 =	sadd.s32 @!p0 $0x100000, s1;
	[bflag:$0x2] =	sbarrier.arrive $0xFFFF  }
0x6e: {  	[sflag:s0] =	ssyncadd.tile.s32 @!p0 $0x1;
	_ =	shalt  }
.Lfunc_end2:
_tile_overlayer_lowered:
.L_overlay_start_2:
0x6f: {  	(tag) =	ssettag $0x2  }
0x70: {  	s0 =	rddreg [dreg:$0x0];
	s2 =	stileid.u32  }
0x71: {  	s1 =	rddreg [dreg:$0x1];
	p0 =	sne.s32 s2, $0x0  }
0x72: {  	s3 =	rddreg [dreg:$0x2];
	[bflag:$0x3] =	sbarrier.arrive $0xFFFF;
	s2 =	simm.s32 @!p0 $0x1C03  }
0x73: {  	[timem:s3], [sflag:s2] =	dma.local @!p0 [hbm:s0], s1  }
0x74: {  	s0 =	simm.s32 @!p0 $0x3  }
0x75: {  	_ =	swait.ge @!p0 [sflag:s0], s1  }
0x76: {  	s1 =	ssub.s32 @!p0 $0x0, s1;
	[sflag:s0] =	ssyncset.done @!p0 $0x0  }
0x77: {  	[sflag:s0] =	ssyncadd.s32 @!p0 s1  }
0x78: {  	[bflag:$0x3] =	sbarrier.arrive $0xFFFF  }
0x79: {  	_ =	shalt  }

</sc_bundles>
